<compile_context>
chip_gen: v7x
topology: tpu7x:2x2x1
jax: 0.10.2.dev20260603
libtpu: 0.0.44.dev20260713+nightly
codegen_flags: <defaults>
</compile_context>

<pallas_src>
import functools

import jax
import jax.numpy as jnp
from jax import lax
from jax.experimental import pallas as pl
from jax.experimental.pallas import tpu as pltpu
from jax.experimental.pallas import tpu_sc as plsc

VOCAB = 4865
EMB = 8
B, L_SEQ = 16384, 200

NC, NS, LANES = 2, 16, 16
NW = NC * NS
VPT = 384
VPX = NS * VPT
CHUNK = 2048
N_CHUNKS = B // CHUNK
UNITS = L_SEQ * N_CHUNKS
U_PER_W = UNITS // NW


@functools.partial(
    pl.kernel,
    out_type=(
        jax.ShapeDtypeStruct((L_SEQ * (B // 128) * 4, 128), jnp.float32),
        jax.ShapeDtypeStruct((5, L_SEQ, B), jnp.float32),
    ),
    mesh=plsc.VectorSubcoreMesh(core_axis_name="c", subcore_axis_name="s"),
    compiler_params=pltpu.CompilerParams(needs_layout_passes=False),
    scratch_types=[
        pltpu.VMEM((2, CHUNK), jnp.int32),
        pltpu.VMEM((VPX * 9,), jnp.float32),
        pltpu.VMEM((EMB, VPT), jnp.float32),
        pltpu.VMEM((2, (CHUNK // 128) * 4, 128), jnp.float32),
        pltpu.VMEM((2, 5, CHUNK), jnp.float32),
        pltpu.VMEM((96, LANES), jnp.float32),
        pltpu.VMEM_SHARED((VPX * 9,), jnp.float32),
        pltpu.SemaphoreType.DMA,
        pltpu.SemaphoreType.DMA,
        pltpu.SemaphoreType.DMA,
        pltpu.SemaphoreType.DMA,
        pltpu.SemaphoreType.DMA,
        pltpu.SemaphoreType.DMA,
    ],
)
def _moveemb_kernel(xT_hbm, tabT_hbm, wb_hbm, outc_hbm, outp_hbm,
                    idxv, t9v, tslice, coorv, promv, wbv, t9_shared,
                    sin0, sin1, sco0, sco1, spo0, spo1):
    cid = lax.axis_index("c")
    sid = lax.axis_index("s")
    wid = sid * NC + cid
    u0 = wid * U_PER_W

    def l_of(u):
        return u // N_CHUNKS

    def b_of(u):
        return (u % N_CHUNKS) * CHUNK

    def start_in(u, p):
        pltpu.async_copy(
            xT_hbm.at[l_of(u), pl.ds(b_of(u), CHUNK)], idxv.at[p], sin0 if p == 0 else sin1)

    start_in(u0, 0)
    start_in(u0 + 1, 1)

    pltpu.sync_copy(wb_hbm, wbv)
    v0 = sid * VPT
    pltpu.sync_copy(tabT_hbm.at[:, pl.ds(v0, VPT)], tslice)
    iota9 = lax.iota(jnp.int32, LANES) * 9
    def splat(j):
        return wbv[j]

    for c in range(9):
        wk = [splat(c * EMB + k) for k in range(EMB)]
        bias = splat(72 + c)

        @plsc.parallel_loop(0, VPT // LANES, unroll=4)
        def _(vb):
            o = vb * LANES
            acc = tslice[0, pl.ds(o, LANES)] * wk[0]
            for k in range(1, EMB):
                acc = acc + tslice[k, pl.ds(o, LANES)] * wk[k]
            acc = acc + bias
            pos = iota9 + ((v0 + o) * 9 + c)
            plsc.store_scatter(t9v, [pos], acc)

    pltpu.sync_copy(t9v.at[pl.ds(v0 * 9, VPT * 9)],
                    t9_shared.at[pl.ds(v0 * 9, VPT * 9)])
    plsc.subcore_barrier()
    pltpu.sync_copy(t9_shared, t9v)

    sin = [sin0, sin1]
    sco = [sco0, sco1]
    spo = [spo0, spo1]

    def gather_unit(p):
        @plsc.parallel_loop(0, CHUNK // LANES, unroll=8)
        def _(i):
            o = i * LANES
            a = idxv[p, pl.ds(o, LANES)] * 9
            g = [plsc.load_gather(t9v, [a + c]) for c in range(9)]
            r0 = (i // 8) * 4
            col = (i % 8) * LANES
            for c in range(4):
                coorv[p, r0 + c, pl.ds(col, LANES)] = g[c]
            for c in range(5):
                promv[p, c, pl.ds(o, LANES)] = g[4 + c]

    def coor_rows(u):
        return pl.multiple_of((l_of(u) * (B // 128) + b_of(u) // 128) * 4, 64)

    def unit(u, p):
        @pl.when(u >= u0 + 2)
        def _():
            pltpu.make_async_copy(
                coorv.at[p], outc_hbm.at[pl.ds(0, (CHUNK // 128) * 4), :], sco[p]).wait()
            pltpu.make_async_copy(
                promv.at[p], outp_hbm.at[:, 0, pl.ds(0, CHUNK)], spo[p]).wait()
        pltpu.make_async_copy(
            xT_hbm.at[l_of(u), pl.ds(b_of(u), CHUNK)], idxv.at[p], sin[p]).wait()
        gather_unit(p)
        @pl.when(u + 2 < u0 + U_PER_W)
        def _():
            start_in(u + 2, p)
        pltpu.async_copy(
            coorv.at[p], outc_hbm.at[pl.ds(coor_rows(u), (CHUNK // 128) * 4), :], sco[p])
        pltpu.async_copy(
            promv.at[p], outp_hbm.at[:, l_of(u), pl.ds(b_of(u), CHUNK)], spo[p])

    def pair(k, carry):
        u = u0 + 2 * k
        unit(u, 0)
        unit(u + 1, 1)
        return carry

    lax.fori_loop(0, U_PER_W // 2, pair, 0)

    for p in range(2):
        pltpu.make_async_copy(
            coorv.at[p], outc_hbm.at[pl.ds(0, (CHUNK // 128) * 4), :], sco[p]).wait()
        pltpu.make_async_copy(
            promv.at[p], outp_hbm.at[:, 0, pl.ds(0, CHUNK)], spo[p]).wait()


def kernel(x, table, W_coor, b_coor, W_prom, b_prom):
    tabT = jnp.zeros((EMB, VPX), jnp.float32).at[:, :VOCAB].set(table.T)
    w9 = jnp.concatenate([W_coor, W_prom], axis=0).astype(jnp.float32)
    b9 = jnp.concatenate([b_coor, b_prom]).astype(jnp.float32)
    wb = jnp.zeros((96,), jnp.float32).at[:72].set(w9.reshape(-1)).at[72:81].set(b9)
    wb = jnp.tile(wb[:, None], (1, LANES))
    xT = x.T.astype(jnp.int32)
    outc2, outp_t = _moveemb_kernel(xT, tabT, wb)
    outc = (
        outc2.reshape(L_SEQ, B // 128, 4, 128)
        .transpose(1, 3, 0, 2)
        .reshape(B, L_SEQ, 4)
    )
    return outc, jnp.transpose(outp_t, (2, 1, 0))

# --- scband reference (transcript-rebuilt; emitter-appended) ---
"""Pipeline reference for scband-move-emb-train-net-721554505816 (READ-ONLY COPY).

The authoritative reference and input builder live on the scoring server;
editing this copy changes nothing except your own understanding.
"""

import jax, jax.numpy as jnp
import numpy as np

VOCAB = 4865
PAD_IDX = 4864
EMB = 8


def setup_inputs(seed: int = 0) -> dict:
    key = jax.random.key(seed)
    k1, k2, k3, k4, k5, k6 = jax.random.split(key, 6)
    x = jax.random.randint(k1, (16384, 200), 0, VOCAB)
    table = jax.random.normal(k2, (VOCAB, EMB), dtype=jnp.float32)
    table = table.at[PAD_IDX].set(0.0)  # padding_idx row is zeros
    bound = 1.0 / np.sqrt(EMB)
    W_coor = jax.random.uniform(k3, (4, EMB), dtype=jnp.float32, minval=-bound, maxval=bound)
    b_coor = jax.random.uniform(k4, (4,), dtype=jnp.float32, minval=-bound, maxval=bound)
    W_prom = jax.random.uniform(k5, (5, EMB), dtype=jnp.float32, minval=-bound, maxval=bound)
    b_prom = jax.random.uniform(k6, (5,), dtype=jnp.float32, minval=-bound, maxval=bound)
    return {"x": x, "table": table, "W_coor": W_coor, "b_coor": b_coor, "W_prom": W_prom, "b_prom": b_prom}


def reference(x, table, W_coor, b_coor, W_prom, b_prom):
    # nn.Embedding lookup (padding row already zeroed in table)
    emb = jnp.take(table, x, axis=0)            # [B, L, EMB]
    x_coor = emb @ W_coor.T + b_coor            # [B, L, 4]
    x_prom = emb @ W_prom.T + b_prom            # [B, L, 5]
    return (x_coor, x_prom)

if __name__ == "__main__":
    import jax
    _d = setup_inputs()
    print(jax.jit(kernel)(*tuple(_d.values())))

</pallas_src>

<mosaic_0001>
#map = affine_map<(d0, d1) -> (0, 0)>
#map1 = affine_map<(d0, d1) -> (0, 0, 0)>
module attributes {stable_mosaic.version = 14 : i64} {
  func.func @_moveemb_kernel(%arg0: i32, %arg1: i32, %arg2: memref<200x16384xi32, #tpu.memory_space<hbm>>, %arg3: memref<8x6144xf32, #tpu.memory_space<hbm>>, %arg4: memref<96x16xf32, #tpu.memory_space<hbm>>, %arg5: memref<102400x128xf32, #tpu.memory_space<hbm>>, %arg6: memref<5x200x16384xf32, #tpu.memory_space<hbm>>, %arg7: memref<2x2048xi32, #tpu.memory_space<vmem>>, %arg8: memref<55296xf32, #tpu.memory_space<vmem>>, %arg9: memref<8x384xf32, #tpu.memory_space<vmem>>, %arg10: memref<2x64x128xf32, #tpu.memory_space<vmem>>, %arg11: memref<2x5x2048xf32, #tpu.memory_space<vmem>>, %arg12: memref<96x16xf32, #tpu.memory_space<vmem>>, %arg13: memref<55296xf32, #tpu.memory_space<vmem_shared>>, %arg14: memref<!tpu.dma_semaphore, #tpu.memory_space<semaphore_mem>>, %arg15: memref<!tpu.dma_semaphore, #tpu.memory_space<semaphore_mem>>, %arg16: memref<!tpu.dma_semaphore, #tpu.memory_space<semaphore_mem>>, %arg17: memref<!tpu.dma_semaphore, #tpu.memory_space<semaphore_mem>>, %arg18: memref<!tpu.dma_semaphore, #tpu.memory_space<semaphore_mem>>, %arg19: memref<!tpu.dma_semaphore, #tpu.memory_space<semaphore_mem>>) attributes {dimension_semantics = [#tpu.dimension_semantics<core_parallel>, #tpu.dimension_semantics<subcore_parallel>], iteration_bounds = array<i64: 2, 16>, scalar_prefetch = 0 : i64, scratch_operands = 13 : i64, tpu.core_type = #tpu.core_type<sc_vector_subcore>, window_params = [{transform_indices = #map}, {transform_indices = #map}, {transform_indices = #map}, {transform_indices = #map}, {transform_indices = #map1}]} {
    %mul3A = arith.constant 2 : i32
    %mul3A_0 = arith.muli %arg1, %mul3A : i32
    %add3A = arith.addi %mul3A_0, %arg0 : i32
    %mul3A_1 = arith.constant 50 : i32
    %mul3A_2 = arith.muli %add3A, %mul3A_1 : i32
    %jit3A = arith.constant 8 : i32
    %div3A = arith.divsi %mul3A_2, %jit3A : i32
    %sign3A = arith.constant 0 : i32
    %sign3A_3 = arith.cmpi sgt, %mul3A_2, %sign3A : i32
    %sign3A_4 = arith.extui %sign3A_3 : i1 to i32
    %sign3A_5 = arith.constant 0 : i32
    %sign3A_6 = arith.cmpi slt, %mul3A_2, %sign3A_5 : i32
    %sign3A_7 = arith.extui %sign3A_6 : i1 to i32
    %sign3A_8 = arith.subi %sign3A_4, %sign3A_7 : i32
    %sign3A_9 = arith.constant 0 : i32
    %sign3A_10 = arith.cmpi sgt, %jit3A, %sign3A_9 : i32
    %sign3A_11 = arith.extui %sign3A_10 : i1 to i32
    %sign3A_12 = arith.constant 0 : i32
    %sign3A_13 = arith.cmpi slt, %jit3A, %sign3A_12 : i32
    %sign3A_14 = arith.extui %sign3A_13 : i1 to i32
    %sign3A_15 = arith.subi %sign3A_11, %sign3A_14 : i32
    %ne3A = arith.cmpi ne, %sign3A_8, %sign3A_15 : i32
    %rem3A = arith.remsi %mul3A_2, %jit3A : i32
    %ne3A_16 = arith.constant 0 : i32
    %ne3A_17 = arith.cmpi ne, %rem3A, %ne3A_16 : i32
    %and3A = arith.andi %ne3A, %ne3A_17 : i1
    %sub3A = arith.constant 1 : i32
    %sub3A_18 = arith.subi %div3A, %sub3A : i32
    %select_n3A = arith.select %and3A, %sub3A_18, %div3A : i32
    %jit3A_19 = arith.constant 8 : i32
    %eq3A = arith.constant 0 : i32
    %eq3A_20 = arith.cmpi eq, %jit3A_19, %eq3A : i32
    %jit3A_21 = arith.constant 1 : i32
    %select_n3A_22 = arith.select %eq3A_20, %jit3A_21, %jit3A_19 : i32
    %rem3A_23 = arith.remsi %mul3A_2, %select_n3A_22 : i32
    %ne3A_24 = arith.constant 0 : i32
    %ne3A_25 = arith.cmpi ne, %rem3A_23, %ne3A_24 : i32
    %lt3A = arith.constant 0 : i32
    %lt3A_26 = arith.cmpi slt, %rem3A_23, %lt3A : i32
    %lt3A_27 = arith.constant 0 : i32
    %lt3A_28 = arith.cmpi slt, %select_n3A_22, %lt3A_27 : i32
    %ne3A_29 = arith.xori %lt3A_26, %lt3A_28 : i1
    %and3A_30 = arith.andi %ne3A_29, %ne3A_25 : i1
    %add3A_31 = arith.addi %rem3A_23, %select_n3A_22 : i32
    %select_n3A_32 = arith.select %and3A_30, %add3A_31, %rem3A_23 : i32
    %mul3A_33 = arith.constant 2048 : i32
    %mul3A_34 = arith.muli %select_n3A_32, %mul3A_33 : i32
    %dma_start3A = arith.constant 0 : i32
    %dma_start3A_35 = arith.constant 0 : i32
    %dma_start3A_36 = tpu.memref_slice %arg7[%dma_start3A, %dma_start3A_35] : memref<2x2048xi32, #tpu.memory_space<vmem>> -> memref<1x2048xi32, #tpu.memory_space<vmem>>
    %dma_start3A_37 = tpu.memref_squeeze %dma_start3A_36 : memref<1x2048xi32, #tpu.memory_space<vmem>> -> memref<2048xi32, #tpu.memory_space<vmem>>
    %dma_start3A_38 = tpu.memref_slice %arg2[%select_n3A, %mul3A_34] : memref<200x16384xi32, #tpu.memory_space<hbm>> -> memref<1x2048xi32, #tpu.memory_space<hbm>>
    %dma_start3A_39 = tpu.memref_squeeze %dma_start3A_38 : memref<1x2048xi32, #tpu.memory_space<hbm>> -> memref<2048xi32, #tpu.memory_space<hbm>>
    %dma_start3A_40 = arith.constant 0 : i32
    %dma_start3A_41 = tpu.memref_slice %arg7[%dma_start3A, %dma_start3A_40] : memref<2x2048xi32, #tpu.memory_space<vmem>> -> memref<1x2048xi32, #tpu.memory_space<vmem>>
    %dma_start3A_42 = tpu.memref_squeeze %dma_start3A_41 : memref<1x2048xi32, #tpu.memory_space<vmem>> -> memref<2048xi32, #tpu.memory_space<vmem>>
    %dma_start3A_43 = tpu.memref_slice %arg2[%select_n3A, %mul3A_34] : memref<200x16384xi32, #tpu.memory_space<hbm>> -> memref<1x2048xi32, #tpu.memory_space<hbm>>
    %dma_start3A_44 = tpu.memref_squeeze %dma_start3A_43 : memref<1x2048xi32, #tpu.memory_space<hbm>> -> memref<2048xi32, #tpu.memory_space<hbm>>
    tpu.enqueue_dma source(%dma_start3A_44 : memref<2048xi32, #tpu.memory_space<hbm>>) target(%dma_start3A_42 : memref<2048xi32, #tpu.memory_space<vmem>>) target_semaphore(%arg14 : memref<!tpu.dma_semaphore, #tpu.memory_space<semaphore_mem>>)
    %add3A_45 = arith.constant 1 : i32
    %add3A_46 = arith.addi %mul3A_2, %add3A_45 : i32
    %jit3A_47 = arith.constant 8 : i32
    %div3A_48 = arith.divsi %add3A_46, %jit3A_47 : i32
    %sign3A_49 = arith.constant 0 : i32
    %sign3A_50 = arith.cmpi sgt, %add3A_46, %sign3A_49 : i32
    %sign3A_51 = arith.extui %sign3A_50 : i1 to i32
    %sign3A_52 = arith.constant 0 : i32
    %sign3A_53 = arith.cmpi slt, %add3A_46, %sign3A_52 : i32
    %sign3A_54 = arith.extui %sign3A_53 : i1 to i32
    %sign3A_55 = arith.subi %sign3A_51, %sign3A_54 : i32
    %sign3A_56 = arith.constant 0 : i32
    %sign3A_57 = arith.cmpi sgt, %jit3A_47, %sign3A_56 : i32
    %sign3A_58 = arith.extui %sign3A_57 : i1 to i32
    %sign3A_59 = arith.constant 0 : i32
    %sign3A_60 = arith.cmpi slt, %jit3A_47, %sign3A_59 : i32
    %sign3A_61 = arith.extui %sign3A_60 : i1 to i32
    %sign3A_62 = arith.subi %sign3A_58, %sign3A_61 : i32
    %ne3A_63 = arith.cmpi ne, %sign3A_55, %sign3A_62 : i32
    %rem3A_64 = arith.remsi %add3A_46, %jit3A_47 : i32
    %ne3A_65 = arith.constant 0 : i32
    %ne3A_66 = arith.cmpi ne, %rem3A_64, %ne3A_65 : i32
    %and3A_67 = arith.andi %ne3A_63, %ne3A_66 : i1
    %sub3A_68 = arith.constant 1 : i32
    %sub3A_69 = arith.subi %div3A_48, %sub3A_68 : i32
    %select_n3A_70 = arith.select %and3A_67, %sub3A_69, %div3A_48 : i32
    %jit3A_71 = arith.constant 8 : i32
    %eq3A_72 = arith.constant 0 : i32
    %eq3A_73 = arith.cmpi eq, %jit3A_71, %eq3A_72 : i32
    %jit3A_74 = arith.constant 1 : i32
    %select_n3A_75 = arith.select %eq3A_73, %jit3A_74, %jit3A_71 : i32
    %rem3A_76 = arith.remsi %add3A_46, %select_n3A_75 : i32
    %ne3A_77 = arith.constant 0 : i32
    %ne3A_78 = arith.cmpi ne, %rem3A_76, %ne3A_77 : i32
    %lt3A_79 = arith.constant 0 : i32
    %lt3A_80 = arith.cmpi slt, %rem3A_76, %lt3A_79 : i32
    %lt3A_81 = arith.constant 0 : i32
    %lt3A_82 = arith.cmpi slt, %select_n3A_75, %lt3A_81 : i32
    %ne3A_83 = arith.xori %lt3A_80, %lt3A_82 : i1
    %and3A_84 = arith.andi %ne3A_83, %ne3A_78 : i1
    %add3A_85 = arith.addi %rem3A_76, %select_n3A_75 : i32
    %select_n3A_86 = arith.select %and3A_84, %add3A_85, %rem3A_76 : i32
    %mul3A_87 = arith.constant 2048 : i32
    %mul3A_88 = arith.muli %select_n3A_86, %mul3A_87 : i32
    %dma_start3A_89 = arith.constant 1 : i32
    %dma_start3A_90 = arith.constant 0 : i32
    %dma_start3A_91 = tpu.memref_slice %arg7[%dma_start3A_89, %dma_start3A_90] : memref<2x2048xi32, #tpu.memory_space<vmem>> -> memref<1x2048xi32, #tpu.memory_space<vmem>>
    %dma_start3A_92 = tpu.memref_squeeze %dma_start3A_91 : memref<1x2048xi32, #tpu.memory_space<vmem>> -> memref<2048xi32, #tpu.memory_space<vmem>>
    %dma_start3A_93 = tpu.memref_slice %arg2[%select_n3A_70, %mul3A_88] : memref<200x16384xi32, #tpu.memory_space<hbm>> -> memref<1x2048xi32, #tpu.memory_space<hbm>>
    %dma_start3A_94 = tpu.memref_squeeze %dma_start3A_93 : memref<1x2048xi32, #tpu.memory_space<hbm>> -> memref<2048xi32, #tpu.memory_space<hbm>>
    %dma_start3A_95 = arith.constant 0 : i32
    %dma_start3A_96 = tpu.memref_slice %arg7[%dma_start3A_89, %dma_start3A_95] : memref<2x2048xi32, #tpu.memory_space<vmem>> -> memref<1x2048xi32, #tpu.memory_space<vmem>>
    %dma_start3A_97 = tpu.memref_squeeze %dma_start3A_96 : memref<1x2048xi32, #tpu.memory_space<vmem>> -> memref<2048xi32, #tpu.memory_space<vmem>>
    %dma_start3A_98 = tpu.memref_slice %arg2[%select_n3A_70, %mul3A_88] : memref<200x16384xi32, #tpu.memory_space<hbm>> -> memref<1x2048xi32, #tpu.memory_space<hbm>>
    %dma_start3A_99 = tpu.memref_squeeze %dma_start3A_98 : memref<1x2048xi32, #tpu.memory_space<hbm>> -> memref<2048xi32, #tpu.memory_space<hbm>>
    tpu.enqueue_dma source(%dma_start3A_99 : memref<2048xi32, #tpu.memory_space<hbm>>) target(%dma_start3A_97 : memref<2048xi32, #tpu.memory_space<vmem>>) target_semaphore(%arg15 : memref<!tpu.dma_semaphore, #tpu.memory_space<semaphore_mem>>)
    "tpu.region"() ({
      %run_scoped3A = tpu.sem_alloc : memref<!tpu.dma_semaphore, #tpu.memory_space<semaphore_mem>>
      tpu.enqueue_dma source(%arg4 : memref<96x16xf32, #tpu.memory_space<hbm>>) target(%arg12 : memref<96x16xf32, #tpu.memory_space<vmem>>) target_semaphore(%run_scoped3A : memref<!tpu.dma_semaphore, #tpu.memory_space<semaphore_mem>>)
      tpu.wait_dma2 semaphore(%run_scoped3A : memref<!tpu.dma_semaphore, #tpu.memory_space<semaphore_mem>>) src(%arg4 : memref<96x16xf32, #tpu.memory_space<hbm>>) dst(%arg12 : memref<96x16xf32, #tpu.memory_space<vmem>>)
      tpu.yield
    }) : () -> ()
    %mul3A_100 = arith.constant 384 : i32
    %mul3A_101 = arith.muli %arg1, %mul3A_100 : i32
    "tpu.region"() ({
      %run_scoped3A = tpu.sem_alloc : memref<!tpu.dma_semaphore, #tpu.memory_space<semaphore_mem>>
      %dma_start3A_528 = arith.constant 0 : i32
      %dma_start3A_529 = tpu.memref_slice %arg3[%dma_start3A_528, %mul3A_101] : memref<8x6144xf32, #tpu.memory_space<hbm>> -> memref<8x384xf32, #tpu.memory_space<hbm>>
      %dma_start3A_530 = arith.constant 0 : i32
      %dma_start3A_531 = tpu.memref_slice %arg3[%dma_start3A_530, %mul3A_101] : memref<8x6144xf32, #tpu.memory_space<hbm>> -> memref<8x384xf32, #tpu.memory_space<hbm>>
      tpu.enqueue_dma source(%dma_start3A_531 : memref<8x384xf32, #tpu.memory_space<hbm>>) target(%arg9 : memref<8x384xf32, #tpu.memory_space<vmem>>) target_semaphore(%run_scoped3A : memref<!tpu.dma_semaphore, #tpu.memory_space<semaphore_mem>>)
      %dma_wait3A_532 = arith.constant 0 : i32
      %dma_wait3A_533 = tpu.memref_slice %arg3[%dma_wait3A_532, %mul3A_101] : memref<8x6144xf32, #tpu.memory_space<hbm>> -> memref<8x384xf32, #tpu.memory_space<hbm>>
      %dma_wait3A_534 = arith.constant 0 : i32
      %dma_wait3A_535 = tpu.memref_slice %arg3[%dma_wait3A_534, %mul3A_101] : memref<8x6144xf32, #tpu.memory_space<hbm>> -> memref<8x384xf32, #tpu.memory_space<hbm>>
      tpu.wait_dma2 semaphore(%run_scoped3A : memref<!tpu.dma_semaphore, #tpu.memory_space<semaphore_mem>>) src(%dma_wait3A_535 : memref<8x384xf32, #tpu.memory_space<hbm>>) dst(%arg9 : memref<8x384xf32, #tpu.memory_space<vmem>>)
      tpu.yield
    }) : () -> ()
    %iota3A = tpu.iota {dimensions = array<i32: 0>} : vector<16xi32>
    %mul3A_102 = arith.constant 9 : i32
    %mul3A_103 = vector.broadcast %mul3A_102 : i32 to vector<16xi32>
    %mul3A_104 = arith.muli %iota3A, %mul3A_103 : vector<16xi32>
    %get3A = arith.constant 0 : i32
    %get3A_105 = arith.index_cast %get3A : i32 to index
    %get3A_106 = arith.constant 0 : index
    %get3A_107 = tpu.vector_load %arg12[%get3A_105, %get3A_106] {strides = array<i32>} : memref<96x16xf32, #tpu.memory_space<vmem>>, vector<16xf32>,
    %get3A_108 = arith.constant 1 : i32
    %get3A_109 = arith.index_cast %get3A_108 : i32 to index
    %get3A_110 = arith.constant 0 : index
    %get3A_111 = tpu.vector_load %arg12[%get3A_109, %get3A_110] {strides = array<i32>} : memref<96x16xf32, #tpu.memory_space<vmem>>, vector<16xf32>,
    %get3A_112 = arith.constant 2 : i32
    %get3A_113 = arith.index_cast %get3A_112 : i32 to index
    %get3A_114 = arith.constant 0 : index
    %get3A_115 = tpu.vector_load %arg12[%get3A_113, %get3A_114] {strides = array<i32>} : memref<96x16xf32, #tpu.memory_space<vmem>>, vector<16xf32>,
    %get3A_116 = arith.constant 3 : i32
    %get3A_117 = arith.index_cast %get3A_116 : i32 to index
    %get3A_118 = arith.constant 0 : index
    %get3A_119 = tpu.vector_load %arg12[%get3A_117, %get3A_118] {strides = array<i32>} : memref<96x16xf32, #tpu.memory_space<vmem>>, vector<16xf32>,
    %get3A_120 = arith.constant 4 : i32
    %get3A_121 = arith.index_cast %get3A_120 : i32 to index
    %get3A_122 = arith.constant 0 : index
    %get3A_123 = tpu.vector_load %arg12[%get3A_121, %get3A_122] {strides = array<i32>} : memref<96x16xf32, #tpu.memory_space<vmem>>, vector<16xf32>,
    %get3A_124 = arith.constant 5 : i32
    %get3A_125 = arith.index_cast %get3A_124 : i32 to index
    %get3A_126 = arith.constant 0 : index
    %get3A_127 = tpu.vector_load %arg12[%get3A_125, %get3A_126] {strides = array<i32>} : memref<96x16xf32, #tpu.memory_space<vmem>>, vector<16xf32>,
    %get3A_128 = arith.constant 6 : i32
    %get3A_129 = arith.index_cast %get3A_128 : i32 to index
    %get3A_130 = arith.constant 0 : index
    %get3A_131 = tpu.vector_load %arg12[%get3A_129, %get3A_130] {strides = array<i32>} : memref<96x16xf32, #tpu.memory_space<vmem>>, vector<16xf32>,
    %get3A_132 = arith.constant 7 : i32
    %get3A_133 = arith.index_cast %get3A_132 : i32 to index
    %get3A_134 = arith.constant 0 : index
    %get3A_135 = tpu.vector_load %arg12[%get3A_133, %get3A_134] {strides = array<i32>} : memref<96x16xf32, #tpu.memory_space<vmem>>, vector<16xf32>,
    %get3A_136 = arith.constant 72 : i32
    %get3A_137 = arith.index_cast %get3A_136 : i32 to index
    %get3A_138 = arith.constant 0 : index
    %get3A_139 = tpu.vector_load %arg12[%get3A_137, %get3A_138] {strides = array<i32>} : memref<96x16xf32, #tpu.memory_space<vmem>>, vector<16xf32>,
    %parallel_loop3A = arith.constant 0 : i32
    %parallel_loop3A_140 = arith.constant 24 : i32
    %parallel_loop3A_141 = arith.constant 1 : i32
    scf.for %parallel_loop3A_528 = %parallel_loop3A to %parallel_loop3A_140 step %parallel_loop3A_141  : i32 {
      %parallel_loop3A_529 = arith.constant 16 : i32
      %parallel_loop3A_530 = arith.muli %parallel_loop3A_528, %parallel_loop3A_529 : i32
      %parallel_loop3A_531 = arith.constant 0 : i32
      %parallel_loop3A_532 = arith.index_cast %parallel_loop3A_531 : i32 to index
      %parallel_loop3A_533 = arith.index_cast %parallel_loop3A_530 : i32 to index
      %parallel_loop3A_534 = tpu.vector_load %arg9[%parallel_loop3A_532, %parallel_loop3A_533] {strides = array<i32>} : memref<8x384xf32, #tpu.memory_space<vmem>>, vector<16xf32>,
      %parallel_loop3A_535 = arith.mulf %parallel_loop3A_534, %get3A_107 : vector<16xf32>
      %parallel_loop3A_536 = arith.constant 1 : i32
      %parallel_loop3A_537 = arith.index_cast %parallel_loop3A_536 : i32 to index
      %parallel_loop3A_538 = arith.index_cast %parallel_loop3A_530 : i32 to index
      %parallel_loop3A_539 = tpu.vector_load %arg9[%parallel_loop3A_537, %parallel_loop3A_538] {strides = array<i32>} : memref<8x384xf32, #tpu.memory_space<vmem>>, vector<16xf32>,
      %parallel_loop3A_540 = arith.mulf %parallel_loop3A_539, %get3A_111 : vector<16xf32>
      %parallel_loop3A_541 = arith.addf %parallel_loop3A_535, %parallel_loop3A_540 : vector<16xf32>
      %parallel_loop3A_542 = arith.constant 2 : i32
      %parallel_loop3A_543 = arith.index_cast %parallel_loop3A_542 : i32 to index
      %parallel_loop3A_544 = arith.index_cast %parallel_loop3A_530 : i32 to index
      %parallel_loop3A_545 = tpu.vector_load %arg9[%parallel_loop3A_543, %parallel_loop3A_544] {strides = array<i32>} : memref<8x384xf32, #tpu.memory_space<vmem>>, vector<16xf32>,
      %parallel_loop3A_546 = arith.mulf %parallel_loop3A_545, %get3A_115 : vector<16xf32>
      %parallel_loop3A_547 = arith.addf %parallel_loop3A_541, %parallel_loop3A_546 : vector<16xf32>
      %parallel_loop3A_548 = arith.constant 3 : i32
      %parallel_loop3A_549 = arith.index_cast %parallel_loop3A_548 : i32 to index
      %parallel_loop3A_550 = arith.index_cast %parallel_loop3A_530 : i32 to index
      %parallel_loop3A_551 = tpu.vector_load %arg9[%parallel_loop3A_549, %parallel_loop3A_550] {strides = array<i32>} : memref<8x384xf32, #tpu.memory_space<vmem>>, vector<16xf32>,
      %parallel_loop3A_552 = arith.mulf %parallel_loop3A_551, %get3A_119 : vector<16xf32>
      %parallel_loop3A_553 = arith.addf %parallel_loop3A_547, %parallel_loop3A_552 : vector<16xf32>
      %parallel_loop3A_554 = arith.constant 4 : i32
      %parallel_loop3A_555 = arith.index_cast %parallel_loop3A_554 : i32 to index
      %parallel_loop3A_556 = arith.index_cast %parallel_loop3A_530 : i32 to index
      %parallel_loop3A_557 = tpu.vector_load %arg9[%parallel_loop3A_555, %parallel_loop3A_556] {strides = array<i32>} : memref<8x384xf32, #tpu.memory_space<vmem>>, vector<16xf32>,
      %parallel_loop3A_558 = arith.mulf %parallel_loop3A_557, %get3A_123 : vector<16xf32>
      %parallel_loop3A_559 = arith.addf %parallel_loop3A_553, %parallel_loop3A_558 : vector<16xf32>
      %parallel_loop3A_560 = arith.constant 5 : i32
      %parallel_loop3A_561 = arith.index_cast %parallel_loop3A_560 : i32 to index
      %parallel_loop3A_562 = arith.index_cast %parallel_loop3A_530 : i32 to index
      %parallel_loop3A_563 = tpu.vector_load %arg9[%parallel_loop3A_561, %parallel_loop3A_562] {strides = array<i32>} : memref<8x384xf32, #tpu.memory_space<vmem>>, vector<16xf32>,
      %parallel_loop3A_564 = arith.mulf %parallel_loop3A_563, %get3A_127 : vector<16xf32>
      %parallel_loop3A_565 = arith.addf %parallel_loop3A_559, %parallel_loop3A_564 : vector<16xf32>
      %parallel_loop3A_566 = arith.constant 6 : i32
      %parallel_loop3A_567 = arith.index_cast %parallel_loop3A_566 : i32 to index
      %parallel_loop3A_568 = arith.index_cast %parallel_loop3A_530 : i32 to index
      %parallel_loop3A_569 = tpu.vector_load %arg9[%parallel_loop3A_567, %parallel_loop3A_568] {strides = array<i32>} : memref<8x384xf32, #tpu.memory_space<vmem>>, vector<16xf32>,
      %parallel_loop3A_570 = arith.mulf %parallel_loop3A_569, %get3A_131 : vector<16xf32>
      %parallel_loop3A_571 = arith.addf %parallel_loop3A_565, %parallel_loop3A_570 : vector<16xf32>
      %parallel_loop3A_572 = arith.constant 7 : i32
      %parallel_loop3A_573 = arith.index_cast %parallel_loop3A_572 : i32 to index
      %parallel_loop3A_574 = arith.index_cast %parallel_loop3A_530 : i32 to index
      %parallel_loop3A_575 = tpu.vector_load %arg9[%parallel_loop3A_573, %parallel_loop3A_574] {strides = array<i32>} : memref<8x384xf32, #tpu.memory_space<vmem>>, vector<16xf32>,
      %parallel_loop3A_576 = arith.mulf %parallel_loop3A_575, %get3A_135 : vector<16xf32>
      %parallel_loop3A_577 = arith.addf %parallel_loop3A_571, %parallel_loop3A_576 : vector<16xf32>
      %parallel_loop3A_578 = arith.addf %parallel_loop3A_577, %get3A_139 : vector<16xf32>
      %parallel_loop3A_579 = arith.addi %mul3A_101, %parallel_loop3A_530 : i32
      %parallel_loop3A_580 = arith.constant 9 : i32
      %parallel_loop3A_581 = arith.muli %parallel_loop3A_579, %parallel_loop3A_580 : i32
      %parallel_loop3A_582 = arith.constant 0 : i32
      %parallel_loop3A_583 = arith.addi %parallel_loop3A_581, %parallel_loop3A_582 : i32
      %parallel_loop3A_584 = vector.broadcast %parallel_loop3A_583 : i32 to vector<16xi32>
      %parallel_loop3A_585 = arith.addi %mul3A_104, %parallel_loop3A_584 : vector<16xi32>
      tpu.vector_store_idx %arg8[%parallel_loop3A_585], %parallel_loop3A_578 : memref<55296xf32, #tpu.memory_space<vmem>>[vector<16xi32>], vector<16xf32>,
    } {sc.loop_unroll_factor = 4 : i64, sc.parallel_access}
    %get3A_142 = arith.constant 8 : i32
    %get3A_143 = arith.index_cast %get3A_142 : i32 to index
    %get3A_144 = arith.constant 0 : index
    %get3A_145 = tpu.vector_load %arg12[%get3A_143, %get3A_144] {strides = array<i32>} : memref<96x16xf32, #tpu.memory_space<vmem>>, vector<16xf32>,
    %get3A_146 = arith.constant 9 : i32
    %get3A_147 = arith.index_cast %get3A_146 : i32 to index
    %get3A_148 = arith.constant 0 : index
    %get3A_149 = tpu.vector_load %arg12[%get3A_147, %get3A_148] {strides = array<i32>} : memref<96x16xf32, #tpu.memory_space<vmem>>, vector<16xf32>,
    %get3A_150 = arith.constant 10 : i32
    %get3A_151 = arith.index_cast %get3A_150 : i32 to index
    %get3A_152 = arith.constant 0 : index
    %get3A_153 = tpu.vector_load %arg12[%get3A_151, %get3A_152] {strides = array<i32>} : memref<96x16xf32, #tpu.memory_space<vmem>>, vector<16xf32>,
    %get3A_154 = arith.constant 11 : i32
    %get3A_155 = arith.index_cast %get3A_154 : i32 to index
    %get3A_156 = arith.constant 0 : index
    %get3A_157 = tpu.vector_load %arg12[%get3A_155, %get3A_156] {strides = array<i32>} : memref<96x16xf32, #tpu.memory_space<vmem>>, vector<16xf32>,
    %get3A_158 = arith.constant 12 : i32
    %get3A_159 = arith.index_cast %get3A_158 : i32 to index
    %get3A_160 = arith.constant 0 : index
    %get3A_161 = tpu.vector_load %arg12[%get3A_159, %get3A_160] {strides = array<i32>} : memref<96x16xf32, #tpu.memory_space<vmem>>, vector<16xf32>,
    %get3A_162 = arith.constant 13 : i32
    %get3A_163 = arith.index_cast %get3A_162 : i32 to index
    %get3A_164 = arith.constant 0 : index
    %get3A_165 = tpu.vector_load %arg12[%get3A_163, %get3A_164] {strides = array<i32>} : memref<96x16xf32, #tpu.memory_space<vmem>>, vector<16xf32>,
    %get3A_166 = arith.constant 14 : i32
    %get3A_167 = arith.index_cast %get3A_166 : i32 to index
    %get3A_168 = arith.constant 0 : index
    %get3A_169 = tpu.vector_load %arg12[%get3A_167, %get3A_168] {strides = array<i32>} : memref<96x16xf32, #tpu.memory_space<vmem>>, vector<16xf32>,
    %get3A_170 = arith.constant 15 : i32
    %get3A_171 = arith.index_cast %get3A_170 : i32 to index
    %get3A_172 = arith.constant 0 : index
    %get3A_173 = tpu.vector_load %arg12[%get3A_171, %get3A_172] {strides = array<i32>} : memref<96x16xf32, #tpu.memory_space<vmem>>, vector<16xf32>,
    %get3A_174 = arith.constant 73 : i32
    %get3A_175 = arith.index_cast %get3A_174 : i32 to index
    %get3A_176 = arith.constant 0 : index
    %get3A_177 = tpu.vector_load %arg12[%get3A_175, %get3A_176] {strides = array<i32>} : memref<96x16xf32, #tpu.memory_space<vmem>>, vector<16xf32>,
    %parallel_loop3A_178 = arith.constant 0 : i32
    %parallel_loop3A_179 = arith.constant 24 : i32
    %parallel_loop3A_180 = arith.constant 1 : i32
    scf.for %parallel_loop3A_528 = %parallel_loop3A_178 to %parallel_loop3A_179 step %parallel_loop3A_180  : i32 {
      %parallel_loop3A_529 = arith.constant 16 : i32
      %parallel_loop3A_530 = arith.muli %parallel_loop3A_528, %parallel_loop3A_529 : i32
      %parallel_loop3A_531 = arith.constant 0 : i32
      %parallel_loop3A_532 = arith.index_cast %parallel_loop3A_531 : i32 to index
      %parallel_loop3A_533 = arith.index_cast %parallel_loop3A_530 : i32 to index
      %parallel_loop3A_534 = tpu.vector_load %arg9[%parallel_loop3A_532, %parallel_loop3A_533] {strides = array<i32>} : memref<8x384xf32, #tpu.memory_space<vmem>>, vector<16xf32>,
      %parallel_loop3A_535 = arith.mulf %parallel_loop3A_534, %get3A_145 : vector<16xf32>
      %parallel_loop3A_536 = arith.constant 1 : i32
      %parallel_loop3A_537 = arith.index_cast %parallel_loop3A_536 : i32 to index
      %parallel_loop3A_538 = arith.index_cast %parallel_loop3A_530 : i32 to index
      %parallel_loop3A_539 = tpu.vector_load %arg9[%parallel_loop3A_537, %parallel_loop3A_538] {strides = array<i32>} : memref<8x384xf32, #tpu.memory_space<vmem>>, vector<16xf32>,
      %parallel_loop3A_540 = arith.mulf %parallel_loop3A_539, %get3A_149 : vector<16xf32>
      %parallel_loop3A_541 = arith.addf %parallel_loop3A_535, %parallel_loop3A_540 : vector<16xf32>
      %parallel_loop3A_542 = arith.constant 2 : i32
      %parallel_loop3A_543 = arith.index_cast %parallel_loop3A_542 : i32 to index
      %parallel_loop3A_544 = arith.index_cast %parallel_loop3A_530 : i32 to index
      %parallel_loop3A_545 = tpu.vector_load %arg9[%parallel_loop3A_543, %parallel_loop3A_544] {strides = array<i32>} : memref<8x384xf32, #tpu.memory_space<vmem>>, vector<16xf32>,
      %parallel_loop3A_546 = arith.mulf %parallel_loop3A_545, %get3A_153 : vector<16xf32>
      %parallel_loop3A_547 = arith.addf %parallel_loop3A_541, %parallel_loop3A_546 : vector<16xf32>
      %parallel_loop3A_548 = arith.constant 3 : i32
      %parallel_loop3A_549 = arith.index_cast %parallel_loop3A_548 : i32 to index
      %parallel_loop3A_550 = arith.index_cast %parallel_loop3A_530 : i32 to index
      %parallel_loop3A_551 = tpu.vector_load %arg9[%parallel_loop3A_549, %parallel_loop3A_550] {strides = array<i32>} : memref<8x384xf32, #tpu.memory_space<vmem>>, vector<16xf32>,
      %parallel_loop3A_552 = arith.mulf %parallel_loop3A_551, %get3A_157 : vector<16xf32>
      %parallel_loop3A_553 = arith.addf %parallel_loop3A_547, %parallel_loop3A_552 : vector<16xf32>
      %parallel_loop3A_554 = arith.constant 4 : i32
      %parallel_loop3A_555 = arith.index_cast %parallel_loop3A_554 : i32 to index
      %parallel_loop3A_556 = arith.index_cast %parallel_loop3A_530 : i32 to index
      %parallel_loop3A_557 = tpu.vector_load %arg9[%parallel_loop3A_555, %parallel_loop3A_556] {strides = array<i32>} : memref<8x384xf32, #tpu.memory_space<vmem>>, vector<16xf32>,
      %parallel_loop3A_558 = arith.mulf %parallel_loop3A_557, %get3A_161 : vector<16xf32>
      %parallel_loop3A_559 = arith.addf %parallel_loop3A_553, %parallel_loop3A_558 : vector<16xf32>
      %parallel_loop3A_560 = arith.constant 5 : i32
      %parallel_loop3A_561 = arith.index_cast %parallel_loop3A_560 : i32 to index
      %parallel_loop3A_562 = arith.index_cast %parallel_loop3A_530 : i32 to index
      %parallel_loop3A_563 = tpu.vector_load %arg9[%parallel_loop3A_561, %parallel_loop3A_562] {strides = array<i32>} : memref<8x384xf32, #tpu.memory_space<vmem>>, vector<16xf32>,
      %parallel_loop3A_564 = arith.mulf %parallel_loop3A_563, %get3A_165 : vector<16xf32>
      %parallel_loop3A_565 = arith.addf %parallel_loop3A_559, %parallel_loop3A_564 : vector<16xf32>
      %parallel_loop3A_566 = arith.constant 6 : i32
      %parallel_loop3A_567 = arith.index_cast %parallel_loop3A_566 : i32 to index
      %parallel_loop3A_568 = arith.index_cast %parallel_loop3A_530 : i32 to index
      %parallel_loop3A_569 = tpu.vector_load %arg9[%parallel_loop3A_567, %parallel_loop3A_568] {strides = array<i32>} : memref<8x384xf32, #tpu.memory_space<vmem>>, vector<16xf32>,
      %parallel_loop3A_570 = arith.mulf %parallel_loop3A_569, %get3A_169 : vector<16xf32>
      %parallel_loop3A_571 = arith.addf %parallel_loop3A_565, %parallel_loop3A_570 : vector<16xf32>
      %parallel_loop3A_572 = arith.constant 7 : i32
      %parallel_loop3A_573 = arith.index_cast %parallel_loop3A_572 : i32 to index
      %parallel_loop3A_574 = arith.index_cast %parallel_loop3A_530 : i32 to index
      %parallel_loop3A_575 = tpu.vector_load %arg9[%parallel_loop3A_573, %parallel_loop3A_574] {strides = array<i32>} : memref<8x384xf32, #tpu.memory_space<vmem>>, vector<16xf32>,
      %parallel_loop3A_576 = arith.mulf %parallel_loop3A_575, %get3A_173 : vector<16xf32>
      %parallel_loop3A_577 = arith.addf %parallel_loop3A_571, %parallel_loop3A_576 : vector<16xf32>
      %parallel_loop3A_578 = arith.addf %parallel_loop3A_577, %get3A_177 : vector<16xf32>
      %parallel_loop3A_579 = arith.addi %mul3A_101, %parallel_loop3A_530 : i32
      %parallel_loop3A_580 = arith.constant 9 : i32
      %parallel_loop3A_581 = arith.muli %parallel_loop3A_579, %parallel_loop3A_580 : i32
      %parallel_loop3A_582 = arith.constant 1 : i32
      %parallel_loop3A_583 = arith.addi %parallel_loop3A_581, %parallel_loop3A_582 : i32
      %parallel_loop3A_584 = vector.broadcast %parallel_loop3A_583 : i32 to vector<16xi32>
      %parallel_loop3A_585 = arith.addi %mul3A_104, %parallel_loop3A_584 : vector<16xi32>
      tpu.vector_store_idx %arg8[%parallel_loop3A_585], %parallel_loop3A_578 : memref<55296xf32, #tpu.memory_space<vmem>>[vector<16xi32>], vector<16xf32>,
    } {sc.loop_unroll_factor = 4 : i64, sc.parallel_access}
    %get3A_181 = arith.constant 16 : i32
    %get3A_182 = arith.index_cast %get3A_181 : i32 to index
    %get3A_183 = arith.constant 0 : index
    %get3A_184 = tpu.vector_load %arg12[%get3A_182, %get3A_183] {strides = array<i32>} : memref<96x16xf32, #tpu.memory_space<vmem>>, vector<16xf32>,
    %get3A_185 = arith.constant 17 : i32
    %get3A_186 = arith.index_cast %get3A_185 : i32 to index
    %get3A_187 = arith.constant 0 : index
    %get3A_188 = tpu.vector_load %arg12[%get3A_186, %get3A_187] {strides = array<i32>} : memref<96x16xf32, #tpu.memory_space<vmem>>, vector<16xf32>,
    %get3A_189 = arith.constant 18 : i32
    %get3A_190 = arith.index_cast %get3A_189 : i32 to index
    %get3A_191 = arith.constant 0 : index
    %get3A_192 = tpu.vector_load %arg12[%get3A_190, %get3A_191] {strides = array<i32>} : memref<96x16xf32, #tpu.memory_space<vmem>>, vector<16xf32>,
    %get3A_193 = arith.constant 19 : i32
    %get3A_194 = arith.index_cast %get3A_193 : i32 to index
    %get3A_195 = arith.constant 0 : index
    %get3A_196 = tpu.vector_load %arg12[%get3A_194, %get3A_195] {strides = array<i32>} : memref<96x16xf32, #tpu.memory_space<vmem>>, vector<16xf32>,
    %get3A_197 = arith.constant 20 : i32
    %get3A_198 = arith.index_cast %get3A_197 : i32 to index
    %get3A_199 = arith.constant 0 : index
    %get3A_200 = tpu.vector_load %arg12[%get3A_198, %get3A_199] {strides = array<i32>} : memref<96x16xf32, #tpu.memory_space<vmem>>, vector<16xf32>,
    %get3A_201 = arith.constant 21 : i32
    %get3A_202 = arith.index_cast %get3A_201 : i32 to index
    %get3A_203 = arith.constant 0 : index
    %get3A_204 = tpu.vector_load %arg12[%get3A_202, %get3A_203] {strides = array<i32>} : memref<96x16xf32, #tpu.memory_space<vmem>>, vector<16xf32>,
    %get3A_205 = arith.constant 22 : i32
    %get3A_206 = arith.index_cast %get3A_205 : i32 to index
    %get3A_207 = arith.constant 0 : index
    %get3A_208 = tpu.vector_load %arg12[%get3A_206, %get3A_207] {strides = array<i32>} : memref<96x16xf32, #tpu.memory_space<vmem>>, vector<16xf32>,
    %get3A_209 = arith.constant 23 : i32
    %get3A_210 = arith.index_cast %get3A_209 : i32 to index
    %get3A_211 = arith.constant 0 : index
    %get3A_212 = tpu.vector_load %arg12[%get3A_210, %get3A_211] {strides = array<i32>} : memref<96x16xf32, #tpu.memory_space<vmem>>, vector<16xf32>,
    %get3A_213 = arith.constant 74 : i32
    %get3A_214 = arith.index_cast %get3A_213 : i32 to index
    %get3A_215 = arith.constant 0 : index
    %get3A_216 = tpu.vector_load %arg12[%get3A_214, %get3A_215] {strides = array<i32>} : memref<96x16xf32, #tpu.memory_space<vmem>>, vector<16xf32>,
    %parallel_loop3A_217 = arith.constant 0 : i32
    %parallel_loop3A_218 = arith.constant 24 : i32
    %parallel_loop3A_219 = arith.constant 1 : i32
    scf.for %parallel_loop3A_528 = %parallel_loop3A_217 to %parallel_loop3A_218 step %parallel_loop3A_219  : i32 {
      %parallel_loop3A_529 = arith.constant 16 : i32
      %parallel_loop3A_530 = arith.muli %parallel_loop3A_528, %parallel_loop3A_529 : i32
      %parallel_loop3A_531 = arith.constant 0 : i32
      %parallel_loop3A_532 = arith.index_cast %parallel_loop3A_531 : i32 to index
      %parallel_loop3A_533 = arith.index_cast %parallel_loop3A_530 : i32 to index
      %parallel_loop3A_534 = tpu.vector_load %arg9[%parallel_loop3A_532, %parallel_loop3A_533] {strides = array<i32>} : memref<8x384xf32, #tpu.memory_space<vmem>>, vector<16xf32>,
      %parallel_loop3A_535 = arith.mulf %parallel_loop3A_534, %get3A_184 : vector<16xf32>
      %parallel_loop3A_536 = arith.constant 1 : i32
      %parallel_loop3A_537 = arith.index_cast %parallel_loop3A_536 : i32 to index
      %parallel_loop3A_538 = arith.index_cast %parallel_loop3A_530 : i32 to index
      %parallel_loop3A_539 = tpu.vector_load %arg9[%parallel_loop3A_537, %parallel_loop3A_538] {strides = array<i32>} : memref<8x384xf32, #tpu.memory_space<vmem>>, vector<16xf32>,
      %parallel_loop3A_540 = arith.mulf %parallel_loop3A_539, %get3A_188 : vector<16xf32>
      %parallel_loop3A_541 = arith.addf %parallel_loop3A_535, %parallel_loop3A_540 : vector<16xf32>
      %parallel_loop3A_542 = arith.constant 2 : i32
      %parallel_loop3A_543 = arith.index_cast %parallel_loop3A_542 : i32 to index
      %parallel_loop3A_544 = arith.index_cast %parallel_loop3A_530 : i32 to index
      %parallel_loop3A_545 = tpu.vector_load %arg9[%parallel_loop3A_543, %parallel_loop3A_544] {strides = array<i32>} : memref<8x384xf32, #tpu.memory_space<vmem>>, vector<16xf32>,
      %parallel_loop3A_546 = arith.mulf %parallel_loop3A_545, %get3A_192 : vector<16xf32>
      %parallel_loop3A_547 = arith.addf %parallel_loop3A_541, %parallel_loop3A_546 : vector<16xf32>
      %parallel_loop3A_548 = arith.constant 3 : i32
      %parallel_loop3A_549 = arith.index_cast %parallel_loop3A_548 : i32 to index
      %parallel_loop3A_550 = arith.index_cast %parallel_loop3A_530 : i32 to index
      %parallel_loop3A_551 = tpu.vector_load %arg9[%parallel_loop3A_549, %parallel_loop3A_550] {strides = array<i32>} : memref<8x384xf32, #tpu.memory_space<vmem>>, vector<16xf32>,
      %parallel_loop3A_552 = arith.mulf %parallel_loop3A_551, %get3A_196 : vector<16xf32>
      %parallel_loop3A_553 = arith.addf %parallel_loop3A_547, %parallel_loop3A_552 : vector<16xf32>
      %parallel_loop3A_554 = arith.constant 4 : i32
      %parallel_loop3A_555 = arith.index_cast %parallel_loop3A_554 : i32 to index
      %parallel_loop3A_556 = arith.index_cast %parallel_loop3A_530 : i32 to index
      %parallel_loop3A_557 = tpu.vector_load %arg9[%parallel_loop3A_555, %parallel_loop3A_556] {strides = array<i32>} : memref<8x384xf32, #tpu.memory_space<vmem>>, vector<16xf32>,
      %parallel_loop3A_558 = arith.mulf %parallel_loop3A_557, %get3A_200 : vector<16xf32>
      %parallel_loop3A_559 = arith.addf %parallel_loop3A_553, %parallel_loop3A_558 : vector<16xf32>
      %parallel_loop3A_560 = arith.constant 5 : i32
      %parallel_loop3A_561 = arith.index_cast %parallel_loop3A_560 : i32 to index
      %parallel_loop3A_562 = arith.index_cast %parallel_loop3A_530 : i32 to index
      %parallel_loop3A_563 = tpu.vector_load %arg9[%parallel_loop3A_561, %parallel_loop3A_562] {strides = array<i32>} : memref<8x384xf32, #tpu.memory_space<vmem>>, vector<16xf32>,
      %parallel_loop3A_564 = arith.mulf %parallel_loop3A_563, %get3A_204 : vector<16xf32>
      %parallel_loop3A_565 = arith.addf %parallel_loop3A_559, %parallel_loop3A_564 : vector<16xf32>
      %parallel_loop3A_566 = arith.constant 6 : i32
      %parallel_loop3A_567 = arith.index_cast %parallel_loop3A_566 : i32 to index
      %parallel_loop3A_568 = arith.index_cast %parallel_loop3A_530 : i32 to index
      %parallel_loop3A_569 = tpu.vector_load %arg9[%parallel_loop3A_567, %parallel_loop3A_568] {strides = array<i32>} : memref<8x384xf32, #tpu.memory_space<vmem>>, vector<16xf32>,
      %parallel_loop3A_570 = arith.mulf %parallel_loop3A_569, %get3A_208 : vector<16xf32>
      %parallel_loop3A_571 = arith.addf %parallel_loop3A_565, %parallel_loop3A_570 : vector<16xf32>
      %parallel_loop3A_572 = arith.constant 7 : i32
      %parallel_loop3A_573 = arith.index_cast %parallel_loop3A_572 : i32 to index
      %parallel_loop3A_574 = arith.index_cast %parallel_loop3A_530 : i32 to index
      %parallel_loop3A_575 = tpu.vector_load %arg9[%parallel_loop3A_573, %parallel_loop3A_574] {strides = array<i32>} : memref<8x384xf32, #tpu.memory_space<vmem>>, vector<16xf32>,
      %parallel_loop3A_576 = arith.mulf %parallel_loop3A_575, %get3A_212 : vector<16xf32>
      %parallel_loop3A_577 = arith.addf %parallel_loop3A_571, %parallel_loop3A_576 : vector<16xf32>
      %parallel_loop3A_578 = arith.addf %parallel_loop3A_577, %get3A_216 : vector<16xf32>
      %parallel_loop3A_579 = arith.addi %mul3A_101, %parallel_loop3A_530 : i32
      %parallel_loop3A_580 = arith.constant 9 : i32
      %parallel_loop3A_581 = arith.muli %parallel_loop3A_579, %parallel_loop3A_580 : i32
      %parallel_loop3A_582 = arith.constant 2 : i32
      %parallel_loop3A_583 = arith.addi %parallel_loop3A_581, %parallel_loop3A_582 : i32
      %parallel_loop3A_584 = vector.broadcast %parallel_loop3A_583 : i32 to vector<16xi32>
      %parallel_loop3A_585 = arith.addi %mul3A_104, %parallel_loop3A_584 : vector<16xi32>
      tpu.vector_store_idx %arg8[%parallel_loop3A_585], %parallel_loop3A_578 : memref<55296xf32, #tpu.memory_space<vmem>>[vector<16xi32>], vector<16xf32>,
    } {sc.loop_unroll_factor = 4 : i64, sc.parallel_access}
    %get3A_220 = arith.constant 24 : i32
    %get3A_221 = arith.index_cast %get3A_220 : i32 to index
    %get3A_222 = arith.constant 0 : index
    %get3A_223 = tpu.vector_load %arg12[%get3A_221, %get3A_222] {strides = array<i32>} : memref<96x16xf32, #tpu.memory_space<vmem>>, vector<16xf32>,
    %get3A_224 = arith.constant 25 : i32
    %get3A_225 = arith.index_cast %get3A_224 : i32 to index
    %get3A_226 = arith.constant 0 : index
    %get3A_227 = tpu.vector_load %arg12[%get3A_225, %get3A_226] {strides = array<i32>} : memref<96x16xf32, #tpu.memory_space<vmem>>, vector<16xf32>,
    %get3A_228 = arith.constant 26 : i32
    %get3A_229 = arith.index_cast %get3A_228 : i32 to index
    %get3A_230 = arith.constant 0 : index
    %get3A_231 = tpu.vector_load %arg12[%get3A_229, %get3A_230] {strides = array<i32>} : memref<96x16xf32, #tpu.memory_space<vmem>>, vector<16xf32>,
    %get3A_232 = arith.constant 27 : i32
    %get3A_233 = arith.index_cast %get3A_232 : i32 to index
    %get3A_234 = arith.constant 0 : index
    %get3A_235 = tpu.vector_load %arg12[%get3A_233, %get3A_234] {strides = array<i32>} : memref<96x16xf32, #tpu.memory_space<vmem>>, vector<16xf32>,
    %get3A_236 = arith.constant 28 : i32
    %get3A_237 = arith.index_cast %get3A_236 : i32 to index
    %get3A_238 = arith.constant 0 : index
    %get3A_239 = tpu.vector_load %arg12[%get3A_237, %get3A_238] {strides = array<i32>} : memref<96x16xf32, #tpu.memory_space<vmem>>, vector<16xf32>,
    %get3A_240 = arith.constant 29 : i32
    %get3A_241 = arith.index_cast %get3A_240 : i32 to index
    %get3A_242 = arith.constant 0 : index
    %get3A_243 = tpu.vector_load %arg12[%get3A_241, %get3A_242] {strides = array<i32>} : memref<96x16xf32, #tpu.memory_space<vmem>>, vector<16xf32>,
    %get3A_244 = arith.constant 30 : i32
    %get3A_245 = arith.index_cast %get3A_244 : i32 to index
    %get3A_246 = arith.constant 0 : index
    %get3A_247 = tpu.vector_load %arg12[%get3A_245, %get3A_246] {strides = array<i32>} : memref<96x16xf32, #tpu.memory_space<vmem>>, vector<16xf32>,
    %get3A_248 = arith.constant 31 : i32
    %get3A_249 = arith.index_cast %get3A_248 : i32 to index
    %get3A_250 = arith.constant 0 : index
    %get3A_251 = tpu.vector_load %arg12[%get3A_249, %get3A_250] {strides = array<i32>} : memref<96x16xf32, #tpu.memory_space<vmem>>, vector<16xf32>,
    %get3A_252 = arith.constant 75 : i32
    %get3A_253 = arith.index_cast %get3A_252 : i32 to index
    %get3A_254 = arith.constant 0 : index
    %get3A_255 = tpu.vector_load %arg12[%get3A_253, %get3A_254] {strides = array<i32>} : memref<96x16xf32, #tpu.memory_space<vmem>>, vector<16xf32>,
    %parallel_loop3A_256 = arith.constant 0 : i32
    %parallel_loop3A_257 = arith.constant 24 : i32
    %parallel_loop3A_258 = arith.constant 1 : i32
    scf.for %parallel_loop3A_528 = %parallel_loop3A_256 to %parallel_loop3A_257 step %parallel_loop3A_258  : i32 {
      %parallel_loop3A_529 = arith.constant 16 : i32
      %parallel_loop3A_530 = arith.muli %parallel_loop3A_528, %parallel_loop3A_529 : i32
      %parallel_loop3A_531 = arith.constant 0 : i32
      %parallel_loop3A_532 = arith.index_cast %parallel_loop3A_531 : i32 to index
      %parallel_loop3A_533 = arith.index_cast %parallel_loop3A_530 : i32 to index
      %parallel_loop3A_534 = tpu.vector_load %arg9[%parallel_loop3A_532, %parallel_loop3A_533] {strides = array<i32>} : memref<8x384xf32, #tpu.memory_space<vmem>>, vector<16xf32>,
      %parallel_loop3A_535 = arith.mulf %parallel_loop3A_534, %get3A_223 : vector<16xf32>
      %parallel_loop3A_536 = arith.constant 1 : i32
      %parallel_loop3A_537 = arith.index_cast %parallel_loop3A_536 : i32 to index
      %parallel_loop3A_538 = arith.index_cast %parallel_loop3A_530 : i32 to index
      %parallel_loop3A_539 = tpu.vector_load %arg9[%parallel_loop3A_537, %parallel_loop3A_538] {strides = array<i32>} : memref<8x384xf32, #tpu.memory_space<vmem>>, vector<16xf32>,
      %parallel_loop3A_540 = arith.mulf %parallel_loop3A_539, %get3A_227 : vector<16xf32>
      %parallel_loop3A_541 = arith.addf %parallel_loop3A_535, %parallel_loop3A_540 : vector<16xf32>
      %parallel_loop3A_542 = arith.constant 2 : i32
      %parallel_loop3A_543 = arith.index_cast %parallel_loop3A_542 : i32 to index
      %parallel_loop3A_544 = arith.index_cast %parallel_loop3A_530 : i32 to index
      %parallel_loop3A_545 = tpu.vector_load %arg9[%parallel_loop3A_543, %parallel_loop3A_544] {strides = array<i32>} : memref<8x384xf32, #tpu.memory_space<vmem>>, vector<16xf32>,
      %parallel_loop3A_546 = arith.mulf %parallel_loop3A_545, %get3A_231 : vector<16xf32>
      %parallel_loop3A_547 = arith.addf %parallel_loop3A_541, %parallel_loop3A_546 : vector<16xf32>
      %parallel_loop3A_548 = arith.constant 3 : i32
      %parallel_loop3A_549 = arith.index_cast %parallel_loop3A_548 : i32 to index
      %parallel_loop3A_550 = arith.index_cast %parallel_loop3A_530 : i32 to index
      %parallel_loop3A_551 = tpu.vector_load %arg9[%parallel_loop3A_549, %parallel_loop3A_550] {strides = array<i32>} : memref<8x384xf32, #tpu.memory_space<vmem>>, vector<16xf32>,
      %parallel_loop3A_552 = arith.mulf %parallel_loop3A_551, %get3A_235 : vector<16xf32>
      %parallel_loop3A_553 = arith.addf %parallel_loop3A_547, %parallel_loop3A_552 : vector<16xf32>
      %parallel_loop3A_554 = arith.constant 4 : i32
      %parallel_loop3A_555 = arith.index_cast %parallel_loop3A_554 : i32 to index
      %parallel_loop3A_556 = arith.index_cast %parallel_loop3A_530 : i32 to index
      %parallel_loop3A_557 = tpu.vector_load %arg9[%parallel_loop3A_555, %parallel_loop3A_556] {strides = array<i32>} : memref<8x384xf32, #tpu.memory_space<vmem>>, vector<16xf32>,
      %parallel_loop3A_558 = arith.mulf %parallel_loop3A_557, %get3A_239 : vector<16xf32>
      %parallel_loop3A_559 = arith.addf %parallel_loop3A_553, %parallel_loop3A_558 : vector<16xf32>
      %parallel_loop3A_560 = arith.constant 5 : i32
      %parallel_loop3A_561 = arith.index_cast %parallel_loop3A_560 : i32 to index
      %parallel_loop3A_562 = arith.index_cast %parallel_loop3A_530 : i32 to index
      %parallel_loop3A_563 = tpu.vector_load %arg9[%parallel_loop3A_561, %parallel_loop3A_562] {strides = array<i32>} : memref<8x384xf32, #tpu.memory_space<vmem>>, vector<16xf32>,
      %parallel_loop3A_564 = arith.mulf %parallel_loop3A_563, %get3A_243 : vector<16xf32>
      %parallel_loop3A_565 = arith.addf %parallel_loop3A_559, %parallel_loop3A_564 : vector<16xf32>
      %parallel_loop3A_566 = arith.constant 6 : i32
      %parallel_loop3A_567 = arith.index_cast %parallel_loop3A_566 : i32 to index
      %parallel_loop3A_568 = arith.index_cast %parallel_loop3A_530 : i32 to index
      %parallel_loop3A_569 = tpu.vector_load %arg9[%parallel_loop3A_567, %parallel_loop3A_568] {strides = array<i32>} : memref<8x384xf32, #tpu.memory_space<vmem>>, vector<16xf32>,
      %parallel_loop3A_570 = arith.mulf %parallel_loop3A_569, %get3A_247 : vector<16xf32>
      %parallel_loop3A_571 = arith.addf %parallel_loop3A_565, %parallel_loop3A_570 : vector<16xf32>
      %parallel_loop3A_572 = arith.constant 7 : i32
      %parallel_loop3A_573 = arith.index_cast %parallel_loop3A_572 : i32 to index
      %parallel_loop3A_574 = arith.index_cast %parallel_loop3A_530 : i32 to index
      %parallel_loop3A_575 = tpu.vector_load %arg9[%parallel_loop3A_573, %parallel_loop3A_574] {strides = array<i32>} : memref<8x384xf32, #tpu.memory_space<vmem>>, vector<16xf32>,
      %parallel_loop3A_576 = arith.mulf %parallel_loop3A_575, %get3A_251 : vector<16xf32>
      %parallel_loop3A_577 = arith.addf %parallel_loop3A_571, %parallel_loop3A_576 : vector<16xf32>
      %parallel_loop3A_578 = arith.addf %parallel_loop3A_577, %get3A_255 : vector<16xf32>
      %parallel_loop3A_579 = arith.addi %mul3A_101, %parallel_loop3A_530 : i32
      %parallel_loop3A_580 = arith.constant 9 : i32
      %parallel_loop3A_581 = arith.muli %parallel_loop3A_579, %parallel_loop3A_580 : i32
      %parallel_loop3A_582 = arith.constant 3 : i32
      %parallel_loop3A_583 = arith.addi %parallel_loop3A_581, %parallel_loop3A_582 : i32
      %parallel_loop3A_584 = vector.broadcast %parallel_loop3A_583 : i32 to vector<16xi32>
      %parallel_loop3A_585 = arith.addi %mul3A_104, %parallel_loop3A_584 : vector<16xi32>
      tpu.vector_store_idx %arg8[%parallel_loop3A_585], %parallel_loop3A_578 : memref<55296xf32, #tpu.memory_space<vmem>>[vector<16xi32>], vector<16xf32>,
    } {sc.loop_unroll_factor = 4 : i64, sc.parallel_access}
    %get3A_259 = arith.constant 32 : i32
    %get3A_260 = arith.index_cast %get3A_259 : i32 to index
    %get3A_261 = arith.constant 0 : index
    %get3A_262 = tpu.vector_load %arg12[%get3A_260, %get3A_261] {strides = array<i32>} : memref<96x16xf32, #tpu.memory_space<vmem>>, vector<16xf32>,
    %get3A_263 = arith.constant 33 : i32
    %get3A_264 = arith.index_cast %get3A_263 : i32 to index
    %get3A_265 = arith.constant 0 : index
    %get3A_266 = tpu.vector_load %arg12[%get3A_264, %get3A_265] {strides = array<i32>} : memref<96x16xf32, #tpu.memory_space<vmem>>, vector<16xf32>,
    %get3A_267 = arith.constant 34 : i32
    %get3A_268 = arith.index_cast %get3A_267 : i32 to index
    %get3A_269 = arith.constant 0 : index
    %get3A_270 = tpu.vector_load %arg12[%get3A_268, %get3A_269] {strides = array<i32>} : memref<96x16xf32, #tpu.memory_space<vmem>>, vector<16xf32>,
    %get3A_271 = arith.constant 35 : i32
    %get3A_272 = arith.index_cast %get3A_271 : i32 to index
    %get3A_273 = arith.constant 0 : index
    %get3A_274 = tpu.vector_load %arg12[%get3A_272, %get3A_273] {strides = array<i32>} : memref<96x16xf32, #tpu.memory_space<vmem>>, vector<16xf32>,
    %get3A_275 = arith.constant 36 : i32
    %get3A_276 = arith.index_cast %get3A_275 : i32 to index
    %get3A_277 = arith.constant 0 : index
    %get3A_278 = tpu.vector_load %arg12[%get3A_276, %get3A_277] {strides = array<i32>} : memref<96x16xf32, #tpu.memory_space<vmem>>, vector<16xf32>,
    %get3A_279 = arith.constant 37 : i32
    %get3A_280 = arith.index_cast %get3A_279 : i32 to index
    %get3A_281 = arith.constant 0 : index
    %get3A_282 = tpu.vector_load %arg12[%get3A_280, %get3A_281] {strides = array<i32>} : memref<96x16xf32, #tpu.memory_space<vmem>>, vector<16xf32>,
    %get3A_283 = arith.constant 38 : i32
    %get3A_284 = arith.index_cast %get3A_283 : i32 to index
    %get3A_285 = arith.constant 0 : index
    %get3A_286 = tpu.vector_load %arg12[%get3A_284, %get3A_285] {strides = array<i32>} : memref<96x16xf32, #tpu.memory_space<vmem>>, vector<16xf32>,
    %get3A_287 = arith.constant 39 : i32
    %get3A_288 = arith.index_cast %get3A_287 : i32 to index
    %get3A_289 = arith.constant 0 : index
    %get3A_290 = tpu.vector_load %arg12[%get3A_288, %get3A_289] {strides = array<i32>} : memref<96x16xf32, #tpu.memory_space<vmem>>, vector<16xf32>,
    %get3A_291 = arith.constant 76 : i32
    %get3A_292 = arith.index_cast %get3A_291 : i32 to index
    %get3A_293 = arith.constant 0 : index
    %get3A_294 = tpu.vector_load %arg12[%get3A_292, %get3A_293] {strides = array<i32>} : memref<96x16xf32, #tpu.memory_space<vmem>>, vector<16xf32>,
    %parallel_loop3A_295 = arith.constant 0 : i32
    %parallel_loop3A_296 = arith.constant 24 : i32
    %parallel_loop3A_297 = arith.constant 1 : i32
    scf.for %parallel_loop3A_528 = %parallel_loop3A_295 to %parallel_loop3A_296 step %parallel_loop3A_297  : i32 {
      %parallel_loop3A_529 = arith.constant 16 : i32
      %parallel_loop3A_530 = arith.muli %parallel_loop3A_528, %parallel_loop3A_529 : i32
      %parallel_loop3A_531 = arith.constant 0 : i32
      %parallel_loop3A_532 = arith.index_cast %parallel_loop3A_531 : i32 to index
      %parallel_loop3A_533 = arith.index_cast %parallel_loop3A_530 : i32 to index
      %parallel_loop3A_534 = tpu.vector_load %arg9[%parallel_loop3A_532, %parallel_loop3A_533] {strides = array<i32>} : memref<8x384xf32, #tpu.memory_space<vmem>>, vector<16xf32>,
      %parallel_loop3A_535 = arith.mulf %parallel_loop3A_534, %get3A_262 : vector<16xf32>
      %parallel_loop3A_536 = arith.constant 1 : i32
      %parallel_loop3A_537 = arith.index_cast %parallel_loop3A_536 : i32 to index
      %parallel_loop3A_538 = arith.index_cast %parallel_loop3A_530 : i32 to index
      %parallel_loop3A_539 = tpu.vector_load %arg9[%parallel_loop3A_537, %parallel_loop3A_538] {strides = array<i32>} : memref<8x384xf32, #tpu.memory_space<vmem>>, vector<16xf32>,
      %parallel_loop3A_540 = arith.mulf %parallel_loop3A_539, %get3A_266 : vector<16xf32>
      %parallel_loop3A_541 = arith.addf %parallel_loop3A_535, %parallel_loop3A_540 : vector<16xf32>
      %parallel_loop3A_542 = arith.constant 2 : i32
      %parallel_loop3A_543 = arith.index_cast %parallel_loop3A_542 : i32 to index
      %parallel_loop3A_544 = arith.index_cast %parallel_loop3A_530 : i32 to index
      %parallel_loop3A_545 = tpu.vector_load %arg9[%parallel_loop3A_543, %parallel_loop3A_544] {strides = array<i32>} : memref<8x384xf32, #tpu.memory_space<vmem>>, vector<16xf32>,
      %parallel_loop3A_546 = arith.mulf %parallel_loop3A_545, %get3A_270 : vector<16xf32>
      %parallel_loop3A_547 = arith.addf %parallel_loop3A_541, %parallel_loop3A_546 : vector<16xf32>
      %parallel_loop3A_548 = arith.constant 3 : i32
      %parallel_loop3A_549 = arith.index_cast %parallel_loop3A_548 : i32 to index
      %parallel_loop3A_550 = arith.index_cast %parallel_loop3A_530 : i32 to index
      %parallel_loop3A_551 = tpu.vector_load %arg9[%parallel_loop3A_549, %parallel_loop3A_550] {strides = array<i32>} : memref<8x384xf32, #tpu.memory_space<vmem>>, vector<16xf32>,
      %parallel_loop3A_552 = arith.mulf %parallel_loop3A_551, %get3A_274 : vector<16xf32>
      %parallel_loop3A_553 = arith.addf %parallel_loop3A_547, %parallel_loop3A_552 : vector<16xf32>
      %parallel_loop3A_554 = arith.constant 4 : i32
      %parallel_loop3A_555 = arith.index_cast %parallel_loop3A_554 : i32 to index
      %parallel_loop3A_556 = arith.index_cast %parallel_loop3A_530 : i32 to index
      %parallel_loop3A_557 = tpu.vector_load %arg9[%parallel_loop3A_555, %parallel_loop3A_556] {strides = array<i32>} : memref<8x384xf32, #tpu.memory_space<vmem>>, vector<16xf32>,
      %parallel_loop3A_558 = arith.mulf %parallel_loop3A_557, %get3A_278 : vector<16xf32>
      %parallel_loop3A_559 = arith.addf %parallel_loop3A_553, %parallel_loop3A_558 : vector<16xf32>
      %parallel_loop3A_560 = arith.constant 5 : i32
      %parallel_loop3A_561 = arith.index_cast %parallel_loop3A_560 : i32 to index
      %parallel_loop3A_562 = arith.index_cast %parallel_loop3A_530 : i32 to index
      %parallel_loop3A_563 = tpu.vector_load %arg9[%parallel_loop3A_561, %parallel_loop3A_562] {strides = array<i32>} : memref<8x384xf32, #tpu.memory_space<vmem>>, vector<16xf32>,
      %parallel_loop3A_564 = arith.mulf %parallel_loop3A_563, %get3A_282 : vector<16xf32>
      %parallel_loop3A_565 = arith.addf %parallel_loop3A_559, %parallel_loop3A_564 : vector<16xf32>
      %parallel_loop3A_566 = arith.constant 6 : i32
      %parallel_loop3A_567 = arith.index_cast %parallel_loop3A_566 : i32 to index
      %parallel_loop3A_568 = arith.index_cast %parallel_loop3A_530 : i32 to index
      %parallel_loop3A_569 = tpu.vector_load %arg9[%parallel_loop3A_567, %parallel_loop3A_568] {strides = array<i32>} : memref<8x384xf32, #tpu.memory_space<vmem>>, vector<16xf32>,
      %parallel_loop3A_570 = arith.mulf %parallel_loop3A_569, %get3A_286 : vector<16xf32>
      %parallel_loop3A_571 = arith.addf %parallel_loop3A_565, %parallel_loop3A_570 : vector<16xf32>
      %parallel_loop3A_572 = arith.constant 7 : i32
      %parallel_loop3A_573 = arith.index_cast %parallel_loop3A_572 : i32 to index
      %parallel_loop3A_574 = arith.index_cast %parallel_loop3A_530 : i32 to index
      %parallel_loop3A_575 = tpu.vector_load %arg9[%parallel_loop3A_573, %parallel_loop3A_574] {strides = array<i32>} : memref<8x384xf32, #tpu.memory_space<vmem>>, vector<16xf32>,
      %parallel_loop3A_576 = arith.mulf %parallel_loop3A_575, %get3A_290 : vector<16xf32>
      %parallel_loop3A_577 = arith.addf %parallel_loop3A_571, %parallel_loop3A_576 : vector<16xf32>
      %parallel_loop3A_578 = arith.addf %parallel_loop3A_577, %get3A_294 : vector<16xf32>
      %parallel_loop3A_579 = arith.addi %mul3A_101, %parallel_loop3A_530 : i32
      %parallel_loop3A_580 = arith.constant 9 : i32
      %parallel_loop3A_581 = arith.muli %parallel_loop3A_579, %parallel_loop3A_580 : i32
      %parallel_loop3A_582 = arith.constant 4 : i32
      %parallel_loop3A_583 = arith.addi %parallel_loop3A_581, %parallel_loop3A_582 : i32
      %parallel_loop3A_584 = vector.broadcast %parallel_loop3A_583 : i32 to vector<16xi32>
      %parallel_loop3A_585 = arith.addi %mul3A_104, %parallel_loop3A_584 : vector<16xi32>
      tpu.vector_store_idx %arg8[%parallel_loop3A_585], %parallel_loop3A_578 : memref<55296xf32, #tpu.memory_space<vmem>>[vector<16xi32>], vector<16xf32>,
    } {sc.loop_unroll_factor = 4 : i64, sc.parallel_access}
    %get3A_298 = arith.constant 40 : i32
    %get3A_299 = arith.index_cast %get3A_298 : i32 to index
    %get3A_300 = arith.constant 0 : index
    %get3A_301 = tpu.vector_load %arg12[%get3A_299, %get3A_300] {strides = array<i32>} : memref<96x16xf32, #tpu.memory_space<vmem>>, vector<16xf32>,
    %get3A_302 = arith.constant 41 : i32
    %get3A_303 = arith.index_cast %get3A_302 : i32 to index
    %get3A_304 = arith.constant 0 : index
    %get3A_305 = tpu.vector_load %arg12[%get3A_303, %get3A_304] {strides = array<i32>} : memref<96x16xf32, #tpu.memory_space<vmem>>, vector<16xf32>,
    %get3A_306 = arith.constant 42 : i32
    %get3A_307 = arith.index_cast %get3A_306 : i32 to index
    %get3A_308 = arith.constant 0 : index
    %get3A_309 = tpu.vector_load %arg12[%get3A_307, %get3A_308] {strides = array<i32>} : memref<96x16xf32, #tpu.memory_space<vmem>>, vector<16xf32>,
    %get3A_310 = arith.constant 43 : i32
    %get3A_311 = arith.index_cast %get3A_310 : i32 to index
    %get3A_312 = arith.constant 0 : index
    %get3A_313 = tpu.vector_load %arg12[%get3A_311, %get3A_312] {strides = array<i32>} : memref<96x16xf32, #tpu.memory_space<vmem>>, vector<16xf32>,
    %get3A_314 = arith.constant 44 : i32
    %get3A_315 = arith.index_cast %get3A_314 : i32 to index
    %get3A_316 = arith.constant 0 : index
    %get3A_317 = tpu.vector_load %arg12[%get3A_315, %get3A_316] {strides = array<i32>} : memref<96x16xf32, #tpu.memory_space<vmem>>, vector<16xf32>,
    %get3A_318 = arith.constant 45 : i32
    %get3A_319 = arith.index_cast %get3A_318 : i32 to index
    %get3A_320 = arith.constant 0 : index
    %get3A_321 = tpu.vector_load %arg12[%get3A_319, %get3A_320] {strides = array<i32>} : memref<96x16xf32, #tpu.memory_space<vmem>>, vector<16xf32>,
    %get3A_322 = arith.constant 46 : i32
    %get3A_323 = arith.index_cast %get3A_322 : i32 to index
    %get3A_324 = arith.constant 0 : index
    %get3A_325 = tpu.vector_load %arg12[%get3A_323, %get3A_324] {strides = array<i32>} : memref<96x16xf32, #tpu.memory_space<vmem>>, vector<16xf32>,
    %get3A_326 = arith.constant 47 : i32
    %get3A_327 = arith.index_cast %get3A_326 : i32 to index
    %get3A_328 = arith.constant 0 : index
    %get3A_329 = tpu.vector_load %arg12[%get3A_327, %get3A_328] {strides = array<i32>} : memref<96x16xf32, #tpu.memory_space<vmem>>, vector<16xf32>,
    %get3A_330 = arith.constant 77 : i32
    %get3A_331 = arith.index_cast %get3A_330 : i32 to index
    %get3A_332 = arith.constant 0 : index
    %get3A_333 = tpu.vector_load %arg12[%get3A_331, %get3A_332] {strides = array<i32>} : memref<96x16xf32, #tpu.memory_space<vmem>>, vector<16xf32>,
    %parallel_loop3A_334 = arith.constant 0 : i32
    %parallel_loop3A_335 = arith.constant 24 : i32
    %parallel_loop3A_336 = arith.constant 1 : i32
    scf.for %parallel_loop3A_528 = %parallel_loop3A_334 to %parallel_loop3A_335 step %parallel_loop3A_336  : i32 {
      %parallel_loop3A_529 = arith.constant 16 : i32
      %parallel_loop3A_530 = arith.muli %parallel_loop3A_528, %parallel_loop3A_529 : i32
      %parallel_loop3A_531 = arith.constant 0 : i32
      %parallel_loop3A_532 = arith.index_cast %parallel_loop3A_531 : i32 to index
      %parallel_loop3A_533 = arith.index_cast %parallel_loop3A_530 : i32 to index
      %parallel_loop3A_534 = tpu.vector_load %arg9[%parallel_loop3A_532, %parallel_loop3A_533] {strides = array<i32>} : memref<8x384xf32, #tpu.memory_space<vmem>>, vector<16xf32>,
      %parallel_loop3A_535 = arith.mulf %parallel_loop3A_534, %get3A_301 : vector<16xf32>
      %parallel_loop3A_536 = arith.constant 1 : i32
      %parallel_loop3A_537 = arith.index_cast %parallel_loop3A_536 : i32 to index
      %parallel_loop3A_538 = arith.index_cast %parallel_loop3A_530 : i32 to index
      %parallel_loop3A_539 = tpu.vector_load %arg9[%parallel_loop3A_537, %parallel_loop3A_538] {strides = array<i32>} : memref<8x384xf32, #tpu.memory_space<vmem>>, vector<16xf32>,
      %parallel_loop3A_540 = arith.mulf %parallel_loop3A_539, %get3A_305 : vector<16xf32>
      %parallel_loop3A_541 = arith.addf %parallel_loop3A_535, %parallel_loop3A_540 : vector<16xf32>
      %parallel_loop3A_542 = arith.constant 2 : i32
      %parallel_loop3A_543 = arith.index_cast %parallel_loop3A_542 : i32 to index
      %parallel_loop3A_544 = arith.index_cast %parallel_loop3A_530 : i32 to index
      %parallel_loop3A_545 = tpu.vector_load %arg9[%parallel_loop3A_543, %parallel_loop3A_544] {strides = array<i32>} : memref<8x384xf32, #tpu.memory_space<vmem>>, vector<16xf32>,
      %parallel_loop3A_546 = arith.mulf %parallel_loop3A_545, %get3A_309 : vector<16xf32>
      %parallel_loop3A_547 = arith.addf %parallel_loop3A_541, %parallel_loop3A_546 : vector<16xf32>
      %parallel_loop3A_548 = arith.constant 3 : i32
      %parallel_loop3A_549 = arith.index_cast %parallel_loop3A_548 : i32 to index
      %parallel_loop3A_550 = arith.index_cast %parallel_loop3A_530 : i32 to index
      %parallel_loop3A_551 = tpu.vector_load %arg9[%parallel_loop3A_549, %parallel_loop3A_550] {strides = array<i32>} : memref<8x384xf32, #tpu.memory_space<vmem>>, vector<16xf32>,
      %parallel_loop3A_552 = arith.mulf %parallel_loop3A_551, %get3A_313 : vector<16xf32>
      %parallel_loop3A_553 = arith.addf %parallel_loop3A_547, %parallel_loop3A_552 : vector<16xf32>
      %parallel_loop3A_554 = arith.constant 4 : i32
      %parallel_loop3A_555 = arith.index_cast %parallel_loop3A_554 : i32 to index
      %parallel_loop3A_556 = arith.index_cast %parallel_loop3A_530 : i32 to index
      %parallel_loop3A_557 = tpu.vector_load %arg9[%parallel_loop3A_555, %parallel_loop3A_556] {strides = array<i32>} : memref<8x384xf32, #tpu.memory_space<vmem>>, vector<16xf32>,
      %parallel_loop3A_558 = arith.mulf %parallel_loop3A_557, %get3A_317 : vector<16xf32>
      %parallel_loop3A_559 = arith.addf %parallel_loop3A_553, %parallel_loop3A_558 : vector<16xf32>
      %parallel_loop3A_560 = arith.constant 5 : i32
      %parallel_loop3A_561 = arith.index_cast %parallel_loop3A_560 : i32 to index
      %parallel_loop3A_562 = arith.index_cast %parallel_loop3A_530 : i32 to index
      %parallel_loop3A_563 = tpu.vector_load %arg9[%parallel_loop3A_561, %parallel_loop3A_562] {strides = array<i32>} : memref<8x384xf32, #tpu.memory_space<vmem>>, vector<16xf32>,
      %parallel_loop3A_564 = arith.mulf %parallel_loop3A_563, %get3A_321 : vector<16xf32>
      %parallel_loop3A_565 = arith.addf %parallel_loop3A_559, %parallel_loop3A_564 : vector<16xf32>
      %parallel_loop3A_566 = arith.constant 6 : i32
      %parallel_loop3A_567 = arith.index_cast %parallel_loop3A_566 : i32 to index
      %parallel_loop3A_568 = arith.index_cast %parallel_loop3A_530 : i32 to index
      %parallel_loop3A_569 = tpu.vector_load %arg9[%parallel_loop3A_567, %parallel_loop3A_568] {strides = array<i32>} : memref<8x384xf32, #tpu.memory_space<vmem>>, vector<16xf32>,
      %parallel_loop3A_570 = arith.mulf %parallel_loop3A_569, %get3A_325 : vector<16xf32>
      %parallel_loop3A_571 = arith.addf %parallel_loop3A_565, %parallel_loop3A_570 : vector<16xf32>
      %parallel_loop3A_572 = arith.constant 7 : i32
      %parallel_loop3A_573 = arith.index_cast %parallel_loop3A_572 : i32 to index
      %parallel_loop3A_574 = arith.index_cast %parallel_loop3A_530 : i32 to index
      %parallel_loop3A_575 = tpu.vector_load %arg9[%parallel_loop3A_573, %parallel_loop3A_574] {strides = array<i32>} : memref<8x384xf32, #tpu.memory_space<vmem>>, vector<16xf32>,
      %parallel_loop3A_576 = arith.mulf %parallel_loop3A_575, %get3A_329 : vector<16xf32>
      %parallel_loop3A_577 = arith.addf %parallel_loop3A_571, %parallel_loop3A_576 : vector<16xf32>
      %parallel_loop3A_578 = arith.addf %parallel_loop3A_577, %get3A_333 : vector<16xf32>
      %parallel_loop3A_579 = arith.addi %mul3A_101, %parallel_loop3A_530 : i32
      %parallel_loop3A_580 = arith.constant 9 : i32
      %parallel_loop3A_581 = arith.muli %parallel_loop3A_579, %parallel_loop3A_580 : i32
      %parallel_loop3A_582 = arith.constant 5 : i32
      %parallel_loop3A_583 = arith.addi %parallel_loop3A_581, %parallel_loop3A_582 : i32
      %parallel_loop3A_584 = vector.broadcast %parallel_loop3A_583 : i32 to vector<16xi32>
      %parallel_loop3A_585 = arith.addi %mul3A_104, %parallel_loop3A_584 : vector<16xi32>
      tpu.vector_store_idx %arg8[%parallel_loop3A_585], %parallel_loop3A_578 : memref<55296xf32, #tpu.memory_space<vmem>>[vector<16xi32>], vector<16xf32>,
    } {sc.loop_unroll_factor = 4 : i64, sc.parallel_access}
    %get3A_337 = arith.constant 48 : i32
    %get3A_338 = arith.index_cast %get3A_337 : i32 to index
    %get3A_339 = arith.constant 0 : index
    %get3A_340 = tpu.vector_load %arg12[%get3A_338, %get3A_339] {strides = array<i32>} : memref<96x16xf32, #tpu.memory_space<vmem>>, vector<16xf32>,
    %get3A_341 = arith.constant 49 : i32
    %get3A_342 = arith.index_cast %get3A_341 : i32 to index
    %get3A_343 = arith.constant 0 : index
    %get3A_344 = tpu.vector_load %arg12[%get3A_342, %get3A_343] {strides = array<i32>} : memref<96x16xf32, #tpu.memory_space<vmem>>, vector<16xf32>,
    %get3A_345 = arith.constant 50 : i32
    %get3A_346 = arith.index_cast %get3A_345 : i32 to index
    %get3A_347 = arith.constant 0 : index
    %get3A_348 = tpu.vector_load %arg12[%get3A_346, %get3A_347] {strides = array<i32>} : memref<96x16xf32, #tpu.memory_space<vmem>>, vector<16xf32>,
    %get3A_349 = arith.constant 51 : i32
    %get3A_350 = arith.index_cast %get3A_349 : i32 to index
    %get3A_351 = arith.constant 0 : index
    %get3A_352 = tpu.vector_load %arg12[%get3A_350, %get3A_351] {strides = array<i32>} : memref<96x16xf32, #tpu.memory_space<vmem>>, vector<16xf32>,
    %get3A_353 = arith.constant 52 : i32
    %get3A_354 = arith.index_cast %get3A_353 : i32 to index
    %get3A_355 = arith.constant 0 : index
    %get3A_356 = tpu.vector_load %arg12[%get3A_354, %get3A_355] {strides = array<i32>} : memref<96x16xf32, #tpu.memory_space<vmem>>, vector<16xf32>,
    %get3A_357 = arith.constant 53 : i32
    %get3A_358 = arith.index_cast %get3A_357 : i32 to index
    %get3A_359 = arith.constant 0 : index
    %get3A_360 = tpu.vector_load %arg12[%get3A_358, %get3A_359] {strides = array<i32>} : memref<96x16xf32, #tpu.memory_space<vmem>>, vector<16xf32>,
    %get3A_361 = arith.constant 54 : i32
    %get3A_362 = arith.index_cast %get3A_361 : i32 to index
    %get3A_363 = arith.constant 0 : index
    %get3A_364 = tpu.vector_load %arg12[%get3A_362, %get3A_363] {strides = array<i32>} : memref<96x16xf32, #tpu.memory_space<vmem>>, vector<16xf32>,
    %get3A_365 = arith.constant 55 : i32
    %get3A_366 = arith.index_cast %get3A_365 : i32 to index
    %get3A_367 = arith.constant 0 : index
    %get3A_368 = tpu.vector_load %arg12[%get3A_366, %get3A_367] {strides = array<i32>} : memref<96x16xf32, #tpu.memory_space<vmem>>, vector<16xf32>,
    %get3A_369 = arith.constant 78 : i32
    %get3A_370 = arith.index_cast %get3A_369 : i32 to index
    %get3A_371 = arith.constant 0 : index
    %get3A_372 = tpu.vector_load %arg12[%get3A_370, %get3A_371] {strides = array<i32>} : memref<96x16xf32, #tpu.memory_space<vmem>>, vector<16xf32>,
    %parallel_loop3A_373 = arith.constant 0 : i32
    %parallel_loop3A_374 = arith.constant 24 : i32
    %parallel_loop3A_375 = arith.constant 1 : i32
    scf.for %parallel_loop3A_528 = %parallel_loop3A_373 to %parallel_loop3A_374 step %parallel_loop3A_375  : i32 {
      %parallel_loop3A_529 = arith.constant 16 : i32
      %parallel_loop3A_530 = arith.muli %parallel_loop3A_528, %parallel_loop3A_529 : i32
      %parallel_loop3A_531 = arith.constant 0 : i32
      %parallel_loop3A_532 = arith.index_cast %parallel_loop3A_531 : i32 to index
      %parallel_loop3A_533 = arith.index_cast %parallel_loop3A_530 : i32 to index
      %parallel_loop3A_534 = tpu.vector_load %arg9[%parallel_loop3A_532, %parallel_loop3A_533] {strides = array<i32>} : memref<8x384xf32, #tpu.memory_space<vmem>>, vector<16xf32>,
      %parallel_loop3A_535 = arith.mulf %parallel_loop3A_534, %get3A_340 : vector<16xf32>
      %parallel_loop3A_536 = arith.constant 1 : i32
      %parallel_loop3A_537 = arith.index_cast %parallel_loop3A_536 : i32 to index
      %parallel_loop3A_538 = arith.index_cast %parallel_loop3A_530 : i32 to index
      %parallel_loop3A_539 = tpu.vector_load %arg9[%parallel_loop3A_537, %parallel_loop3A_538] {strides = array<i32>} : memref<8x384xf32, #tpu.memory_space<vmem>>, vector<16xf32>,
      %parallel_loop3A_540 = arith.mulf %parallel_loop3A_539, %get3A_344 : vector<16xf32>
      %parallel_loop3A_541 = arith.addf %parallel_loop3A_535, %parallel_loop3A_540 : vector<16xf32>
      %parallel_loop3A_542 = arith.constant 2 : i32
      %parallel_loop3A_543 = arith.index_cast %parallel_loop3A_542 : i32 to index
      %parallel_loop3A_544 = arith.index_cast %parallel_loop3A_530 : i32 to index
      %parallel_loop3A_545 = tpu.vector_load %arg9[%parallel_loop3A_543, %parallel_loop3A_544] {strides = array<i32>} : memref<8x384xf32, #tpu.memory_space<vmem>>, vector<16xf32>,
      %parallel_loop3A_546 = arith.mulf %parallel_loop3A_545, %get3A_348 : vector<16xf32>
      %parallel_loop3A_547 = arith.addf %parallel_loop3A_541, %parallel_loop3A_546 : vector<16xf32>
      %parallel_loop3A_548 = arith.constant 3 : i32
      %parallel_loop3A_549 = arith.index_cast %parallel_loop3A_548 : i32 to index
      %parallel_loop3A_550 = arith.index_cast %parallel_loop3A_530 : i32 to index
      %parallel_loop3A_551 = tpu.vector_load %arg9[%parallel_loop3A_549, %parallel_loop3A_550] {strides = array<i32>} : memref<8x384xf32, #tpu.memory_space<vmem>>, vector<16xf32>,
      %parallel_loop3A_552 = arith.mulf %parallel_loop3A_551, %get3A_352 : vector<16xf32>
      %parallel_loop3A_553 = arith.addf %parallel_loop3A_547, %parallel_loop3A_552 : vector<16xf32>
      %parallel_loop3A_554 = arith.constant 4 : i32
      %parallel_loop3A_555 = arith.index_cast %parallel_loop3A_554 : i32 to index
      %parallel_loop3A_556 = arith.index_cast %parallel_loop3A_530 : i32 to index
      %parallel_loop3A_557 = tpu.vector_load %arg9[%parallel_loop3A_555, %parallel_loop3A_556] {strides = array<i32>} : memref<8x384xf32, #tpu.memory_space<vmem>>, vector<16xf32>,
      %parallel_loop3A_558 = arith.mulf %parallel_loop3A_557, %get3A_356 : vector<16xf32>
      %parallel_loop3A_559 = arith.addf %parallel_loop3A_553, %parallel_loop3A_558 : vector<16xf32>
      %parallel_loop3A_560 = arith.constant 5 : i32
      %parallel_loop3A_561 = arith.index_cast %parallel_loop3A_560 : i32 to index
      %parallel_loop3A_562 = arith.index_cast %parallel_loop3A_530 : i32 to index
      %parallel_loop3A_563 = tpu.vector_load %arg9[%parallel_loop3A_561, %parallel_loop3A_562] {strides = array<i32>} : memref<8x384xf32, #tpu.memory_space<vmem>>, vector<16xf32>,
      %parallel_loop3A_564 = arith.mulf %parallel_loop3A_563, %get3A_360 : vector<16xf32>
      %parallel_loop3A_565 = arith.addf %parallel_loop3A_559, %parallel_loop3A_564 : vector<16xf32>
      %parallel_loop3A_566 = arith.constant 6 : i32
      %parallel_loop3A_567 = arith.index_cast %parallel_loop3A_566 : i32 to index
      %parallel_loop3A_568 = arith.index_cast %parallel_loop3A_530 : i32 to index
      %parallel_loop3A_569 = tpu.vector_load %arg9[%parallel_loop3A_567, %parallel_loop3A_568] {strides = array<i32>} : memref<8x384xf32, #tpu.memory_space<vmem>>, vector<16xf32>,
      %parallel_loop3A_570 = arith.mulf %parallel_loop3A_569, %get3A_364 : vector<16xf32>
      %parallel_loop3A_571 = arith.addf %parallel_loop3A_565, %parallel_loop3A_570 : vector<16xf32>
      %parallel_loop3A_572 = arith.constant 7 : i32
      %parallel_loop3A_573 = arith.index_cast %parallel_loop3A_572 : i32 to index
      %parallel_loop3A_574 = arith.index_cast %parallel_loop3A_530 : i32 to index
      %parallel_loop3A_575 = tpu.vector_load %arg9[%parallel_loop3A_573, %parallel_loop3A_574] {strides = array<i32>} : memref<8x384xf32, #tpu.memory_space<vmem>>, vector<16xf32>,
      %parallel_loop3A_576 = arith.mulf %parallel_loop3A_575, %get3A_368 : vector<16xf32>
      %parallel_loop3A_577 = arith.addf %parallel_loop3A_571, %parallel_loop3A_576 : vector<16xf32>
      %parallel_loop3A_578 = arith.addf %parallel_loop3A_577, %get3A_372 : vector<16xf32>
      %parallel_loop3A_579 = arith.addi %mul3A_101, %parallel_loop3A_530 : i32
      %parallel_loop3A_580 = arith.constant 9 : i32
      %parallel_loop3A_581 = arith.muli %parallel_loop3A_579, %parallel_loop3A_580 : i32
      %parallel_loop3A_582 = arith.constant 6 : i32
      %parallel_loop3A_583 = arith.addi %parallel_loop3A_581, %parallel_loop3A_582 : i32
      %parallel_loop3A_584 = vector.broadcast %parallel_loop3A_583 : i32 to vector<16xi32>
      %parallel_loop3A_585 = arith.addi %mul3A_104, %parallel_loop3A_584 : vector<16xi32>
      tpu.vector_store_idx %arg8[%parallel_loop3A_585], %parallel_loop3A_578 : memref<55296xf32, #tpu.memory_space<vmem>>[vector<16xi32>], vector<16xf32>,
    } {sc.loop_unroll_factor = 4 : i64, sc.parallel_access}
    %get3A_376 = arith.constant 56 : i32
    %get3A_377 = arith.index_cast %get3A_376 : i32 to index
    %get3A_378 = arith.constant 0 : index
    %get3A_379 = tpu.vector_load %arg12[%get3A_377, %get3A_378] {strides = array<i32>} : memref<96x16xf32, #tpu.memory_space<vmem>>, vector<16xf32>,
    %get3A_380 = arith.constant 57 : i32
    %get3A_381 = arith.index_cast %get3A_380 : i32 to index
    %get3A_382 = arith.constant 0 : index
    %get3A_383 = tpu.vector_load %arg12[%get3A_381, %get3A_382] {strides = array<i32>} : memref<96x16xf32, #tpu.memory_space<vmem>>, vector<16xf32>,
    %get3A_384 = arith.constant 58 : i32
    %get3A_385 = arith.index_cast %get3A_384 : i32 to index
    %get3A_386 = arith.constant 0 : index
    %get3A_387 = tpu.vector_load %arg12[%get3A_385, %get3A_386] {strides = array<i32>} : memref<96x16xf32, #tpu.memory_space<vmem>>, vector<16xf32>,
    %get3A_388 = arith.constant 59 : i32
    %get3A_389 = arith.index_cast %get3A_388 : i32 to index
    %get3A_390 = arith.constant 0 : index
    %get3A_391 = tpu.vector_load %arg12[%get3A_389, %get3A_390] {strides = array<i32>} : memref<96x16xf32, #tpu.memory_space<vmem>>, vector<16xf32>,
    %get3A_392 = arith.constant 60 : i32
    %get3A_393 = arith.index_cast %get3A_392 : i32 to index
    %get3A_394 = arith.constant 0 : index
    %get3A_395 = tpu.vector_load %arg12[%get3A_393, %get3A_394] {strides = array<i32>} : memref<96x16xf32, #tpu.memory_space<vmem>>, vector<16xf32>,
    %get3A_396 = arith.constant 61 : i32
    %get3A_397 = arith.index_cast %get3A_396 : i32 to index
    %get3A_398 = arith.constant 0 : index
    %get3A_399 = tpu.vector_load %arg12[%get3A_397, %get3A_398] {strides = array<i32>} : memref<96x16xf32, #tpu.memory_space<vmem>>, vector<16xf32>,
    %get3A_400 = arith.constant 62 : i32
    %get3A_401 = arith.index_cast %get3A_400 : i32 to index
    %get3A_402 = arith.constant 0 : index
    %get3A_403 = tpu.vector_load %arg12[%get3A_401, %get3A_402] {strides = array<i32>} : memref<96x16xf32, #tpu.memory_space<vmem>>, vector<16xf32>,
    %get3A_404 = arith.constant 63 : i32
    %get3A_405 = arith.index_cast %get3A_404 : i32 to index
    %get3A_406 = arith.constant 0 : index
    %get3A_407 = tpu.vector_load %arg12[%get3A_405, %get3A_406] {strides = array<i32>} : memref<96x16xf32, #tpu.memory_space<vmem>>, vector<16xf32>,
    %get3A_408 = arith.constant 79 : i32
    %get3A_409 = arith.index_cast %get3A_408 : i32 to index
    %get3A_410 = arith.constant 0 : index
    %get3A_411 = tpu.vector_load %arg12[%get3A_409, %get3A_410] {strides = array<i32>} : memref<96x16xf32, #tpu.memory_space<vmem>>, vector<16xf32>,
    %parallel_loop3A_412 = arith.constant 0 : i32
    %parallel_loop3A_413 = arith.constant 24 : i32
    %parallel_loop3A_414 = arith.constant 1 : i32
    scf.for %parallel_loop3A_528 = %parallel_loop3A_412 to %parallel_loop3A_413 step %parallel_loop3A_414  : i32 {
      %parallel_loop3A_529 = arith.constant 16 : i32
      %parallel_loop3A_530 = arith.muli %parallel_loop3A_528, %parallel_loop3A_529 : i32
      %parallel_loop3A_531 = arith.constant 0 : i32
      %parallel_loop3A_532 = arith.index_cast %parallel_loop3A_531 : i32 to index
      %parallel_loop3A_533 = arith.index_cast %parallel_loop3A_530 : i32 to index
      %parallel_loop3A_534 = tpu.vector_load %arg9[%parallel_loop3A_532, %parallel_loop3A_533] {strides = array<i32>} : memref<8x384xf32, #tpu.memory_space<vmem>>, vector<16xf32>,
      %parallel_loop3A_535 = arith.mulf %parallel_loop3A_534, %get3A_379 : vector<16xf32>
      %parallel_loop3A_536 = arith.constant 1 : i32
      %parallel_loop3A_537 = arith.index_cast %parallel_loop3A_536 : i32 to index
      %parallel_loop3A_538 = arith.index_cast %parallel_loop3A_530 : i32 to index
      %parallel_loop3A_539 = tpu.vector_load %arg9[%parallel_loop3A_537, %parallel_loop3A_538] {strides = array<i32>} : memref<8x384xf32, #tpu.memory_space<vmem>>, vector<16xf32>,
      %parallel_loop3A_540 = arith.mulf %parallel_loop3A_539, %get3A_383 : vector<16xf32>
      %parallel_loop3A_541 = arith.addf %parallel_loop3A_535, %parallel_loop3A_540 : vector<16xf32>
      %parallel_loop3A_542 = arith.constant 2 : i32
      %parallel_loop3A_543 = arith.index_cast %parallel_loop3A_542 : i32 to index
      %parallel_loop3A_544 = arith.index_cast %parallel_loop3A_530 : i32 to index
      %parallel_loop3A_545 = tpu.vector_load %arg9[%parallel_loop3A_543, %parallel_loop3A_544] {strides = array<i32>} : memref<8x384xf32, #tpu.memory_space<vmem>>, vector<16xf32>,
      %parallel_loop3A_546 = arith.mulf %parallel_loop3A_545, %get3A_387 : vector<16xf32>
      %parallel_loop3A_547 = arith.addf %parallel_loop3A_541, %parallel_loop3A_546 : vector<16xf32>
      %parallel_loop3A_548 = arith.constant 3 : i32
      %parallel_loop3A_549 = arith.index_cast %parallel_loop3A_548 : i32 to index
      %parallel_loop3A_550 = arith.index_cast %parallel_loop3A_530 : i32 to index
      %parallel_loop3A_551 = tpu.vector_load %arg9[%parallel_loop3A_549, %parallel_loop3A_550] {strides = array<i32>} : memref<8x384xf32, #tpu.memory_space<vmem>>, vector<16xf32>,
      %parallel_loop3A_552 = arith.mulf %parallel_loop3A_551, %get3A_391 : vector<16xf32>
      %parallel_loop3A_553 = arith.addf %parallel_loop3A_547, %parallel_loop3A_552 : vector<16xf32>
      %parallel_loop3A_554 = arith.constant 4 : i32
      %parallel_loop3A_555 = arith.index_cast %parallel_loop3A_554 : i32 to index
      %parallel_loop3A_556 = arith.index_cast %parallel_loop3A_530 : i32 to index
      %parallel_loop3A_557 = tpu.vector_load %arg9[%parallel_loop3A_555, %parallel_loop3A_556] {strides = array<i32>} : memref<8x384xf32, #tpu.memory_space<vmem>>, vector<16xf32>,
      %parallel_loop3A_558 = arith.mulf %parallel_loop3A_557, %get3A_395 : vector<16xf32>
      %parallel_loop3A_559 = arith.addf %parallel_loop3A_553, %parallel_loop3A_558 : vector<16xf32>
      %parallel_loop3A_560 = arith.constant 5 : i32
      %parallel_loop3A_561 = arith.index_cast %parallel_loop3A_560 : i32 to index
      %parallel_loop3A_562 = arith.index_cast %parallel_loop3A_530 : i32 to index
      %parallel_loop3A_563 = tpu.vector_load %arg9[%parallel_loop3A_561, %parallel_loop3A_562] {strides = array<i32>} : memref<8x384xf32, #tpu.memory_space<vmem>>, vector<16xf32>,
      %parallel_loop3A_564 = arith.mulf %parallel_loop3A_563, %get3A_399 : vector<16xf32>
      %parallel_loop3A_565 = arith.addf %parallel_loop3A_559, %parallel_loop3A_564 : vector<16xf32>
      %parallel_loop3A_566 = arith.constant 6 : i32
      %parallel_loop3A_567 = arith.index_cast %parallel_loop3A_566 : i32 to index
      %parallel_loop3A_568 = arith.index_cast %parallel_loop3A_530 : i32 to index
      %parallel_loop3A_569 = tpu.vector_load %arg9[%parallel_loop3A_567, %parallel_loop3A_568] {strides = array<i32>} : memref<8x384xf32, #tpu.memory_space<vmem>>, vector<16xf32>,
      %parallel_loop3A_570 = arith.mulf %parallel_loop3A_569, %get3A_403 : vector<16xf32>
      %parallel_loop3A_571 = arith.addf %parallel_loop3A_565, %parallel_loop3A_570 : vector<16xf32>
      %parallel_loop3A_572 = arith.constant 7 : i32
      %parallel_loop3A_573 = arith.index_cast %parallel_loop3A_572 : i32 to index
      %parallel_loop3A_574 = arith.index_cast %parallel_loop3A_530 : i32 to index
      %parallel_loop3A_575 = tpu.vector_load %arg9[%parallel_loop3A_573, %parallel_loop3A_574] {strides = array<i32>} : memref<8x384xf32, #tpu.memory_space<vmem>>, vector<16xf32>,
      %parallel_loop3A_576 = arith.mulf %parallel_loop3A_575, %get3A_407 : vector<16xf32>
      %parallel_loop3A_577 = arith.addf %parallel_loop3A_571, %parallel_loop3A_576 : vector<16xf32>
      %parallel_loop3A_578 = arith.addf %parallel_loop3A_577, %get3A_411 : vector<16xf32>
      %parallel_loop3A_579 = arith.addi %mul3A_101, %parallel_loop3A_530 : i32
      %parallel_loop3A_580 = arith.constant 9 : i32
      %parallel_loop3A_581 = arith.muli %parallel_loop3A_579, %parallel_loop3A_580 : i32
      %parallel_loop3A_582 = arith.constant 7 : i32
      %parallel_loop3A_583 = arith.addi %parallel_loop3A_581, %parallel_loop3A_582 : i32
      %parallel_loop3A_584 = vector.broadcast %parallel_loop3A_583 : i32 to vector<16xi32>
      %parallel_loop3A_585 = arith.addi %mul3A_104, %parallel_loop3A_584 : vector<16xi32>
      tpu.vector_store_idx %arg8[%parallel_loop3A_585], %parallel_loop3A_578 : memref<55296xf32, #tpu.memory_space<vmem>>[vector<16xi32>], vector<16xf32>,
    } {sc.loop_unroll_factor = 4 : i64, sc.parallel_access}
    %get3A_415 = arith.constant 64 : i32
    %get3A_416 = arith.index_cast %get3A_415 : i32 to index
    %get3A_417 = arith.constant 0 : index
    %get3A_418 = tpu.vector_load %arg12[%get3A_416, %get3A_417] {strides = array<i32>} : memref<96x16xf32, #tpu.memory_space<vmem>>, vector<16xf32>,
    %get3A_419 = arith.constant 65 : i32
    %get3A_420 = arith.index_cast %get3A_419 : i32 to index
    %get3A_421 = arith.constant 0 : index
    %get3A_422 = tpu.vector_load %arg12[%get3A_420, %get3A_421] {strides = array<i32>} : memref<96x16xf32, #tpu.memory_space<vmem>>, vector<16xf32>,
    %get3A_423 = arith.constant 66 : i32
    %get3A_424 = arith.index_cast %get3A_423 : i32 to index
    %get3A_425 = arith.constant 0 : index
    %get3A_426 = tpu.vector_load %arg12[%get3A_424, %get3A_425] {strides = array<i32>} : memref<96x16xf32, #tpu.memory_space<vmem>>, vector<16xf32>,
    %get3A_427 = arith.constant 67 : i32
    %get3A_428 = arith.index_cast %get3A_427 : i32 to index
    %get3A_429 = arith.constant 0 : index
    %get3A_430 = tpu.vector_load %arg12[%get3A_428, %get3A_429] {strides = array<i32>} : memref<96x16xf32, #tpu.memory_space<vmem>>, vector<16xf32>,
    %get3A_431 = arith.constant 68 : i32
    %get3A_432 = arith.index_cast %get3A_431 : i32 to index
    %get3A_433 = arith.constant 0 : index
    %get3A_434 = tpu.vector_load %arg12[%get3A_432, %get3A_433] {strides = array<i32>} : memref<96x16xf32, #tpu.memory_space<vmem>>, vector<16xf32>,
    %get3A_435 = arith.constant 69 : i32
    %get3A_436 = arith.index_cast %get3A_435 : i32 to index
    %get3A_437 = arith.constant 0 : index
    %get3A_438 = tpu.vector_load %arg12[%get3A_436, %get3A_437] {strides = array<i32>} : memref<96x16xf32, #tpu.memory_space<vmem>>, vector<16xf32>,
    %get3A_439 = arith.constant 70 : i32
    %get3A_440 = arith.index_cast %get3A_439 : i32 to index
    %get3A_441 = arith.constant 0 : index
    %get3A_442 = tpu.vector_load %arg12[%get3A_440, %get3A_441] {strides = array<i32>} : memref<96x16xf32, #tpu.memory_space<vmem>>, vector<16xf32>,
    %get3A_443 = arith.constant 71 : i32
    %get3A_444 = arith.index_cast %get3A_443 : i32 to index
    %get3A_445 = arith.constant 0 : index
    %get3A_446 = tpu.vector_load %arg12[%get3A_444, %get3A_445] {strides = array<i32>} : memref<96x16xf32, #tpu.memory_space<vmem>>, vector<16xf32>,
    %get3A_447 = arith.constant 80 : i32
    %get3A_448 = arith.index_cast %get3A_447 : i32 to index
    %get3A_449 = arith.constant 0 : index
    %get3A_450 = tpu.vector_load %arg12[%get3A_448, %get3A_449] {strides = array<i32>} : memref<96x16xf32, #tpu.memory_space<vmem>>, vector<16xf32>,
    %parallel_loop3A_451 = arith.constant 0 : i32
    %parallel_loop3A_452 = arith.constant 24 : i32
    %parallel_loop3A_453 = arith.constant 1 : i32
    scf.for %parallel_loop3A_528 = %parallel_loop3A_451 to %parallel_loop3A_452 step %parallel_loop3A_453  : i32 {
      %parallel_loop3A_529 = arith.constant 16 : i32
      %parallel_loop3A_530 = arith.muli %parallel_loop3A_528, %parallel_loop3A_529 : i32
      %parallel_loop3A_531 = arith.constant 0 : i32
      %parallel_loop3A_532 = arith.index_cast %parallel_loop3A_531 : i32 to index
      %parallel_loop3A_533 = arith.index_cast %parallel_loop3A_530 : i32 to index
      %parallel_loop3A_534 = tpu.vector_load %arg9[%parallel_loop3A_532, %parallel_loop3A_533] {strides = array<i32>} : memref<8x384xf32, #tpu.memory_space<vmem>>, vector<16xf32>,
      %parallel_loop3A_535 = arith.mulf %parallel_loop3A_534, %get3A_418 : vector<16xf32>
      %parallel_loop3A_536 = arith.constant 1 : i32
      %parallel_loop3A_537 = arith.index_cast %parallel_loop3A_536 : i32 to index
      %parallel_loop3A_538 = arith.index_cast %parallel_loop3A_530 : i32 to index
      %parallel_loop3A_539 = tpu.vector_load %arg9[%parallel_loop3A_537, %parallel_loop3A_538] {strides = array<i32>} : memref<8x384xf32, #tpu.memory_space<vmem>>, vector<16xf32>,
      %parallel_loop3A_540 = arith.mulf %parallel_loop3A_539, %get3A_422 : vector<16xf32>
      %parallel_loop3A_541 = arith.addf %parallel_loop3A_535, %parallel_loop3A_540 : vector<16xf32>
      %parallel_loop3A_542 = arith.constant 2 : i32
      %parallel_loop3A_543 = arith.index_cast %parallel_loop3A_542 : i32 to index
      %parallel_loop3A_544 = arith.index_cast %parallel_loop3A_530 : i32 to index
      %parallel_loop3A_545 = tpu.vector_load %arg9[%parallel_loop3A_543, %parallel_loop3A_544] {strides = array<i32>} : memref<8x384xf32, #tpu.memory_space<vmem>>, vector<16xf32>,
      %parallel_loop3A_546 = arith.mulf %parallel_loop3A_545, %get3A_426 : vector<16xf32>
      %parallel_loop3A_547 = arith.addf %parallel_loop3A_541, %parallel_loop3A_546 : vector<16xf32>
      %parallel_loop3A_548 = arith.constant 3 : i32
      %parallel_loop3A_549 = arith.index_cast %parallel_loop3A_548 : i32 to index
      %parallel_loop3A_550 = arith.index_cast %parallel_loop3A_530 : i32 to index
      %parallel_loop3A_551 = tpu.vector_load %arg9[%parallel_loop3A_549, %parallel_loop3A_550] {strides = array<i32>} : memref<8x384xf32, #tpu.memory_space<vmem>>, vector<16xf32>,
      %parallel_loop3A_552 = arith.mulf %parallel_loop3A_551, %get3A_430 : vector<16xf32>
      %parallel_loop3A_553 = arith.addf %parallel_loop3A_547, %parallel_loop3A_552 : vector<16xf32>
      %parallel_loop3A_554 = arith.constant 4 : i32
      %parallel_loop3A_555 = arith.index_cast %parallel_loop3A_554 : i32 to index
      %parallel_loop3A_556 = arith.index_cast %parallel_loop3A_530 : i32 to index
      %parallel_loop3A_557 = tpu.vector_load %arg9[%parallel_loop3A_555, %parallel_loop3A_556] {strides = array<i32>} : memref<8x384xf32, #tpu.memory_space<vmem>>, vector<16xf32>,
      %parallel_loop3A_558 = arith.mulf %parallel_loop3A_557, %get3A_434 : vector<16xf32>
      %parallel_loop3A_559 = arith.addf %parallel_loop3A_553, %parallel_loop3A_558 : vector<16xf32>
      %parallel_loop3A_560 = arith.constant 5 : i32
      %parallel_loop3A_561 = arith.index_cast %parallel_loop3A_560 : i32 to index
      %parallel_loop3A_562 = arith.index_cast %parallel_loop3A_530 : i32 to index
      %parallel_loop3A_563 = tpu.vector_load %arg9[%parallel_loop3A_561, %parallel_loop3A_562] {strides = array<i32>} : memref<8x384xf32, #tpu.memory_space<vmem>>, vector<16xf32>,
      %parallel_loop3A_564 = arith.mulf %parallel_loop3A_563, %get3A_438 : vector<16xf32>
      %parallel_loop3A_565 = arith.addf %parallel_loop3A_559, %parallel_loop3A_564 : vector<16xf32>
      %parallel_loop3A_566 = arith.constant 6 : i32
      %parallel_loop3A_567 = arith.index_cast %parallel_loop3A_566 : i32 to index
      %parallel_loop3A_568 = arith.index_cast %parallel_loop3A_530 : i32 to index
      %parallel_loop3A_569 = tpu.vector_load %arg9[%parallel_loop3A_567, %parallel_loop3A_568] {strides = array<i32>} : memref<8x384xf32, #tpu.memory_space<vmem>>, vector<16xf32>,
      %parallel_loop3A_570 = arith.mulf %parallel_loop3A_569, %get3A_442 : vector<16xf32>
      %parallel_loop3A_571 = arith.addf %parallel_loop3A_565, %parallel_loop3A_570 : vector<16xf32>
      %parallel_loop3A_572 = arith.constant 7 : i32
      %parallel_loop3A_573 = arith.index_cast %parallel_loop3A_572 : i32 to index
      %parallel_loop3A_574 = arith.index_cast %parallel_loop3A_530 : i32 to index
      %parallel_loop3A_575 = tpu.vector_load %arg9[%parallel_loop3A_573, %parallel_loop3A_574] {strides = array<i32>} : memref<8x384xf32, #tpu.memory_space<vmem>>, vector<16xf32>,
      %parallel_loop3A_576 = arith.mulf %parallel_loop3A_575, %get3A_446 : vector<16xf32>
      %parallel_loop3A_577 = arith.addf %parallel_loop3A_571, %parallel_loop3A_576 : vector<16xf32>
      %parallel_loop3A_578 = arith.addf %parallel_loop3A_577, %get3A_450 : vector<16xf32>
      %parallel_loop3A_579 = arith.addi %mul3A_101, %parallel_loop3A_530 : i32
      %parallel_loop3A_580 = arith.constant 9 : i32
      %parallel_loop3A_581 = arith.muli %parallel_loop3A_579, %parallel_loop3A_580 : i32
      %parallel_loop3A_582 = arith.constant 8 : i32
      %parallel_loop3A_583 = arith.addi %parallel_loop3A_581, %parallel_loop3A_582 : i32
      %parallel_loop3A_584 = vector.broadcast %parallel_loop3A_583 : i32 to vector<16xi32>
      %parallel_loop3A_585 = arith.addi %mul3A_104, %parallel_loop3A_584 : vector<16xi32>
      tpu.vector_store_idx %arg8[%parallel_loop3A_585], %parallel_loop3A_578 : memref<55296xf32, #tpu.memory_space<vmem>>[vector<16xi32>], vector<16xf32>,
    } {sc.loop_unroll_factor = 4 : i64, sc.parallel_access}
    %mul3A_454 = arith.constant 9 : i32
    %mul3A_455 = arith.muli %mul3A_101, %mul3A_454 : i32
    %mul3A_456 = arith.constant 9 : i32
    %mul3A_457 = arith.muli %mul3A_101, %mul3A_456 : i32
    "tpu.region"() ({
      %run_scoped3A = tpu.sem_alloc : memref<!tpu.dma_semaphore, #tpu.memory_space<semaphore_mem>>
      %dma_start3A_528 = tpu.memref_slice %arg8[%mul3A_455] : memref<55296xf32, #tpu.memory_space<vmem>> -> memref<3456xf32, #tpu.memory_space<vmem>>
      %dma_start3A_529 = tpu.memref_slice %arg13[%mul3A_457] : memref<55296xf32, #tpu.memory_space<vmem_shared>> -> memref<3456xf32, #tpu.memory_space<vmem_shared>>
      %dma_start3A_530 = tpu.memref_slice %arg13[%mul3A_457] : memref<55296xf32, #tpu.memory_space<vmem_shared>> -> memref<3456xf32, #tpu.memory_space<vmem_shared>>
      %dma_start3A_531 = tpu.memref_slice %arg8[%mul3A_455] : memref<55296xf32, #tpu.memory_space<vmem>> -> memref<3456xf32, #tpu.memory_space<vmem>>
      tpu.enqueue_dma source(%dma_start3A_531 : memref<3456xf32, #tpu.memory_space<vmem>>) target(%dma_start3A_530 : memref<3456xf32, #tpu.memory_space<vmem_shared>>) target_semaphore(%run_scoped3A : memref<!tpu.dma_semaphore, #tpu.memory_space<semaphore_mem>>)
      %dma_wait3A_532 = tpu.memref_slice %arg8[%mul3A_455] : memref<55296xf32, #tpu.memory_space<vmem>> -> memref<3456xf32, #tpu.memory_space<vmem>>
      %dma_wait3A_533 = tpu.memref_slice %arg13[%mul3A_457] : memref<55296xf32, #tpu.memory_space<vmem_shared>> -> memref<3456xf32, #tpu.memory_space<vmem_shared>>
      %dma_wait3A_534 = tpu.memref_slice %arg13[%mul3A_457] : memref<55296xf32, #tpu.memory_space<vmem_shared>> -> memref<3456xf32, #tpu.memory_space<vmem_shared>>
      %dma_wait3A_535 = tpu.memref_slice %arg8[%mul3A_455] : memref<55296xf32, #tpu.memory_space<vmem>> -> memref<3456xf32, #tpu.memory_space<vmem>>
      tpu.wait_dma2 semaphore(%run_scoped3A : memref<!tpu.dma_semaphore, #tpu.memory_space<semaphore_mem>>) src(%dma_wait3A_535 : memref<3456xf32, #tpu.memory_space<vmem>>) dst(%dma_wait3A_534 : memref<3456xf32, #tpu.memory_space<vmem_shared>>)
      tpu.yield
    }) : () -> ()
    %barrier3A = arith.constant 0 : index
    tpu.barrier barrier_id(%barrier3A)
    "tpu.region"() ({
      %run_scoped3A = tpu.sem_alloc : memref<!tpu.dma_semaphore, #tpu.memory_space<semaphore_mem>>
      tpu.enqueue_dma source(%arg13 : memref<55296xf32, #tpu.memory_space<vmem_shared>>) target(%arg8 : memref<55296xf32, #tpu.memory_space<vmem>>) target_semaphore(%run_scoped3A : memref<!tpu.dma_semaphore, #tpu.memory_space<semaphore_mem>>)
      tpu.wait_dma2 semaphore(%run_scoped3A : memref<!tpu.dma_semaphore, #tpu.memory_space<semaphore_mem>>) src(%arg13 : memref<55296xf32, #tpu.memory_space<vmem_shared>>) dst(%arg8 : memref<55296xf32, #tpu.memory_space<vmem>>)
      tpu.yield
    }) : () -> ()
    %scan3A = arith.constant 0 : i32
    %scan3A_458 = arith.constant 0 : i32
    %scan3A_459 = arith.constant 25 : i32
    %scan3A_460 = arith.addi %scan3A_458, %scan3A_459 : i32
    %scan3A_461 = arith.constant 1 : i32
    scf.for %scan3A_528 = %scan3A_458 to %scan3A_460 step %scan3A_461  : i32 {
      %mul3A_529 = arith.constant 2 : i32
      %mul3A_530 = arith.muli %mul3A_529, %scan3A_528 : i32
      %add3A_531 = arith.addi %mul3A_2, %mul3A_530 : i32
      %add3A_532 = arith.constant 2 : i32
      %add3A_533 = arith.addi %mul3A_2, %add3A_532 : i32
      %ge3A = arith.cmpi sge, %add3A_531, %add3A_533 : i32
      %convert_element_type3A = arith.extui %ge3A : i1 to i32
      %cond3A = arith.constant 0 : i32
      %cond3A_534 = arith.cmpi ne, %convert_element_type3A, %cond3A : i32
      scf.if %cond3A_534 {
        %dma_wait3A_954 = arith.constant 0 : i32
        %dma_wait3A_955 = arith.constant 0 : i32
        %dma_wait3A_956 = arith.constant 0 : i32
        %dma_wait3A_957 = tpu.memref_slice %arg10[%dma_wait3A_954, %dma_wait3A_955, %dma_wait3A_956] : memref<2x64x128xf32, #tpu.memory_space<vmem>> -> memref<1x64x128xf32, #tpu.memory_space<vmem>>
        %dma_wait3A_958 = tpu.memref_squeeze %dma_wait3A_957 : memref<1x64x128xf32, #tpu.memory_space<vmem>> -> memref<64x128xf32, #tpu.memory_space<vmem>>
        %dma_wait3A_959 = arith.constant 0 : i32
        %dma_wait3A_960 = arith.constant 0 : i32
        %dma_wait3A_961 = tpu.memref_slice %arg5[%dma_wait3A_959, %dma_wait3A_960] : memref<102400x128xf32, #tpu.memory_space<hbm>> -> memref<64x128xf32, #tpu.memory_space<hbm>>
        %dma_wait3A_962 = arith.constant 0 : i32
        %dma_wait3A_963 = arith.constant 0 : i32
        %dma_wait3A_964 = tpu.memref_slice %arg5[%dma_wait3A_962, %dma_wait3A_963] : memref<102400x128xf32, #tpu.memory_space<hbm>> -> memref<64x128xf32, #tpu.memory_space<hbm>>
        %dma_wait3A_965 = arith.constant 0 : i32
        %dma_wait3A_966 = arith.constant 0 : i32
        %dma_wait3A_967 = tpu.memref_slice %arg10[%dma_wait3A_954, %dma_wait3A_965, %dma_wait3A_966] : memref<2x64x128xf32, #tpu.memory_space<vmem>> -> memref<1x64x128xf32, #tpu.memory_space<vmem>>
        %dma_wait3A_968 = tpu.memref_squeeze %dma_wait3A_967 : memref<1x64x128xf32, #tpu.memory_space<vmem>> -> memref<64x128xf32, #tpu.memory_space<vmem>>
        tpu.wait_dma2 semaphore(%arg16 : memref<!tpu.dma_semaphore, #tpu.memory_space<semaphore_mem>>) src(%dma_wait3A_968 : memref<64x128xf32, #tpu.memory_space<vmem>>) dst(%dma_wait3A_964 : memref<64x128xf32, #tpu.memory_space<hbm>>)
        %dma_wait3A_969 = arith.constant 0 : i32
        %dma_wait3A_970 = arith.constant 0 : i32
        %dma_wait3A_971 = arith.constant 0 : i32
        %dma_wait3A_972 = arith.constant 0 : i32
        %dma_wait3A_973 = tpu.memref_slice %arg11[%dma_wait3A_969, %dma_wait3A_971, %dma_wait3A_972] : memref<2x5x2048xf32, #tpu.memory_space<vmem>> -> memref<1x5x2048xf32, #tpu.memory_space<vmem>>
        %dma_wait3A_974 = tpu.memref_squeeze %dma_wait3A_973 : memref<1x5x2048xf32, #tpu.memory_space<vmem>> -> memref<5x2048xf32, #tpu.memory_space<vmem>>
        %dma_wait3A_975 = arith.constant 0 : i32
        %dma_wait3A_976 = arith.constant 0 : i32
        %dma_wait3A_977 = tpu.memref_slice %arg6[%dma_wait3A_975, %dma_wait3A_970, %dma_wait3A_976] : memref<5x200x16384xf32, #tpu.memory_space<hbm>> -> memref<5x1x2048xf32, #tpu.memory_space<hbm>>
        %dma_wait3A_978 = tpu.memref_squeeze %dma_wait3A_977 : memref<5x1x2048xf32, #tpu.memory_space<hbm>> -> memref<5x2048xf32, #tpu.memory_space<hbm>>
        %dma_wait3A_979 = arith.constant 0 : i32
        %dma_wait3A_980 = arith.constant 0 : i32
        %dma_wait3A_981 = tpu.memref_slice %arg6[%dma_wait3A_979, %dma_wait3A_970, %dma_wait3A_980] : memref<5x200x16384xf32, #tpu.memory_space<hbm>> -> memref<5x1x2048xf32, #tpu.memory_space<hbm>>
        %dma_wait3A_982 = tpu.memref_squeeze %dma_wait3A_981 : memref<5x1x2048xf32, #tpu.memory_space<hbm>> -> memref<5x2048xf32, #tpu.memory_space<hbm>>
        %dma_wait3A_983 = arith.constant 0 : i32
        %dma_wait3A_984 = arith.constant 0 : i32
        %dma_wait3A_985 = tpu.memref_slice %arg11[%dma_wait3A_969, %dma_wait3A_983, %dma_wait3A_984] : memref<2x5x2048xf32, #tpu.memory_space<vmem>> -> memref<1x5x2048xf32, #tpu.memory_space<vmem>>
        %dma_wait3A_986 = tpu.memref_squeeze %dma_wait3A_985 : memref<1x5x2048xf32, #tpu.memory_space<vmem>> -> memref<5x2048xf32, #tpu.memory_space<vmem>>
        tpu.wait_dma2 semaphore(%arg18 : memref<!tpu.dma_semaphore, #tpu.memory_space<semaphore_mem>>) src(%dma_wait3A_986 : memref<5x2048xf32, #tpu.memory_space<vmem>>) dst(%dma_wait3A_982 : memref<5x2048xf32, #tpu.memory_space<hbm>>)
      } else {
      }
      %jit3A_535 = arith.constant 8 : i32
      %div3A_536 = arith.divsi %add3A_531, %jit3A_535 : i32
      %sign3A_537 = arith.constant 0 : i32
      %sign3A_538 = arith.cmpi sgt, %add3A_531, %sign3A_537 : i32
      %sign3A_539 = arith.extui %sign3A_538 : i1 to i32
      %sign3A_540 = arith.constant 0 : i32
      %sign3A_541 = arith.cmpi slt, %add3A_531, %sign3A_540 : i32
      %sign3A_542 = arith.extui %sign3A_541 : i1 to i32
      %sign3A_543 = arith.subi %sign3A_539, %sign3A_542 : i32
      %sign3A_544 = arith.constant 0 : i32
      %sign3A_545 = arith.cmpi sgt, %jit3A_535, %sign3A_544 : i32
      %sign3A_546 = arith.extui %sign3A_545 : i1 to i32
      %sign3A_547 = arith.constant 0 : i32
      %sign3A_548 = arith.cmpi slt, %jit3A_535, %sign3A_547 : i32
      %sign3A_549 = arith.extui %sign3A_548 : i1 to i32
      %sign3A_550 = arith.subi %sign3A_546, %sign3A_549 : i32
      %ne3A_551 = arith.cmpi ne, %sign3A_543, %sign3A_550 : i32
      %rem3A_552 = arith.remsi %add3A_531, %jit3A_535 : i32
      %ne3A_553 = arith.constant 0 : i32
      %ne3A_554 = arith.cmpi ne, %rem3A_552, %ne3A_553 : i32
      %and3A_555 = arith.andi %ne3A_551, %ne3A_554 : i1
      %sub3A_556 = arith.constant 1 : i32
      %sub3A_557 = arith.subi %div3A_536, %sub3A_556 : i32
      %select_n3A_558 = arith.select %and3A_555, %sub3A_557, %div3A_536 : i32
      %jit3A_559 = arith.constant 8 : i32
      %eq3A_560 = arith.constant 0 : i32
      %eq3A_561 = arith.cmpi eq, %jit3A_559, %eq3A_560 : i32
      %jit3A_562 = arith.constant 1 : i32
      %select_n3A_563 = arith.select %eq3A_561, %jit3A_562, %jit3A_559 : i32
      %rem3A_564 = arith.remsi %add3A_531, %select_n3A_563 : i32
      %ne3A_565 = arith.constant 0 : i32
      %ne3A_566 = arith.cmpi ne, %rem3A_564, %ne3A_565 : i32
      %lt3A_567 = arith.constant 0 : i32
      %lt3A_568 = arith.cmpi slt, %rem3A_564, %lt3A_567 : i32
      %lt3A_569 = arith.constant 0 : i32
      %lt3A_570 = arith.cmpi slt, %select_n3A_563, %lt3A_569 : i32
      %ne3A_571 = arith.xori %lt3A_568, %lt3A_570 : i1
      %and3A_572 = arith.andi %ne3A_571, %ne3A_566 : i1
      %add3A_573 = arith.addi %rem3A_564, %select_n3A_563 : i32
      %select_n3A_574 = arith.select %and3A_572, %add3A_573, %rem3A_564 : i32
      %mul3A_575 = arith.constant 2048 : i32
      %mul3A_576 = arith.muli %select_n3A_574, %mul3A_575 : i32
      %dma_wait3A_577 = arith.constant 0 : i32
      %dma_wait3A_578 = arith.constant 0 : i32
      %dma_wait3A_579 = tpu.memref_slice %arg7[%dma_wait3A_577, %dma_wait3A_578] : memref<2x2048xi32, #tpu.memory_space<vmem>> -> memref<1x2048xi32, #tpu.memory_space<vmem>>
      %dma_wait3A_580 = tpu.memref_squeeze %dma_wait3A_579 : memref<1x2048xi32, #tpu.memory_space<vmem>> -> memref<2048xi32, #tpu.memory_space<vmem>>
      %dma_wait3A_581 = tpu.memref_slice %arg2[%select_n3A_558, %mul3A_576] : memref<200x16384xi32, #tpu.memory_space<hbm>> -> memref<1x2048xi32, #tpu.memory_space<hbm>>
      %dma_wait3A_582 = tpu.memref_squeeze %dma_wait3A_581 : memref<1x2048xi32, #tpu.memory_space<hbm>> -> memref<2048xi32, #tpu.memory_space<hbm>>
      %dma_wait3A_583 = arith.constant 0 : i32
      %dma_wait3A_584 = tpu.memref_slice %arg7[%dma_wait3A_577, %dma_wait3A_583] : memref<2x2048xi32, #tpu.memory_space<vmem>> -> memref<1x2048xi32, #tpu.memory_space<vmem>>
      %dma_wait3A_585 = tpu.memref_squeeze %dma_wait3A_584 : memref<1x2048xi32, #tpu.memory_space<vmem>> -> memref<2048xi32, #tpu.memory_space<vmem>>
      %dma_wait3A_586 = tpu.memref_slice %arg2[%select_n3A_558, %mul3A_576] : memref<200x16384xi32, #tpu.memory_space<hbm>> -> memref<1x2048xi32, #tpu.memory_space<hbm>>
      %dma_wait3A_587 = tpu.memref_squeeze %dma_wait3A_586 : memref<1x2048xi32, #tpu.memory_space<hbm>> -> memref<2048xi32, #tpu.memory_space<hbm>>
      tpu.wait_dma2 semaphore(%arg14 : memref<!tpu.dma_semaphore, #tpu.memory_space<semaphore_mem>>) src(%dma_wait3A_587 : memref<2048xi32, #tpu.memory_space<hbm>>) dst(%dma_wait3A_585 : memref<2048xi32, #tpu.memory_space<vmem>>)
      %parallel_loop3A_588 = arith.constant 0 : i32
      %parallel_loop3A_589 = arith.constant 128 : i32
      %parallel_loop3A_590 = arith.constant 1 : i32
      scf.for %parallel_loop3A_954 = %parallel_loop3A_588 to %parallel_loop3A_589 step %parallel_loop3A_590  : i32 {
        %parallel_loop3A_955 = arith.constant 16 : i32
        %parallel_loop3A_956 = arith.muli %parallel_loop3A_954, %parallel_loop3A_955 : i32
        %parallel_loop3A_957 = arith.constant 0 : i32
        %parallel_loop3A_958 = arith.index_cast %parallel_loop3A_957 : i32 to index
        %parallel_loop3A_959 = arith.index_cast %parallel_loop3A_956 : i32 to index
        %parallel_loop3A_960 = tpu.vector_load %arg7[%parallel_loop3A_958, %parallel_loop3A_959] {strides = array<i32>} : memref<2x2048xi32, #tpu.memory_space<vmem>>, vector<16xi32>,
        %parallel_loop3A_961 = arith.constant 9 : i32
        %parallel_loop3A_962 = vector.broadcast %parallel_loop3A_961 : i32 to vector<16xi32>
        %parallel_loop3A_963 = arith.muli %parallel_loop3A_960, %parallel_loop3A_962 : vector<16xi32>
        %parallel_loop3A_964 = arith.constant 0 : i32
        %parallel_loop3A_965 = vector.broadcast %parallel_loop3A_964 : i32 to vector<16xi32>
        %parallel_loop3A_966 = arith.addi %parallel_loop3A_963, %parallel_loop3A_965 : vector<16xi32>
        %parallel_loop3A_967 = tpu.vector_load_idx %arg8[%parallel_loop3A_966] : memref<55296xf32, #tpu.memory_space<vmem>>[vector<16xi32>], vector<16xf32>,
        %parallel_loop3A_968 = arith.constant 1 : i32
        %parallel_loop3A_969 = vector.broadcast %parallel_loop3A_968 : i32 to vector<16xi32>
        %parallel_loop3A_970 = arith.addi %parallel_loop3A_963, %parallel_loop3A_969 : vector<16xi32>
        %parallel_loop3A_971 = tpu.vector_load_idx %arg8[%parallel_loop3A_970] : memref<55296xf32, #tpu.memory_space<vmem>>[vector<16xi32>], vector<16xf32>,
        %parallel_loop3A_972 = arith.constant 2 : i32
        %parallel_loop3A_973 = vector.broadcast %parallel_loop3A_972 : i32 to vector<16xi32>
        %parallel_loop3A_974 = arith.addi %parallel_loop3A_963, %parallel_loop3A_973 : vector<16xi32>
        %parallel_loop3A_975 = tpu.vector_load_idx %arg8[%parallel_loop3A_974] : memref<55296xf32, #tpu.memory_space<vmem>>[vector<16xi32>], vector<16xf32>,
        %parallel_loop3A_976 = arith.constant 3 : i32
        %parallel_loop3A_977 = vector.broadcast %parallel_loop3A_976 : i32 to vector<16xi32>
        %parallel_loop3A_978 = arith.addi %parallel_loop3A_963, %parallel_loop3A_977 : vector<16xi32>
        %parallel_loop3A_979 = tpu.vector_load_idx %arg8[%parallel_loop3A_978] : memref<55296xf32, #tpu.memory_space<vmem>>[vector<16xi32>], vector<16xf32>,
        %parallel_loop3A_980 = arith.constant 4 : i32
        %parallel_loop3A_981 = vector.broadcast %parallel_loop3A_980 : i32 to vector<16xi32>
        %parallel_loop3A_982 = arith.addi %parallel_loop3A_963, %parallel_loop3A_981 : vector<16xi32>
        %parallel_loop3A_983 = tpu.vector_load_idx %arg8[%parallel_loop3A_982] : memref<55296xf32, #tpu.memory_space<vmem>>[vector<16xi32>], vector<16xf32>,
        %parallel_loop3A_984 = arith.constant 5 : i32
        %parallel_loop3A_985 = vector.broadcast %parallel_loop3A_984 : i32 to vector<16xi32>
        %parallel_loop3A_986 = arith.addi %parallel_loop3A_963, %parallel_loop3A_985 : vector<16xi32>
        %parallel_loop3A_987 = tpu.vector_load_idx %arg8[%parallel_loop3A_986] : memref<55296xf32, #tpu.memory_space<vmem>>[vector<16xi32>], vector<16xf32>,
        %parallel_loop3A_988 = arith.constant 6 : i32
        %parallel_loop3A_989 = vector.broadcast %parallel_loop3A_988 : i32 to vector<16xi32>
        %parallel_loop3A_990 = arith.addi %parallel_loop3A_963, %parallel_loop3A_989 : vector<16xi32>
        %parallel_loop3A_991 = tpu.vector_load_idx %arg8[%parallel_loop3A_990] : memref<55296xf32, #tpu.memory_space<vmem>>[vector<16xi32>], vector<16xf32>,
        %parallel_loop3A_992 = arith.constant 7 : i32
        %parallel_loop3A_993 = vector.broadcast %parallel_loop3A_992 : i32 to vector<16xi32>
        %parallel_loop3A_994 = arith.addi %parallel_loop3A_963, %parallel_loop3A_993 : vector<16xi32>
        %parallel_loop3A_995 = tpu.vector_load_idx %arg8[%parallel_loop3A_994] : memref<55296xf32, #tpu.memory_space<vmem>>[vector<16xi32>], vector<16xf32>,
        %parallel_loop3A_996 = arith.constant 8 : i32
        %parallel_loop3A_997 = vector.broadcast %parallel_loop3A_996 : i32 to vector<16xi32>
        %parallel_loop3A_998 = arith.addi %parallel_loop3A_963, %parallel_loop3A_997 : vector<16xi32>
        %parallel_loop3A_999 = tpu.vector_load_idx %arg8[%parallel_loop3A_998] : memref<55296xf32, #tpu.memory_space<vmem>>[vector<16xi32>], vector<16xf32>,
        %parallel_loop3A_1000 = arith.constant 8 : i32
        %parallel_loop3A_1001 = arith.divsi %parallel_loop3A_954, %parallel_loop3A_1000 : i32
        %parallel_loop3A_1002 = arith.constant 0 : i32
        %parallel_loop3A_1003 = arith.cmpi sgt, %parallel_loop3A_954, %parallel_loop3A_1002 : i32
        %parallel_loop3A_1004 = arith.extui %parallel_loop3A_1003 : i1 to i32
        %parallel_loop3A_1005 = arith.constant 0 : i32
        %parallel_loop3A_1006 = arith.cmpi slt, %parallel_loop3A_954, %parallel_loop3A_1005 : i32
        %parallel_loop3A_1007 = arith.extui %parallel_loop3A_1006 : i1 to i32
        %parallel_loop3A_1008 = arith.subi %parallel_loop3A_1004, %parallel_loop3A_1007 : i32
        %parallel_loop3A_1009 = arith.constant 0 : i32
        %parallel_loop3A_1010 = arith.cmpi sgt, %parallel_loop3A_1000, %parallel_loop3A_1009 : i32
        %parallel_loop3A_1011 = arith.extui %parallel_loop3A_1010 : i1 to i32
        %parallel_loop3A_1012 = arith.constant 0 : i32
        %parallel_loop3A_1013 = arith.cmpi slt, %parallel_loop3A_1000, %parallel_loop3A_1012 : i32
        %parallel_loop3A_1014 = arith.extui %parallel_loop3A_1013 : i1 to i32
        %parallel_loop3A_1015 = arith.subi %parallel_loop3A_1011, %parallel_loop3A_1014 : i32
        %parallel_loop3A_1016 = arith.cmpi ne, %parallel_loop3A_1008, %parallel_loop3A_1015 : i32
        %parallel_loop3A_1017 = arith.remsi %parallel_loop3A_954, %parallel_loop3A_1000 : i32
        %parallel_loop3A_1018 = arith.constant 0 : i32
        %parallel_loop3A_1019 = arith.cmpi ne, %parallel_loop3A_1017, %parallel_loop3A_1018 : i32
        %parallel_loop3A_1020 = arith.andi %parallel_loop3A_1016, %parallel_loop3A_1019 : i1
        %parallel_loop3A_1021 = arith.constant 1 : i32
        %parallel_loop3A_1022 = arith.subi %parallel_loop3A_1001, %parallel_loop3A_1021 : i32
        %parallel_loop3A_1023 = arith.select %parallel_loop3A_1020, %parallel_loop3A_1022, %parallel_loop3A_1001 : i32
        %parallel_loop3A_1024 = arith.constant 4 : i32
        %parallel_loop3A_1025 = arith.muli %parallel_loop3A_1023, %parallel_loop3A_1024 : i32
        %parallel_loop3A_1026 = arith.constant 8 : i32
        %parallel_loop3A_1027 = arith.constant 0 : i32
        %parallel_loop3A_1028 = arith.cmpi eq, %parallel_loop3A_1026, %parallel_loop3A_1027 : i32
        %parallel_loop3A_1029 = arith.constant 1 : i32
        %parallel_loop3A_1030 = arith.select %parallel_loop3A_1028, %parallel_loop3A_1029, %parallel_loop3A_1026 : i32
        %parallel_loop3A_1031 = arith.remsi %parallel_loop3A_954, %parallel_loop3A_1030 : i32
        %parallel_loop3A_1032 = arith.constant 0 : i32
        %parallel_loop3A_1033 = arith.cmpi ne, %parallel_loop3A_1031, %parallel_loop3A_1032 : i32
        %parallel_loop3A_1034 = arith.constant 0 : i32
        %parallel_loop3A_1035 = arith.cmpi slt, %parallel_loop3A_1031, %parallel_loop3A_1034 : i32
        %parallel_loop3A_1036 = arith.constant 0 : i32
        %parallel_loop3A_1037 = arith.cmpi slt, %parallel_loop3A_1030, %parallel_loop3A_1036 : i32
        %parallel_loop3A_1038 = arith.xori %parallel_loop3A_1035, %parallel_loop3A_1037 : i1
        %parallel_loop3A_1039 = arith.andi %parallel_loop3A_1038, %parallel_loop3A_1033 : i1
        %parallel_loop3A_1040 = arith.addi %parallel_loop3A_1031, %parallel_loop3A_1030 : i32
        %parallel_loop3A_1041 = arith.select %parallel_loop3A_1039, %parallel_loop3A_1040, %parallel_loop3A_1031 : i32
        %parallel_loop3A_1042 = arith.constant 16 : i32
        %parallel_loop3A_1043 = arith.muli %parallel_loop3A_1041, %parallel_loop3A_1042 : i32
        %parallel_loop3A_1044 = arith.constant 0 : i32
        %parallel_loop3A_1045 = arith.addi %parallel_loop3A_1025, %parallel_loop3A_1044 : i32
        %parallel_loop3A_1046 = arith.constant 0 : i32
        %parallel_loop3A_1047 = arith.index_cast %parallel_loop3A_1046 : i32 to index
        %parallel_loop3A_1048 = arith.index_cast %parallel_loop3A_1045 : i32 to index
        %parallel_loop3A_1049 = arith.index_cast %parallel_loop3A_1043 : i32 to index
        %parallel_loop3A_1050 = tpu.vector_load %arg10[%parallel_loop3A_1047, %parallel_loop3A_1048, %parallel_loop3A_1049] {strides = array<i32>} : memref<2x64x128xf32, #tpu.memory_space<vmem>>, vector<16xf32>,
        tpu.vector_store %arg10[%parallel_loop3A_1047, %parallel_loop3A_1048, %parallel_loop3A_1049], %parallel_loop3A_967 {strides = array<i32>} : memref<2x64x128xf32, #tpu.memory_space<vmem>>, vector<16xf32>,
        %parallel_loop3A_1051 = arith.constant 1 : i32
        %parallel_loop3A_1052 = arith.addi %parallel_loop3A_1025, %parallel_loop3A_1051 : i32
        %parallel_loop3A_1053 = arith.constant 0 : i32
        %parallel_loop3A_1054 = arith.index_cast %parallel_loop3A_1053 : i32 to index
        %parallel_loop3A_1055 = arith.index_cast %parallel_loop3A_1052 : i32 to index
        %parallel_loop3A_1056 = arith.index_cast %parallel_loop3A_1043 : i32 to index
        %parallel_loop3A_1057 = tpu.vector_load %arg10[%parallel_loop3A_1054, %parallel_loop3A_1055, %parallel_loop3A_1056] {strides = array<i32>} : memref<2x64x128xf32, #tpu.memory_space<vmem>>, vector<16xf32>,
        tpu.vector_store %arg10[%parallel_loop3A_1054, %parallel_loop3A_1055, %parallel_loop3A_1056], %parallel_loop3A_971 {strides = array<i32>} : memref<2x64x128xf32, #tpu.memory_space<vmem>>, vector<16xf32>,
        %parallel_loop3A_1058 = arith.constant 2 : i32
        %parallel_loop3A_1059 = arith.addi %parallel_loop3A_1025, %parallel_loop3A_1058 : i32
        %parallel_loop3A_1060 = arith.constant 0 : i32
        %parallel_loop3A_1061 = arith.index_cast %parallel_loop3A_1060 : i32 to index
        %parallel_loop3A_1062 = arith.index_cast %parallel_loop3A_1059 : i32 to index
        %parallel_loop3A_1063 = arith.index_cast %parallel_loop3A_1043 : i32 to index
        %parallel_loop3A_1064 = tpu.vector_load %arg10[%parallel_loop3A_1061, %parallel_loop3A_1062, %parallel_loop3A_1063] {strides = array<i32>} : memref<2x64x128xf32, #tpu.memory_space<vmem>>, vector<16xf32>,
        tpu.vector_store %arg10[%parallel_loop3A_1061, %parallel_loop3A_1062, %parallel_loop3A_1063], %parallel_loop3A_975 {strides = array<i32>} : memref<2x64x128xf32, #tpu.memory_space<vmem>>, vector<16xf32>,
        %parallel_loop3A_1065 = arith.constant 3 : i32
        %parallel_loop3A_1066 = arith.addi %parallel_loop3A_1025, %parallel_loop3A_1065 : i32
        %parallel_loop3A_1067 = arith.constant 0 : i32
        %parallel_loop3A_1068 = arith.index_cast %parallel_loop3A_1067 : i32 to index
        %parallel_loop3A_1069 = arith.index_cast %parallel_loop3A_1066 : i32 to index
        %parallel_loop3A_1070 = arith.index_cast %parallel_loop3A_1043 : i32 to index
        %parallel_loop3A_1071 = tpu.vector_load %arg10[%parallel_loop3A_1068, %parallel_loop3A_1069, %parallel_loop3A_1070] {strides = array<i32>} : memref<2x64x128xf32, #tpu.memory_space<vmem>>, vector<16xf32>,
        tpu.vector_store %arg10[%parallel_loop3A_1068, %parallel_loop3A_1069, %parallel_loop3A_1070], %parallel_loop3A_979 {strides = array<i32>} : memref<2x64x128xf32, #tpu.memory_space<vmem>>, vector<16xf32>,
        %parallel_loop3A_1072 = arith.constant 0 : i32
        %parallel_loop3A_1073 = arith.constant 0 : i32
        %parallel_loop3A_1074 = arith.index_cast %parallel_loop3A_1072 : i32 to index
        %parallel_loop3A_1075 = arith.index_cast %parallel_loop3A_1073 : i32 to index
        %parallel_loop3A_1076 = arith.index_cast %parallel_loop3A_956 : i32 to index
        %parallel_loop3A_1077 = tpu.vector_load %arg11[%parallel_loop3A_1074, %parallel_loop3A_1075, %parallel_loop3A_1076] {strides = array<i32>} : memref<2x5x2048xf32, #tpu.memory_space<vmem>>, vector<16xf32>,
        tpu.vector_store %arg11[%parallel_loop3A_1074, %parallel_loop3A_1075, %parallel_loop3A_1076], %parallel_loop3A_983 {strides = array<i32>} : memref<2x5x2048xf32, #tpu.memory_space<vmem>>, vector<16xf32>,
        %parallel_loop3A_1078 = arith.constant 0 : i32
        %parallel_loop3A_1079 = arith.constant 1 : i32
        %parallel_loop3A_1080 = arith.index_cast %parallel_loop3A_1078 : i32 to index
        %parallel_loop3A_1081 = arith.index_cast %parallel_loop3A_1079 : i32 to index
        %parallel_loop3A_1082 = arith.index_cast %parallel_loop3A_956 : i32 to index
        %parallel_loop3A_1083 = tpu.vector_load %arg11[%parallel_loop3A_1080, %parallel_loop3A_1081, %parallel_loop3A_1082] {strides = array<i32>} : memref<2x5x2048xf32, #tpu.memory_space<vmem>>, vector<16xf32>,
        tpu.vector_store %arg11[%parallel_loop3A_1080, %parallel_loop3A_1081, %parallel_loop3A_1082], %parallel_loop3A_987 {strides = array<i32>} : memref<2x5x2048xf32, #tpu.memory_space<vmem>>, vector<16xf32>,
        %parallel_loop3A_1084 = arith.constant 0 : i32
        %parallel_loop3A_1085 = arith.constant 2 : i32
        %parallel_loop3A_1086 = arith.index_cast %parallel_loop3A_1084 : i32 to index
        %parallel_loop3A_1087 = arith.index_cast %parallel_loop3A_1085 : i32 to index
        %parallel_loop3A_1088 = arith.index_cast %parallel_loop3A_956 : i32 to index
        %parallel_loop3A_1089 = tpu.vector_load %arg11[%parallel_loop3A_1086, %parallel_loop3A_1087, %parallel_loop3A_1088] {strides = array<i32>} : memref<2x5x2048xf32, #tpu.memory_space<vmem>>, vector<16xf32>,
        tpu.vector_store %arg11[%parallel_loop3A_1086, %parallel_loop3A_1087, %parallel_loop3A_1088], %parallel_loop3A_991 {strides = array<i32>} : memref<2x5x2048xf32, #tpu.memory_space<vmem>>, vector<16xf32>,
        %parallel_loop3A_1090 = arith.constant 0 : i32
        %parallel_loop3A_1091 = arith.constant 3 : i32
        %parallel_loop3A_1092 = arith.index_cast %parallel_loop3A_1090 : i32 to index
        %parallel_loop3A_1093 = arith.index_cast %parallel_loop3A_1091 : i32 to index
        %parallel_loop3A_1094 = arith.index_cast %parallel_loop3A_956 : i32 to index
        %parallel_loop3A_1095 = tpu.vector_load %arg11[%parallel_loop3A_1092, %parallel_loop3A_1093, %parallel_loop3A_1094] {strides = array<i32>} : memref<2x5x2048xf32, #tpu.memory_space<vmem>>, vector<16xf32>,
        tpu.vector_store %arg11[%parallel_loop3A_1092, %parallel_loop3A_1093, %parallel_loop3A_1094], %parallel_loop3A_995 {strides = array<i32>} : memref<2x5x2048xf32, #tpu.memory_space<vmem>>, vector<16xf32>,
        %parallel_loop3A_1096 = arith.constant 0 : i32
        %parallel_loop3A_1097 = arith.constant 4 : i32
        %parallel_loop3A_1098 = arith.index_cast %parallel_loop3A_1096 : i32 to index
        %parallel_loop3A_1099 = arith.index_cast %parallel_loop3A_1097 : i32 to index
        %parallel_loop3A_1100 = arith.index_cast %parallel_loop3A_956 : i32 to index
        %parallel_loop3A_1101 = tpu.vector_load %arg11[%parallel_loop3A_1098, %parallel_loop3A_1099, %parallel_loop3A_1100] {strides = array<i32>} : memref<2x5x2048xf32, #tpu.memory_space<vmem>>, vector<16xf32>,
        tpu.vector_store %arg11[%parallel_loop3A_1098, %parallel_loop3A_1099, %parallel_loop3A_1100], %parallel_loop3A_999 {strides = array<i32>} : memref<2x5x2048xf32, #tpu.memory_space<vmem>>, vector<16xf32>,
      } {sc.loop_unroll_factor = 8 : i64, sc.parallel_access}
      %add3A_591 = arith.constant 2 : i32
      %add3A_592 = arith.addi %add3A_531, %add3A_591 : i32
      %add3A_593 = arith.constant 50 : i32
      %add3A_594 = arith.addi %mul3A_2, %add3A_593 : i32
      %lt3A_595 = arith.cmpi slt, %add3A_592, %add3A_594 : i32
      %convert_element_type3A_596 = arith.extui %lt3A_595 : i1 to i32
      %cond3A_597 = arith.constant 0 : i32
      %cond3A_598 = arith.cmpi ne, %convert_element_type3A_596, %cond3A_597 : i32
      scf.if %cond3A_598 {
        %add3A_954 = arith.constant 2 : i32
        %add3A_955 = arith.addi %add3A_531, %add3A_954 : i32
        %jit3A_956 = arith.constant 8 : i32
        %div3A_957 = arith.divsi %add3A_955, %jit3A_956 : i32
        %sign3A_958 = arith.constant 0 : i32
        %sign3A_959 = arith.cmpi sgt, %add3A_955, %sign3A_958 : i32
        %sign3A_960 = arith.extui %sign3A_959 : i1 to i32
        %sign3A_961 = arith.constant 0 : i32
        %sign3A_962 = arith.cmpi slt, %add3A_955, %sign3A_961 : i32
        %sign3A_963 = arith.extui %sign3A_962 : i1 to i32
        %sign3A_964 = arith.subi %sign3A_960, %sign3A_963 : i32
        %sign3A_965 = arith.constant 0 : i32
        %sign3A_966 = arith.cmpi sgt, %jit3A_956, %sign3A_965 : i32
        %sign3A_967 = arith.extui %sign3A_966 : i1 to i32
        %sign3A_968 = arith.constant 0 : i32
        %sign3A_969 = arith.cmpi slt, %jit3A_956, %sign3A_968 : i32
        %sign3A_970 = arith.extui %sign3A_969 : i1 to i32
        %sign3A_971 = arith.subi %sign3A_967, %sign3A_970 : i32
        %ne3A_972 = arith.cmpi ne, %sign3A_964, %sign3A_971 : i32
        %rem3A_973 = arith.remsi %add3A_955, %jit3A_956 : i32
        %ne3A_974 = arith.constant 0 : i32
        %ne3A_975 = arith.cmpi ne, %rem3A_973, %ne3A_974 : i32
        %and3A_976 = arith.andi %ne3A_972, %ne3A_975 : i1
        %sub3A_977 = arith.constant 1 : i32
        %sub3A_978 = arith.subi %div3A_957, %sub3A_977 : i32
        %select_n3A_979 = arith.select %and3A_976, %sub3A_978, %div3A_957 : i32
        %jit3A_980 = arith.constant 8 : i32
        %eq3A_981 = arith.constant 0 : i32
        %eq3A_982 = arith.cmpi eq, %jit3A_980, %eq3A_981 : i32
        %jit3A_983 = arith.constant 1 : i32
        %select_n3A_984 = arith.select %eq3A_982, %jit3A_983, %jit3A_980 : i32
        %rem3A_985 = arith.remsi %add3A_955, %select_n3A_984 : i32
        %ne3A_986 = arith.constant 0 : i32
        %ne3A_987 = arith.cmpi ne, %rem3A_985, %ne3A_986 : i32
        %lt3A_988 = arith.constant 0 : i32
        %lt3A_989 = arith.cmpi slt, %rem3A_985, %lt3A_988 : i32
        %lt3A_990 = arith.constant 0 : i32
        %lt3A_991 = arith.cmpi slt, %select_n3A_984, %lt3A_990 : i32
        %ne3A_992 = arith.xori %lt3A_989, %lt3A_991 : i1
        %and3A_993 = arith.andi %ne3A_992, %ne3A_987 : i1
        %add3A_994 = arith.addi %rem3A_985, %select_n3A_984 : i32
        %select_n3A_995 = arith.select %and3A_993, %add3A_994, %rem3A_985 : i32
        %mul3A_996 = arith.constant 2048 : i32
        %mul3A_997 = arith.muli %select_n3A_995, %mul3A_996 : i32
        %dma_start3A_998 = arith.constant 0 : i32
        %dma_start3A_999 = arith.constant 0 : i32
        %dma_start3A_1000 = tpu.memref_slice %arg7[%dma_start3A_998, %dma_start3A_999] : memref<2x2048xi32, #tpu.memory_space<vmem>> -> memref<1x2048xi32, #tpu.memory_space<vmem>>
        %dma_start3A_1001 = tpu.memref_squeeze %dma_start3A_1000 : memref<1x2048xi32, #tpu.memory_space<vmem>> -> memref<2048xi32, #tpu.memory_space<vmem>>
        %dma_start3A_1002 = tpu.memref_slice %arg2[%select_n3A_979, %mul3A_997] : memref<200x16384xi32, #tpu.memory_space<hbm>> -> memref<1x2048xi32, #tpu.memory_space<hbm>>
        %dma_start3A_1003 = tpu.memref_squeeze %dma_start3A_1002 : memref<1x2048xi32, #tpu.memory_space<hbm>> -> memref<2048xi32, #tpu.memory_space<hbm>>
        %dma_start3A_1004 = arith.constant 0 : i32
        %dma_start3A_1005 = tpu.memref_slice %arg7[%dma_start3A_998, %dma_start3A_1004] : memref<2x2048xi32, #tpu.memory_space<vmem>> -> memref<1x2048xi32, #tpu.memory_space<vmem>>
        %dma_start3A_1006 = tpu.memref_squeeze %dma_start3A_1005 : memref<1x2048xi32, #tpu.memory_space<vmem>> -> memref<2048xi32, #tpu.memory_space<vmem>>
        %dma_start3A_1007 = tpu.memref_slice %arg2[%select_n3A_979, %mul3A_997] : memref<200x16384xi32, #tpu.memory_space<hbm>> -> memref<1x2048xi32, #tpu.memory_space<hbm>>
        %dma_start3A_1008 = tpu.memref_squeeze %dma_start3A_1007 : memref<1x2048xi32, #tpu.memory_space<hbm>> -> memref<2048xi32, #tpu.memory_space<hbm>>
        tpu.enqueue_dma source(%dma_start3A_1008 : memref<2048xi32, #tpu.memory_space<hbm>>) target(%dma_start3A_1006 : memref<2048xi32, #tpu.memory_space<vmem>>) target_semaphore(%arg14 : memref<!tpu.dma_semaphore, #tpu.memory_space<semaphore_mem>>)
      } else {
      }
      %jit3A_599 = arith.constant 8 : i32
      %div3A_600 = arith.divsi %add3A_531, %jit3A_599 : i32
      %sign3A_601 = arith.constant 0 : i32
      %sign3A_602 = arith.cmpi sgt, %add3A_531, %sign3A_601 : i32
      %sign3A_603 = arith.extui %sign3A_602 : i1 to i32
      %sign3A_604 = arith.constant 0 : i32
      %sign3A_605 = arith.cmpi slt, %add3A_531, %sign3A_604 : i32
      %sign3A_606 = arith.extui %sign3A_605 : i1 to i32
      %sign3A_607 = arith.subi %sign3A_603, %sign3A_606 : i32
      %sign3A_608 = arith.constant 0 : i32
      %sign3A_609 = arith.cmpi sgt, %jit3A_599, %sign3A_608 : i32
      %sign3A_610 = arith.extui %sign3A_609 : i1 to i32
      %sign3A_611 = arith.constant 0 : i32
      %sign3A_612 = arith.cmpi slt, %jit3A_599, %sign3A_611 : i32
      %sign3A_613 = arith.extui %sign3A_612 : i1 to i32
      %sign3A_614 = arith.subi %sign3A_610, %sign3A_613 : i32
      %ne3A_615 = arith.cmpi ne, %sign3A_607, %sign3A_614 : i32
      %rem3A_616 = arith.remsi %add3A_531, %jit3A_599 : i32
      %ne3A_617 = arith.constant 0 : i32
      %ne3A_618 = arith.cmpi ne, %rem3A_616, %ne3A_617 : i32
      %and3A_619 = arith.andi %ne3A_615, %ne3A_618 : i1
      %sub3A_620 = arith.constant 1 : i32
      %sub3A_621 = arith.subi %div3A_600, %sub3A_620 : i32
      %select_n3A_622 = arith.select %and3A_619, %sub3A_621, %div3A_600 : i32
      %mul3A_623 = arith.constant 128 : i32
      %mul3A_624 = arith.muli %select_n3A_622, %mul3A_623 : i32
      %jit3A_625 = arith.constant 8 : i32
      %eq3A_626 = arith.constant 0 : i32
      %eq3A_627 = arith.cmpi eq, %jit3A_625, %eq3A_626 : i32
      %jit3A_628 = arith.constant 1 : i32
      %select_n3A_629 = arith.select %eq3A_627, %jit3A_628, %jit3A_625 : i32
      %rem3A_630 = arith.remsi %add3A_531, %select_n3A_629 : i32
      %ne3A_631 = arith.constant 0 : i32
      %ne3A_632 = arith.cmpi ne, %rem3A_630, %ne3A_631 : i32
      %lt3A_633 = arith.constant 0 : i32
      %lt3A_634 = arith.cmpi slt, %rem3A_630, %lt3A_633 : i32
      %lt3A_635 = arith.constant 0 : i32
      %lt3A_636 = arith.cmpi slt, %select_n3A_629, %lt3A_635 : i32
      %ne3A_637 = arith.xori %lt3A_634, %lt3A_636 : i1
      %and3A_638 = arith.andi %ne3A_637, %ne3A_632 : i1
      %add3A_639 = arith.addi %rem3A_630, %select_n3A_629 : i32
      %select_n3A_640 = arith.select %and3A_638, %add3A_639, %rem3A_630 : i32
      %mul3A_641 = arith.constant 2048 : i32
      %mul3A_642 = arith.muli %select_n3A_640, %mul3A_641 : i32
      %jit3A_643 = arith.constant 128 : i32
      %div3A_644 = arith.divsi %mul3A_642, %jit3A_643 : i32
      %sign3A_645 = arith.constant 0 : i32
      %sign3A_646 = arith.cmpi sgt, %mul3A_642, %sign3A_645 : i32
      %sign3A_647 = arith.extui %sign3A_646 : i1 to i32
      %sign3A_648 = arith.constant 0 : i32
      %sign3A_649 = arith.cmpi slt, %mul3A_642, %sign3A_648 : i32
      %sign3A_650 = arith.extui %sign3A_649 : i1 to i32
      %sign3A_651 = arith.subi %sign3A_647, %sign3A_650 : i32
      %sign3A_652 = arith.constant 0 : i32
      %sign3A_653 = arith.cmpi sgt, %jit3A_643, %sign3A_652 : i32
      %sign3A_654 = arith.extui %sign3A_653 : i1 to i32
      %sign3A_655 = arith.constant 0 : i32
      %sign3A_656 = arith.cmpi slt, %jit3A_643, %sign3A_655 : i32
      %sign3A_657 = arith.extui %sign3A_656 : i1 to i32
      %sign3A_658 = arith.subi %sign3A_654, %sign3A_657 : i32
      %ne3A_659 = arith.cmpi ne, %sign3A_651, %sign3A_658 : i32
      %rem3A_660 = arith.remsi %mul3A_642, %jit3A_643 : i32
      %ne3A_661 = arith.constant 0 : i32
      %ne3A_662 = arith.cmpi ne, %rem3A_660, %ne3A_661 : i32
      %and3A_663 = arith.andi %ne3A_659, %ne3A_662 : i1
      %sub3A_664 = arith.constant 1 : i32
      %sub3A_665 = arith.subi %div3A_644, %sub3A_664 : i32
      %select_n3A_666 = arith.select %and3A_663, %sub3A_665, %div3A_644 : i32
      %add3A_667 = arith.addi %mul3A_624, %select_n3A_666 : i32
      %mul3A_668 = arith.constant 4 : i32
      %mul3A_669 = arith.muli %add3A_667, %mul3A_668 : i32
      %multiple_of3A = tpu.assume_multiple %mul3A_669, 64 : i32
      %dma_start3A_670 = arith.constant 0 : i32
      %dma_start3A_671 = arith.constant 0 : i32
      %dma_start3A_672 = arith.constant 0 : i32
      %dma_start3A_673 = tpu.memref_slice %arg10[%dma_start3A_670, %dma_start3A_671, %dma_start3A_672] : memref<2x64x128xf32, #tpu.memory_space<vmem>> -> memref<1x64x128xf32, #tpu.memory_space<vmem>>
      %dma_start3A_674 = tpu.memref_squeeze %dma_start3A_673 : memref<1x64x128xf32, #tpu.memory_space<vmem>> -> memref<64x128xf32, #tpu.memory_space<vmem>>
      %dma_start3A_675 = arith.constant 0 : i32
      %dma_start3A_676 = tpu.memref_slice %arg5[%multiple_of3A, %dma_start3A_675] : memref<102400x128xf32, #tpu.memory_space<hbm>> -> memref<64x128xf32, #tpu.memory_space<hbm>>
      %dma_start3A_677 = arith.constant 0 : i32
      %dma_start3A_678 = tpu.memref_slice %arg5[%multiple_of3A, %dma_start3A_677] : memref<102400x128xf32, #tpu.memory_space<hbm>> -> memref<64x128xf32, #tpu.memory_space<hbm>>
      %dma_start3A_679 = arith.constant 0 : i32
      %dma_start3A_680 = arith.constant 0 : i32
      %dma_start3A_681 = tpu.memref_slice %arg10[%dma_start3A_670, %dma_start3A_679, %dma_start3A_680] : memref<2x64x128xf32, #tpu.memory_space<vmem>> -> memref<1x64x128xf32, #tpu.memory_space<vmem>>
      %dma_start3A_682 = tpu.memref_squeeze %dma_start3A_681 : memref<1x64x128xf32, #tpu.memory_space<vmem>> -> memref<64x128xf32, #tpu.memory_space<vmem>>
      tpu.enqueue_dma source(%dma_start3A_682 : memref<64x128xf32, #tpu.memory_space<vmem>>) target(%dma_start3A_678 : memref<64x128xf32, #tpu.memory_space<hbm>>) target_semaphore(%arg16 : memref<!tpu.dma_semaphore, #tpu.memory_space<semaphore_mem>>)
      %jit3A_683 = arith.constant 8 : i32
      %div3A_684 = arith.divsi %add3A_531, %jit3A_683 : i32
      %sign3A_685 = arith.constant 0 : i32
      %sign3A_686 = arith.cmpi sgt, %add3A_531, %sign3A_685 : i32
      %sign3A_687 = arith.extui %sign3A_686 : i1 to i32
      %sign3A_688 = arith.constant 0 : i32
      %sign3A_689 = arith.cmpi slt, %add3A_531, %sign3A_688 : i32
      %sign3A_690 = arith.extui %sign3A_689 : i1 to i32
      %sign3A_691 = arith.subi %sign3A_687, %sign3A_690 : i32
      %sign3A_692 = arith.constant 0 : i32
      %sign3A_693 = arith.cmpi sgt, %jit3A_683, %sign3A_692 : i32
      %sign3A_694 = arith.extui %sign3A_693 : i1 to i32
      %sign3A_695 = arith.constant 0 : i32
      %sign3A_696 = arith.cmpi slt, %jit3A_683, %sign3A_695 : i32
      %sign3A_697 = arith.extui %sign3A_696 : i1 to i32
      %sign3A_698 = arith.subi %sign3A_694, %sign3A_697 : i32
      %ne3A_699 = arith.cmpi ne, %sign3A_691, %sign3A_698 : i32
      %rem3A_700 = arith.remsi %add3A_531, %jit3A_683 : i32
      %ne3A_701 = arith.constant 0 : i32
      %ne3A_702 = arith.cmpi ne, %rem3A_700, %ne3A_701 : i32
      %and3A_703 = arith.andi %ne3A_699, %ne3A_702 : i1
      %sub3A_704 = arith.constant 1 : i32
      %sub3A_705 = arith.subi %div3A_684, %sub3A_704 : i32
      %select_n3A_706 = arith.select %and3A_703, %sub3A_705, %div3A_684 : i32
      %jit3A_707 = arith.constant 8 : i32
      %eq3A_708 = arith.constant 0 : i32
      %eq3A_709 = arith.cmpi eq, %jit3A_707, %eq3A_708 : i32
      %jit3A_710 = arith.constant 1 : i32
      %select_n3A_711 = arith.select %eq3A_709, %jit3A_710, %jit3A_707 : i32
      %rem3A_712 = arith.remsi %add3A_531, %select_n3A_711 : i32
      %ne3A_713 = arith.constant 0 : i32
      %ne3A_714 = arith.cmpi ne, %rem3A_712, %ne3A_713 : i32
      %lt3A_715 = arith.constant 0 : i32
      %lt3A_716 = arith.cmpi slt, %rem3A_712, %lt3A_715 : i32
      %lt3A_717 = arith.constant 0 : i32
      %lt3A_718 = arith.cmpi slt, %select_n3A_711, %lt3A_717 : i32
      %ne3A_719 = arith.xori %lt3A_716, %lt3A_718 : i1
      %and3A_720 = arith.andi %ne3A_719, %ne3A_714 : i1
      %add3A_721 = arith.addi %rem3A_712, %select_n3A_711 : i32
      %select_n3A_722 = arith.select %and3A_720, %add3A_721, %rem3A_712 : i32
      %mul3A_723 = arith.constant 2048 : i32
      %mul3A_724 = arith.muli %select_n3A_722, %mul3A_723 : i32
      %dma_start3A_725 = arith.constant 0 : i32
      %dma_start3A_726 = arith.constant 0 : i32
      %dma_start3A_727 = arith.constant 0 : i32
      %dma_start3A_728 = tpu.memref_slice %arg11[%dma_start3A_725, %dma_start3A_726, %dma_start3A_727] : memref<2x5x2048xf32, #tpu.memory_space<vmem>> -> memref<1x5x2048xf32, #tpu.memory_space<vmem>>
      %dma_start3A_729 = tpu.memref_squeeze %dma_start3A_728 : memref<1x5x2048xf32, #tpu.memory_space<vmem>> -> memref<5x2048xf32, #tpu.memory_space<vmem>>
      %dma_start3A_730 = arith.constant 0 : i32
      %dma_start3A_731 = tpu.memref_slice %arg6[%dma_start3A_730, %select_n3A_706, %mul3A_724] : memref<5x200x16384xf32, #tpu.memory_space<hbm>> -> memref<5x1x2048xf32, #tpu.memory_space<hbm>>
      %dma_start3A_732 = tpu.memref_squeeze %dma_start3A_731 : memref<5x1x2048xf32, #tpu.memory_space<hbm>> -> memref<5x2048xf32, #tpu.memory_space<hbm>>
      %dma_start3A_733 = arith.constant 0 : i32
      %dma_start3A_734 = tpu.memref_slice %arg6[%dma_start3A_733, %select_n3A_706, %mul3A_724] : memref<5x200x16384xf32, #tpu.memory_space<hbm>> -> memref<5x1x2048xf32, #tpu.memory_space<hbm>>
      %dma_start3A_735 = tpu.memref_squeeze %dma_start3A_734 : memref<5x1x2048xf32, #tpu.memory_space<hbm>> -> memref<5x2048xf32, #tpu.memory_space<hbm>>
      %dma_start3A_736 = arith.constant 0 : i32
      %dma_start3A_737 = arith.constant 0 : i32
      %dma_start3A_738 = tpu.memref_slice %arg11[%dma_start3A_725, %dma_start3A_736, %dma_start3A_737] : memref<2x5x2048xf32, #tpu.memory_space<vmem>> -> memref<1x5x2048xf32, #tpu.memory_space<vmem>>
      %dma_start3A_739 = tpu.memref_squeeze %dma_start3A_738 : memref<1x5x2048xf32, #tpu.memory_space<vmem>> -> memref<5x2048xf32, #tpu.memory_space<vmem>>
      tpu.enqueue_dma source(%dma_start3A_739 : memref<5x2048xf32, #tpu.memory_space<vmem>>) target(%dma_start3A_735 : memref<5x2048xf32, #tpu.memory_space<hbm>>) target_semaphore(%arg18 : memref<!tpu.dma_semaphore, #tpu.memory_space<semaphore_mem>>)
      %add3A_740 = arith.constant 1 : i32
      %add3A_741 = arith.addi %add3A_531, %add3A_740 : i32
      %add3A_742 = arith.constant 2 : i32
      %add3A_743 = arith.addi %mul3A_2, %add3A_742 : i32
      %ge3A_744 = arith.cmpi sge, %add3A_741, %add3A_743 : i32
      %convert_element_type3A_745 = arith.extui %ge3A_744 : i1 to i32
      %cond3A_746 = arith.constant 0 : i32
      %cond3A_747 = arith.cmpi ne, %convert_element_type3A_745, %cond3A_746 : i32
      scf.if %cond3A_747 {
        %dma_wait3A_954 = arith.constant 1 : i32
        %dma_wait3A_955 = arith.constant 0 : i32
        %dma_wait3A_956 = arith.constant 0 : i32
        %dma_wait3A_957 = tpu.memref_slice %arg10[%dma_wait3A_954, %dma_wait3A_955, %dma_wait3A_956] : memref<2x64x128xf32, #tpu.memory_space<vmem>> -> memref<1x64x128xf32, #tpu.memory_space<vmem>>
        %dma_wait3A_958 = tpu.memref_squeeze %dma_wait3A_957 : memref<1x64x128xf32, #tpu.memory_space<vmem>> -> memref<64x128xf32, #tpu.memory_space<vmem>>
        %dma_wait3A_959 = arith.constant 0 : i32
        %dma_wait3A_960 = arith.constant 0 : i32
        %dma_wait3A_961 = tpu.memref_slice %arg5[%dma_wait3A_959, %dma_wait3A_960] : memref<102400x128xf32, #tpu.memory_space<hbm>> -> memref<64x128xf32, #tpu.memory_space<hbm>>
        %dma_wait3A_962 = arith.constant 0 : i32
        %dma_wait3A_963 = arith.constant 0 : i32
        %dma_wait3A_964 = tpu.memref_slice %arg5[%dma_wait3A_962, %dma_wait3A_963] : memref<102400x128xf32, #tpu.memory_space<hbm>> -> memref<64x128xf32, #tpu.memory_space<hbm>>
        %dma_wait3A_965 = arith.constant 0 : i32
        %dma_wait3A_966 = arith.constant 0 : i32
        %dma_wait3A_967 = tpu.memref_slice %arg10[%dma_wait3A_954, %dma_wait3A_965, %dma_wait3A_966] : memref<2x64x128xf32, #tpu.memory_space<vmem>> -> memref<1x64x128xf32, #tpu.memory_space<vmem>>
        %dma_wait3A_968 = tpu.memref_squeeze %dma_wait3A_967 : memref<1x64x128xf32, #tpu.memory_space<vmem>> -> memref<64x128xf32, #tpu.memory_space<vmem>>
        tpu.wait_dma2 semaphore(%arg17 : memref<!tpu.dma_semaphore, #tpu.memory_space<semaphore_mem>>) src(%dma_wait3A_968 : memref<64x128xf32, #tpu.memory_space<vmem>>) dst(%dma_wait3A_964 : memref<64x128xf32, #tpu.memory_space<hbm>>)
        %dma_wait3A_969 = arith.constant 1 : i32
        %dma_wait3A_970 = arith.constant 0 : i32
        %dma_wait3A_971 = arith.constant 0 : i32
        %dma_wait3A_972 = arith.constant 0 : i32
        %dma_wait3A_973 = tpu.memref_slice %arg11[%dma_wait3A_969, %dma_wait3A_971, %dma_wait3A_972] : memref<2x5x2048xf32, #tpu.memory_space<vmem>> -> memref<1x5x2048xf32, #tpu.memory_space<vmem>>
        %dma_wait3A_974 = tpu.memref_squeeze %dma_wait3A_973 : memref<1x5x2048xf32, #tpu.memory_space<vmem>> -> memref<5x2048xf32, #tpu.memory_space<vmem>>
        %dma_wait3A_975 = arith.constant 0 : i32
        %dma_wait3A_976 = arith.constant 0 : i32
        %dma_wait3A_977 = tpu.memref_slice %arg6[%dma_wait3A_975, %dma_wait3A_970, %dma_wait3A_976] : memref<5x200x16384xf32, #tpu.memory_space<hbm>> -> memref<5x1x2048xf32, #tpu.memory_space<hbm>>
        %dma_wait3A_978 = tpu.memref_squeeze %dma_wait3A_977 : memref<5x1x2048xf32, #tpu.memory_space<hbm>> -> memref<5x2048xf32, #tpu.memory_space<hbm>>
        %dma_wait3A_979 = arith.constant 0 : i32
        %dma_wait3A_980 = arith.constant 0 : i32
        %dma_wait3A_981 = tpu.memref_slice %arg6[%dma_wait3A_979, %dma_wait3A_970, %dma_wait3A_980] : memref<5x200x16384xf32, #tpu.memory_space<hbm>> -> memref<5x1x2048xf32, #tpu.memory_space<hbm>>
        %dma_wait3A_982 = tpu.memref_squeeze %dma_wait3A_981 : memref<5x1x2048xf32, #tpu.memory_space<hbm>> -> memref<5x2048xf32, #tpu.memory_space<hbm>>
        %dma_wait3A_983 = arith.constant 0 : i32
        %dma_wait3A_984 = arith.constant 0 : i32
        %dma_wait3A_985 = tpu.memref_slice %arg11[%dma_wait3A_969, %dma_wait3A_983, %dma_wait3A_984] : memref<2x5x2048xf32, #tpu.memory_space<vmem>> -> memref<1x5x2048xf32, #tpu.memory_space<vmem>>
        %dma_wait3A_986 = tpu.memref_squeeze %dma_wait3A_985 : memref<1x5x2048xf32, #tpu.memory_space<vmem>> -> memref<5x2048xf32, #tpu.memory_space<vmem>>
        tpu.wait_dma2 semaphore(%arg19 : memref<!tpu.dma_semaphore, #tpu.memory_space<semaphore_mem>>) src(%dma_wait3A_986 : memref<5x2048xf32, #tpu.memory_space<vmem>>) dst(%dma_wait3A_982 : memref<5x2048xf32, #tpu.memory_space<hbm>>)
      } else {
      }
      %jit3A_748 = arith.constant 8 : i32
      %div3A_749 = arith.divsi %add3A_741, %jit3A_748 : i32
      %sign3A_750 = arith.constant 0 : i32
      %sign3A_751 = arith.cmpi sgt, %add3A_741, %sign3A_750 : i32
      %sign3A_752 = arith.extui %sign3A_751 : i1 to i32
      %sign3A_753 = arith.constant 0 : i32
      %sign3A_754 = arith.cmpi slt, %add3A_741, %sign3A_753 : i32
      %sign3A_755 = arith.extui %sign3A_754 : i1 to i32
      %sign3A_756 = arith.subi %sign3A_752, %sign3A_755 : i32
      %sign3A_757 = arith.constant 0 : i32
      %sign3A_758 = arith.cmpi sgt, %jit3A_748, %sign3A_757 : i32
      %sign3A_759 = arith.extui %sign3A_758 : i1 to i32
      %sign3A_760 = arith.constant 0 : i32
      %sign3A_761 = arith.cmpi slt, %jit3A_748, %sign3A_760 : i32
      %sign3A_762 = arith.extui %sign3A_761 : i1 to i32
      %sign3A_763 = arith.subi %sign3A_759, %sign3A_762 : i32
      %ne3A_764 = arith.cmpi ne, %sign3A_756, %sign3A_763 : i32
      %rem3A_765 = arith.remsi %add3A_741, %jit3A_748 : i32
      %ne3A_766 = arith.constant 0 : i32
      %ne3A_767 = arith.cmpi ne, %rem3A_765, %ne3A_766 : i32
      %and3A_768 = arith.andi %ne3A_764, %ne3A_767 : i1
      %sub3A_769 = arith.constant 1 : i32
      %sub3A_770 = arith.subi %div3A_749, %sub3A_769 : i32
      %select_n3A_771 = arith.select %and3A_768, %sub3A_770, %div3A_749 : i32
      %jit3A_772 = arith.constant 8 : i32
      %eq3A_773 = arith.constant 0 : i32
      %eq3A_774 = arith.cmpi eq, %jit3A_772, %eq3A_773 : i32
      %jit3A_775 = arith.constant 1 : i32
      %select_n3A_776 = arith.select %eq3A_774, %jit3A_775, %jit3A_772 : i32
      %rem3A_777 = arith.remsi %add3A_741, %select_n3A_776 : i32
      %ne3A_778 = arith.constant 0 : i32
      %ne3A_779 = arith.cmpi ne, %rem3A_777, %ne3A_778 : i32
      %lt3A_780 = arith.constant 0 : i32
      %lt3A_781 = arith.cmpi slt, %rem3A_777, %lt3A_780 : i32
      %lt3A_782 = arith.constant 0 : i32
      %lt3A_783 = arith.cmpi slt, %select_n3A_776, %lt3A_782 : i32
      %ne3A_784 = arith.xori %lt3A_781, %lt3A_783 : i1
      %and3A_785 = arith.andi %ne3A_784, %ne3A_779 : i1
      %add3A_786 = arith.addi %rem3A_777, %select_n3A_776 : i32
      %select_n3A_787 = arith.select %and3A_785, %add3A_786, %rem3A_777 : i32
      %mul3A_788 = arith.constant 2048 : i32
      %mul3A_789 = arith.muli %select_n3A_787, %mul3A_788 : i32
      %dma_wait3A_790 = arith.constant 1 : i32
      %dma_wait3A_791 = arith.constant 0 : i32
      %dma_wait3A_792 = tpu.memref_slice %arg7[%dma_wait3A_790, %dma_wait3A_791] : memref<2x2048xi32, #tpu.memory_space<vmem>> -> memref<1x2048xi32, #tpu.memory_space<vmem>>
      %dma_wait3A_793 = tpu.memref_squeeze %dma_wait3A_792 : memref<1x2048xi32, #tpu.memory_space<vmem>> -> memref<2048xi32, #tpu.memory_space<vmem>>
      %dma_wait3A_794 = tpu.memref_slice %arg2[%select_n3A_771, %mul3A_789] : memref<200x16384xi32, #tpu.memory_space<hbm>> -> memref<1x2048xi32, #tpu.memory_space<hbm>>
      %dma_wait3A_795 = tpu.memref_squeeze %dma_wait3A_794 : memref<1x2048xi32, #tpu.memory_space<hbm>> -> memref<2048xi32, #tpu.memory_space<hbm>>
      %dma_wait3A_796 = arith.constant 0 : i32
      %dma_wait3A_797 = tpu.memref_slice %arg7[%dma_wait3A_790, %dma_wait3A_796] : memref<2x2048xi32, #tpu.memory_space<vmem>> -> memref<1x2048xi32, #tpu.memory_space<vmem>>
      %dma_wait3A_798 = tpu.memref_squeeze %dma_wait3A_797 : memref<1x2048xi32, #tpu.memory_space<vmem>> -> memref<2048xi32, #tpu.memory_space<vmem>>
      %dma_wait3A_799 = tpu.memref_slice %arg2[%select_n3A_771, %mul3A_789] : memref<200x16384xi32, #tpu.memory_space<hbm>> -> memref<1x2048xi32, #tpu.memory_space<hbm>>
      %dma_wait3A_800 = tpu.memref_squeeze %dma_wait3A_799 : memref<1x2048xi32, #tpu.memory_space<hbm>> -> memref<2048xi32, #tpu.memory_space<hbm>>
      tpu.wait_dma2 semaphore(%arg15 : memref<!tpu.dma_semaphore, #tpu.memory_space<semaphore_mem>>) src(%dma_wait3A_800 : memref<2048xi32, #tpu.memory_space<hbm>>) dst(%dma_wait3A_798 : memref<2048xi32, #tpu.memory_space<vmem>>)
      %parallel_loop3A_801 = arith.constant 0 : i32
      %parallel_loop3A_802 = arith.constant 128 : i32
      %parallel_loop3A_803 = arith.constant 1 : i32
      scf.for %parallel_loop3A_954 = %parallel_loop3A_801 to %parallel_loop3A_802 step %parallel_loop3A_803  : i32 {
        %parallel_loop3A_955 = arith.constant 16 : i32
        %parallel_loop3A_956 = arith.muli %parallel_loop3A_954, %parallel_loop3A_955 : i32
        %parallel_loop3A_957 = arith.constant 1 : i32
        %parallel_loop3A_958 = arith.index_cast %parallel_loop3A_957 : i32 to index
        %parallel_loop3A_959 = arith.index_cast %parallel_loop3A_956 : i32 to index
        %parallel_loop3A_960 = tpu.vector_load %arg7[%parallel_loop3A_958, %parallel_loop3A_959] {strides = array<i32>} : memref<2x2048xi32, #tpu.memory_space<vmem>>, vector<16xi32>,
        %parallel_loop3A_961 = arith.constant 9 : i32
        %parallel_loop3A_962 = vector.broadcast %parallel_loop3A_961 : i32 to vector<16xi32>
        %parallel_loop3A_963 = arith.muli %parallel_loop3A_960, %parallel_loop3A_962 : vector<16xi32>
        %parallel_loop3A_964 = arith.constant 0 : i32
        %parallel_loop3A_965 = vector.broadcast %parallel_loop3A_964 : i32 to vector<16xi32>
        %parallel_loop3A_966 = arith.addi %parallel_loop3A_963, %parallel_loop3A_965 : vector<16xi32>
        %parallel_loop3A_967 = tpu.vector_load_idx %arg8[%parallel_loop3A_966] : memref<55296xf32, #tpu.memory_space<vmem>>[vector<16xi32>], vector<16xf32>,
        %parallel_loop3A_968 = arith.constant 1 : i32
        %parallel_loop3A_969 = vector.broadcast %parallel_loop3A_968 : i32 to vector<16xi32>
        %parallel_loop3A_970 = arith.addi %parallel_loop3A_963, %parallel_loop3A_969 : vector<16xi32>
        %parallel_loop3A_971 = tpu.vector_load_idx %arg8[%parallel_loop3A_970] : memref<55296xf32, #tpu.memory_space<vmem>>[vector<16xi32>], vector<16xf32>,
        %parallel_loop3A_972 = arith.constant 2 : i32
        %parallel_loop3A_973 = vector.broadcast %parallel_loop3A_972 : i32 to vector<16xi32>
        %parallel_loop3A_974 = arith.addi %parallel_loop3A_963, %parallel_loop3A_973 : vector<16xi32>
        %parallel_loop3A_975 = tpu.vector_load_idx %arg8[%parallel_loop3A_974] : memref<55296xf32, #tpu.memory_space<vmem>>[vector<16xi32>], vector<16xf32>,
        %parallel_loop3A_976 = arith.constant 3 : i32
        %parallel_loop3A_977 = vector.broadcast %parallel_loop3A_976 : i32 to vector<16xi32>
        %parallel_loop3A_978 = arith.addi %parallel_loop3A_963, %parallel_loop3A_977 : vector<16xi32>
        %parallel_loop3A_979 = tpu.vector_load_idx %arg8[%parallel_loop3A_978] : memref<55296xf32, #tpu.memory_space<vmem>>[vector<16xi32>], vector<16xf32>,
        %parallel_loop3A_980 = arith.constant 4 : i32
        %parallel_loop3A_981 = vector.broadcast %parallel_loop3A_980 : i32 to vector<16xi32>
        %parallel_loop3A_982 = arith.addi %parallel_loop3A_963, %parallel_loop3A_981 : vector<16xi32>
        %parallel_loop3A_983 = tpu.vector_load_idx %arg8[%parallel_loop3A_982] : memref<55296xf32, #tpu.memory_space<vmem>>[vector<16xi32>], vector<16xf32>,
        %parallel_loop3A_984 = arith.constant 5 : i32
        %parallel_loop3A_985 = vector.broadcast %parallel_loop3A_984 : i32 to vector<16xi32>
        %parallel_loop3A_986 = arith.addi %parallel_loop3A_963, %parallel_loop3A_985 : vector<16xi32>
        %parallel_loop3A_987 = tpu.vector_load_idx %arg8[%parallel_loop3A_986] : memref<55296xf32, #tpu.memory_space<vmem>>[vector<16xi32>], vector<16xf32>,
        %parallel_loop3A_988 = arith.constant 6 : i32
        %parallel_loop3A_989 = vector.broadcast %parallel_loop3A_988 : i32 to vector<16xi32>
        %parallel_loop3A_990 = arith.addi %parallel_loop3A_963, %parallel_loop3A_989 : vector<16xi32>
        %parallel_loop3A_991 = tpu.vector_load_idx %arg8[%parallel_loop3A_990] : memref<55296xf32, #tpu.memory_space<vmem>>[vector<16xi32>], vector<16xf32>,
        %parallel_loop3A_992 = arith.constant 7 : i32
        %parallel_loop3A_993 = vector.broadcast %parallel_loop3A_992 : i32 to vector<16xi32>
        %parallel_loop3A_994 = arith.addi %parallel_loop3A_963, %parallel_loop3A_993 : vector<16xi32>
        %parallel_loop3A_995 = tpu.vector_load_idx %arg8[%parallel_loop3A_994] : memref<55296xf32, #tpu.memory_space<vmem>>[vector<16xi32>], vector<16xf32>,
        %parallel_loop3A_996 = arith.constant 8 : i32
        %parallel_loop3A_997 = vector.broadcast %parallel_loop3A_996 : i32 to vector<16xi32>
        %parallel_loop3A_998 = arith.addi %parallel_loop3A_963, %parallel_loop3A_997 : vector<16xi32>
        %parallel_loop3A_999 = tpu.vector_load_idx %arg8[%parallel_loop3A_998] : memref<55296xf32, #tpu.memory_space<vmem>>[vector<16xi32>], vector<16xf32>,
        %parallel_loop3A_1000 = arith.constant 8 : i32
        %parallel_loop3A_1001 = arith.divsi %parallel_loop3A_954, %parallel_loop3A_1000 : i32
        %parallel_loop3A_1002 = arith.constant 0 : i32
        %parallel_loop3A_1003 = arith.cmpi sgt, %parallel_loop3A_954, %parallel_loop3A_1002 : i32
        %parallel_loop3A_1004 = arith.extui %parallel_loop3A_1003 : i1 to i32
        %parallel_loop3A_1005 = arith.constant 0 : i32
        %parallel_loop3A_1006 = arith.cmpi slt, %parallel_loop3A_954, %parallel_loop3A_1005 : i32
        %parallel_loop3A_1007 = arith.extui %parallel_loop3A_1006 : i1 to i32
        %parallel_loop3A_1008 = arith.subi %parallel_loop3A_1004, %parallel_loop3A_1007 : i32
        %parallel_loop3A_1009 = arith.constant 0 : i32
        %parallel_loop3A_1010 = arith.cmpi sgt, %parallel_loop3A_1000, %parallel_loop3A_1009 : i32
        %parallel_loop3A_1011 = arith.extui %parallel_loop3A_1010 : i1 to i32
        %parallel_loop3A_1012 = arith.constant 0 : i32
        %parallel_loop3A_1013 = arith.cmpi slt, %parallel_loop3A_1000, %parallel_loop3A_1012 : i32
        %parallel_loop3A_1014 = arith.extui %parallel_loop3A_1013 : i1 to i32
        %parallel_loop3A_1015 = arith.subi %parallel_loop3A_1011, %parallel_loop3A_1014 : i32
        %parallel_loop3A_1016 = arith.cmpi ne, %parallel_loop3A_1008, %parallel_loop3A_1015 : i32
        %parallel_loop3A_1017 = arith.remsi %parallel_loop3A_954, %parallel_loop3A_1000 : i32
        %parallel_loop3A_1018 = arith.constant 0 : i32
        %parallel_loop3A_1019 = arith.cmpi ne, %parallel_loop3A_1017, %parallel_loop3A_1018 : i32
        %parallel_loop3A_1020 = arith.andi %parallel_loop3A_1016, %parallel_loop3A_1019 : i1
        %parallel_loop3A_1021 = arith.constant 1 : i32
        %parallel_loop3A_1022 = arith.subi %parallel_loop3A_1001, %parallel_loop3A_1021 : i32
        %parallel_loop3A_1023 = arith.select %parallel_loop3A_1020, %parallel_loop3A_1022, %parallel_loop3A_1001 : i32
        %parallel_loop3A_1024 = arith.constant 4 : i32
        %parallel_loop3A_1025 = arith.muli %parallel_loop3A_1023, %parallel_loop3A_1024 : i32
        %parallel_loop3A_1026 = arith.constant 8 : i32
        %parallel_loop3A_1027 = arith.constant 0 : i32
        %parallel_loop3A_1028 = arith.cmpi eq, %parallel_loop3A_1026, %parallel_loop3A_1027 : i32
        %parallel_loop3A_1029 = arith.constant 1 : i32
        %parallel_loop3A_1030 = arith.select %parallel_loop3A_1028, %parallel_loop3A_1029, %parallel_loop3A_1026 : i32
        %parallel_loop3A_1031 = arith.remsi %parallel_loop3A_954, %parallel_loop3A_1030 : i32
        %parallel_loop3A_1032 = arith.constant 0 : i32
        %parallel_loop3A_1033 = arith.cmpi ne, %parallel_loop3A_1031, %parallel_loop3A_1032 : i32
        %parallel_loop3A_1034 = arith.constant 0 : i32
        %parallel_loop3A_1035 = arith.cmpi slt, %parallel_loop3A_1031, %parallel_loop3A_1034 : i32
        %parallel_loop3A_1036 = arith.constant 0 : i32
        %parallel_loop3A_1037 = arith.cmpi slt, %parallel_loop3A_1030, %parallel_loop3A_1036 : i32
        %parallel_loop3A_1038 = arith.xori %parallel_loop3A_1035, %parallel_loop3A_1037 : i1
        %parallel_loop3A_1039 = arith.andi %parallel_loop3A_1038, %parallel_loop3A_1033 : i1
        %parallel_loop3A_1040 = arith.addi %parallel_loop3A_1031, %parallel_loop3A_1030 : i32
        %parallel_loop3A_1041 = arith.select %parallel_loop3A_1039, %parallel_loop3A_1040, %parallel_loop3A_1031 : i32
        %parallel_loop3A_1042 = arith.constant 16 : i32
        %parallel_loop3A_1043 = arith.muli %parallel_loop3A_1041, %parallel_loop3A_1042 : i32
        %parallel_loop3A_1044 = arith.constant 0 : i32
        %parallel_loop3A_1045 = arith.addi %parallel_loop3A_1025, %parallel_loop3A_1044 : i32
        %parallel_loop3A_1046 = arith.constant 1 : i32
        %parallel_loop3A_1047 = arith.index_cast %parallel_loop3A_1046 : i32 to index
        %parallel_loop3A_1048 = arith.index_cast %parallel_loop3A_1045 : i32 to index
        %parallel_loop3A_1049 = arith.index_cast %parallel_loop3A_1043 : i32 to index
        %parallel_loop3A_1050 = tpu.vector_load %arg10[%parallel_loop3A_1047, %parallel_loop3A_1048, %parallel_loop3A_1049] {strides = array<i32>} : memref<2x64x128xf32, #tpu.memory_space<vmem>>, vector<16xf32>,
        tpu.vector_store %arg10[%parallel_loop3A_1047, %parallel_loop3A_1048, %parallel_loop3A_1049], %parallel_loop3A_967 {strides = array<i32>} : memref<2x64x128xf32, #tpu.memory_space<vmem>>, vector<16xf32>,
        %parallel_loop3A_1051 = arith.constant 1 : i32
        %parallel_loop3A_1052 = arith.addi %parallel_loop3A_1025, %parallel_loop3A_1051 : i32
        %parallel_loop3A_1053 = arith.constant 1 : i32
        %parallel_loop3A_1054 = arith.index_cast %parallel_loop3A_1053 : i32 to index
        %parallel_loop3A_1055 = arith.index_cast %parallel_loop3A_1052 : i32 to index
        %parallel_loop3A_1056 = arith.index_cast %parallel_loop3A_1043 : i32 to index
        %parallel_loop3A_1057 = tpu.vector_load %arg10[%parallel_loop3A_1054, %parallel_loop3A_1055, %parallel_loop3A_1056] {strides = array<i32>} : memref<2x64x128xf32, #tpu.memory_space<vmem>>, vector<16xf32>,
        tpu.vector_store %arg10[%parallel_loop3A_1054, %parallel_loop3A_1055, %parallel_loop3A_1056], %parallel_loop3A_971 {strides = array<i32>} : memref<2x64x128xf32, #tpu.memory_space<vmem>>, vector<16xf32>,
        %parallel_loop3A_1058 = arith.constant 2 : i32
        %parallel_loop3A_1059 = arith.addi %parallel_loop3A_1025, %parallel_loop3A_1058 : i32
        %parallel_loop3A_1060 = arith.constant 1 : i32
        %parallel_loop3A_1061 = arith.index_cast %parallel_loop3A_1060 : i32 to index
        %parallel_loop3A_1062 = arith.index_cast %parallel_loop3A_1059 : i32 to index
        %parallel_loop3A_1063 = arith.index_cast %parallel_loop3A_1043 : i32 to index
        %parallel_loop3A_1064 = tpu.vector_load %arg10[%parallel_loop3A_1061, %parallel_loop3A_1062, %parallel_loop3A_1063] {strides = array<i32>} : memref<2x64x128xf32, #tpu.memory_space<vmem>>, vector<16xf32>,
        tpu.vector_store %arg10[%parallel_loop3A_1061, %parallel_loop3A_1062, %parallel_loop3A_1063], %parallel_loop3A_975 {strides = array<i32>} : memref<2x64x128xf32, #tpu.memory_space<vmem>>, vector<16xf32>,
        %parallel_loop3A_1065 = arith.constant 3 : i32
        %parallel_loop3A_1066 = arith.addi %parallel_loop3A_1025, %parallel_loop3A_1065 : i32
        %parallel_loop3A_1067 = arith.constant 1 : i32
        %parallel_loop3A_1068 = arith.index_cast %parallel_loop3A_1067 : i32 to index
        %parallel_loop3A_1069 = arith.index_cast %parallel_loop3A_1066 : i32 to index
        %parallel_loop3A_1070 = arith.index_cast %parallel_loop3A_1043 : i32 to index
        %parallel_loop3A_1071 = tpu.vector_load %arg10[%parallel_loop3A_1068, %parallel_loop3A_1069, %parallel_loop3A_1070] {strides = array<i32>} : memref<2x64x128xf32, #tpu.memory_space<vmem>>, vector<16xf32>,
        tpu.vector_store %arg10[%parallel_loop3A_1068, %parallel_loop3A_1069, %parallel_loop3A_1070], %parallel_loop3A_979 {strides = array<i32>} : memref<2x64x128xf32, #tpu.memory_space<vmem>>, vector<16xf32>,
        %parallel_loop3A_1072 = arith.constant 1 : i32
        %parallel_loop3A_1073 = arith.constant 0 : i32
        %parallel_loop3A_1074 = arith.index_cast %parallel_loop3A_1072 : i32 to index
        %parallel_loop3A_1075 = arith.index_cast %parallel_loop3A_1073 : i32 to index
        %parallel_loop3A_1076 = arith.index_cast %parallel_loop3A_956 : i32 to index
        %parallel_loop3A_1077 = tpu.vector_load %arg11[%parallel_loop3A_1074, %parallel_loop3A_1075, %parallel_loop3A_1076] {strides = array<i32>} : memref<2x5x2048xf32, #tpu.memory_space<vmem>>, vector<16xf32>,
        tpu.vector_store %arg11[%parallel_loop3A_1074, %parallel_loop3A_1075, %parallel_loop3A_1076], %parallel_loop3A_983 {strides = array<i32>} : memref<2x5x2048xf32, #tpu.memory_space<vmem>>, vector<16xf32>,
        %parallel_loop3A_1078 = arith.constant 1 : i32
        %parallel_loop3A_1079 = arith.constant 1 : i32
        %parallel_loop3A_1080 = arith.index_cast %parallel_loop3A_1078 : i32 to index
        %parallel_loop3A_1081 = arith.index_cast %parallel_loop3A_1079 : i32 to index
        %parallel_loop3A_1082 = arith.index_cast %parallel_loop3A_956 : i32 to index
        %parallel_loop3A_1083 = tpu.vector_load %arg11[%parallel_loop3A_1080, %parallel_loop3A_1081, %parallel_loop3A_1082] {strides = array<i32>} : memref<2x5x2048xf32, #tpu.memory_space<vmem>>, vector<16xf32>,
        tpu.vector_store %arg11[%parallel_loop3A_1080, %parallel_loop3A_1081, %parallel_loop3A_1082], %parallel_loop3A_987 {strides = array<i32>} : memref<2x5x2048xf32, #tpu.memory_space<vmem>>, vector<16xf32>,
        %parallel_loop3A_1084 = arith.constant 1 : i32
        %parallel_loop3A_1085 = arith.constant 2 : i32
        %parallel_loop3A_1086 = arith.index_cast %parallel_loop3A_1084 : i32 to index
        %parallel_loop3A_1087 = arith.index_cast %parallel_loop3A_1085 : i32 to index
        %parallel_loop3A_1088 = arith.index_cast %parallel_loop3A_956 : i32 to index
        %parallel_loop3A_1089 = tpu.vector_load %arg11[%parallel_loop3A_1086, %parallel_loop3A_1087, %parallel_loop3A_1088] {strides = array<i32>} : memref<2x5x2048xf32, #tpu.memory_space<vmem>>, vector<16xf32>,
        tpu.vector_store %arg11[%parallel_loop3A_1086, %parallel_loop3A_1087, %parallel_loop3A_1088], %parallel_loop3A_991 {strides = array<i32>} : memref<2x5x2048xf32, #tpu.memory_space<vmem>>, vector<16xf32>,
        %parallel_loop3A_1090 = arith.constant 1 : i32
        %parallel_loop3A_1091 = arith.constant 3 : i32
        %parallel_loop3A_1092 = arith.index_cast %parallel_loop3A_1090 : i32 to index
        %parallel_loop3A_1093 = arith.index_cast %parallel_loop3A_1091 : i32 to index
        %parallel_loop3A_1094 = arith.index_cast %parallel_loop3A_956 : i32 to index
        %parallel_loop3A_1095 = tpu.vector_load %arg11[%parallel_loop3A_1092, %parallel_loop3A_1093, %parallel_loop3A_1094] {strides = array<i32>} : memref<2x5x2048xf32, #tpu.memory_space<vmem>>, vector<16xf32>,
        tpu.vector_store %arg11[%parallel_loop3A_1092, %parallel_loop3A_1093, %parallel_loop3A_1094], %parallel_loop3A_995 {strides = array<i32>} : memref<2x5x2048xf32, #tpu.memory_space<vmem>>, vector<16xf32>,
        %parallel_loop3A_1096 = arith.constant 1 : i32
        %parallel_loop3A_1097 = arith.constant 4 : i32
        %parallel_loop3A_1098 = arith.index_cast %parallel_loop3A_1096 : i32 to index
        %parallel_loop3A_1099 = arith.index_cast %parallel_loop3A_1097 : i32 to index
        %parallel_loop3A_1100 = arith.index_cast %parallel_loop3A_956 : i32 to index
        %parallel_loop3A_1101 = tpu.vector_load %arg11[%parallel_loop3A_1098, %parallel_loop3A_1099, %parallel_loop3A_1100] {strides = array<i32>} : memref<2x5x2048xf32, #tpu.memory_space<vmem>>, vector<16xf32>,
        tpu.vector_store %arg11[%parallel_loop3A_1098, %parallel_loop3A_1099, %parallel_loop3A_1100], %parallel_loop3A_999 {strides = array<i32>} : memref<2x5x2048xf32, #tpu.memory_space<vmem>>, vector<16xf32>,
      } {sc.loop_unroll_factor = 8 : i64, sc.parallel_access}
      %add3A_804 = arith.constant 2 : i32
      %add3A_805 = arith.addi %add3A_741, %add3A_804 : i32
      %add3A_806 = arith.constant 50 : i32
      %add3A_807 = arith.addi %mul3A_2, %add3A_806 : i32
      %lt3A_808 = arith.cmpi slt, %add3A_805, %add3A_807 : i32
      %convert_element_type3A_809 = arith.extui %lt3A_808 : i1 to i32
      %cond3A_810 = arith.constant 0 : i32
      %cond3A_811 = arith.cmpi ne, %convert_element_type3A_809, %cond3A_810 : i32
      scf.if %cond3A_811 {
        %add3A_954 = arith.constant 2 : i32
        %add3A_955 = arith.addi %add3A_741, %add3A_954 : i32
        %jit3A_956 = arith.constant 8 : i32
        %div3A_957 = arith.divsi %add3A_955, %jit3A_956 : i32
        %sign3A_958 = arith.constant 0 : i32
        %sign3A_959 = arith.cmpi sgt, %add3A_955, %sign3A_958 : i32
        %sign3A_960 = arith.extui %sign3A_959 : i1 to i32
        %sign3A_961 = arith.constant 0 : i32
        %sign3A_962 = arith.cmpi slt, %add3A_955, %sign3A_961 : i32
        %sign3A_963 = arith.extui %sign3A_962 : i1 to i32
        %sign3A_964 = arith.subi %sign3A_960, %sign3A_963 : i32
        %sign3A_965 = arith.constant 0 : i32
        %sign3A_966 = arith.cmpi sgt, %jit3A_956, %sign3A_965 : i32
        %sign3A_967 = arith.extui %sign3A_966 : i1 to i32
        %sign3A_968 = arith.constant 0 : i32
        %sign3A_969 = arith.cmpi slt, %jit3A_956, %sign3A_968 : i32
        %sign3A_970 = arith.extui %sign3A_969 : i1 to i32
        %sign3A_971 = arith.subi %sign3A_967, %sign3A_970 : i32
        %ne3A_972 = arith.cmpi ne, %sign3A_964, %sign3A_971 : i32
        %rem3A_973 = arith.remsi %add3A_955, %jit3A_956 : i32
        %ne3A_974 = arith.constant 0 : i32
        %ne3A_975 = arith.cmpi ne, %rem3A_973, %ne3A_974 : i32
        %and3A_976 = arith.andi %ne3A_972, %ne3A_975 : i1
        %sub3A_977 = arith.constant 1 : i32
        %sub3A_978 = arith.subi %div3A_957, %sub3A_977 : i32
        %select_n3A_979 = arith.select %and3A_976, %sub3A_978, %div3A_957 : i32
        %jit3A_980 = arith.constant 8 : i32
        %eq3A_981 = arith.constant 0 : i32
        %eq3A_982 = arith.cmpi eq, %jit3A_980, %eq3A_981 : i32
        %jit3A_983 = arith.constant 1 : i32
        %select_n3A_984 = arith.select %eq3A_982, %jit3A_983, %jit3A_980 : i32
        %rem3A_985 = arith.remsi %add3A_955, %select_n3A_984 : i32
        %ne3A_986 = arith.constant 0 : i32
        %ne3A_987 = arith.cmpi ne, %rem3A_985, %ne3A_986 : i32
        %lt3A_988 = arith.constant 0 : i32
        %lt3A_989 = arith.cmpi slt, %rem3A_985, %lt3A_988 : i32
        %lt3A_990 = arith.constant 0 : i32
        %lt3A_991 = arith.cmpi slt, %select_n3A_984, %lt3A_990 : i32
        %ne3A_992 = arith.xori %lt3A_989, %lt3A_991 : i1
        %and3A_993 = arith.andi %ne3A_992, %ne3A_987 : i1
        %add3A_994 = arith.addi %rem3A_985, %select_n3A_984 : i32
        %select_n3A_995 = arith.select %and3A_993, %add3A_994, %rem3A_985 : i32
        %mul3A_996 = arith.constant 2048 : i32
        %mul3A_997 = arith.muli %select_n3A_995, %mul3A_996 : i32
        %dma_start3A_998 = arith.constant 1 : i32
        %dma_start3A_999 = arith.constant 0 : i32
        %dma_start3A_1000 = tpu.memref_slice %arg7[%dma_start3A_998, %dma_start3A_999] : memref<2x2048xi32, #tpu.memory_space<vmem>> -> memref<1x2048xi32, #tpu.memory_space<vmem>>
        %dma_start3A_1001 = tpu.memref_squeeze %dma_start3A_1000 : memref<1x2048xi32, #tpu.memory_space<vmem>> -> memref<2048xi32, #tpu.memory_space<vmem>>
        %dma_start3A_1002 = tpu.memref_slice %arg2[%select_n3A_979, %mul3A_997] : memref<200x16384xi32, #tpu.memory_space<hbm>> -> memref<1x2048xi32, #tpu.memory_space<hbm>>
        %dma_start3A_1003 = tpu.memref_squeeze %dma_start3A_1002 : memref<1x2048xi32, #tpu.memory_space<hbm>> -> memref<2048xi32, #tpu.memory_space<hbm>>
        %dma_start3A_1004 = arith.constant 0 : i32
        %dma_start3A_1005 = tpu.memref_slice %arg7[%dma_start3A_998, %dma_start3A_1004] : memref<2x2048xi32, #tpu.memory_space<vmem>> -> memref<1x2048xi32, #tpu.memory_space<vmem>>
        %dma_start3A_1006 = tpu.memref_squeeze %dma_start3A_1005 : memref<1x2048xi32, #tpu.memory_space<vmem>> -> memref<2048xi32, #tpu.memory_space<vmem>>
        %dma_start3A_1007 = tpu.memref_slice %arg2[%select_n3A_979, %mul3A_997] : memref<200x16384xi32, #tpu.memory_space<hbm>> -> memref<1x2048xi32, #tpu.memory_space<hbm>>
        %dma_start3A_1008 = tpu.memref_squeeze %dma_start3A_1007 : memref<1x2048xi32, #tpu.memory_space<hbm>> -> memref<2048xi32, #tpu.memory_space<hbm>>
        tpu.enqueue_dma source(%dma_start3A_1008 : memref<2048xi32, #tpu.memory_space<hbm>>) target(%dma_start3A_1006 : memref<2048xi32, #tpu.memory_space<vmem>>) target_semaphore(%arg15 : memref<!tpu.dma_semaphore, #tpu.memory_space<semaphore_mem>>)
      } else {
      }
      %jit3A_812 = arith.constant 8 : i32
      %div3A_813 = arith.divsi %add3A_741, %jit3A_812 : i32
      %sign3A_814 = arith.constant 0 : i32
      %sign3A_815 = arith.cmpi sgt, %add3A_741, %sign3A_814 : i32
      %sign3A_816 = arith.extui %sign3A_815 : i1 to i32
      %sign3A_817 = arith.constant 0 : i32
      %sign3A_818 = arith.cmpi slt, %add3A_741, %sign3A_817 : i32
      %sign3A_819 = arith.extui %sign3A_818 : i1 to i32
      %sign3A_820 = arith.subi %sign3A_816, %sign3A_819 : i32
      %sign3A_821 = arith.constant 0 : i32
      %sign3A_822 = arith.cmpi sgt, %jit3A_812, %sign3A_821 : i32
      %sign3A_823 = arith.extui %sign3A_822 : i1 to i32
      %sign3A_824 = arith.constant 0 : i32
      %sign3A_825 = arith.cmpi slt, %jit3A_812, %sign3A_824 : i32
      %sign3A_826 = arith.extui %sign3A_825 : i1 to i32
      %sign3A_827 = arith.subi %sign3A_823, %sign3A_826 : i32
      %ne3A_828 = arith.cmpi ne, %sign3A_820, %sign3A_827 : i32
      %rem3A_829 = arith.remsi %add3A_741, %jit3A_812 : i32
      %ne3A_830 = arith.constant 0 : i32
      %ne3A_831 = arith.cmpi ne, %rem3A_829, %ne3A_830 : i32
      %and3A_832 = arith.andi %ne3A_828, %ne3A_831 : i1
      %sub3A_833 = arith.constant 1 : i32
      %sub3A_834 = arith.subi %div3A_813, %sub3A_833 : i32
      %select_n3A_835 = arith.select %and3A_832, %sub3A_834, %div3A_813 : i32
      %mul3A_836 = arith.constant 128 : i32
      %mul3A_837 = arith.muli %select_n3A_835, %mul3A_836 : i32
      %jit3A_838 = arith.constant 8 : i32
      %eq3A_839 = arith.constant 0 : i32
      %eq3A_840 = arith.cmpi eq, %jit3A_838, %eq3A_839 : i32
      %jit3A_841 = arith.constant 1 : i32
      %select_n3A_842 = arith.select %eq3A_840, %jit3A_841, %jit3A_838 : i32
      %rem3A_843 = arith.remsi %add3A_741, %select_n3A_842 : i32
      %ne3A_844 = arith.constant 0 : i32
      %ne3A_845 = arith.cmpi ne, %rem3A_843, %ne3A_844 : i32
      %lt3A_846 = arith.constant 0 : i32
      %lt3A_847 = arith.cmpi slt, %rem3A_843, %lt3A_846 : i32
      %lt3A_848 = arith.constant 0 : i32
      %lt3A_849 = arith.cmpi slt, %select_n3A_842, %lt3A_848 : i32
      %ne3A_850 = arith.xori %lt3A_847, %lt3A_849 : i1
      %and3A_851 = arith.andi %ne3A_850, %ne3A_845 : i1
      %add3A_852 = arith.addi %rem3A_843, %select_n3A_842 : i32
      %select_n3A_853 = arith.select %and3A_851, %add3A_852, %rem3A_843 : i32
      %mul3A_854 = arith.constant 2048 : i32
      %mul3A_855 = arith.muli %select_n3A_853, %mul3A_854 : i32
      %jit3A_856 = arith.constant 128 : i32
      %div3A_857 = arith.divsi %mul3A_855, %jit3A_856 : i32
      %sign3A_858 = arith.constant 0 : i32
      %sign3A_859 = arith.cmpi sgt, %mul3A_855, %sign3A_858 : i32
      %sign3A_860 = arith.extui %sign3A_859 : i1 to i32
      %sign3A_861 = arith.constant 0 : i32
      %sign3A_862 = arith.cmpi slt, %mul3A_855, %sign3A_861 : i32
      %sign3A_863 = arith.extui %sign3A_862 : i1 to i32
      %sign3A_864 = arith.subi %sign3A_860, %sign3A_863 : i32
      %sign3A_865 = arith.constant 0 : i32
      %sign3A_866 = arith.cmpi sgt, %jit3A_856, %sign3A_865 : i32
      %sign3A_867 = arith.extui %sign3A_866 : i1 to i32
      %sign3A_868 = arith.constant 0 : i32
      %sign3A_869 = arith.cmpi slt, %jit3A_856, %sign3A_868 : i32
      %sign3A_870 = arith.extui %sign3A_869 : i1 to i32
      %sign3A_871 = arith.subi %sign3A_867, %sign3A_870 : i32
      %ne3A_872 = arith.cmpi ne, %sign3A_864, %sign3A_871 : i32
      %rem3A_873 = arith.remsi %mul3A_855, %jit3A_856 : i32
      %ne3A_874 = arith.constant 0 : i32
      %ne3A_875 = arith.cmpi ne, %rem3A_873, %ne3A_874 : i32
      %and3A_876 = arith.andi %ne3A_872, %ne3A_875 : i1
      %sub3A_877 = arith.constant 1 : i32
      %sub3A_878 = arith.subi %div3A_857, %sub3A_877 : i32
      %select_n3A_879 = arith.select %and3A_876, %sub3A_878, %div3A_857 : i32
      %add3A_880 = arith.addi %mul3A_837, %select_n3A_879 : i32
      %mul3A_881 = arith.constant 4 : i32
      %mul3A_882 = arith.muli %add3A_880, %mul3A_881 : i32
      %multiple_of3A_883 = tpu.assume_multiple %mul3A_882, 64 : i32
      %dma_start3A_884 = arith.constant 1 : i32
      %dma_start3A_885 = arith.constant 0 : i32
      %dma_start3A_886 = arith.constant 0 : i32
      %dma_start3A_887 = tpu.memref_slice %arg10[%dma_start3A_884, %dma_start3A_885, %dma_start3A_886] : memref<2x64x128xf32, #tpu.memory_space<vmem>> -> memref<1x64x128xf32, #tpu.memory_space<vmem>>
      %dma_start3A_888 = tpu.memref_squeeze %dma_start3A_887 : memref<1x64x128xf32, #tpu.memory_space<vmem>> -> memref<64x128xf32, #tpu.memory_space<vmem>>
      %dma_start3A_889 = arith.constant 0 : i32
      %dma_start3A_890 = tpu.memref_slice %arg5[%multiple_of3A_883, %dma_start3A_889] : memref<102400x128xf32, #tpu.memory_space<hbm>> -> memref<64x128xf32, #tpu.memory_space<hbm>>
      %dma_start3A_891 = arith.constant 0 : i32
      %dma_start3A_892 = tpu.memref_slice %arg5[%multiple_of3A_883, %dma_start3A_891] : memref<102400x128xf32, #tpu.memory_space<hbm>> -> memref<64x128xf32, #tpu.memory_space<hbm>>
      %dma_start3A_893 = arith.constant 0 : i32
      %dma_start3A_894 = arith.constant 0 : i32
      %dma_start3A_895 = tpu.memref_slice %arg10[%dma_start3A_884, %dma_start3A_893, %dma_start3A_894] : memref<2x64x128xf32, #tpu.memory_space<vmem>> -> memref<1x64x128xf32, #tpu.memory_space<vmem>>
      %dma_start3A_896 = tpu.memref_squeeze %dma_start3A_895 : memref<1x64x128xf32, #tpu.memory_space<vmem>> -> memref<64x128xf32, #tpu.memory_space<vmem>>
      tpu.enqueue_dma source(%dma_start3A_896 : memref<64x128xf32, #tpu.memory_space<vmem>>) target(%dma_start3A_892 : memref<64x128xf32, #tpu.memory_space<hbm>>) target_semaphore(%arg17 : memref<!tpu.dma_semaphore, #tpu.memory_space<semaphore_mem>>)
      %jit3A_897 = arith.constant 8 : i32
      %div3A_898 = arith.divsi %add3A_741, %jit3A_897 : i32
      %sign3A_899 = arith.constant 0 : i32
      %sign3A_900 = arith.cmpi sgt, %add3A_741, %sign3A_899 : i32
      %sign3A_901 = arith.extui %sign3A_900 : i1 to i32
      %sign3A_902 = arith.constant 0 : i32
      %sign3A_903 = arith.cmpi slt, %add3A_741, %sign3A_902 : i32
      %sign3A_904 = arith.extui %sign3A_903 : i1 to i32
      %sign3A_905 = arith.subi %sign3A_901, %sign3A_904 : i32
      %sign3A_906 = arith.constant 0 : i32
      %sign3A_907 = arith.cmpi sgt, %jit3A_897, %sign3A_906 : i32
      %sign3A_908 = arith.extui %sign3A_907 : i1 to i32
      %sign3A_909 = arith.constant 0 : i32
      %sign3A_910 = arith.cmpi slt, %jit3A_897, %sign3A_909 : i32
      %sign3A_911 = arith.extui %sign3A_910 : i1 to i32
      %sign3A_912 = arith.subi %sign3A_908, %sign3A_911 : i32
      %ne3A_913 = arith.cmpi ne, %sign3A_905, %sign3A_912 : i32
      %rem3A_914 = arith.remsi %add3A_741, %jit3A_897 : i32
      %ne3A_915 = arith.constant 0 : i32
      %ne3A_916 = arith.cmpi ne, %rem3A_914, %ne3A_915 : i32
      %and3A_917 = arith.andi %ne3A_913, %ne3A_916 : i1
      %sub3A_918 = arith.constant 1 : i32
      %sub3A_919 = arith.subi %div3A_898, %sub3A_918 : i32
      %select_n3A_920 = arith.select %and3A_917, %sub3A_919, %div3A_898 : i32
      %jit3A_921 = arith.constant 8 : i32
      %eq3A_922 = arith.constant 0 : i32
      %eq3A_923 = arith.cmpi eq, %jit3A_921, %eq3A_922 : i32
      %jit3A_924 = arith.constant 1 : i32
      %select_n3A_925 = arith.select %eq3A_923, %jit3A_924, %jit3A_921 : i32
      %rem3A_926 = arith.remsi %add3A_741, %select_n3A_925 : i32
      %ne3A_927 = arith.constant 0 : i32
      %ne3A_928 = arith.cmpi ne, %rem3A_926, %ne3A_927 : i32
      %lt3A_929 = arith.constant 0 : i32
      %lt3A_930 = arith.cmpi slt, %rem3A_926, %lt3A_929 : i32
      %lt3A_931 = arith.constant 0 : i32
      %lt3A_932 = arith.cmpi slt, %select_n3A_925, %lt3A_931 : i32
      %ne3A_933 = arith.xori %lt3A_930, %lt3A_932 : i1
      %and3A_934 = arith.andi %ne3A_933, %ne3A_928 : i1
      %add3A_935 = arith.addi %rem3A_926, %select_n3A_925 : i32
      %select_n3A_936 = arith.select %and3A_934, %add3A_935, %rem3A_926 : i32
      %mul3A_937 = arith.constant 2048 : i32
      %mul3A_938 = arith.muli %select_n3A_936, %mul3A_937 : i32
      %dma_start3A_939 = arith.constant 1 : i32
      %dma_start3A_940 = arith.constant 0 : i32
      %dma_start3A_941 = arith.constant 0 : i32
      %dma_start3A_942 = tpu.memref_slice %arg11[%dma_start3A_939, %dma_start3A_940, %dma_start3A_941] : memref<2x5x2048xf32, #tpu.memory_space<vmem>> -> memref<1x5x2048xf32, #tpu.memory_space<vmem>>
      %dma_start3A_943 = tpu.memref_squeeze %dma_start3A_942 : memref<1x5x2048xf32, #tpu.memory_space<vmem>> -> memref<5x2048xf32, #tpu.memory_space<vmem>>
      %dma_start3A_944 = arith.constant 0 : i32
      %dma_start3A_945 = tpu.memref_slice %arg6[%dma_start3A_944, %select_n3A_920, %mul3A_938] : memref<5x200x16384xf32, #tpu.memory_space<hbm>> -> memref<5x1x2048xf32, #tpu.memory_space<hbm>>
      %dma_start3A_946 = tpu.memref_squeeze %dma_start3A_945 : memref<5x1x2048xf32, #tpu.memory_space<hbm>> -> memref<5x2048xf32, #tpu.memory_space<hbm>>
      %dma_start3A_947 = arith.constant 0 : i32
      %dma_start3A_948 = tpu.memref_slice %arg6[%dma_start3A_947, %select_n3A_920, %mul3A_938] : memref<5x200x16384xf32, #tpu.memory_space<hbm>> -> memref<5x1x2048xf32, #tpu.memory_space<hbm>>
      %dma_start3A_949 = tpu.memref_squeeze %dma_start3A_948 : memref<5x1x2048xf32, #tpu.memory_space<hbm>> -> memref<5x2048xf32, #tpu.memory_space<hbm>>
      %dma_start3A_950 = arith.constant 0 : i32
      %dma_start3A_951 = arith.constant 0 : i32
      %dma_start3A_952 = tpu.memref_slice %arg11[%dma_start3A_939, %dma_start3A_950, %dma_start3A_951] : memref<2x5x2048xf32, #tpu.memory_space<vmem>> -> memref<1x5x2048xf32, #tpu.memory_space<vmem>>
      %dma_start3A_953 = tpu.memref_squeeze %dma_start3A_952 : memref<1x5x2048xf32, #tpu.memory_space<vmem>> -> memref<5x2048xf32, #tpu.memory_space<vmem>>
      tpu.enqueue_dma source(%dma_start3A_953 : memref<5x2048xf32, #tpu.memory_space<vmem>>) target(%dma_start3A_949 : memref<5x2048xf32, #tpu.memory_space<hbm>>) target_semaphore(%arg19 : memref<!tpu.dma_semaphore, #tpu.memory_space<semaphore_mem>>)
    }
    %scan3A_462 = arith.constant 25 : i32
    %dma_wait3A = arith.constant 0 : i32
    %dma_wait3A_463 = arith.constant 0 : i32
    %dma_wait3A_464 = arith.constant 0 : i32
    %dma_wait3A_465 = tpu.memref_slice %arg10[%dma_wait3A, %dma_wait3A_463, %dma_wait3A_464] : memref<2x64x128xf32, #tpu.memory_space<vmem>> -> memref<1x64x128xf32, #tpu.memory_space<vmem>>
    %dma_wait3A_466 = tpu.memref_squeeze %dma_wait3A_465 : memref<1x64x128xf32, #tpu.memory_space<vmem>> -> memref<64x128xf32, #tpu.memory_space<vmem>>
    %dma_wait3A_467 = arith.constant 0 : i32
    %dma_wait3A_468 = arith.constant 0 : i32
    %dma_wait3A_469 = tpu.memref_slice %arg5[%dma_wait3A_467, %dma_wait3A_468] : memref<102400x128xf32, #tpu.memory_space<hbm>> -> memref<64x128xf32, #tpu.memory_space<hbm>>
    %dma_wait3A_470 = arith.constant 0 : i32
    %dma_wait3A_471 = arith.constant 0 : i32
    %dma_wait3A_472 = tpu.memref_slice %arg5[%dma_wait3A_470, %dma_wait3A_471] : memref<102400x128xf32, #tpu.memory_space<hbm>> -> memref<64x128xf32, #tpu.memory_space<hbm>>
    %dma_wait3A_473 = arith.constant 0 : i32
    %dma_wait3A_474 = arith.constant 0 : i32
    %dma_wait3A_475 = tpu.memref_slice %arg10[%dma_wait3A, %dma_wait3A_473, %dma_wait3A_474] : memref<2x64x128xf32, #tpu.memory_space<vmem>> -> memref<1x64x128xf32, #tpu.memory_space<vmem>>
    %dma_wait3A_476 = tpu.memref_squeeze %dma_wait3A_475 : memref<1x64x128xf32, #tpu.memory_space<vmem>> -> memref<64x128xf32, #tpu.memory_space<vmem>>
    tpu.wait_dma2 semaphore(%arg16 : memref<!tpu.dma_semaphore, #tpu.memory_space<semaphore_mem>>) src(%dma_wait3A_476 : memref<64x128xf32, #tpu.memory_space<vmem>>) dst(%dma_wait3A_472 : memref<64x128xf32, #tpu.memory_space<hbm>>)
    %dma_wait3A_477 = arith.constant 0 : i32
    %dma_wait3A_478 = arith.constant 0 : i32
    %dma_wait3A_479 = arith.constant 0 : i32
    %dma_wait3A_480 = arith.constant 0 : i32
    %dma_wait3A_481 = tpu.memref_slice %arg11[%dma_wait3A_477, %dma_wait3A_479, %dma_wait3A_480] : memref<2x5x2048xf32, #tpu.memory_space<vmem>> -> memref<1x5x2048xf32, #tpu.memory_space<vmem>>
    %dma_wait3A_482 = tpu.memref_squeeze %dma_wait3A_481 : memref<1x5x2048xf32, #tpu.memory_space<vmem>> -> memref<5x2048xf32, #tpu.memory_space<vmem>>
    %dma_wait3A_483 = arith.constant 0 : i32
    %dma_wait3A_484 = arith.constant 0 : i32
    %dma_wait3A_485 = tpu.memref_slice %arg6[%dma_wait3A_483, %dma_wait3A_478, %dma_wait3A_484] : memref<5x200x16384xf32, #tpu.memory_space<hbm>> -> memref<5x1x2048xf32, #tpu.memory_space<hbm>>
    %dma_wait3A_486 = tpu.memref_squeeze %dma_wait3A_485 : memref<5x1x2048xf32, #tpu.memory_space<hbm>> -> memref<5x2048xf32, #tpu.memory_space<hbm>>
    %dma_wait3A_487 = arith.constant 0 : i32
    %dma_wait3A_488 = arith.constant 0 : i32
    %dma_wait3A_489 = tpu.memref_slice %arg6[%dma_wait3A_487, %dma_wait3A_478, %dma_wait3A_488] : memref<5x200x16384xf32, #tpu.memory_space<hbm>> -> memref<5x1x2048xf32, #tpu.memory_space<hbm>>
    %dma_wait3A_490 = tpu.memref_squeeze %dma_wait3A_489 : memref<5x1x2048xf32, #tpu.memory_space<hbm>> -> memref<5x2048xf32, #tpu.memory_space<hbm>>
    %dma_wait3A_491 = arith.constant 0 : i32
    %dma_wait3A_492 = arith.constant 0 : i32
    %dma_wait3A_493 = tpu.memref_slice %arg11[%dma_wait3A_477, %dma_wait3A_491, %dma_wait3A_492] : memref<2x5x2048xf32, #tpu.memory_space<vmem>> -> memref<1x5x2048xf32, #tpu.memory_space<vmem>>
    %dma_wait3A_494 = tpu.memref_squeeze %dma_wait3A_493 : memref<1x5x2048xf32, #tpu.memory_space<vmem>> -> memref<5x2048xf32, #tpu.memory_space<vmem>>
    tpu.wait_dma2 semaphore(%arg18 : memref<!tpu.dma_semaphore, #tpu.memory_space<semaphore_mem>>) src(%dma_wait3A_494 : memref<5x2048xf32, #tpu.memory_space<vmem>>) dst(%dma_wait3A_490 : memref<5x2048xf32, #tpu.memory_space<hbm>>)
    %dma_wait3A_495 = arith.constant 1 : i32
    %dma_wait3A_496 = arith.constant 0 : i32
    %dma_wait3A_497 = arith.constant 0 : i32
    %dma_wait3A_498 = tpu.memref_slice %arg10[%dma_wait3A_495, %dma_wait3A_496, %dma_wait3A_497] : memref<2x64x128xf32, #tpu.memory_space<vmem>> -> memref<1x64x128xf32, #tpu.memory_space<vmem>>
    %dma_wait3A_499 = tpu.memref_squeeze %dma_wait3A_498 : memref<1x64x128xf32, #tpu.memory_space<vmem>> -> memref<64x128xf32, #tpu.memory_space<vmem>>
    %dma_wait3A_500 = arith.constant 0 : i32
    %dma_wait3A_501 = arith.constant 0 : i32
    %dma_wait3A_502 = tpu.memref_slice %arg5[%dma_wait3A_500, %dma_wait3A_501] : memref<102400x128xf32, #tpu.memory_space<hbm>> -> memref<64x128xf32, #tpu.memory_space<hbm>>
    %dma_wait3A_503 = arith.constant 0 : i32
    %dma_wait3A_504 = arith.constant 0 : i32
    %dma_wait3A_505 = tpu.memref_slice %arg5[%dma_wait3A_503, %dma_wait3A_504] : memref<102400x128xf32, #tpu.memory_space<hbm>> -> memref<64x128xf32, #tpu.memory_space<hbm>>
    %dma_wait3A_506 = arith.constant 0 : i32
    %dma_wait3A_507 = arith.constant 0 : i32
    %dma_wait3A_508 = tpu.memref_slice %arg10[%dma_wait3A_495, %dma_wait3A_506, %dma_wait3A_507] : memref<2x64x128xf32, #tpu.memory_space<vmem>> -> memref<1x64x128xf32, #tpu.memory_space<vmem>>
    %dma_wait3A_509 = tpu.memref_squeeze %dma_wait3A_508 : memref<1x64x128xf32, #tpu.memory_space<vmem>> -> memref<64x128xf32, #tpu.memory_space<vmem>>
    tpu.wait_dma2 semaphore(%arg17 : memref<!tpu.dma_semaphore, #tpu.memory_space<semaphore_mem>>) src(%dma_wait3A_509 : memref<64x128xf32, #tpu.memory_space<vmem>>) dst(%dma_wait3A_505 : memref<64x128xf32, #tpu.memory_space<hbm>>)
    %dma_wait3A_510 = arith.constant 1 : i32
    %dma_wait3A_511 = arith.constant 0 : i32
    %dma_wait3A_512 = arith.constant 0 : i32
    %dma_wait3A_513 = arith.constant 0 : i32
    %dma_wait3A_514 = tpu.memref_slice %arg11[%dma_wait3A_510, %dma_wait3A_512, %dma_wait3A_513] : memref<2x5x2048xf32, #tpu.memory_space<vmem>> -> memref<1x5x2048xf32, #tpu.memory_space<vmem>>
    %dma_wait3A_515 = tpu.memref_squeeze %dma_wait3A_514 : memref<1x5x2048xf32, #tpu.memory_space<vmem>> -> memref<5x2048xf32, #tpu.memory_space<vmem>>
    %dma_wait3A_516 = arith.constant 0 : i32
    %dma_wait3A_517 = arith.constant 0 : i32
    %dma_wait3A_518 = tpu.memref_slice %arg6[%dma_wait3A_516, %dma_wait3A_511, %dma_wait3A_517] : memref<5x200x16384xf32, #tpu.memory_space<hbm>> -> memref<5x1x2048xf32, #tpu.memory_space<hbm>>
    %dma_wait3A_519 = tpu.memref_squeeze %dma_wait3A_518 : memref<5x1x2048xf32, #tpu.memory_space<hbm>> -> memref<5x2048xf32, #tpu.memory_space<hbm>>
    %dma_wait3A_520 = arith.constant 0 : i32
    %dma_wait3A_521 = arith.constant 0 : i32
    %dma_wait3A_522 = tpu.memref_slice %arg6[%dma_wait3A_520, %dma_wait3A_511, %dma_wait3A_521] : memref<5x200x16384xf32, #tpu.memory_space<hbm>> -> memref<5x1x2048xf32, #tpu.memory_space<hbm>>
    %dma_wait3A_523 = tpu.memref_squeeze %dma_wait3A_522 : memref<5x1x2048xf32, #tpu.memory_space<hbm>> -> memref<5x2048xf32, #tpu.memory_space<hbm>>
    %dma_wait3A_524 = arith.constant 0 : i32
    %dma_wait3A_525 = arith.constant 0 : i32
    %dma_wait3A_526 = tpu.memref_slice %arg11[%dma_wait3A_510, %dma_wait3A_524, %dma_wait3A_525] : memref<2x5x2048xf32, #tpu.memory_space<vmem>> -> memref<1x5x2048xf32, #tpu.memory_space<vmem>>
    %dma_wait3A_527 = tpu.memref_squeeze %dma_wait3A_526 : memref<1x5x2048xf32, #tpu.memory_space<vmem>> -> memref<5x2048xf32, #tpu.memory_space<vmem>>
    tpu.wait_dma2 semaphore(%arg19 : memref<!tpu.dma_semaphore, #tpu.memory_space<semaphore_mem>>) src(%dma_wait3A_527 : memref<5x2048xf32, #tpu.memory_space<vmem>>) dst(%dma_wait3A_523 : memref<5x2048xf32, #tpu.memory_space<hbm>>)
    return
  }
}

</mosaic_0001>

<sc_bundles>
// kernel: kernel.3.cloned.1.call-start
scs
__scs_entry_jumppad:
0x0: {  	(pc) =	sbr.rel $0x88, $3  }
0x1: {  	(tag) =	ssettag $0x0;
	lr =	simm.s32 $0x1  }
0x2: {  	[smem:$0x3F9B] =	sst lr;
	_ =	strace $0xD0000000  }
0x3: {  	_ = 	snop  }
0x4: {  	_ = 	snop  }
0x5: {  	_ = 	snop  }
0x6: {  	_ = 	snop  }
0x7: {  	_ = 	snop  }
__scs_overlays_trampoline_lowered:
0x8: {  	[smem:$0x3FAA] =	sst s0  }
0x9: {  	[smem:$0x3FAB] =	sst s1  }
0xa: {  	[smem:$0x3FAC] =	sst s2  }
0xb: {  	[smem:$0x3FAD] =	sst s3  }
0xc: {  	[smem:$0x3FAE] =	sst s4  }
0xd: {  	[smem:$0x3FAF] =	sst s5  }
0xe: {  	[smem:$0x3FB0] =	sst s6  }
0xf: {  	[smem:$0x3FB1] =	sst s7  }
0x10: {  	[smem:$0x3FB2] =	sst s8  }
0x11: {  	[smem:$0x3FB3] =	sst s9;
	s0 =	simm.s32 @!p0 $0x0  }
0x12: {  	s1 =	sld [smem:$0x3F99];
	s0 =	simm.s32 @p0 $0x1  }
0x13: {  	[smem:$0x3FB4] =	sst s0;
	s0 =	simm.s32 @!p1 $0x0  }
0x14: {  	s2 =	sld [smem:$0x3F98];
	s0 =	simm.s32 @p1 $0x1  }
0x15: {  	[smem:$0x3FB5] =	sst s0;
	s0 =	simm.s32 @!p2 $0x0  }
0x16: {  	s3 =	sld [smem:$0x3FDB];
	s0 =	simm.s32 @p2 $0x1  }
0x17: {  	s4 =	simm.s32 $0x1BF5;
	[smem:$0x3FB7] =	sst s0  }
0x18: {  	s0 =	sld [smem:$0x3F9A];
	_ =	swait.ge [sflag:s4], $0x0  }
0x19: {  	s7 =	sld [smem:$0x3F9B]  }
0x1a: {  	s8 =	sadd.s32 $0xFFFFE003, lr  }
0x1b: {  	s9 =	sadd.s32 $0xFFFFFEF7, lr;
	s5 =	simm.s32 $0xFFFFFFFF;
	p2 =	slt.u32 s8, $0xFFFFF086  }
0x1c: {  	p1 =	slt.u32 s9, $0xF7A;
	s5 =	simm.s32 @!p2 $0x0  }
0x1d: {  	s5 =	simm.s32 @p1 $0x1;
	p0 =	seq.s32 s7, s2  }
0x1e: {  	s7 =	smul.u32 @!p0 $0xF7A, s2;
	p2 =	seq.s32 @!p0 s5, $0x0  }
0x1f: {  	s9 =	smul.u32 $0xF7A, s1;
	s8 =	simm.s32 @!p0 $0x1BF5;
	p2 =	por !p2, p0  }
0x20: {  	[sflag:s8] =	ssyncset.s32 @!p0 $0xFFFFF086;
	s6 =	sadd.s32 @!p0 s3, s7;
	s7 =	simm.s32 @!p0 $0x108  }
0x21: {  	s3 =	sadd.s32 s3, s9;
	s6 =	sadd.s32 @!p0 $0x88, s6;
	s7 =	simm.s32 @p2 $0x1082  }
0x22: {  	[simem:s7], [sflag:s8] =	dma.local @!p0 [hbm:s6], $0xF7A  }
0x23: {  	s9 =	sor.u32 $0xD0000000, s2;
	s6 =	simm.s32 $0x108;
	_ =	swait.ge @!p0 [sflag:s8], $0x0  }
0x24: {  	s3 =	sadd.s32 $0x88, s3;
	s6 =	simm.s32 @!p1 $0x1082;
	[sflag:s4] =	ssyncset.s32 $0xFFFFF086  }
0x25: {  	[simem:s6], [sflag:s4] =	dma.local [hbm:s3], $0xF7A  }
0x26: {  	[smem:$0x3F9B] =	sst s1;
	(tag) =	ssettag s2;
	_ =	strace s9  }
0x27: {  	s1 =	sld [smem:$0x3FAB]  }
0x28: {  	s2 =	sld [smem:$0x3FAC]  }
0x29: {  	s4 =	sld [smem:$0x3FAE]  }
0x2a: {  	p0 =	seq.s32 s5, $0x0;
	s5 =	sld [smem:$0x3FAF]  }
0x2b: {  	s6 =	sld [smem:$0x3FB0]  }
0x2c: {  	s7 =	sld [smem:$0x3FB1]  }
0x2d: {  	s3 =	simm.s32 $0x108;
	s8 =	sld [smem:$0x3FB2]  }
0x2e: {  	s3 =	simm.s32 @!p0 $0x1082;
	s9 =	sld [smem:$0x3FB3]  }
0x2f: {  	lr =	sadd.s32 s0, s3;
	s0 =	sld [smem:$0x3FAA]  }
0x30: {  	s3 =	sld [smem:$0x3FAD]  }
0x31: {  	[smem:$0x3FB6] =	sst s10  }
0x32: {  	s10 =	sld [smem:$0x3FB4];
	_ =	sdelay $0x3  }
0x33: {  	p0 =	seq.s32 s10, $0x1;
	s10 =	sld [smem:$0x3FB6];
	_ =	sdelay $0x3  }
0x34: {  	[smem:$0x3FB6] =	sst s10  }
0x35: {  	s10 =	sld [smem:$0x3FB5];
	_ =	sdelay $0x3  }
0x36: {  	p1 =	seq.s32 s10, $0x1;
	s10 =	sld [smem:$0x3FB6];
	_ =	sdelay $0x3  }
0x37: {  	[smem:$0x3FB6] =	sst s10  }
0x38: {  	s10 =	sld [smem:$0x3FB7]  }
0x39: {  	_ = 	snop;
	(pc) =	sbr.ind lr, $3  }
0x3a: {  	_ = 	snop  }
0x3b: {  	_ = 	snop  }
0x3c: {  	p2 =	seq.s32 s10, $0x1;
	s10 =	sld [smem:$0x3FB6]  }
0x3d: {  	_ =	shalt  }
0x3e: {  	_ =	shalt  }
0x3f: {  	_ =	shalt  }
0x40: {  	_ =	shalt  }
0x41: {  	_ =	shalt  }
0x42: {  	_ =	shalt  }
0x43: {  	_ =	shalt  }
0x44: {  	_ =	shalt  }
0x45: {  	_ =	shalt  }
0x46: {  	_ =	shalt  }
0x47: {  	_ =	shalt  }
0x48: {  	_ =	shalt  }
0x49: {  	_ =	shalt  }
0x4a: {  	_ =	shalt  }
0x4b: {  	_ =	shalt  }
0x4c: {  	_ =	shalt  }
0x4d: {  	_ =	shalt  }
0x4e: {  	_ =	shalt  }
0x4f: {  	_ =	shalt  }
0x50: {  	_ =	shalt  }
0x51: {  	_ =	shalt  }
0x52: {  	_ =	shalt  }
0x53: {  	_ =	shalt  }
0x54: {  	_ =	shalt  }
0x55: {  	_ =	shalt  }
0x56: {  	_ =	shalt  }
0x57: {  	_ =	shalt  }
0x58: {  	_ =	shalt  }
0x59: {  	_ =	shalt  }
0x5a: {  	_ =	shalt  }
0x5b: {  	_ =	shalt  }
0x5c: {  	_ =	shalt  }
0x5d: {  	_ =	shalt  }
0x5e: {  	_ =	shalt  }
0x5f: {  	_ =	shalt  }
0x60: {  	_ =	shalt  }
0x61: {  	_ =	shalt  }
0x62: {  	_ =	shalt  }
0x63: {  	_ =	shalt  }
0x64: {  	_ =	shalt  }
0x65: {  	_ =	shalt  }
0x66: {  	_ =	shalt  }
0x67: {  	_ =	shalt  }
0x68: {  	_ =	shalt  }
0x69: {  	_ =	shalt  }
0x6a: {  	_ =	shalt  }
0x6b: {  	_ =	shalt  }
0x6c: {  	_ =	shalt  }
0x6d: {  	_ =	shalt  }
0x6e: {  	_ =	shalt  }
0x6f: {  	_ =	shalt  }
0x70: {  	_ =	shalt  }
0x71: {  	_ =	shalt  }
0x72: {  	_ =	shalt  }
0x73: {  	_ =	shalt  }
0x74: {  	_ =	shalt  }
0x75: {  	_ =	shalt  }
0x76: {  	_ =	shalt  }
0x77: {  	_ =	shalt  }
0x78: {  	_ =	shalt  }
0x79: {  	_ =	shalt  }
0x7a: {  	_ =	shalt  }
0x7b: {  	_ =	shalt  }
0x7c: {  	_ =	shalt  }
0x7d: {  	_ =	shalt  }
0x7e: {  	_ =	shalt  }
0x7f: {  	_ =	shalt  }
0x80: {  	_ =	shalt  }
0x81: {  	_ =	shalt  }
0x82: {  	_ =	shalt  }
0x83: {  	_ =	shalt  }
0x84: {  	_ =	shalt  }
0x85: {  	_ =	shalt  }
0x86: {  	_ =	shalt  }
0x87: {  	_ =	shalt  }
.Lfunc_end0:
.L_simem_size_0:
called_computation_lowered:
.L_overlay_start_0:
0x88: {  	s2 =	sld [smem:$0x3FD9]  }
0x89: {  	s3 =	sld [smem:$0x3FFE];
	_ =	sdelay $0x1  }
0x8a: {  	s1 =	srdreg.scid  }
0x8b: {  	s0 =	sand.u32 $0x1, s1  }
0x8c: {  	s14 =	sshll.u32 s0, $0xA;
	s2 =	sadd.s32 s3, s2  }
0x8d: {  	s2 =	sadd.s32 s2, s14  }
0x8e: {  	[smem:$0x3FC2] =	sst s2  }
0x8f: {  	_ = 	snop  }
0x90: {  	s2 =	sld [smem:$0x3FD0];
	_ =	sdelay $0x2  }
0x91: {  	s4 =	simm.s32 $0xA;
	s5 =	simm.s32 $0x10;
	s15 =	sld [smem:$0x3FC9]  }
0x92: {  	[smem:s5], [sflag:s4] =	dma.local [hbm:s2], $0x1  }
0x93: {  	_ =	swait.eq [sflag:s4], $0x1  }
0x94: {  	[sflag:s4] =	ssyncset.done $0x0  }
0x95: {  	s16 =	sld [smem:$0x10];
	[sflag:s4] =	ssyncadd.s32 $0xFFFFFFFF  }
0x96: {  	s17 =	sld [smem:$0x11];
	(tm) =	ssettm $0x1  }
0x97: {  	s18 =	sld [smem:$0x3FFB];
	_ =	sdelay $0x3  }
0x98: {  	_ =	strace s18  }
0x99: {  	s5 =	sld [smem:$0x3FFC];
	_ =	sdelay $0x3  }
0x9a: {  	_ =	strace s5  }
0x9b: {  	s5 =	sld [smem:$0x3FFD];
	_ =	sdelay $0x3  }
0x9c: {  	_ =	strace s5  }
0x9d: {  	_ =	strace $0x8FFFFFFF  }
0x9e: {  	s19 =	sld [smem:$0x3FDB];
	_ =	sdelay $0x1  }
0x9f: {  	s6 =	simm.s32 $_scs_section_size  }
0xa0: {  	s7 =	simm.s32 $_size__tile_overlayer_lowered;
	s8 =	simm.s32 $_tile_overlayer_lowered  }
0xa1: {  	s22 =	simm.s32 $0x1BFF;
	s21 =	sshll.u32 s8, $0x1;
	s5 =	sadd.s32 s6, s19  }
0xa2: {  	s9 =	simm.s32 $0x0;
	s20 =	sshll.u32 s7, $0x1;
	s7 =	sadd.s32 s21, s5  }
0xa3: {  	[timem:s9], [sflag:s22] =	dma.local [hbm:s7], s20  }
0xa4: {  	_ =	swait.ge [sflag:s22], s20  }
0xa5: {  	s6 =	ssub.s32 $0x0, s20;
	[sflag:s22] =	ssyncset.done $0x0  }
0xa6: {  	[sflag:s22] =	ssyncadd.s32 s6;
	_ =	sdelay $0x1  }
0xa7: {  	s23 =	simm.s32 $0x1B8B  }
0xa8: {  	_ =	swait.ge [sflag:s23], $0x1  }
0xa9: {  	[sflag:s23] =	ssyncset.done $0x0  }
0xaa: {  	s25 =	simm.s32 $0x1B8E;
	s24 =	sld [smem:$0x3FFE];
	[sflag:s23] =	ssyncadd.s32 $0xFFFFFFFF  }
0xab: {  	s26 =	simm.s32 $execute0_lowered;
	[smem:$0x3FD2] =	sst s25  }
0xac: {  	s7 =	sshll.u32 s26, $0x1;
	_ =	strace $0x80000046;
	[dreg:$0x1] =	wrdreg $0xFFFFFFFF  }
0xad: {  	s28 =	simm.s32 $_size_execute0_lowered;
	s5 =	sadd.s32 s5, s7;
	[dreg:$0x0] =	wrdreg $0x0  }
0xae: {  	s7 =	sshll.u32 s28, $0x1;
	[dreg:$0x2] =	wrdreg s5  }
0xaf: {  	[dreg:$0x3] =	wrdreg s7  }
0xb0: {  	[dreg:$0x4] =	wrdreg $0xC0  }
0xb1: {  	_ =	task [dreg:s9], $0x5FFFF  }
0xb2: {  	[dreg:$0x1] =	wrdreg $0xFFFFFFFF  }
0xb3: {  	[dreg:$0x0] =	wrdreg $0x60  }
0xb4: {  	[dreg:$0x2] =	wrdreg s15  }
0xb5: {  	[dreg:$0x3] =	wrdreg s24  }
0xb6: {  	[dreg:$0x4] =	wrdreg s16  }
0xb7: {  	[dreg:$0x5] =	wrdreg s17  }
0xb8: {  	[dreg:$0x6] =	wrdreg $0x1E4000  }
0xb9: {  	[dreg:$0x7] =	wrdreg $0x9  }
0xba: {  	_ =	task.clear_ibuf [dreg:s9], $0x8FFFF;
	_ =	strace $0x90000046  }
0xbb: {  	s29 =	simm.s32 $0x9;
	_ =	strace $0x80000048  }
0xbc: {  	_ =	swait.ge [sflag:s29], $0x1  }
0xbd: {  	[sflag:s29] =	ssyncadd.s32 $0xFFFFFFFF  }
0xbe: {  	_ =	strace $0x90000048  }
0xbf: {  	_ =	sfence  }
0xc0: {  	s30 =	sld [smem:$0x0];
	_ =	sdelay $0x2  }
0xc1: {  	s31 =	sshll.u32 s1, $0xD;
	s1 =	sshrl.u32 s1, $0x2  }
0xc2: {  	s3 =	sand.u32 $0x4000, s31;
	s1 =	sadd.s32 s1, s30  }
0xc3: {  	s0 =	sor.u32 s3, s0;
	s1 =	sshll.u32 s1, $0x11  }
0xc4: {  	s0 =	sor.u32 s1, s0  }
0xc5: {  	s0 =	sadd.s32 $0x8F2B, s0  }
0xc6: {  	[sflag:s0] =	ssyncadd.remote.s32 $0x1  }
0xc7: {  	_ =	sfence.sel $0xFFFF  }
0xc8: {  	[dreg:$0x0] =	wrdreg $0xFFFFFFFF;
	(pc) =	sbr.abs _section_cstart, $3  }
0xc9: {  	[dreg:$0x1] =	wrdreg $0xFFFFFFFF  }
0xca: {  	_ =	task.clear_ibuf [dreg:s9], $0x2FFFF;
	_ =	strace $0x9FFFFFFF  }
0xcb: {  	(tm) =	ssettm $0x7FFFFFFF  }
tec
execute0_lowered:
.L_overlay_start_1:
0x0: {  	(tag) =	ssettag $0x1  }
0x1: {  	s7 =	rddreg [dreg:$0x0];
	s8 =	stileid.u32  }
0x2: {  	s0 =	rddreg [dreg:$0x1];
	s3 =	smul.u32 $0x180, s8  }
0x3: {  	s9 =	rddreg [dreg:$0x4];
	s6 =	simm.s32 $0x0;
	s31 =	smul.u32 $0xD80, s8  }
0x4: {  	[smem:$0x7FF] =	sst s6;
	s3 =	sadd.s32 s3, s0;
	s0 =	sadd.s32 $0x1C00, s0  }
0x5: {  	_ =	strace $0x80000047;
	s10 =	sadd.s32 s31, s9;
	[dreg:$0x7] =	wrdreg s0  }
0x6: {  	s11 =	sadd.s32 $0x1000, s31;
	[dreg:$0xb] =	wrdreg s10  }
0x7: {  	s12 =	sadd.s32 $0x1B0, s31;
	[dreg:$0xc] =	wrdreg s11  }
0x8: {  	s1 =	srdreg.scid;
	s16 =	sadd.s32 $0x1B1, s31;
	[dreg:$0xf] =	wrdreg s12  }
0x9: {  	s1 =	sand.u32 $0x1, s1;
	s17 =	sadd.s32 $0x1B2, s31;
	[dreg:$0x10] =	wrdreg s16  }
0xa: {  	s2 =	sshll.u32 s8, $0x1;
	s18 =	sadd.s32 $0x1B3, s31;
	[dreg:$0x11] =	wrdreg s17  }
0xb: {  	s2 =	sor.u32 s1, s2;
	s19 =	sadd.s32 $0x1B4, s31;
	[dreg:$0x12] =	wrdreg s18  }
0xc: {  	s1 =	ssub.s32 $0x2, s1;
	s20 =	sadd.s32 $0x1B5, s31;
	[dreg:$0x13] =	wrdreg s19  }
0xd: {  	s13 =	smul.u32 $0x32, s2;
	s21 =	sadd.s32 $0x1B6, s31;
	[dreg:$0x14] =	wrdreg s20  }
0xe: {  	s2 =	sshll.u32 s2, $0xC;
	s22 =	sadd.s32 $0x1B7, s31;
	[dreg:$0x15] =	wrdreg s21  }
0xf: {  	s30 =	sshrl.u32 s1, $0x1;
	s23 =	sadd.s32 $0x1B8, s31;
	[dreg:$0x16] =	wrdreg s22  }
0x10: {  	s2 =	sand.u32 $0x3000, s2;
	s8 =	sadd.s32 $0x400, s3;
	[dreg:$0x17] =	wrdreg s23  }
0x11: {  	s4 =	sshll.u32 s13, $0x8;
	s5 =	sshll.u32 s13, $0x1;
	[dreg:$0xa] =	wrdreg s8  }
0x12: {  	s14 =	sadd.s32 $0x2, s13;
	[dreg:$0x6] =	wrdreg s13;
	s4 =	sand.u32 $0x7C000, s4  }
0x13: {  	s28 =	sand.u32 $0x70, s5;
	s5 =	ssub.s32 s1, s30;
	s2 =	sor.u32 s2, s4  }
0x14: {  	[dreg:$0xd] =	wrdreg s14;
	s0 =	smax.u32 s5, $0x1;
	s2 =	sor.u32 s28, s2  }
0x15: {  	[dreg:$0xe] =	wrdreg s0;
	s1 =	sadd.s32 s7, s2  }
0x16: {  	s2 =	sadd.s32 $0x800, s1;
	[dreg:$0x8] =	wrdreg s1  }
0x17: {  	s24 =	sadd.s32 $0x80, s1;
	[dreg:$0x9] =	wrdreg s2  }
0x18: {  	s25 =	sadd.s32 $0x100, s1;
	[dreg:$0x18] =	wrdreg s24  }
0x19: {  	s26 =	sadd.s32 $0x180, s1;
	[dreg:$0x19] =	wrdreg s25  }
0x1a: {  	s28 =	sadd.s32 $0x200, s1;
	[dreg:$0x1a] =	wrdreg s26  }
0x1b: {  	s30 =	sadd.s32 $0x280, s1;
	[dreg:$0x1b] =	wrdreg s28  }
0x1c: {  	s31 =	sadd.s32 $0x300, s1;
	[dreg:$0x1c] =	wrdreg s30  }
0x1d: {  	s3 =	sadd.s32 $0x400, s1;
	[dreg:$0x1d] =	wrdreg s31  }
0x1e: {  	s4 =	sadd.s32 $0x480, s1;
	[dreg:$0x1f] =	wrdreg s3  }
0x1f: {  	s5 =	sadd.s32 $0x500, s1;
	[smem:$0x7E8] =	sst s4  }
0x20: {  	s7 =	sadd.s32 $0x580, s1;
	[smem:$0x7E9] =	sst s5  }
0x21: {  	s8 =	sadd.s32 $0x600, s1;
	[smem:$0x7EA] =	sst s7  }
0x22: {  	s9 =	sadd.s32 $0x680, s1;
	[smem:$0x7EB] =	sst s8  }
0x23: {  	s10 =	sadd.s32 $0x700, s1;
	[smem:$0x7EC] =	sst s9  }
0x24: {  	s11 =	sadd.s32 $0x780, s1;
	[smem:$0x7ED] =	sst s10  }
0x25: {  	s12 =	sadd.s32 $0x880, s1;
	[smem:$0x7EE] =	sst s11  }
0x26: {  	s16 =	sadd.s32 $0x900, s1;
	[smem:$0x7EF] =	sst s12  }
0x27: {  	s17 =	sadd.s32 $0x980, s1;
	[smem:$0x7F0] =	sst s16  }
0x28: {  	s18 =	sadd.s32 $0xA00, s1;
	[smem:$0x7F1] =	sst s17  }
0x29: {  	s19 =	sadd.s32 $0xA80, s1;
	[smem:$0x7F2] =	sst s18  }
0x2a: {  	s20 =	sadd.s32 $0xB00, s1;
	[smem:$0x7F3] =	sst s19  }
0x2b: {  	s21 =	sadd.s32 $0xB80, s1;
	[smem:$0x7F4] =	sst s20  }
0x2c: {  	s22 =	sadd.s32 $0xC00, s1;
	[smem:$0x7F5] =	sst s21  }
0x2d: {  	s23 =	sadd.s32 $0xC80, s1;
	[smem:$0x7F6] =	sst s22  }
0x2e: {  	s2 =	sadd.s32 $0x380, s1;
	[smem:$0x7F7] =	sst s23  }
0x2f: {  	s24 =	sadd.s32 $0xD00, s1;
	[dreg:$0x1e] =	wrdreg s2  }
0x30: {  	s29 =	simm.s32 $0x80;
	s25 =	sadd.s32 $0xD80, s1;
	[smem:$0x7F8] =	sst s24  }
0x31: {  	s15 =	sadd.s32 $0x32, s13;
	s26 =	sadd.s32 $0xE00, s1;
	[smem:$0x7F9] =	sst s25  }
0x32: {  	s28 =	sadd.s32 $0xE80, s1;
	s30 =	sadd.s32 $0xF00, s1;
	[smem:$0x7FA] =	sst s26  }
0x33: {  	s31 =	sadd.s32 $0xF80, s1;
	s16 =	simm.s32 $0x7;
	[smem:$0x7FB] =	sst s28  }
0x34: {  	v0 =	vlaneseq.u32;
	s1 =	simm.s32 $0x1000;
	s5 =	simm.s32 $0x320000;
	[smem:$0x7FC] =	sst s30  }
0x35: {  	v0 =	vmul.u32 $0x9, v0;
	s3 =	simm.s32 $0x0;
	[smem:$0x7FD] =	sst s31;
	s24 =	simm.s32 $0x2  }
.LBB2_1:
0x36: {  	[smem:$0x7E7] =	sst s3  }
0x37: {  	s0 =	rddreg [dreg:$0x8]  }
0x38: {  	s21 =	rddreg [dreg:$0x18]  }
0x39: {  	[tilespmem:s6], [sflag:$0x1] =	stream.linear.gather [hbm4b:s0+s6], $0x80, $0x38;
	[tilespmem:$0x1F180] =	vst v63  }
0x3a: {  	s2 =	simm.s32 $0x100;
	s22 =	rddreg [dreg:$0x19]  }
0x3b: {  	[tilespmem:s2], [sflag:$0x1] =	stream.linear.gather [hbm4b:s21+s6], $0x80, $0x38;
	[tilespmem:$0x1F180] =	vst v63  }
0x3c: {  	s23 =	simm.s32 $0x200;
	s25 =	rddreg [dreg:$0x1a]  }
0x3d: {  	[tilespmem:s23], [sflag:$0x1] =	stream.linear.gather [hbm4b:s22+s6], $0x80, $0x38;
	[tilespmem:$0x1F180] =	vst v63  }
0x3e: {  	s26 =	simm.s32 $0x300;
	s28 =	rddreg [dreg:$0x1b]  }
0x3f: {  	[tilespmem:s26], [sflag:$0x1] =	stream.linear.gather [hbm4b:s25+s6], $0x80, $0x38;
	[tilespmem:$0x1F180] =	vst v63  }
0x40: {  	s31 =	simm.s32 $0x400;
	s4 =	rddreg [dreg:$0x1d]  }
0x41: {  	[tilespmem:s31], [sflag:$0x1] =	stream.linear.gather [hbm4b:s28+s6], $0x80, $0x38;
	[tilespmem:$0x1F180] =	vst v63  }
0x42: {  	s3 =	simm.s32 $0x500;
	s2 =	rddreg [dreg:$0x1c]  }
0x43: {  	[tilespmem:s3], [sflag:$0x1] =	stream.linear.gather [hbm4b:s2+s6], $0x80, $0x38;
	[tilespmem:$0x1F180] =	vst v63  }
0x44: {  	s7 =	simm.s32 $0x600;
	s8 =	rddreg [dreg:$0x1e]  }
0x45: {  	[tilespmem:s7], [sflag:$0x1] =	stream.linear.gather [hbm4b:s4+s6], $0x80, $0x38;
	[tilespmem:$0x1F180] =	vst v63  }
0x46: {  	s9 =	simm.s32 $0x700;
	s10 =	rddreg [dreg:$0x1f]  }
0x47: {  	[tilespmem:s9], [sflag:$0x1] =	stream.linear.gather [hbm4b:s8+s6], $0x80, $0x38;
	[tilespmem:$0x1F180] =	vst v63  }
0x48: {  	s11 =	simm.s32 $0x800;
	s12 =	sld [smem:$0x7E8]  }
0x49: {  	[tilespmem:s11], [sflag:$0x1] =	stream.linear.gather [hbm4b:s10+s6], $0x80, $0x38;
	[tilespmem:$0x1F180] =	vst v63  }
0x4a: {  	s13 =	simm.s32 $0x900;
	s14 =	sld [smem:$0x7E9]  }
0x4b: {  	[tilespmem:s13], [sflag:$0x1] =	stream.linear.gather [hbm4b:s12+s6], $0x80, $0x38;
	[tilespmem:$0x1F180] =	vst v63  }
0x4c: {  	s17 =	simm.s32 $0xA00;
	s18 =	sld [smem:$0x7EA]  }
0x4d: {  	[tilespmem:s17], [sflag:$0x1] =	stream.linear.gather [hbm4b:s14+s6], $0x80, $0x38;
	[tilespmem:$0x1F180] =	vst v63  }
0x4e: {  	s19 =	simm.s32 $0xB00;
	s20 =	sld [smem:$0x7EB]  }
0x4f: {  	[tilespmem:s19], [sflag:$0x1] =	stream.linear.gather [hbm4b:s18+s6], $0x80, $0x38;
	[tilespmem:$0x1F180] =	vst v63  }
0x50: {  	s21 =	simm.s32 $0xC00;
	s22 =	sld [smem:$0x7EC]  }
0x51: {  	[tilespmem:s21], [sflag:$0x1] =	stream.linear.gather [hbm4b:s20+s6], $0x80, $0x38;
	[tilespmem:$0x1F180] =	vst v63  }
0x52: {  	s23 =	simm.s32 $0xD00;
	s25 =	sld [smem:$0x7ED]  }
0x53: {  	[tilespmem:s23], [sflag:$0x1] =	stream.linear.gather [hbm4b:s22+s6], $0x80, $0x38;
	[tilespmem:$0x1F180] =	vst v63  }
0x54: {  	s26 =	simm.s32 $0xE00;
	s28 =	sld [smem:$0x7EE]  }
0x55: {  	[tilespmem:s26], [sflag:$0x1] =	stream.linear.gather [hbm4b:s25+s6], $0x80, $0x38;
	[tilespmem:$0x1F180] =	vst v63  }
0x56: {  	s31 =	simm.s32 $0xF00;
	s3 =	rddreg [dreg:$0x9]  }
0x57: {  	[tilespmem:s31], [sflag:$0x1] =	stream.linear.gather [hbm4b:s28+s6], $0x80, $0x38;
	[tilespmem:$0x1F180] =	vst v63  }
0x58: {  	s4 =	sld [smem:$0x7EF]  }
0x59: {  	[tilespmem:s29], [sflag:$0x2] =	stream.linear.gather [hbm4b:s3+s6], $0x80, $0x38;
	[tilespmem:$0x1F180] =	vst v63  }
0x5a: {  	s7 =	simm.s32 $0x180;
	s8 =	sld [smem:$0x7F0]  }
0x5b: {  	[tilespmem:s7], [sflag:$0x2] =	stream.linear.gather [hbm4b:s4+s6], $0x80, $0x38;
	[tilespmem:$0x1F180] =	vst v63  }
0x5c: {  	s9 =	simm.s32 $0x280;
	s10 =	sld [smem:$0x7F1]  }
0x5d: {  	[tilespmem:s9], [sflag:$0x2] =	stream.linear.gather [hbm4b:s8+s6], $0x80, $0x38;
	[tilespmem:$0x1F180] =	vst v63  }
0x5e: {  	s11 =	simm.s32 $0x380;
	s12 =	sld [smem:$0x7F2]  }
0x5f: {  	[tilespmem:s11], [sflag:$0x2] =	stream.linear.gather [hbm4b:s10+s6], $0x80, $0x38;
	[tilespmem:$0x1F180] =	vst v63  }
0x60: {  	s13 =	simm.s32 $0x480;
	s14 =	sld [smem:$0x7F3]  }
0x61: {  	[tilespmem:s13], [sflag:$0x2] =	stream.linear.gather [hbm4b:s12+s6], $0x80, $0x38;
	[tilespmem:$0x1F180] =	vst v63  }
0x62: {  	s17 =	simm.s32 $0x580;
	s18 =	sld [smem:$0x7F4]  }
0x63: {  	[tilespmem:s17], [sflag:$0x2] =	stream.linear.gather [hbm4b:s14+s6], $0x80, $0x38;
	[tilespmem:$0x1F180] =	vst v63  }
0x64: {  	s19 =	simm.s32 $0x680;
	s20 =	sld [smem:$0x7F5]  }
0x65: {  	[tilespmem:s19], [sflag:$0x2] =	stream.linear.gather [hbm4b:s18+s6], $0x80, $0x38;
	[tilespmem:$0x1F180] =	vst v63  }
0x66: {  	s21 =	simm.s32 $0x780;
	s22 =	sld [smem:$0x7F6]  }
0x67: {  	[tilespmem:s21], [sflag:$0x2] =	stream.linear.gather [hbm4b:s20+s6], $0x80, $0x38;
	[tilespmem:$0x1F180] =	vst v63  }
0x68: {  	s23 =	simm.s32 $0x880;
	s25 =	sld [smem:$0x7F7]  }
0x69: {  	[tilespmem:s23], [sflag:$0x2] =	stream.linear.gather [hbm4b:s22+s6], $0x80, $0x38;
	[tilespmem:$0x1F180] =	vst v63  }
0x6a: {  	s26 =	simm.s32 $0x980;
	s28 =	sld [smem:$0x7F8]  }
0x6b: {  	[tilespmem:s26], [sflag:$0x2] =	stream.linear.gather [hbm4b:s25+s6], $0x80, $0x38;
	[tilespmem:$0x1F180] =	vst v63  }
0x6c: {  	s31 =	simm.s32 $0xA80;
	s3 =	sld [smem:$0x7F9]  }
0x6d: {  	[tilespmem:s31], [sflag:$0x2] =	stream.linear.gather [hbm4b:s28+s6], $0x80, $0x38;
	[tilespmem:$0x1F180] =	vst v63  }
0x6e: {  	s4 =	simm.s32 $0xB80;
	s7 =	sld [smem:$0x7FA]  }
0x6f: {  	[tilespmem:s4], [sflag:$0x2] =	stream.linear.gather [hbm4b:s3+s6], $0x80, $0x38;
	[tilespmem:$0x1F180] =	vst v63  }
0x70: {  	s8 =	simm.s32 $0xC80;
	s9 =	sld [smem:$0x7FB]  }
0x71: {  	[tilespmem:s8], [sflag:$0x2] =	stream.linear.gather [hbm4b:s7+s6], $0x80, $0x38;
	[tilespmem:$0x1F180] =	vst v63  }
0x72: {  	s10 =	simm.s32 $0xD80;
	s11 =	sld [smem:$0x7FC]  }
0x73: {  	[tilespmem:s10], [sflag:$0x2] =	stream.linear.gather [hbm4b:s9+s6], $0x80, $0x38;
	[tilespmem:$0x1F180] =	vst v63  }
0x74: {  	s12 =	simm.s32 $0xE80;
	s13 =	sld [smem:$0x7FD]  }
0x75: {  	[tilespmem:s12], [sflag:$0x2] =	stream.linear.gather [hbm4b:s11+s6], $0x80, $0x38;
	[tilespmem:$0x1F180] =	vst v63  }
0x76: {  	s14 =	simm.s32 $0xF80  }
0x77: {  	[tilespmem:s14], [sflag:$0x2] =	stream.linear.gather [hbm4b:s13+s6], $0x80, $0x38;
	[tilespmem:$0x1F180] =	vst v63  }
0x78: {  	s17 =	rddreg [dreg:$0x7];
	s18 =	simm.s32 $0x1B400  }
0x79: {  	[tilespmem:s18], [sflag:$0x7] =	stream.linear.gather [hbm4b:s17+s6], $0x3000, $0x38;
	[tilespmem:$0x1F180] =	vst v63  }
0x7a: {  	_ =	swait.ge [sflag:s16], $0x3000  }
0x7b: {  	[sflag:s16] =	ssyncset.done $0x0  }
0x7c: {  	s20 =	simm.s32 $0xE800;
	s19 =	rddreg [dreg:$0xa];
	[sflag:s16] =	ssyncadd.s32 $0xFFFFD000  }
0x7d: {  	[tilespmem:s20], [sflag:$0x7] =	stream.linear.gather [hbm4b:s19+s6], $0xC00, $0x38;
	[tilespmem:$0x1F180] =	vst v63  }
0x7e: {  	_ =	swait.ge [sflag:s16], $0xC00  }
0x7f: {  	[sflag:s16] =	ssyncset.done $0x0  }
0x80: {  	[sflag:s16] =	ssyncadd.s32 $0xFFFFF400  }
0x81: {  	v6 =	vld [tilespmem:$0x1B400]  }
0x82: {  	v7 =	vld [tilespmem:$0x1B480]  }
0x83: {  	v8 =	vld [tilespmem:$0x1B500]  }
0x84: {  	v9 =	vld [tilespmem:$0x1B580]  }
0x85: {  	v5 =	vld [tilespmem:$0x1B600]  }
0x86: {  	v4 =	vld [tilespmem:$0x1B680]  }
0x87: {  	s21 =	sand.u32 $0xC00, s6;
	s22 =	simm.s32 $0x30;
	v3 =	vld [tilespmem:$0x1B700]  }
0x88: {  	s23 =	sand.u32 $0x70, s22;
	s4 =	sadd.s32 $0xE800, s21;
	v2 =	vld [tilespmem:$0x1B780]  }
0x89: {  	s25 =	sor.u32 s23, s4;
	v1 =	vld [tilespmem:$0x1D800]  }
0x8a: {  	s26 =	sand.u32 $0x40, s6;
	v10 =	vld [tilespmem:s25+$0x0]  }
0x8b: {  	s7 =	sor.u32 s26, s4;
	v11 =	vld [tilespmem:s25+$0x80]  }
0x8c: {  	s8 =	sand.u32 $0x7, s6;
	v12 =	vld [tilespmem:s7+$0x0]  }
0x8d: {  	s28 =	simm.s32 $0x10;
	s8 =	sshll.u32 s8, $0x4;
	v13 =	vld [tilespmem:s25+$0x100]  }
0x8e: {  	s9 =	sand.u32 $0x50, s28;
	s8 =	sadd.s32 $0x0, s8;
	v14 =	vld [tilespmem:s7+$0x80]  }
0x8f: {  	s9 =	sor.u32 s9, s4;
	s10 =	sadd.s32 $0x30, s8;
	v15 =	vld [tilespmem:s25+$0x180]  }
0x90: {  	s11 =	sor.u32 $0x200, s10;
	v16 =	vld [tilespmem:s9+$0x0];
	v10 =	vmul.f32 v10, v6;
	v11 =	vmul.f32 v11, v7  }
0x91: {  	s2 =	simm.s32 $0x20;
	v17 =	vld [tilespmem:s11+$0xE800]  }
0x92: {  	s31 =	sand.u32 $0x60, s2;
	s12 =	sor.u32 $0x280, s10;
	v18 =	vld [tilespmem:s9+$0x80];
	v10 =	vadd.f32 v11, v10;
	v11 =	vmul.f32 v13, v8  }
0x93: {  	s4 =	sor.u32 s31, s4;
	v13 =	vld [tilespmem:s12+$0xE800]  }
0x94: {  	s10 =	sor.u32 $0x300, s10;
	v19 =	vld [tilespmem:s4+$0x0];
	v10 =	vadd.f32 v11, v10;
	v11 =	vmul.f32 v15, v9  }
0x95: {  	v15 =	vld [tilespmem:s10+$0xE800]  }
0x96: {  	s3 =	sor.u32 s22, s6;
	v20 =	vld [tilespmem:s4+$0x80];
	v10 =	vadd.f32 v11, v10;
	v11 =	vmul.f32 v17, v5  }
0x97: {  	s3 =	sor.u32 $0x380, s3;
	v21 =	vld [tilespmem:s7+$0x100]  }
0x98: {  	p0 =	por $0x0, $0x0;
	s2 =	sor.u32 s2, s6;
	v17 =	vld [tilespmem:s3+$0xE800];
	v10 =	vadd.f32 v11, v10;
	v11 =	vmul.f32 v13, v4  }
0x99: {  	s0 =	sor.u32 s28, s6;
	s21 =	simm.s32 $0x0;
	s28 =	sor.u32 s6, s6;
	v22 =	vld [tilespmem:s4+$0x100];
	v12 =	vmul.f32 v12, v6;
	v13 =	vmul.f32 v14, v7  }
0x9a: {  	s8 =	sadd.s32 $0x10, s8;
	s30 =	sor.u32 $0x380, s28;
	s13 =	sand.u32 $0x3, s6;
	v14 =	vld [tilespmem:s9+$0x100];
	v10 =	vadd.f32 v11, v10;
	v11 =	vmul.f32 v15, v3  }
0x9b: {  	s22 =	rddreg [dreg:$0xf];
	s10 =	sshll.u32 s13, $0x5;
	s3 =	simm.s32 $0x1;
	v12 =	vadd.f32 v13, v12;
	v13 =	vmul.f32 v16, v6;
	v15 =	vmul.f32 v18, v7;
	v16 =	vld [tilespmem:s7+$0x180]  }
0x9c: {  	s16 =	sadd.s32 $0xFFFFFE50, s22;
	v25 =	vadd.s32 s22, v0;
	s10 =	sadd.s32 $0x0, s10;
	s3 =	simm.s32 @!p0 $0x0;
	v18 =	vmul.f32 v19, v6;
	v19 =	vmul.f32 v20, v7;
	v20 =	vld [tilespmem:s9+$0x180]  }
0x9d: {  	v23 =	vld [tilespmem:s4+$0x180];
	v21 =	vmul.f32 v21, v8;
	s13 =	sor.u32 $0x200, s8;
	s10 =	sadd.s32 $0x20, s10;
	s3 =	sshll.u32 s3, $0x6;
	v17 =	vmul.f32 v17, v2;
	v11 =	vadd.f32 v11, v10  }
0x9e: {  	s19 =	sor.u32 $0x280, s8;
	v26 =	vld [tilespmem:s13+$0xE800];
	s17 =	sor.u32 $0x200, s10;
	s3 =	sadd.s32 $0x0, s3;
	v10 =	vadd.s32 s16, v0;
	v24 =	vadd.f32 v15, v13;
	v19 =	vadd.f32 v19, v18  }
0x9f: {  	s26 =	sadd.s32 $0xFFFFFEE0, s22;
	s31 =	sadd.s32 $0xFFFFFF70, s22;
	s14 =	sor.u32 $0x200, s3;
	v12 =	vadd.f32 v21, v12;
	v13 =	vld [tilespmem:s17+$0xE800];
	v14 =	vmul.f32 v14, v8;
	v17 =	vadd.f32 v17, v11  }
0xa0: {  	s11 =	sor.u32 $0x300, s8;
	s12 =	sor.u32 $0x380, s2;
	s2 =	simm.s32 $0x0;
	v21 =	vmul.f32 v22, v8;
	v15 =	vld [tilespmem:s14+$0xE800];
	v11 =	vadd.s32 s26, v0;
	v16 =	vmul.f32 v16, v9  }
0xa1: {  	s8 =	simm.s32 $0x0;
	s13 =	sor.u32 $0x380, s0;
	s18 =	sor.u32 $0x280, s10;
	v18 =	vld [tilespmem:s19+$0xE800];
	v22 =	vadd.f32 v14, v24;
	v63 =	vmul.f32 v20, v9;
	v17 =	vadd.f32 v17, v1  }
0xa2: {  	s23 =	sor.u32 $0x300, s10;
	p0 =	por !p0, !p0;
	s20 =	sor.u32 $0x280, s3;
	v19 =	vadd.f32 v21, v19;
	v20 =	vmul.f32 v23, v9;
	v14 =	vadd.f32 v16, v12;
	v16 =	vld [tilespmem:s18+$0xE800]  }
0xa3: {  	s10 =	simm.s32 $0x0;
	s25 =	sor.u32 $0x300, s3;
	s3 =	simm.s32 $0x0;
	v12 =	vadd.s32 s31, v0;
	v21 =	vadd.f32 v63, v22;
	v22 =	vmul.f32 v26, v5;
	[tilespmem:v25+s1+$0x0] =	vst.idx.msk $0xffff, v17;
	v17 =	vld [tilespmem:s20+$0xE800]  }
.LBB2_2:
0xa4: {  	s0 =	simm.s32 $0x1  }
0xa5: {  	v23 =	vld [tilespmem:s11+$0xE800];
	v19 =	vadd.f32 v20, v19;
	v13 =	vmul.f32 v13, v5;
	s2 =	sadd.s32 $0x2, s2;
	s0 =	simm.s32 @!p0 $0x0  }
0xa6: {  	s4 =	sand.u32 $0x3, s2;
	v15 =	vmul.f32 v15, v5;
	v20 =	vadd.f32 v22, v21;
	s0 =	sshll.u32 s0, $0x6;
	v21 =	vld [tilespmem:s23+$0xE800]  }
0xa7: {  	s3 =	sadd.s32 $0x200, s3;
	s8 =	sadd.s32 $0x40, s8;
	s4 =	sshll.u32 s4, $0x5;
	v18 =	vmul.f32 v18, v4;
	v13 =	vadd.f32 v13, v19;
	v22 =	vld [tilespmem:s25+$0xE800]  }
0xa8: {  	s9 =	sand.u32 $0xC00, s3;
	s7 =	sadd.s32 $0x10, s8;
	s28 =	sadd.s32 $0x30, s8;
	v14 =	vadd.f32 v15, v14;
	v16 =	vmul.f32 v16, v4;
	v15 =	vld [tilespmem:s13+$0xE800]  }
0xa9: {  	s21 =	sadd.s32 $0x4, s21;
	s11 =	sadd.s32 $0xE800, s9;
	s9 =	sand.u32 $0x70, s28;
	v17 =	vmul.f32 v17, v4;
	v18 =	vadd.f32 v18, v20;
	v19 =	vld [tilespmem:s12+$0xE800]  }
0xaa: {  	p1 =	slt.u32 s21, $0x14;
	s13 =	sor.u32 s9, s11;
	s12 =	sadd.s32 $0x20, s8;
	v23 =	vmul.f32 v23, v3;
	v13 =	vadd.f32 v16, v13;
	v20 =	vld [tilespmem:s30+$0xE800]  }
0xab: {  	s16 =	sand.u32 $0x50, s7;
	s9 =	sand.u32 $0x40, s8;
	s17 =	sand.u32 $0x60, s12;
	v14 =	vadd.f32 v17, v14;
	v16 =	vld [tilespmem:s13+$0x0];
	v17 =	vmul.f32 v21, v3  }
0xac: {  	s10 =	sadd.s32 $0x4, s10;
	s18 =	sor.u32 s9, s11;
	s9 =	sor.u32 s16, s11;
	v18 =	vadd.f32 v23, v18;
	v21 =	vld [tilespmem:s13+$0x80];
	v22 =	vmul.f32 v22, v3  }
0xad: {  	s4 =	sadd.s32 s3, s4;
	s16 =	sand.u32 $0x7, s10;
	s17 =	sor.u32 s17, s11;
	v23 =	vld [tilespmem:s18+$0x0];
	v15 =	vmul.f32 v15, v2;
	v13 =	vadd.f32 v17, v13  }
0xae: {  	s25 =	sadd.s32 s0, s3;
	s23 =	sadd.s32 $0x20, s4;
	s11 =	sshll.u32 s16, $0x4;
	v17 =	vld [tilespmem:s13+$0x100];
	v14 =	vadd.f32 v22, v14;
	v19 =	vmul.f32 v19, v2  }
0xaf: {  	s26 =	sor.u32 $0x200, s25;
	s19 =	sor.u32 $0x200, s23;
	s0 =	sadd.s32 s3, s11;
	v22 =	vld [tilespmem:s18+$0x80];
	v20 =	vmul.f32 v20, v2;
	v15 =	vadd.f32 v15, v18  }
0xb0: {  	s16 =	sor.u32 $0x280, s23;
	s11 =	sadd.s32 $0x10, s0;
	s14 =	sadd.s32 $0x30, s0;
	v18 =	vld [tilespmem:s13+$0x180];
	v13 =	vadd.f32 v19, v13  }
0xb1: {  	s4 =	sor.u32 $0x200, s11;
	s0 =	sor.u32 $0x280, s11;
	v16 =	vmul.f32 v16, v6;
	s13 =	sor.u32 $0x200, s14;
	v19 =	vld [tilespmem:s9+$0x0];
	v21 =	vmul.f32 v21, v7;
	v14 =	vadd.f32 v20, v14  }
0xb2: {  	s20 =	sor.u32 $0x280, s25;
	s23 =	sor.u32 $0x300, s23;
	s11 =	sor.u32 $0x300, s11;
	v15 =	vadd.f32 v15, v1;
	v20 =	vmul.f32 v23, v6;
	v23 =	vld [tilespmem:s13+$0xE800];
	v13 =	vadd.f32 v13, v1  }
0xb3: {  	s7 =	sor.u32 s7, s3;
	s25 =	sor.u32 $0x300, s25;
	s30 =	sor.u32 $0x280, s14;
	v24 =	vld [tilespmem:s9+$0x80];
	v16 =	vadd.f32 v21, v16;
	v17 =	vmul.f32 v17, v8;
	v14 =	vadd.f32 v14, v1  }
0xb4: {  	s31 =	sor.u32 s8, s3;
	s13 =	sor.u32 $0x380, s7;
	s7 =	sor.u32 s12, s3;
	v21 =	vmul.f32 v22, v7;
	v22 =	vld [tilespmem:s30+$0xE800];
	[tilespmem:v11+s1+$0x0] =	vst.idx.msk $0xffff, v15  }
0xb5: {  	s12 =	sor.u32 $0x380, s7;
	s7 =	sor.u32 $0x300, s14;
	s30 =	sor.u32 $0x380, s31;
	v11 =	vld [tilespmem:s17+$0x0];
	v15 =	vadd.f32 v17, v16;
	v16 =	vmul.f32 v18, v9;
	[tilespmem:v10+s1+$0x0] =	vst.idx.msk $0xffff, v14  }
0xb6: {  	v14 =	vadd.f32 v21, v20;
	v10 =	vmul.f32 v19, v6;
	v17 =	vld [tilespmem:s7+$0xE800];
	s7 =	sor.u32 s28, s3;
	[tilespmem:v12+s1+$0x0] =	vst.idx.msk $0xffff, v13  }
0xb7: {  	v12 =	vld [tilespmem:s17+$0x80];
	v13 =	vadd.f32 v16, v15;
	v15 =	vmul.f32 v23, v5;
	s7 =	sor.u32 $0x380, s7  }
0xb8: {  	v16 =	vmul.f32 v24, v7;
	v18 =	vld [tilespmem:s7+$0xE800]  }
0xb9: {  	v19 =	vld [tilespmem:s18+$0x100];
	v13 =	vadd.f32 v15, v13;
	v15 =	vmul.f32 v22, v4  }
0xba: {  	v16 =	vadd.f32 v16, v10;
	v20 =	vld [tilespmem:s9+$0x100];
	v10 =	vmul.f32 v11, v6  }
0xbb: {  	v21 =	vld [tilespmem:s17+$0x100];
	v11 =	vadd.f32 v15, v13;
	v13 =	vmul.f32 v17, v3  }
0xbc: {  	v15 =	vld [tilespmem:s18+$0x180];
	v12 =	vmul.f32 v12, v7  }
0xbd: {  	s22 =	sadd.s32 $0x240, s22;
	v17 =	vld [tilespmem:s9+$0x180];
	v11 =	vadd.f32 v13, v11;
	v13 =	vmul.f32 v18, v2  }
0xbe: {  	s14 =	sadd.s32 $0xFFFFFF70, s22;
	v23 =	vadd.s32 s22, v0;
	s7 =	sadd.s32 $0xFFFFFE50, s22;
	s9 =	sadd.s32 $0xFFFFFEE0, s22;
	v18 =	vmul.f32 v19, v8;
	v12 =	vadd.f32 v12, v10;
	v22 =	vld [tilespmem:s17+$0x180]  }
0xbf: {  	v10 =	vadd.s32 s7, v0;
	v19 =	vmul.f32 v20, v8;
	v24 =	vld [tilespmem:s4+$0xE800];
	v20 =	vadd.f32 v13, v11  }
.Ltmp0:
0xc0: {  	v11 =	vadd.s32 s9, v0;
	v14 =	vadd.f32 v18, v14;
	v21 =	vmul.f32 v21, v8;
	v13 =	vld [tilespmem:s19+$0xE800];
	(pc) =	sbr.rel @p1 .LBB2_2-.Ltmp0, $4  }
0xc1: {  	v25 =	vmul.f32 v15, v9;
	v15 =	vld [tilespmem:s26+$0xE800];
	v26 =	vadd.f32 v19, v16;
	v27 =	vadd.f32 v20, v1  }
0xc2: {  	v28 =	vmul.f32 v17, v9;
	v18 =	vld [tilespmem:s0+$0xE800];
	v19 =	vadd.f32 v21, v12;
	v12 =	vadd.s32 s14, v0  }
0xc3: {  	v14 =	vadd.f32 v25, v14;
	v20 =	vmul.f32 v22, v9;
	v16 =	vld [tilespmem:s16+$0xE800];
	[tilespmem:v23+s1+$0x0] =	vst.idx.msk $0xffff, v27  }
0xc4: {  	p0 =	por !p0, !p0;
	v17 =	vld [tilespmem:s20+$0xE800];
	v21 =	vadd.f32 v28, v26;
	v22 =	vmul.f32 v24, v5  }
0xc5: {  	v6 =	vld [tilespmem:s11+$0xE800]  }
0xc6: {  	v7 =	vld [tilespmem:s23+$0xE800]  }
0xc7: {  	v8 =	vadd.f32 v20, v19;
	v9 =	vmul.f32 v13, v5;
	v13 =	vld [tilespmem:s25+$0xE800]  }
0xc8: {  	v5 =	vmul.f32 v15, v5;
	v15 =	vld [tilespmem:s13+$0xE800]  }
0xc9: {  	v19 =	vadd.f32 v22, v21;
	v18 =	vmul.f32 v18, v4;
	v8 =	vadd.f32 v9, v8;
	v9 =	vld [tilespmem:s30+$0xE800]  }
0xca: {  	v5 =	vadd.f32 v5, v14;
	v14 =	vmul.f32 v16, v4;
	v16 =	vld [tilespmem:s12+$0xE800];
	v4 =	vmul.f32 v17, v4  }
0xcb: {  	v17 =	vadd.f32 v18, v19;
	v6 =	vmul.f32 v6, v3  }
0xcc: {  	v8 =	vadd.f32 v14, v8;
	v4 =	vadd.f32 v4, v5;
	v5 =	vmul.f32 v13, v3  }
0xcd: {  	v3 =	vmul.f32 v7, v3;
	v7 =	vmul.f32 v15, v2;
	v6 =	vadd.f32 v6, v17  }
0xce: {  	v4 =	vadd.f32 v5, v4;
	v5 =	vmul.f32 v9, v2  }
0xcf: {  	v3 =	vadd.f32 v3, v8;
	v2 =	vmul.f32 v16, v2;
	v6 =	vadd.f32 v7, v6  }
0xd0: {  	v4 =	vadd.f32 v5, v4  }
0xd1: {  	v2 =	vadd.f32 v2, v3;
	v3 =	vadd.f32 v6, v1  }
0xd2: {  	v4 =	vadd.f32 v4, v1  }
0xd3: {  	v1 =	vadd.f32 v2, v1;
	[tilespmem:v11+s1+$0x0] =	vst.idx.msk $0xffff, v3  }
0xd4: {  	[tilespmem:v10+s1+$0x0] =	vst.idx.msk $0xffff, v4  }
0xd5: {  	[tilespmem:v12+s1+$0x0] =	vst.idx.msk $0xffff, v1  }
0xd6: {  	v6 =	vld [tilespmem:$0x1B800]  }
0xd7: {  	v7 =	vld [tilespmem:$0x1B880]  }
0xd8: {  	v8 =	vld [tilespmem:$0x1B900]  }
0xd9: {  	v9 =	vld [tilespmem:$0x1B980]  }
0xda: {  	s21 =	simm.s32 $0x0;
	v5 =	vld [tilespmem:$0x1BA00]  }
0xdb: {  	s3 =	simm.s32 $0x30;
	s0 =	sand.u32 $0xC00, s21;
	v4 =	vld [tilespmem:$0x1BA80]  }
0xdc: {  	s19 =	sand.u32 $0x70, s3;
	s4 =	sadd.s32 $0xE800, s0;
	v3 =	vld [tilespmem:$0x1BB00]  }
0xdd: {  	s2 =	sor.u32 s19, s4;
	v2 =	vld [tilespmem:$0x1BB80]  }
0xde: {  	s20 =	sand.u32 $0x40, s21;
	v10 =	vld [tilespmem:s2+$0x0]  }
0xdf: {  	s7 =	sor.u32 s20, s4;
	v11 =	vld [tilespmem:s2+$0x80]  }
0xe0: {  	s8 =	sand.u32 $0x7, s21;
	v12 =	vld [tilespmem:s7+$0x0]  }
0xe1: {  	s0 =	simm.s32 $0x10;
	s8 =	sshll.u32 s8, $0x4;
	v13 =	vld [tilespmem:s2+$0x100]  }
0xe2: {  	s9 =	sand.u32 $0x50, s0;
	s8 =	sadd.s32 $0x0, s8;
	v14 =	vld [tilespmem:s7+$0x80]  }
0xe3: {  	s9 =	sor.u32 s9, s4;
	s10 =	sadd.s32 $0x30, s8;
	v15 =	vld [tilespmem:s2+$0x180]  }
0xe4: {  	s22 =	sor.u32 $0x200, s10;
	v16 =	vld [tilespmem:s9+$0x0]  }
0xe5: {  	v17 =	vld [tilespmem:s22+$0xE800];
	v10 =	vmul.f32 v10, v6;
	v11 =	vmul.f32 v11, v7  }
0xe6: {  	s2 =	simm.s32 $0x20;
	v18 =	vld [tilespmem:s9+$0x80]  }
0xe7: {  	s25 =	sor.u32 $0x280, s10;
	v21 =	vld [tilespmem:s7+$0x100];
	s23 =	sand.u32 $0x60, s2;
	v10 =	vadd.f32 v11, v10;
	v11 =	vmul.f32 v13, v8  }
0xe8: {  	s4 =	sor.u32 s23, s4;
	v13 =	vld [tilespmem:s25+$0xE800]  }
0xe9: {  	v19 =	vld [tilespmem:s4+$0x0];
	v10 =	vadd.f32 v11, v10;
	v11 =	vmul.f32 v15, v9  }
0xea: {  	s10 =	sor.u32 $0x300, s10;
	v20 =	vld [tilespmem:s4+$0x80]  }
0xeb: {  	s3 =	sor.u32 s3, s21;
	v15 =	vld [tilespmem:s10+$0xE800];
	v10 =	vadd.f32 v11, v10;
	v11 =	vmul.f32 v17, v5  }
0xec: {  	s3 =	sor.u32 $0x380, s3;
	v22 =	vld [tilespmem:s4+$0x100];
	v12 =	vmul.f32 v12, v6;
	v14 =	vmul.f32 v14, v7  }
0xed: {  	p0 =	por $0x0, $0x0;
	s8 =	sadd.s32 $0x10, s8;
	v17 =	vld [tilespmem:s3+$0xE800];
	v10 =	vadd.f32 v11, v10;
	v11 =	vmul.f32 v13, v4  }
0xee: {  	s26 =	sand.u32 $0x3, s21;
	s0 =	sor.u32 s0, s21;
	s18 =	sor.u32 $0x200, s8;
	v16 =	vmul.f32 v16, v6;
	v18 =	vmul.f32 v18, v7;
	v12 =	vadd.f32 v14, v12;
	v14 =	vld [tilespmem:s7+$0x180]  }
0xef: {  	s14 =	sor.u32 $0x280, s8;
	s12 =	sor.u32 $0x300, s8;
	s3 =	simm.s32 $0x1;
	v13 =	vld [tilespmem:s9+$0x100];
	v10 =	vadd.f32 v11, v10  }
0xf0: {  	s8 =	simm.s32 $0x0;
	v1 =	vld [tilespmem:$0x1D880];
	s22 =	simm.s32 $0x0;
	s3 =	simm.s32 @!p0 $0x0;
	v11 =	vmul.f32 v15, v3;
	v15 =	vadd.f32 v18, v16;
	v16 =	vmul.f32 v19, v6  }
0xf1: {  	s17 =	rddreg [dreg:$0x10];
	s10 =	sshll.u32 s26, $0x5;
	s3 =	sshll.u32 s3, $0x6;
	v18 =	vmul.f32 v20, v7;
	v19 =	vld [tilespmem:s9+$0x180];
	v20 =	vmul.f32 v21, v8  }
0xf2: {  	s19 =	sadd.s32 $0xFFFFFE50, s17;
	v23 =	vadd.s32 s17, v0;
	s10 =	sadd.s32 $0x0, s10;
	s3 =	sadd.s32 $0x0, s3;
	v21 =	vld [tilespmem:s4+$0x180];
	v17 =	vmul.f32 v17, v2;
	v11 =	vadd.f32 v11, v10  }
0xf3: {  	v24 =	vld [tilespmem:s18+$0xE800];
	s25 =	sadd.s32 $0xFFFFFEE0, s17;
	s28 =	sadd.s32 $0x20, s10;
	s31 =	sor.u32 $0x200, s3;
	v16 =	vadd.f32 v18, v16;
	v12 =	vadd.f32 v20, v12;
	v20 =	vmul.f32 v22, v8  }
0xf4: {  	s26 =	sor.u32 s21, s21;
	s10 =	smov.u32 s17;
	s13 =	sor.u32 $0x200, s28;
	v22 =	vmul.f32 v14, v9;
	v14 =	vld [tilespmem:s31+$0xE800];
	v18 =	vmul.f32 v13, v8;
	v17 =	vadd.f32 v17, v11  }
0xf5: {  	s20 =	sor.u32 $0x280, s28;
	s23 =	sor.u32 $0x300, s28;
	s28 =	sor.u32 s2, s21;
	v10 =	vadd.s32 s19, v0;
	v13 =	vld [tilespmem:s13+$0xE800];
	v11 =	vadd.s32 s25, v0  }
0xf6: {  	p0 =	por !p0, !p0;
	s2 =	simm.s32 $0x0;
	s30 =	sor.u32 $0x380, s28;
	v25 =	vadd.f32 v18, v15;
	v26 =	vmul.f32 v19, v9;
	v18 =	vld [tilespmem:s14+$0xE800];
	v17 =	vadd.f32 v17, v1  }
0xf7: {  	s16 =	sor.u32 $0x280, s3;
	s11 =	sor.u32 $0x300, s3;
	s31 =	sadd.s32 $0xFFFFFF70, s17;
	v19 =	vadd.f32 v20, v16;
	v15 =	vadd.f32 v22, v12;
	v21 =	vmul.f32 v21, v9;
	v16 =	vld [tilespmem:s20+$0xE800]  }
0xf8: {  	s3 =	simm.s32 $0x0;
	s13 =	sor.u32 $0x380, s0;
	s25 =	sor.u32 $0x380, s26;
	v12 =	vadd.s32 s31, v0;
	v22 =	vmul.f32 v24, v5;
	v20 =	vadd.f32 v26, v25;
	[tilespmem:v23+s1+$0x0] =	vst.idx.msk $0xffff, v17;
	v17 =	vld [tilespmem:s16+$0xE800]  }
.LBB2_4:
0xf9: {  	s0 =	simm.s32 $0x1  }
0xfa: {  	v23 =	vld [tilespmem:s12+$0xE800];
	v19 =	vadd.f32 v21, v19;
	v13 =	vmul.f32 v13, v5;
	s21 =	sadd.s32 $0x2, s21;
	s0 =	simm.s32 @!p0 $0x0  }
0xfb: {  	s4 =	sand.u32 $0x3, s21;
	v14 =	vmul.f32 v14, v5;
	v20 =	vadd.f32 v22, v20;
	s0 =	sshll.u32 s0, $0x6;
	v21 =	vld [tilespmem:s23+$0xE800]  }
0xfc: {  	s2 =	sadd.s32 $0x200, s2;
	s3 =	sadd.s32 $0x40, s3;
	s4 =	sshll.u32 s4, $0x5;
	v18 =	vmul.f32 v18, v4;
	v13 =	vadd.f32 v13, v19;
	v22 =	vld [tilespmem:s11+$0xE800]  }
0xfd: {  	s9 =	sand.u32 $0xC00, s2;
	s7 =	sadd.s32 $0x10, s3;
	s28 =	sadd.s32 $0x30, s3;
	v14 =	vadd.f32 v14, v15;
	v16 =	vmul.f32 v16, v4;
	v15 =	vld [tilespmem:s13+$0xE800]  }
0xfe: {  	s22 =	sadd.s32 $0x4, s22;
	s11 =	sadd.s32 $0xE800, s9;
	s9 =	sand.u32 $0x70, s28;
	v17 =	vmul.f32 v17, v4;
	v18 =	vadd.f32 v18, v20;
	v19 =	vld [tilespmem:s30+$0xE800]  }
0xff: {  	p1 =	slt.u32 s22, $0x14;
	s12 =	sor.u32 s9, s11;
	s30 =	sadd.s32 $0x20, s3;
	v23 =	vmul.f32 v23, v3;
	v13 =	vadd.f32 v16, v13;
	v20 =	vld [tilespmem:s25+$0xE800]  }
0x100: {  	s9 =	sand.u32 $0x40, s3;
	s13 =	sand.u32 $0x50, s7;
	s14 =	sand.u32 $0x60, s30;
	v14 =	vadd.f32 v17, v14;
	v16 =	vld [tilespmem:s12+$0x0];
	v17 =	vmul.f32 v21, v3  }
0x101: {  	s8 =	sadd.s32 $0x4, s8;
	s18 =	sor.u32 s9, s11;
	s9 =	sor.u32 s13, s11;
	v18 =	vadd.f32 v23, v18;
	v21 =	vld [tilespmem:s12+$0x80];
	v22 =	vmul.f32 v22, v3  }
0x102: {  	s4 =	sadd.s32 s2, s4;
	s13 =	sand.u32 $0x7, s8;
	s17 =	sor.u32 s14, s11;
	v23 =	vld [tilespmem:s18+$0x0];
	v15 =	vmul.f32 v15, v2;
	v13 =	vadd.f32 v17, v13  }
0x103: {  	s11 =	sshll.u32 s13, $0x4;
	s13 =	sadd.s32 s0, s2;
	s14 =	sadd.s32 $0x20, s4;
	v17 =	vld [tilespmem:s12+$0x100];
	v14 =	vadd.f32 v22, v14;
	v19 =	vmul.f32 v19, v2  }
0x104: {  	s0 =	sadd.s32 s2, s11;
	s26 =	sor.u32 $0x200, s13;
	s19 =	sor.u32 $0x200, s14;
	v22 =	vld [tilespmem:s18+$0x80];
	v20 =	vmul.f32 v20, v2;
	v15 =	vadd.f32 v15, v18  }
0x105: {  	s16 =	sor.u32 $0x280, s14;
	s11 =	sadd.s32 $0x10, s0;
	s31 =	sadd.s32 $0x30, s0;
	v18 =	vld [tilespmem:s12+$0x180];
	v13 =	vadd.f32 v19, v13  }
0x106: {  	s4 =	sor.u32 $0x200, s11;
	s0 =	sor.u32 $0x280, s11;
	s25 =	sor.u32 $0x200, s31;
	v16 =	vmul.f32 v16, v6;
	v19 =	vld [tilespmem:s9+$0x0];
	v21 =	vmul.f32 v21, v7;
	v14 =	vadd.f32 v20, v14  }
0x107: {  	s20 =	sor.u32 $0x280, s13;
	s23 =	sor.u32 $0x300, s14;
	s12 =	sor.u32 $0x300, s11;
	v15 =	vadd.f32 v15, v1;
	v20 =	vmul.f32 v23, v6;
	v23 =	vld [tilespmem:s25+$0xE800];
	v13 =	vadd.f32 v13, v1  }
0x108: {  	s7 =	sor.u32 s7, s2;
	s14 =	sor.u32 $0x280, s31;
	s11 =	sor.u32 $0x300, s13;
	v24 =	vld [tilespmem:s9+$0x80];
	v16 =	vadd.f32 v21, v16;
	v17 =	vmul.f32 v17, v8;
	v14 =	vadd.f32 v14, v1  }
0x109: {  	s13 =	sor.u32 $0x380, s7;
	s7 =	sor.u32 s30, s2;
	s25 =	sor.u32 s3, s2;
	v21 =	vmul.f32 v22, v7;
	v22 =	vld [tilespmem:s14+$0xE800];
	[tilespmem:v11+s1+$0x0] =	vst.idx.msk $0xffff, v15  }
0x10a: {  	s30 =	sor.u32 $0x380, s7;
	s7 =	sor.u32 $0x300, s31;
	s25 =	sor.u32 $0x380, s25;
	v11 =	vld [tilespmem:s17+$0x0];
	v15 =	vadd.f32 v17, v16;
	v16 =	vmul.f32 v18, v9;
	[tilespmem:v10+s1+$0x0] =	vst.idx.msk $0xffff, v14  }
0x10b: {  	v14 =	vadd.f32 v21, v20;
	v10 =	vmul.f32 v19, v6;
	v17 =	vld [tilespmem:s7+$0xE800];
	s7 =	sor.u32 s28, s2;
	[tilespmem:v12+s1+$0x0] =	vst.idx.msk $0xffff, v13  }
0x10c: {  	v12 =	vld [tilespmem:s17+$0x80];
	v13 =	vadd.f32 v16, v15;
	v15 =	vmul.f32 v23, v5;
	s7 =	sor.u32 $0x380, s7  }
0x10d: {  	v16 =	vmul.f32 v24, v7;
	v18 =	vld [tilespmem:s7+$0xE800]  }
0x10e: {  	v19 =	vld [tilespmem:s18+$0x100];
	v13 =	vadd.f32 v15, v13;
	v15 =	vmul.f32 v22, v4  }
0x10f: {  	v16 =	vadd.f32 v16, v10;
	v20 =	vld [tilespmem:s9+$0x100];
	v10 =	vmul.f32 v11, v6  }
0x110: {  	v21 =	vld [tilespmem:s17+$0x100];
	v11 =	vadd.f32 v15, v13;
	v13 =	vmul.f32 v17, v3  }
0x111: {  	v15 =	vld [tilespmem:s18+$0x180];
	v12 =	vmul.f32 v12, v7  }
0x112: {  	s10 =	sadd.s32 $0x240, s10;
	v17 =	vld [tilespmem:s9+$0x180];
	v11 =	vadd.f32 v13, v11;
	v13 =	vmul.f32 v18, v2  }
0x113: {  	s14 =	sadd.s32 $0xFFFFFF70, s10;
	v23 =	vadd.s32 s10, v0;
	s7 =	sadd.s32 $0xFFFFFE50, s10;
	s9 =	sadd.s32 $0xFFFFFEE0, s10;
	v18 =	vmul.f32 v19, v8;
	v12 =	vadd.f32 v12, v10;
	v22 =	vld [tilespmem:s17+$0x180]  }
0x114: {  	v10 =	vadd.s32 s7, v0;
	v19 =	vmul.f32 v20, v8;
	v24 =	vld [tilespmem:s4+$0xE800];
	v20 =	vadd.f32 v13, v11  }
.Ltmp1:
0x115: {  	v11 =	vadd.s32 s9, v0;
	v25 =	vadd.f32 v18, v14;
	v21 =	vmul.f32 v21, v8;
	v13 =	vld [tilespmem:s19+$0xE800];
	(pc) =	sbr.rel @p1 .LBB2_4-.Ltmp1, $4  }
0x116: {  	v15 =	vmul.f32 v15, v9;
	v14 =	vld [tilespmem:s26+$0xE800];
	v26 =	vadd.f32 v19, v16;
	v20 =	vadd.f32 v20, v1  }
0x117: {  	v27 =	vmul.f32 v17, v9;
	v18 =	vld [tilespmem:s0+$0xE800];
	v19 =	vadd.f32 v21, v12;
	v12 =	vadd.s32 s14, v0  }
0x118: {  	v15 =	vadd.f32 v15, v25;
	v21 =	vmul.f32 v22, v9;
	v16 =	vld [tilespmem:s16+$0xE800];
	[tilespmem:v23+s1+$0x0] =	vst.idx.msk $0xffff, v20  }
0x119: {  	p0 =	por !p0, !p0;
	v17 =	vld [tilespmem:s20+$0xE800];
	v20 =	vadd.f32 v27, v26;
	v22 =	vmul.f32 v24, v5  }
0x11a: {  	v6 =	vld [tilespmem:s12+$0xE800]  }
0x11b: {  	v7 =	vld [tilespmem:s23+$0xE800]  }
0x11c: {  	v8 =	vadd.f32 v21, v19;
	v9 =	vmul.f32 v13, v5;
	v13 =	vld [tilespmem:s11+$0xE800]  }
0x11d: {  	v5 =	vmul.f32 v14, v5;
	v14 =	vld [tilespmem:s13+$0xE800]  }
0x11e: {  	v19 =	vadd.f32 v22, v20;
	v18 =	vmul.f32 v18, v4;
	v8 =	vadd.f32 v9, v8;
	v9 =	vld [tilespmem:s25+$0xE800]  }
0x11f: {  	v5 =	vadd.f32 v5, v15;
	v15 =	vmul.f32 v16, v4;
	v16 =	vld [tilespmem:s30+$0xE800];
	v4 =	vmul.f32 v17, v4  }
0x120: {  	v17 =	vadd.f32 v18, v19;
	v6 =	vmul.f32 v6, v3  }
0x121: {  	v8 =	vadd.f32 v15, v8;
	v4 =	vadd.f32 v4, v5;
	v5 =	vmul.f32 v13, v3  }
0x122: {  	v3 =	vmul.f32 v7, v3;
	v7 =	vmul.f32 v14, v2;
	v6 =	vadd.f32 v6, v17  }
0x123: {  	v4 =	vadd.f32 v5, v4;
	v5 =	vmul.f32 v9, v2  }
0x124: {  	v3 =	vadd.f32 v3, v8;
	v2 =	vmul.f32 v16, v2;
	v6 =	vadd.f32 v7, v6  }
0x125: {  	v4 =	vadd.f32 v5, v4  }
0x126: {  	v2 =	vadd.f32 v2, v3;
	v3 =	vadd.f32 v6, v1  }
0x127: {  	v4 =	vadd.f32 v4, v1  }
0x128: {  	v1 =	vadd.f32 v2, v1;
	[tilespmem:v11+s1+$0x0] =	vst.idx.msk $0xffff, v3  }
0x129: {  	[tilespmem:v10+s1+$0x0] =	vst.idx.msk $0xffff, v4  }
0x12a: {  	[tilespmem:v12+s1+$0x0] =	vst.idx.msk $0xffff, v1  }
0x12b: {  	v6 =	vld [tilespmem:$0x1BC00]  }
0x12c: {  	v7 =	vld [tilespmem:$0x1BC80]  }
0x12d: {  	v8 =	vld [tilespmem:$0x1BD00]  }
0x12e: {  	v9 =	vld [tilespmem:$0x1BD80]  }
0x12f: {  	s21 =	simm.s32 $0x0;
	v5 =	vld [tilespmem:$0x1BE00]  }
0x130: {  	s3 =	simm.s32 $0x30;
	s0 =	sand.u32 $0xC00, s21;
	v4 =	vld [tilespmem:$0x1BE80]  }
0x131: {  	s19 =	sand.u32 $0x70, s3;
	s4 =	sadd.s32 $0xE800, s0;
	v3 =	vld [tilespmem:$0x1BF00]  }
0x132: {  	s2 =	sor.u32 s19, s4;
	v2 =	vld [tilespmem:$0x1BF80]  }
0x133: {  	s20 =	sand.u32 $0x40, s21;
	v10 =	vld [tilespmem:s2+$0x0]  }
0x134: {  	s7 =	sor.u32 s20, s4;
	v11 =	vld [tilespmem:s2+$0x80]  }
0x135: {  	s8 =	sand.u32 $0x7, s21;
	v12 =	vld [tilespmem:s7+$0x0]  }
0x136: {  	s0 =	simm.s32 $0x10;
	s8 =	sshll.u32 s8, $0x4;
	v13 =	vld [tilespmem:s2+$0x100]  }
0x137: {  	s9 =	sand.u32 $0x50, s0;
	s8 =	sadd.s32 $0x0, s8;
	v14 =	vld [tilespmem:s7+$0x80]  }
0x138: {  	s9 =	sor.u32 s9, s4;
	s10 =	sadd.s32 $0x30, s8;
	v15 =	vld [tilespmem:s2+$0x180]  }
0x139: {  	s22 =	sor.u32 $0x200, s10;
	v16 =	vld [tilespmem:s9+$0x0]  }
0x13a: {  	v17 =	vld [tilespmem:s22+$0xE800];
	v10 =	vmul.f32 v10, v6;
	v11 =	vmul.f32 v11, v7  }
0x13b: {  	s2 =	simm.s32 $0x20;
	v18 =	vld [tilespmem:s9+$0x80]  }
0x13c: {  	s25 =	sor.u32 $0x280, s10;
	v21 =	vld [tilespmem:s7+$0x100];
	s23 =	sand.u32 $0x60, s2;
	v10 =	vadd.f32 v11, v10;
	v11 =	vmul.f32 v13, v8  }
0x13d: {  	s4 =	sor.u32 s23, s4;
	v13 =	vld [tilespmem:s25+$0xE800]  }
0x13e: {  	v19 =	vld [tilespmem:s4+$0x0];
	v10 =	vadd.f32 v11, v10;
	v11 =	vmul.f32 v15, v9  }
0x13f: {  	s10 =	sor.u32 $0x300, s10;
	v20 =	vld [tilespmem:s4+$0x80]  }
0x140: {  	s3 =	sor.u32 s3, s21;
	v15 =	vld [tilespmem:s10+$0xE800];
	v10 =	vadd.f32 v11, v10;
	v11 =	vmul.f32 v17, v5  }
0x141: {  	s3 =	sor.u32 $0x380, s3;
	v22 =	vld [tilespmem:s4+$0x100];
	v12 =	vmul.f32 v12, v6;
	v14 =	vmul.f32 v14, v7  }
0x142: {  	p0 =	por $0x0, $0x0;
	s8 =	sadd.s32 $0x10, s8;
	v17 =	vld [tilespmem:s3+$0xE800];
	v10 =	vadd.f32 v11, v10;
	v11 =	vmul.f32 v13, v4  }
0x143: {  	s26 =	sand.u32 $0x3, s21;
	s0 =	sor.u32 s0, s21;
	s18 =	sor.u32 $0x200, s8;
	v16 =	vmul.f32 v16, v6;
	v18 =	vmul.f32 v18, v7;
	v12 =	vadd.f32 v14, v12;
	v14 =	vld [tilespmem:s7+$0x180]  }
0x144: {  	s14 =	sor.u32 $0x280, s8;
	s12 =	sor.u32 $0x300, s8;
	s3 =	simm.s32 $0x1;
	v13 =	vld [tilespmem:s9+$0x100];
	v10 =	vadd.f32 v11, v10  }
0x145: {  	s8 =	simm.s32 $0x0;
	v1 =	vld [tilespmem:$0x1D900];
	s22 =	simm.s32 $0x0;
	s3 =	simm.s32 @!p0 $0x0;
	v11 =	vmul.f32 v15, v3;
	v15 =	vadd.f32 v18, v16;
	v16 =	vmul.f32 v19, v6  }
0x146: {  	s17 =	rddreg [dreg:$0x11];
	s10 =	sshll.u32 s26, $0x5;
	s3 =	sshll.u32 s3, $0x6;
	v18 =	vmul.f32 v20, v7;
	v19 =	vld [tilespmem:s9+$0x180];
	v20 =	vmul.f32 v21, v8  }
0x147: {  	s19 =	sadd.s32 $0xFFFFFE50, s17;
	v23 =	vadd.s32 s17, v0;
	s10 =	sadd.s32 $0x0, s10;
	s3 =	sadd.s32 $0x0, s3;
	v21 =	vld [tilespmem:s4+$0x180];
	v17 =	vmul.f32 v17, v2;
	v11 =	vadd.f32 v11, v10  }
0x148: {  	v24 =	vld [tilespmem:s18+$0xE800];
	s25 =	sadd.s32 $0xFFFFFEE0, s17;
	s28 =	sadd.s32 $0x20, s10;
	s31 =	sor.u32 $0x200, s3;
	v16 =	vadd.f32 v18, v16;
	v12 =	vadd.f32 v20, v12;
	v20 =	vmul.f32 v22, v8  }
0x149: {  	s26 =	sor.u32 s21, s21;
	s10 =	smov.u32 s17;
	s13 =	sor.u32 $0x200, s28;
	v22 =	vmul.f32 v14, v9;
	v14 =	vld [tilespmem:s31+$0xE800];
	v18 =	vmul.f32 v13, v8;
	v17 =	vadd.f32 v17, v11  }
0x14a: {  	s20 =	sor.u32 $0x280, s28;
	s23 =	sor.u32 $0x300, s28;
	s28 =	sor.u32 s2, s21;
	v10 =	vadd.s32 s19, v0;
	v13 =	vld [tilespmem:s13+$0xE800];
	v11 =	vadd.s32 s25, v0  }
0x14b: {  	p0 =	por !p0, !p0;
	s2 =	simm.s32 $0x0;
	s30 =	sor.u32 $0x380, s28;
	v25 =	vadd.f32 v18, v15;
	v26 =	vmul.f32 v19, v9;
	v18 =	vld [tilespmem:s14+$0xE800];
	v17 =	vadd.f32 v17, v1  }
0x14c: {  	s16 =	sor.u32 $0x280, s3;
	s11 =	sor.u32 $0x300, s3;
	s31 =	sadd.s32 $0xFFFFFF70, s17;
	v19 =	vadd.f32 v20, v16;
	v15 =	vadd.f32 v22, v12;
	v21 =	vmul.f32 v21, v9;
	v16 =	vld [tilespmem:s20+$0xE800]  }
0x14d: {  	s3 =	simm.s32 $0x0;
	s13 =	sor.u32 $0x380, s0;
	s25 =	sor.u32 $0x380, s26;
	v12 =	vadd.s32 s31, v0;
	v22 =	vmul.f32 v24, v5;
	v20 =	vadd.f32 v26, v25;
	[tilespmem:v23+s1+$0x0] =	vst.idx.msk $0xffff, v17;
	v17 =	vld [tilespmem:s16+$0xE800]  }
.LBB2_6:
0x14e: {  	s0 =	simm.s32 $0x1  }
0x14f: {  	v23 =	vld [tilespmem:s12+$0xE800];
	v19 =	vadd.f32 v21, v19;
	v13 =	vmul.f32 v13, v5;
	s21 =	sadd.s32 $0x2, s21;
	s0 =	simm.s32 @!p0 $0x0  }
0x150: {  	s4 =	sand.u32 $0x3, s21;
	v14 =	vmul.f32 v14, v5;
	v20 =	vadd.f32 v22, v20;
	s0 =	sshll.u32 s0, $0x6;
	v21 =	vld [tilespmem:s23+$0xE800]  }
0x151: {  	s2 =	sadd.s32 $0x200, s2;
	s3 =	sadd.s32 $0x40, s3;
	s4 =	sshll.u32 s4, $0x5;
	v18 =	vmul.f32 v18, v4;
	v13 =	vadd.f32 v13, v19;
	v22 =	vld [tilespmem:s11+$0xE800]  }
0x152: {  	s9 =	sand.u32 $0xC00, s2;
	s7 =	sadd.s32 $0x10, s3;
	s28 =	sadd.s32 $0x30, s3;
	v14 =	vadd.f32 v14, v15;
	v16 =	vmul.f32 v16, v4;
	v15 =	vld [tilespmem:s13+$0xE800]  }
0x153: {  	s22 =	sadd.s32 $0x4, s22;
	s11 =	sadd.s32 $0xE800, s9;
	s9 =	sand.u32 $0x70, s28;
	v17 =	vmul.f32 v17, v4;
	v18 =	vadd.f32 v18, v20;
	v19 =	vld [tilespmem:s30+$0xE800]  }
0x154: {  	p1 =	slt.u32 s22, $0x14;
	s12 =	sor.u32 s9, s11;
	s30 =	sadd.s32 $0x20, s3;
	v23 =	vmul.f32 v23, v3;
	v13 =	vadd.f32 v16, v13;
	v20 =	vld [tilespmem:s25+$0xE800]  }
0x155: {  	s9 =	sand.u32 $0x40, s3;
	s13 =	sand.u32 $0x50, s7;
	s14 =	sand.u32 $0x60, s30;
	v14 =	vadd.f32 v17, v14;
	v16 =	vld [tilespmem:s12+$0x0];
	v17 =	vmul.f32 v21, v3  }
0x156: {  	s8 =	sadd.s32 $0x4, s8;
	s18 =	sor.u32 s9, s11;
	s9 =	sor.u32 s13, s11;
	v18 =	vadd.f32 v23, v18;
	v21 =	vld [tilespmem:s12+$0x80];
	v22 =	vmul.f32 v22, v3  }
0x157: {  	s4 =	sadd.s32 s2, s4;
	s13 =	sand.u32 $0x7, s8;
	s17 =	sor.u32 s14, s11;
	v23 =	vld [tilespmem:s18+$0x0];
	v15 =	vmul.f32 v15, v2;
	v13 =	vadd.f32 v17, v13  }
0x158: {  	s11 =	sshll.u32 s13, $0x4;
	s13 =	sadd.s32 s0, s2;
	s14 =	sadd.s32 $0x20, s4;
	v17 =	vld [tilespmem:s12+$0x100];
	v14 =	vadd.f32 v22, v14;
	v19 =	vmul.f32 v19, v2  }
0x159: {  	s0 =	sadd.s32 s2, s11;
	s26 =	sor.u32 $0x200, s13;
	s19 =	sor.u32 $0x200, s14;
	v22 =	vld [tilespmem:s18+$0x80];
	v20 =	vmul.f32 v20, v2;
	v15 =	vadd.f32 v15, v18  }
0x15a: {  	s16 =	sor.u32 $0x280, s14;
	s11 =	sadd.s32 $0x10, s0;
	s31 =	sadd.s32 $0x30, s0;
	v18 =	vld [tilespmem:s12+$0x180];
	v13 =	vadd.f32 v19, v13  }
0x15b: {  	s4 =	sor.u32 $0x200, s11;
	s0 =	sor.u32 $0x280, s11;
	s25 =	sor.u32 $0x200, s31;
	v16 =	vmul.f32 v16, v6;
	v19 =	vld [tilespmem:s9+$0x0];
	v21 =	vmul.f32 v21, v7;
	v14 =	vadd.f32 v20, v14  }
0x15c: {  	s20 =	sor.u32 $0x280, s13;
	s23 =	sor.u32 $0x300, s14;
	s12 =	sor.u32 $0x300, s11;
	v15 =	vadd.f32 v15, v1;
	v20 =	vmul.f32 v23, v6;
	v23 =	vld [tilespmem:s25+$0xE800];
	v13 =	vadd.f32 v13, v1  }
0x15d: {  	s7 =	sor.u32 s7, s2;
	s14 =	sor.u32 $0x280, s31;
	s11 =	sor.u32 $0x300, s13;
	v24 =	vld [tilespmem:s9+$0x80];
	v16 =	vadd.f32 v21, v16;
	v17 =	vmul.f32 v17, v8;
	v14 =	vadd.f32 v14, v1  }
0x15e: {  	s13 =	sor.u32 $0x380, s7;
	s7 =	sor.u32 s30, s2;
	s25 =	sor.u32 s3, s2;
	v21 =	vmul.f32 v22, v7;
	v22 =	vld [tilespmem:s14+$0xE800];
	[tilespmem:v11+s1+$0x0] =	vst.idx.msk $0xffff, v15  }
0x15f: {  	s30 =	sor.u32 $0x380, s7;
	s7 =	sor.u32 $0x300, s31;
	s25 =	sor.u32 $0x380, s25;
	v11 =	vld [tilespmem:s17+$0x0];
	v15 =	vadd.f32 v17, v16;
	v16 =	vmul.f32 v18, v9;
	[tilespmem:v10+s1+$0x0] =	vst.idx.msk $0xffff, v14  }
0x160: {  	v14 =	vadd.f32 v21, v20;
	v10 =	vmul.f32 v19, v6;
	v17 =	vld [tilespmem:s7+$0xE800];
	s7 =	sor.u32 s28, s2;
	[tilespmem:v12+s1+$0x0] =	vst.idx.msk $0xffff, v13  }
0x161: {  	v12 =	vld [tilespmem:s17+$0x80];
	v13 =	vadd.f32 v16, v15;
	v15 =	vmul.f32 v23, v5;
	s7 =	sor.u32 $0x380, s7  }
0x162: {  	v16 =	vmul.f32 v24, v7;
	v18 =	vld [tilespmem:s7+$0xE800]  }
0x163: {  	v19 =	vld [tilespmem:s18+$0x100];
	v13 =	vadd.f32 v15, v13;
	v15 =	vmul.f32 v22, v4  }
0x164: {  	v16 =	vadd.f32 v16, v10;
	v20 =	vld [tilespmem:s9+$0x100];
	v10 =	vmul.f32 v11, v6  }
0x165: {  	v21 =	vld [tilespmem:s17+$0x100];
	v11 =	vadd.f32 v15, v13;
	v13 =	vmul.f32 v17, v3  }
0x166: {  	v15 =	vld [tilespmem:s18+$0x180];
	v12 =	vmul.f32 v12, v7  }
0x167: {  	s10 =	sadd.s32 $0x240, s10;
	v17 =	vld [tilespmem:s9+$0x180];
	v11 =	vadd.f32 v13, v11;
	v13 =	vmul.f32 v18, v2  }
0x168: {  	s14 =	sadd.s32 $0xFFFFFF70, s10;
	v23 =	vadd.s32 s10, v0;
	s7 =	sadd.s32 $0xFFFFFE50, s10;
	s9 =	sadd.s32 $0xFFFFFEE0, s10;
	v18 =	vmul.f32 v19, v8;
	v12 =	vadd.f32 v12, v10;
	v22 =	vld [tilespmem:s17+$0x180]  }
0x169: {  	v10 =	vadd.s32 s7, v0;
	v19 =	vmul.f32 v20, v8;
	v24 =	vld [tilespmem:s4+$0xE800];
	v20 =	vadd.f32 v13, v11  }
.Ltmp2:
0x16a: {  	v11 =	vadd.s32 s9, v0;
	v25 =	vadd.f32 v18, v14;
	v21 =	vmul.f32 v21, v8;
	v13 =	vld [tilespmem:s19+$0xE800];
	(pc) =	sbr.rel @p1 .LBB2_6-.Ltmp2, $4  }
0x16b: {  	v15 =	vmul.f32 v15, v9;
	v14 =	vld [tilespmem:s26+$0xE800];
	v26 =	vadd.f32 v19, v16;
	v20 =	vadd.f32 v20, v1  }
0x16c: {  	v27 =	vmul.f32 v17, v9;
	v18 =	vld [tilespmem:s0+$0xE800];
	v19 =	vadd.f32 v21, v12;
	v12 =	vadd.s32 s14, v0  }
0x16d: {  	v15 =	vadd.f32 v15, v25;
	v21 =	vmul.f32 v22, v9;
	v16 =	vld [tilespmem:s16+$0xE800];
	[tilespmem:v23+s1+$0x0] =	vst.idx.msk $0xffff, v20  }
0x16e: {  	p0 =	por !p0, !p0;
	v17 =	vld [tilespmem:s20+$0xE800];
	v20 =	vadd.f32 v27, v26;
	v22 =	vmul.f32 v24, v5  }
0x16f: {  	v6 =	vld [tilespmem:s12+$0xE800]  }
0x170: {  	v7 =	vld [tilespmem:s23+$0xE800]  }
0x171: {  	v8 =	vadd.f32 v21, v19;
	v9 =	vmul.f32 v13, v5;
	v13 =	vld [tilespmem:s11+$0xE800]  }
0x172: {  	v5 =	vmul.f32 v14, v5;
	v14 =	vld [tilespmem:s13+$0xE800]  }
0x173: {  	v19 =	vadd.f32 v22, v20;
	v18 =	vmul.f32 v18, v4;
	v8 =	vadd.f32 v9, v8;
	v9 =	vld [tilespmem:s25+$0xE800]  }
0x174: {  	v5 =	vadd.f32 v5, v15;
	v15 =	vmul.f32 v16, v4;
	v16 =	vld [tilespmem:s30+$0xE800];
	v4 =	vmul.f32 v17, v4  }
0x175: {  	v17 =	vadd.f32 v18, v19;
	v6 =	vmul.f32 v6, v3  }
0x176: {  	v8 =	vadd.f32 v15, v8;
	v4 =	vadd.f32 v4, v5;
	v5 =	vmul.f32 v13, v3  }
0x177: {  	v3 =	vmul.f32 v7, v3;
	v7 =	vmul.f32 v14, v2;
	v6 =	vadd.f32 v6, v17  }
0x178: {  	v4 =	vadd.f32 v5, v4;
	v5 =	vmul.f32 v9, v2  }
0x179: {  	v3 =	vadd.f32 v3, v8;
	v2 =	vmul.f32 v16, v2;
	v6 =	vadd.f32 v7, v6  }
0x17a: {  	v4 =	vadd.f32 v5, v4  }
0x17b: {  	v2 =	vadd.f32 v2, v3;
	v3 =	vadd.f32 v6, v1  }
0x17c: {  	v4 =	vadd.f32 v4, v1  }
0x17d: {  	v1 =	vadd.f32 v2, v1;
	[tilespmem:v11+s1+$0x0] =	vst.idx.msk $0xffff, v3  }
0x17e: {  	[tilespmem:v10+s1+$0x0] =	vst.idx.msk $0xffff, v4  }
0x17f: {  	[tilespmem:v12+s1+$0x0] =	vst.idx.msk $0xffff, v1  }
0x180: {  	v6 =	vld [tilespmem:$0x1C000]  }
0x181: {  	v7 =	vld [tilespmem:$0x1C080]  }
0x182: {  	v8 =	vld [tilespmem:$0x1C100]  }
0x183: {  	v9 =	vld [tilespmem:$0x1C180]  }
0x184: {  	s21 =	simm.s32 $0x0;
	v5 =	vld [tilespmem:$0x1C200]  }
0x185: {  	s3 =	simm.s32 $0x30;
	s0 =	sand.u32 $0xC00, s21;
	v4 =	vld [tilespmem:$0x1C280]  }
0x186: {  	s19 =	sand.u32 $0x70, s3;
	s4 =	sadd.s32 $0xE800, s0;
	v3 =	vld [tilespmem:$0x1C300]  }
0x187: {  	s2 =	sor.u32 s19, s4;
	v2 =	vld [tilespmem:$0x1C380]  }
0x188: {  	s20 =	sand.u32 $0x40, s21;
	v10 =	vld [tilespmem:s2+$0x0]  }
0x189: {  	s7 =	sor.u32 s20, s4;
	v11 =	vld [tilespmem:s2+$0x80]  }
0x18a: {  	s8 =	sand.u32 $0x7, s21;
	v12 =	vld [tilespmem:s7+$0x0]  }
0x18b: {  	s0 =	simm.s32 $0x10;
	s8 =	sshll.u32 s8, $0x4;
	v13 =	vld [tilespmem:s2+$0x100]  }
0x18c: {  	s9 =	sand.u32 $0x50, s0;
	s8 =	sadd.s32 $0x0, s8;
	v14 =	vld [tilespmem:s7+$0x80]  }
0x18d: {  	s9 =	sor.u32 s9, s4;
	s10 =	sadd.s32 $0x30, s8;
	v15 =	vld [tilespmem:s2+$0x180]  }
0x18e: {  	s22 =	sor.u32 $0x200, s10;
	v16 =	vld [tilespmem:s9+$0x0]  }
0x18f: {  	v17 =	vld [tilespmem:s22+$0xE800];
	v10 =	vmul.f32 v10, v6;
	v11 =	vmul.f32 v11, v7  }
0x190: {  	s2 =	simm.s32 $0x20;
	v18 =	vld [tilespmem:s9+$0x80]  }
0x191: {  	s25 =	sor.u32 $0x280, s10;
	v21 =	vld [tilespmem:s7+$0x100];
	s23 =	sand.u32 $0x60, s2;
	v10 =	vadd.f32 v11, v10;
	v11 =	vmul.f32 v13, v8  }
0x192: {  	s4 =	sor.u32 s23, s4;
	v13 =	vld [tilespmem:s25+$0xE800]  }
0x193: {  	v19 =	vld [tilespmem:s4+$0x0];
	v10 =	vadd.f32 v11, v10;
	v11 =	vmul.f32 v15, v9  }
0x194: {  	s10 =	sor.u32 $0x300, s10;
	v20 =	vld [tilespmem:s4+$0x80]  }
0x195: {  	s3 =	sor.u32 s3, s21;
	v15 =	vld [tilespmem:s10+$0xE800];
	v10 =	vadd.f32 v11, v10;
	v11 =	vmul.f32 v17, v5  }
0x196: {  	s3 =	sor.u32 $0x380, s3;
	v22 =	vld [tilespmem:s4+$0x100];
	v12 =	vmul.f32 v12, v6;
	v14 =	vmul.f32 v14, v7  }
0x197: {  	p0 =	por $0x0, $0x0;
	s8 =	sadd.s32 $0x10, s8;
	v17 =	vld [tilespmem:s3+$0xE800];
	v10 =	vadd.f32 v11, v10;
	v11 =	vmul.f32 v13, v4  }
0x198: {  	s26 =	sand.u32 $0x3, s21;
	s0 =	sor.u32 s0, s21;
	s18 =	sor.u32 $0x200, s8;
	v16 =	vmul.f32 v16, v6;
	v18 =	vmul.f32 v18, v7;
	v12 =	vadd.f32 v14, v12;
	v14 =	vld [tilespmem:s7+$0x180]  }
0x199: {  	s14 =	sor.u32 $0x280, s8;
	s12 =	sor.u32 $0x300, s8;
	s3 =	simm.s32 $0x1;
	v13 =	vld [tilespmem:s9+$0x100];
	v10 =	vadd.f32 v11, v10  }
0x19a: {  	s8 =	simm.s32 $0x0;
	v1 =	vld [tilespmem:$0x1D980];
	s22 =	simm.s32 $0x0;
	s3 =	simm.s32 @!p0 $0x0;
	v11 =	vmul.f32 v15, v3;
	v15 =	vadd.f32 v18, v16;
	v16 =	vmul.f32 v19, v6  }
0x19b: {  	s17 =	rddreg [dreg:$0x12];
	s10 =	sshll.u32 s26, $0x5;
	s3 =	sshll.u32 s3, $0x6;
	v18 =	vmul.f32 v20, v7;
	v19 =	vld [tilespmem:s9+$0x180];
	v20 =	vmul.f32 v21, v8  }
0x19c: {  	s19 =	sadd.s32 $0xFFFFFE50, s17;
	v23 =	vadd.s32 s17, v0;
	s10 =	sadd.s32 $0x0, s10;
	s3 =	sadd.s32 $0x0, s3;
	v21 =	vld [tilespmem:s4+$0x180];
	v17 =	vmul.f32 v17, v2;
	v11 =	vadd.f32 v11, v10  }
0x19d: {  	v24 =	vld [tilespmem:s18+$0xE800];
	s25 =	sadd.s32 $0xFFFFFEE0, s17;
	s28 =	sadd.s32 $0x20, s10;
	s31 =	sor.u32 $0x200, s3;
	v16 =	vadd.f32 v18, v16;
	v12 =	vadd.f32 v20, v12;
	v20 =	vmul.f32 v22, v8  }
0x19e: {  	s26 =	sor.u32 s21, s21;
	s10 =	smov.u32 s17;
	s13 =	sor.u32 $0x200, s28;
	v22 =	vmul.f32 v14, v9;
	v14 =	vld [tilespmem:s31+$0xE800];
	v18 =	vmul.f32 v13, v8;
	v17 =	vadd.f32 v17, v11  }
0x19f: {  	s20 =	sor.u32 $0x280, s28;
	s23 =	sor.u32 $0x300, s28;
	s28 =	sor.u32 s2, s21;
	v10 =	vadd.s32 s19, v0;
	v13 =	vld [tilespmem:s13+$0xE800];
	v11 =	vadd.s32 s25, v0  }
0x1a0: {  	p0 =	por !p0, !p0;
	s2 =	simm.s32 $0x0;
	s30 =	sor.u32 $0x380, s28;
	v25 =	vadd.f32 v18, v15;
	v26 =	vmul.f32 v19, v9;
	v18 =	vld [tilespmem:s14+$0xE800];
	v17 =	vadd.f32 v17, v1  }
0x1a1: {  	s16 =	sor.u32 $0x280, s3;
	s11 =	sor.u32 $0x300, s3;
	s31 =	sadd.s32 $0xFFFFFF70, s17;
	v19 =	vadd.f32 v20, v16;
	v15 =	vadd.f32 v22, v12;
	v21 =	vmul.f32 v21, v9;
	v16 =	vld [tilespmem:s20+$0xE800]  }
0x1a2: {  	s3 =	simm.s32 $0x0;
	s13 =	sor.u32 $0x380, s0;
	s25 =	sor.u32 $0x380, s26;
	v12 =	vadd.s32 s31, v0;
	v22 =	vmul.f32 v24, v5;
	v20 =	vadd.f32 v26, v25;
	[tilespmem:v23+s1+$0x0] =	vst.idx.msk $0xffff, v17;
	v17 =	vld [tilespmem:s16+$0xE800]  }
.LBB2_8:
0x1a3: {  	s0 =	simm.s32 $0x1  }
0x1a4: {  	v23 =	vld [tilespmem:s12+$0xE800];
	v19 =	vadd.f32 v21, v19;
	v13 =	vmul.f32 v13, v5;
	s21 =	sadd.s32 $0x2, s21;
	s0 =	simm.s32 @!p0 $0x0  }
0x1a5: {  	s4 =	sand.u32 $0x3, s21;
	v14 =	vmul.f32 v14, v5;
	v20 =	vadd.f32 v22, v20;
	s0 =	sshll.u32 s0, $0x6;
	v21 =	vld [tilespmem:s23+$0xE800]  }
0x1a6: {  	s2 =	sadd.s32 $0x200, s2;
	s3 =	sadd.s32 $0x40, s3;
	s4 =	sshll.u32 s4, $0x5;
	v18 =	vmul.f32 v18, v4;
	v13 =	vadd.f32 v13, v19;
	v22 =	vld [tilespmem:s11+$0xE800]  }
0x1a7: {  	s9 =	sand.u32 $0xC00, s2;
	s7 =	sadd.s32 $0x10, s3;
	s28 =	sadd.s32 $0x30, s3;
	v14 =	vadd.f32 v14, v15;
	v16 =	vmul.f32 v16, v4;
	v15 =	vld [tilespmem:s13+$0xE800]  }
0x1a8: {  	s22 =	sadd.s32 $0x4, s22;
	s11 =	sadd.s32 $0xE800, s9;
	s9 =	sand.u32 $0x70, s28;
	v17 =	vmul.f32 v17, v4;
	v18 =	vadd.f32 v18, v20;
	v19 =	vld [tilespmem:s30+$0xE800]  }
0x1a9: {  	p1 =	slt.u32 s22, $0x14;
	s12 =	sor.u32 s9, s11;
	s30 =	sadd.s32 $0x20, s3;
	v23 =	vmul.f32 v23, v3;
	v13 =	vadd.f32 v16, v13;
	v20 =	vld [tilespmem:s25+$0xE800]  }
0x1aa: {  	s9 =	sand.u32 $0x40, s3;
	s13 =	sand.u32 $0x50, s7;
	s14 =	sand.u32 $0x60, s30;
	v14 =	vadd.f32 v17, v14;
	v16 =	vld [tilespmem:s12+$0x0];
	v17 =	vmul.f32 v21, v3  }
0x1ab: {  	s8 =	sadd.s32 $0x4, s8;
	s18 =	sor.u32 s9, s11;
	s9 =	sor.u32 s13, s11;
	v18 =	vadd.f32 v23, v18;
	v21 =	vld [tilespmem:s12+$0x80];
	v22 =	vmul.f32 v22, v3  }
0x1ac: {  	s4 =	sadd.s32 s2, s4;
	s13 =	sand.u32 $0x7, s8;
	s17 =	sor.u32 s14, s11;
	v23 =	vld [tilespmem:s18+$0x0];
	v15 =	vmul.f32 v15, v2;
	v13 =	vadd.f32 v17, v13  }
0x1ad: {  	s11 =	sshll.u32 s13, $0x4;
	s13 =	sadd.s32 s0, s2;
	s14 =	sadd.s32 $0x20, s4;
	v17 =	vld [tilespmem:s12+$0x100];
	v14 =	vadd.f32 v22, v14;
	v19 =	vmul.f32 v19, v2  }
0x1ae: {  	s0 =	sadd.s32 s2, s11;
	s26 =	sor.u32 $0x200, s13;
	s19 =	sor.u32 $0x200, s14;
	v22 =	vld [tilespmem:s18+$0x80];
	v20 =	vmul.f32 v20, v2;
	v15 =	vadd.f32 v15, v18  }
0x1af: {  	s16 =	sor.u32 $0x280, s14;
	s11 =	sadd.s32 $0x10, s0;
	s31 =	sadd.s32 $0x30, s0;
	v18 =	vld [tilespmem:s12+$0x180];
	v13 =	vadd.f32 v19, v13  }
0x1b0: {  	s4 =	sor.u32 $0x200, s11;
	s0 =	sor.u32 $0x280, s11;
	s25 =	sor.u32 $0x200, s31;
	v16 =	vmul.f32 v16, v6;
	v19 =	vld [tilespmem:s9+$0x0];
	v21 =	vmul.f32 v21, v7;
	v14 =	vadd.f32 v20, v14  }
0x1b1: {  	s20 =	sor.u32 $0x280, s13;
	s23 =	sor.u32 $0x300, s14;
	s12 =	sor.u32 $0x300, s11;
	v15 =	vadd.f32 v15, v1;
	v20 =	vmul.f32 v23, v6;
	v23 =	vld [tilespmem:s25+$0xE800];
	v13 =	vadd.f32 v13, v1  }
0x1b2: {  	s7 =	sor.u32 s7, s2;
	s14 =	sor.u32 $0x280, s31;
	s11 =	sor.u32 $0x300, s13;
	v24 =	vld [tilespmem:s9+$0x80];
	v16 =	vadd.f32 v21, v16;
	v17 =	vmul.f32 v17, v8;
	v14 =	vadd.f32 v14, v1  }
0x1b3: {  	s13 =	sor.u32 $0x380, s7;
	s7 =	sor.u32 s30, s2;
	s25 =	sor.u32 s3, s2;
	v21 =	vmul.f32 v22, v7;
	v22 =	vld [tilespmem:s14+$0xE800];
	[tilespmem:v11+s1+$0x0] =	vst.idx.msk $0xffff, v15  }
0x1b4: {  	s30 =	sor.u32 $0x380, s7;
	s7 =	sor.u32 $0x300, s31;
	s25 =	sor.u32 $0x380, s25;
	v11 =	vld [tilespmem:s17+$0x0];
	v15 =	vadd.f32 v17, v16;
	v16 =	vmul.f32 v18, v9;
	[tilespmem:v10+s1+$0x0] =	vst.idx.msk $0xffff, v14  }
0x1b5: {  	v14 =	vadd.f32 v21, v20;
	v10 =	vmul.f32 v19, v6;
	v17 =	vld [tilespmem:s7+$0xE800];
	s7 =	sor.u32 s28, s2;
	[tilespmem:v12+s1+$0x0] =	vst.idx.msk $0xffff, v13  }
0x1b6: {  	v12 =	vld [tilespmem:s17+$0x80];
	v13 =	vadd.f32 v16, v15;
	v15 =	vmul.f32 v23, v5;
	s7 =	sor.u32 $0x380, s7  }
0x1b7: {  	v16 =	vmul.f32 v24, v7;
	v18 =	vld [tilespmem:s7+$0xE800]  }
0x1b8: {  	v19 =	vld [tilespmem:s18+$0x100];
	v13 =	vadd.f32 v15, v13;
	v15 =	vmul.f32 v22, v4  }
0x1b9: {  	v16 =	vadd.f32 v16, v10;
	v20 =	vld [tilespmem:s9+$0x100];
	v10 =	vmul.f32 v11, v6  }
0x1ba: {  	v21 =	vld [tilespmem:s17+$0x100];
	v11 =	vadd.f32 v15, v13;
	v13 =	vmul.f32 v17, v3  }
0x1bb: {  	v15 =	vld [tilespmem:s18+$0x180];
	v12 =	vmul.f32 v12, v7  }
0x1bc: {  	s10 =	sadd.s32 $0x240, s10;
	v17 =	vld [tilespmem:s9+$0x180];
	v11 =	vadd.f32 v13, v11;
	v13 =	vmul.f32 v18, v2  }
0x1bd: {  	s14 =	sadd.s32 $0xFFFFFF70, s10;
	v23 =	vadd.s32 s10, v0;
	s7 =	sadd.s32 $0xFFFFFE50, s10;
	s9 =	sadd.s32 $0xFFFFFEE0, s10;
	v18 =	vmul.f32 v19, v8;
	v12 =	vadd.f32 v12, v10;
	v22 =	vld [tilespmem:s17+$0x180]  }
0x1be: {  	v10 =	vadd.s32 s7, v0;
	v19 =	vmul.f32 v20, v8;
	v24 =	vld [tilespmem:s4+$0xE800];
	v20 =	vadd.f32 v13, v11  }
.Ltmp3:
0x1bf: {  	v11 =	vadd.s32 s9, v0;
	v25 =	vadd.f32 v18, v14;
	v21 =	vmul.f32 v21, v8;
	v13 =	vld [tilespmem:s19+$0xE800];
	(pc) =	sbr.rel @p1 .LBB2_8-.Ltmp3, $4  }
0x1c0: {  	v15 =	vmul.f32 v15, v9;
	v14 =	vld [tilespmem:s26+$0xE800];
	v26 =	vadd.f32 v19, v16;
	v20 =	vadd.f32 v20, v1  }
0x1c1: {  	v27 =	vmul.f32 v17, v9;
	v18 =	vld [tilespmem:s0+$0xE800];
	v19 =	vadd.f32 v21, v12;
	v12 =	vadd.s32 s14, v0  }
0x1c2: {  	v15 =	vadd.f32 v15, v25;
	v21 =	vmul.f32 v22, v9;
	v16 =	vld [tilespmem:s16+$0xE800];
	[tilespmem:v23+s1+$0x0] =	vst.idx.msk $0xffff, v20  }
0x1c3: {  	p0 =	por !p0, !p0;
	v17 =	vld [tilespmem:s20+$0xE800];
	v20 =	vadd.f32 v27, v26;
	v22 =	vmul.f32 v24, v5  }
0x1c4: {  	v6 =	vld [tilespmem:s12+$0xE800]  }
0x1c5: {  	v7 =	vld [tilespmem:s23+$0xE800]  }
0x1c6: {  	v8 =	vadd.f32 v21, v19;
	v9 =	vmul.f32 v13, v5;
	v13 =	vld [tilespmem:s11+$0xE800]  }
0x1c7: {  	v5 =	vmul.f32 v14, v5;
	v14 =	vld [tilespmem:s13+$0xE800]  }
0x1c8: {  	v19 =	vadd.f32 v22, v20;
	v18 =	vmul.f32 v18, v4;
	v8 =	vadd.f32 v9, v8;
	v9 =	vld [tilespmem:s25+$0xE800]  }
0x1c9: {  	v5 =	vadd.f32 v5, v15;
	v15 =	vmul.f32 v16, v4;
	v16 =	vld [tilespmem:s30+$0xE800];
	v4 =	vmul.f32 v17, v4  }
0x1ca: {  	v17 =	vadd.f32 v18, v19;
	v6 =	vmul.f32 v6, v3  }
0x1cb: {  	v8 =	vadd.f32 v15, v8;
	v4 =	vadd.f32 v4, v5;
	v5 =	vmul.f32 v13, v3  }
0x1cc: {  	v3 =	vmul.f32 v7, v3;
	v7 =	vmul.f32 v14, v2;
	v6 =	vadd.f32 v6, v17  }
0x1cd: {  	v4 =	vadd.f32 v5, v4;
	v5 =	vmul.f32 v9, v2  }
0x1ce: {  	v3 =	vadd.f32 v3, v8;
	v2 =	vmul.f32 v16, v2;
	v6 =	vadd.f32 v7, v6  }
0x1cf: {  	v4 =	vadd.f32 v5, v4  }
0x1d0: {  	v2 =	vadd.f32 v2, v3;
	v3 =	vadd.f32 v6, v1  }
0x1d1: {  	v4 =	vadd.f32 v4, v1  }
0x1d2: {  	v1 =	vadd.f32 v2, v1;
	[tilespmem:v11+s1+$0x0] =	vst.idx.msk $0xffff, v3  }
0x1d3: {  	[tilespmem:v10+s1+$0x0] =	vst.idx.msk $0xffff, v4  }
0x1d4: {  	[tilespmem:v12+s1+$0x0] =	vst.idx.msk $0xffff, v1  }
0x1d5: {  	v6 =	vld [tilespmem:$0x1C400]  }
0x1d6: {  	v7 =	vld [tilespmem:$0x1C480]  }
0x1d7: {  	v8 =	vld [tilespmem:$0x1C500]  }
0x1d8: {  	v9 =	vld [tilespmem:$0x1C580]  }
0x1d9: {  	s21 =	simm.s32 $0x0;
	v5 =	vld [tilespmem:$0x1C600]  }
0x1da: {  	s3 =	simm.s32 $0x30;
	s0 =	sand.u32 $0xC00, s21;
	v4 =	vld [tilespmem:$0x1C680]  }
0x1db: {  	s19 =	sand.u32 $0x70, s3;
	s4 =	sadd.s32 $0xE800, s0;
	v3 =	vld [tilespmem:$0x1C700]  }
0x1dc: {  	s2 =	sor.u32 s19, s4;
	v2 =	vld [tilespmem:$0x1C780]  }
0x1dd: {  	s20 =	sand.u32 $0x40, s21;
	v10 =	vld [tilespmem:s2+$0x0]  }
0x1de: {  	s7 =	sor.u32 s20, s4;
	v11 =	vld [tilespmem:s2+$0x80]  }
0x1df: {  	s8 =	sand.u32 $0x7, s21;
	v12 =	vld [tilespmem:s7+$0x0]  }
0x1e0: {  	s0 =	simm.s32 $0x10;
	s8 =	sshll.u32 s8, $0x4;
	v13 =	vld [tilespmem:s2+$0x100]  }
0x1e1: {  	s9 =	sand.u32 $0x50, s0;
	s8 =	sadd.s32 $0x0, s8;
	v14 =	vld [tilespmem:s7+$0x80]  }
0x1e2: {  	s9 =	sor.u32 s9, s4;
	s10 =	sadd.s32 $0x30, s8;
	v15 =	vld [tilespmem:s2+$0x180]  }
0x1e3: {  	s22 =	sor.u32 $0x200, s10;
	v16 =	vld [tilespmem:s9+$0x0]  }
0x1e4: {  	v17 =	vld [tilespmem:s22+$0xE800];
	v10 =	vmul.f32 v10, v6;
	v11 =	vmul.f32 v11, v7  }
0x1e5: {  	s2 =	simm.s32 $0x20;
	v18 =	vld [tilespmem:s9+$0x80]  }
0x1e6: {  	s25 =	sor.u32 $0x280, s10;
	v21 =	vld [tilespmem:s7+$0x100];
	s23 =	sand.u32 $0x60, s2;
	v10 =	vadd.f32 v11, v10;
	v11 =	vmul.f32 v13, v8  }
0x1e7: {  	s4 =	sor.u32 s23, s4;
	v13 =	vld [tilespmem:s25+$0xE800]  }
0x1e8: {  	v19 =	vld [tilespmem:s4+$0x0];
	v10 =	vadd.f32 v11, v10;
	v11 =	vmul.f32 v15, v9  }
0x1e9: {  	s10 =	sor.u32 $0x300, s10;
	v20 =	vld [tilespmem:s4+$0x80]  }
0x1ea: {  	s3 =	sor.u32 s3, s21;
	v15 =	vld [tilespmem:s10+$0xE800];
	v10 =	vadd.f32 v11, v10;
	v11 =	vmul.f32 v17, v5  }
0x1eb: {  	s3 =	sor.u32 $0x380, s3;
	v22 =	vld [tilespmem:s4+$0x100];
	v12 =	vmul.f32 v12, v6;
	v14 =	vmul.f32 v14, v7  }
0x1ec: {  	p0 =	por $0x0, $0x0;
	s8 =	sadd.s32 $0x10, s8;
	v17 =	vld [tilespmem:s3+$0xE800];
	v10 =	vadd.f32 v11, v10;
	v11 =	vmul.f32 v13, v4  }
0x1ed: {  	s26 =	sand.u32 $0x3, s21;
	s0 =	sor.u32 s0, s21;
	s18 =	sor.u32 $0x200, s8;
	v16 =	vmul.f32 v16, v6;
	v18 =	vmul.f32 v18, v7;
	v12 =	vadd.f32 v14, v12;
	v14 =	vld [tilespmem:s7+$0x180]  }
0x1ee: {  	s14 =	sor.u32 $0x280, s8;
	s12 =	sor.u32 $0x300, s8;
	s3 =	simm.s32 $0x1;
	v13 =	vld [tilespmem:s9+$0x100];
	v10 =	vadd.f32 v11, v10  }
0x1ef: {  	s8 =	simm.s32 $0x0;
	v1 =	vld [tilespmem:$0x1DA00];
	s22 =	simm.s32 $0x0;
	s3 =	simm.s32 @!p0 $0x0;
	v11 =	vmul.f32 v15, v3;
	v15 =	vadd.f32 v18, v16;
	v16 =	vmul.f32 v19, v6  }
0x1f0: {  	s17 =	rddreg [dreg:$0x13];
	s10 =	sshll.u32 s26, $0x5;
	s3 =	sshll.u32 s3, $0x6;
	v18 =	vmul.f32 v20, v7;
	v19 =	vld [tilespmem:s9+$0x180];
	v20 =	vmul.f32 v21, v8  }
0x1f1: {  	s19 =	sadd.s32 $0xFFFFFE50, s17;
	v23 =	vadd.s32 s17, v0;
	s10 =	sadd.s32 $0x0, s10;
	s3 =	sadd.s32 $0x0, s3;
	v21 =	vld [tilespmem:s4+$0x180];
	v17 =	vmul.f32 v17, v2;
	v11 =	vadd.f32 v11, v10  }
0x1f2: {  	v24 =	vld [tilespmem:s18+$0xE800];
	s25 =	sadd.s32 $0xFFFFFEE0, s17;
	s28 =	sadd.s32 $0x20, s10;
	s31 =	sor.u32 $0x200, s3;
	v16 =	vadd.f32 v18, v16;
	v12 =	vadd.f32 v20, v12;
	v20 =	vmul.f32 v22, v8  }
0x1f3: {  	s26 =	sor.u32 s21, s21;
	s10 =	smov.u32 s17;
	s13 =	sor.u32 $0x200, s28;
	v22 =	vmul.f32 v14, v9;
	v14 =	vld [tilespmem:s31+$0xE800];
	v18 =	vmul.f32 v13, v8;
	v17 =	vadd.f32 v17, v11  }
0x1f4: {  	s20 =	sor.u32 $0x280, s28;
	s23 =	sor.u32 $0x300, s28;
	s28 =	sor.u32 s2, s21;
	v10 =	vadd.s32 s19, v0;
	v13 =	vld [tilespmem:s13+$0xE800];
	v11 =	vadd.s32 s25, v0  }
0x1f5: {  	p0 =	por !p0, !p0;
	s2 =	simm.s32 $0x0;
	s30 =	sor.u32 $0x380, s28;
	v25 =	vadd.f32 v18, v15;
	v26 =	vmul.f32 v19, v9;
	v18 =	vld [tilespmem:s14+$0xE800];
	v17 =	vadd.f32 v17, v1  }
0x1f6: {  	s16 =	sor.u32 $0x280, s3;
	s11 =	sor.u32 $0x300, s3;
	s31 =	sadd.s32 $0xFFFFFF70, s17;
	v19 =	vadd.f32 v20, v16;
	v15 =	vadd.f32 v22, v12;
	v21 =	vmul.f32 v21, v9;
	v16 =	vld [tilespmem:s20+$0xE800]  }
0x1f7: {  	s3 =	simm.s32 $0x0;
	s13 =	sor.u32 $0x380, s0;
	s25 =	sor.u32 $0x380, s26;
	v12 =	vadd.s32 s31, v0;
	v22 =	vmul.f32 v24, v5;
	v20 =	vadd.f32 v26, v25;
	[tilespmem:v23+s1+$0x0] =	vst.idx.msk $0xffff, v17;
	v17 =	vld [tilespmem:s16+$0xE800]  }
.LBB2_10:
0x1f8: {  	s0 =	simm.s32 $0x1  }
0x1f9: {  	v23 =	vld [tilespmem:s12+$0xE800];
	v19 =	vadd.f32 v21, v19;
	v13 =	vmul.f32 v13, v5;
	s21 =	sadd.s32 $0x2, s21;
	s0 =	simm.s32 @!p0 $0x0  }
0x1fa: {  	s4 =	sand.u32 $0x3, s21;
	v14 =	vmul.f32 v14, v5;
	v20 =	vadd.f32 v22, v20;
	s0 =	sshll.u32 s0, $0x6;
	v21 =	vld [tilespmem:s23+$0xE800]  }
0x1fb: {  	s2 =	sadd.s32 $0x200, s2;
	s3 =	sadd.s32 $0x40, s3;
	s4 =	sshll.u32 s4, $0x5;
	v18 =	vmul.f32 v18, v4;
	v13 =	vadd.f32 v13, v19;
	v22 =	vld [tilespmem:s11+$0xE800]  }
0x1fc: {  	s9 =	sand.u32 $0xC00, s2;
	s7 =	sadd.s32 $0x10, s3;
	s28 =	sadd.s32 $0x30, s3;
	v14 =	vadd.f32 v14, v15;
	v16 =	vmul.f32 v16, v4;
	v15 =	vld [tilespmem:s13+$0xE800]  }
0x1fd: {  	s22 =	sadd.s32 $0x4, s22;
	s11 =	sadd.s32 $0xE800, s9;
	s9 =	sand.u32 $0x70, s28;
	v17 =	vmul.f32 v17, v4;
	v18 =	vadd.f32 v18, v20;
	v19 =	vld [tilespmem:s30+$0xE800]  }
0x1fe: {  	p1 =	slt.u32 s22, $0x14;
	s12 =	sor.u32 s9, s11;
	s30 =	sadd.s32 $0x20, s3;
	v23 =	vmul.f32 v23, v3;
	v13 =	vadd.f32 v16, v13;
	v20 =	vld [tilespmem:s25+$0xE800]  }
0x1ff: {  	s9 =	sand.u32 $0x40, s3;
	s13 =	sand.u32 $0x50, s7;
	s14 =	sand.u32 $0x60, s30;
	v14 =	vadd.f32 v17, v14;
	v16 =	vld [tilespmem:s12+$0x0];
	v17 =	vmul.f32 v21, v3  }
0x200: {  	s8 =	sadd.s32 $0x4, s8;
	s18 =	sor.u32 s9, s11;
	s9 =	sor.u32 s13, s11;
	v18 =	vadd.f32 v23, v18;
	v21 =	vld [tilespmem:s12+$0x80];
	v22 =	vmul.f32 v22, v3  }
0x201: {  	s4 =	sadd.s32 s2, s4;
	s13 =	sand.u32 $0x7, s8;
	s17 =	sor.u32 s14, s11;
	v23 =	vld [tilespmem:s18+$0x0];
	v15 =	vmul.f32 v15, v2;
	v13 =	vadd.f32 v17, v13  }
0x202: {  	s11 =	sshll.u32 s13, $0x4;
	s13 =	sadd.s32 s0, s2;
	s14 =	sadd.s32 $0x20, s4;
	v17 =	vld [tilespmem:s12+$0x100];
	v14 =	vadd.f32 v22, v14;
	v19 =	vmul.f32 v19, v2  }
0x203: {  	s0 =	sadd.s32 s2, s11;
	s26 =	sor.u32 $0x200, s13;
	s19 =	sor.u32 $0x200, s14;
	v22 =	vld [tilespmem:s18+$0x80];
	v20 =	vmul.f32 v20, v2;
	v15 =	vadd.f32 v15, v18  }
0x204: {  	s16 =	sor.u32 $0x280, s14;
	s11 =	sadd.s32 $0x10, s0;
	s31 =	sadd.s32 $0x30, s0;
	v18 =	vld [tilespmem:s12+$0x180];
	v13 =	vadd.f32 v19, v13  }
0x205: {  	s4 =	sor.u32 $0x200, s11;
	s0 =	sor.u32 $0x280, s11;
	s25 =	sor.u32 $0x200, s31;
	v16 =	vmul.f32 v16, v6;
	v19 =	vld [tilespmem:s9+$0x0];
	v21 =	vmul.f32 v21, v7;
	v14 =	vadd.f32 v20, v14  }
0x206: {  	s20 =	sor.u32 $0x280, s13;
	s23 =	sor.u32 $0x300, s14;
	s12 =	sor.u32 $0x300, s11;
	v15 =	vadd.f32 v15, v1;
	v20 =	vmul.f32 v23, v6;
	v23 =	vld [tilespmem:s25+$0xE800];
	v13 =	vadd.f32 v13, v1  }
0x207: {  	s7 =	sor.u32 s7, s2;
	s14 =	sor.u32 $0x280, s31;
	s11 =	sor.u32 $0x300, s13;
	v24 =	vld [tilespmem:s9+$0x80];
	v16 =	vadd.f32 v21, v16;
	v17 =	vmul.f32 v17, v8;
	v14 =	vadd.f32 v14, v1  }
0x208: {  	s13 =	sor.u32 $0x380, s7;
	s7 =	sor.u32 s30, s2;
	s25 =	sor.u32 s3, s2;
	v21 =	vmul.f32 v22, v7;
	v22 =	vld [tilespmem:s14+$0xE800];
	[tilespmem:v11+s1+$0x0] =	vst.idx.msk $0xffff, v15  }
0x209: {  	s30 =	sor.u32 $0x380, s7;
	s7 =	sor.u32 $0x300, s31;
	s25 =	sor.u32 $0x380, s25;
	v11 =	vld [tilespmem:s17+$0x0];
	v15 =	vadd.f32 v17, v16;
	v16 =	vmul.f32 v18, v9;
	[tilespmem:v10+s1+$0x0] =	vst.idx.msk $0xffff, v14  }
0x20a: {  	v14 =	vadd.f32 v21, v20;
	v10 =	vmul.f32 v19, v6;
	v17 =	vld [tilespmem:s7+$0xE800];
	s7 =	sor.u32 s28, s2;
	[tilespmem:v12+s1+$0x0] =	vst.idx.msk $0xffff, v13  }
0x20b: {  	v12 =	vld [tilespmem:s17+$0x80];
	v13 =	vadd.f32 v16, v15;
	v15 =	vmul.f32 v23, v5;
	s7 =	sor.u32 $0x380, s7  }
0x20c: {  	v16 =	vmul.f32 v24, v7;
	v18 =	vld [tilespmem:s7+$0xE800]  }
0x20d: {  	v19 =	vld [tilespmem:s18+$0x100];
	v13 =	vadd.f32 v15, v13;
	v15 =	vmul.f32 v22, v4  }
0x20e: {  	v16 =	vadd.f32 v16, v10;
	v20 =	vld [tilespmem:s9+$0x100];
	v10 =	vmul.f32 v11, v6  }
0x20f: {  	v21 =	vld [tilespmem:s17+$0x100];
	v11 =	vadd.f32 v15, v13;
	v13 =	vmul.f32 v17, v3  }
0x210: {  	v15 =	vld [tilespmem:s18+$0x180];
	v12 =	vmul.f32 v12, v7  }
0x211: {  	s10 =	sadd.s32 $0x240, s10;
	v17 =	vld [tilespmem:s9+$0x180];
	v11 =	vadd.f32 v13, v11;
	v13 =	vmul.f32 v18, v2  }
0x212: {  	s14 =	sadd.s32 $0xFFFFFF70, s10;
	v23 =	vadd.s32 s10, v0;
	s7 =	sadd.s32 $0xFFFFFE50, s10;
	s9 =	sadd.s32 $0xFFFFFEE0, s10;
	v18 =	vmul.f32 v19, v8;
	v12 =	vadd.f32 v12, v10;
	v22 =	vld [tilespmem:s17+$0x180]  }
0x213: {  	v10 =	vadd.s32 s7, v0;
	v19 =	vmul.f32 v20, v8;
	v24 =	vld [tilespmem:s4+$0xE800];
	v20 =	vadd.f32 v13, v11  }
.Ltmp4:
0x214: {  	v11 =	vadd.s32 s9, v0;
	v25 =	vadd.f32 v18, v14;
	v21 =	vmul.f32 v21, v8;
	v13 =	vld [tilespmem:s19+$0xE800];
	(pc) =	sbr.rel @p1 .LBB2_10-.Ltmp4, $4  }
0x215: {  	v15 =	vmul.f32 v15, v9;
	v14 =	vld [tilespmem:s26+$0xE800];
	v26 =	vadd.f32 v19, v16;
	v20 =	vadd.f32 v20, v1  }
0x216: {  	v27 =	vmul.f32 v17, v9;
	v18 =	vld [tilespmem:s0+$0xE800];
	v19 =	vadd.f32 v21, v12;
	v12 =	vadd.s32 s14, v0  }
0x217: {  	v15 =	vadd.f32 v15, v25;
	v21 =	vmul.f32 v22, v9;
	v16 =	vld [tilespmem:s16+$0xE800];
	[tilespmem:v23+s1+$0x0] =	vst.idx.msk $0xffff, v20  }
0x218: {  	p0 =	por !p0, !p0;
	v17 =	vld [tilespmem:s20+$0xE800];
	v20 =	vadd.f32 v27, v26;
	v22 =	vmul.f32 v24, v5  }
0x219: {  	v6 =	vld [tilespmem:s12+$0xE800]  }
0x21a: {  	v7 =	vld [tilespmem:s23+$0xE800]  }
0x21b: {  	v8 =	vadd.f32 v21, v19;
	v9 =	vmul.f32 v13, v5;
	v13 =	vld [tilespmem:s11+$0xE800]  }
0x21c: {  	v5 =	vmul.f32 v14, v5;
	v14 =	vld [tilespmem:s13+$0xE800]  }
0x21d: {  	v19 =	vadd.f32 v22, v20;
	v18 =	vmul.f32 v18, v4;
	v8 =	vadd.f32 v9, v8;
	v9 =	vld [tilespmem:s25+$0xE800]  }
0x21e: {  	v5 =	vadd.f32 v5, v15;
	v15 =	vmul.f32 v16, v4;
	v16 =	vld [tilespmem:s30+$0xE800];
	v4 =	vmul.f32 v17, v4  }
0x21f: {  	v17 =	vadd.f32 v18, v19;
	v6 =	vmul.f32 v6, v3  }
0x220: {  	v8 =	vadd.f32 v15, v8;
	v4 =	vadd.f32 v4, v5;
	v5 =	vmul.f32 v13, v3  }
0x221: {  	v3 =	vmul.f32 v7, v3;
	v7 =	vmul.f32 v14, v2;
	v6 =	vadd.f32 v6, v17  }
0x222: {  	v4 =	vadd.f32 v5, v4;
	v5 =	vmul.f32 v9, v2  }
0x223: {  	v3 =	vadd.f32 v3, v8;
	v2 =	vmul.f32 v16, v2;
	v6 =	vadd.f32 v7, v6  }
0x224: {  	v4 =	vadd.f32 v5, v4  }
0x225: {  	v2 =	vadd.f32 v2, v3;
	v3 =	vadd.f32 v6, v1  }
0x226: {  	v4 =	vadd.f32 v4, v1  }
0x227: {  	v1 =	vadd.f32 v2, v1;
	[tilespmem:v11+s1+$0x0] =	vst.idx.msk $0xffff, v3  }
0x228: {  	[tilespmem:v10+s1+$0x0] =	vst.idx.msk $0xffff, v4  }
0x229: {  	[tilespmem:v12+s1+$0x0] =	vst.idx.msk $0xffff, v1  }
0x22a: {  	v6 =	vld [tilespmem:$0x1C800]  }
0x22b: {  	v7 =	vld [tilespmem:$0x1C880]  }
0x22c: {  	v8 =	vld [tilespmem:$0x1C900]  }
0x22d: {  	v9 =	vld [tilespmem:$0x1C980]  }
0x22e: {  	s21 =	simm.s32 $0x0;
	v5 =	vld [tilespmem:$0x1CA00]  }
0x22f: {  	s3 =	simm.s32 $0x30;
	s0 =	sand.u32 $0xC00, s21;
	v4 =	vld [tilespmem:$0x1CA80]  }
0x230: {  	s19 =	sand.u32 $0x70, s3;
	s4 =	sadd.s32 $0xE800, s0;
	v3 =	vld [tilespmem:$0x1CB00]  }
0x231: {  	s2 =	sor.u32 s19, s4;
	v2 =	vld [tilespmem:$0x1CB80]  }
0x232: {  	s20 =	sand.u32 $0x40, s21;
	v10 =	vld [tilespmem:s2+$0x0]  }
0x233: {  	s7 =	sor.u32 s20, s4;
	v11 =	vld [tilespmem:s2+$0x80]  }
0x234: {  	s8 =	sand.u32 $0x7, s21;
	v12 =	vld [tilespmem:s7+$0x0]  }
0x235: {  	s0 =	simm.s32 $0x10;
	s8 =	sshll.u32 s8, $0x4;
	v13 =	vld [tilespmem:s2+$0x100]  }
0x236: {  	s9 =	sand.u32 $0x50, s0;
	s8 =	sadd.s32 $0x0, s8;
	v14 =	vld [tilespmem:s7+$0x80]  }
0x237: {  	s9 =	sor.u32 s9, s4;
	s10 =	sadd.s32 $0x30, s8;
	v15 =	vld [tilespmem:s2+$0x180]  }
0x238: {  	s22 =	sor.u32 $0x200, s10;
	v16 =	vld [tilespmem:s9+$0x0]  }
0x239: {  	v17 =	vld [tilespmem:s22+$0xE800];
	v10 =	vmul.f32 v10, v6;
	v11 =	vmul.f32 v11, v7  }
0x23a: {  	s2 =	simm.s32 $0x20;
	v18 =	vld [tilespmem:s9+$0x80]  }
0x23b: {  	s25 =	sor.u32 $0x280, s10;
	v21 =	vld [tilespmem:s7+$0x100];
	s23 =	sand.u32 $0x60, s2;
	v10 =	vadd.f32 v11, v10;
	v11 =	vmul.f32 v13, v8  }
0x23c: {  	s4 =	sor.u32 s23, s4;
	v13 =	vld [tilespmem:s25+$0xE800]  }
0x23d: {  	v19 =	vld [tilespmem:s4+$0x0];
	v10 =	vadd.f32 v11, v10;
	v11 =	vmul.f32 v15, v9  }
0x23e: {  	s10 =	sor.u32 $0x300, s10;
	v20 =	vld [tilespmem:s4+$0x80]  }
0x23f: {  	s3 =	sor.u32 s3, s21;
	v15 =	vld [tilespmem:s10+$0xE800];
	v10 =	vadd.f32 v11, v10;
	v11 =	vmul.f32 v17, v5  }
0x240: {  	s3 =	sor.u32 $0x380, s3;
	v22 =	vld [tilespmem:s4+$0x100];
	v12 =	vmul.f32 v12, v6;
	v14 =	vmul.f32 v14, v7  }
0x241: {  	p0 =	por $0x0, $0x0;
	s8 =	sadd.s32 $0x10, s8;
	v17 =	vld [tilespmem:s3+$0xE800];
	v10 =	vadd.f32 v11, v10;
	v11 =	vmul.f32 v13, v4  }
0x242: {  	s26 =	sand.u32 $0x3, s21;
	s0 =	sor.u32 s0, s21;
	s18 =	sor.u32 $0x200, s8;
	v16 =	vmul.f32 v16, v6;
	v18 =	vmul.f32 v18, v7;
	v12 =	vadd.f32 v14, v12;
	v14 =	vld [tilespmem:s7+$0x180]  }
0x243: {  	s14 =	sor.u32 $0x280, s8;
	s12 =	sor.u32 $0x300, s8;
	s3 =	simm.s32 $0x1;
	v13 =	vld [tilespmem:s9+$0x100];
	v10 =	vadd.f32 v11, v10  }
0x244: {  	s8 =	simm.s32 $0x0;
	v1 =	vld [tilespmem:$0x1DA80];
	s22 =	simm.s32 $0x0;
	s3 =	simm.s32 @!p0 $0x0;
	v11 =	vmul.f32 v15, v3;
	v15 =	vadd.f32 v18, v16;
	v16 =	vmul.f32 v19, v6  }
0x245: {  	s17 =	rddreg [dreg:$0x14];
	s10 =	sshll.u32 s26, $0x5;
	s3 =	sshll.u32 s3, $0x6;
	v18 =	vmul.f32 v20, v7;
	v19 =	vld [tilespmem:s9+$0x180];
	v20 =	vmul.f32 v21, v8  }
0x246: {  	s19 =	sadd.s32 $0xFFFFFE50, s17;
	v23 =	vadd.s32 s17, v0;
	s10 =	sadd.s32 $0x0, s10;
	s3 =	sadd.s32 $0x0, s3;
	v21 =	vld [tilespmem:s4+$0x180];
	v17 =	vmul.f32 v17, v2;
	v11 =	vadd.f32 v11, v10  }
0x247: {  	v24 =	vld [tilespmem:s18+$0xE800];
	s25 =	sadd.s32 $0xFFFFFEE0, s17;
	s28 =	sadd.s32 $0x20, s10;
	s31 =	sor.u32 $0x200, s3;
	v16 =	vadd.f32 v18, v16;
	v12 =	vadd.f32 v20, v12;
	v20 =	vmul.f32 v22, v8  }
0x248: {  	s26 =	sor.u32 s21, s21;
	s10 =	smov.u32 s17;
	s13 =	sor.u32 $0x200, s28;
	v22 =	vmul.f32 v14, v9;
	v14 =	vld [tilespmem:s31+$0xE800];
	v18 =	vmul.f32 v13, v8;
	v17 =	vadd.f32 v17, v11  }
0x249: {  	s20 =	sor.u32 $0x280, s28;
	s23 =	sor.u32 $0x300, s28;
	s28 =	sor.u32 s2, s21;
	v10 =	vadd.s32 s19, v0;
	v13 =	vld [tilespmem:s13+$0xE800];
	v11 =	vadd.s32 s25, v0  }
0x24a: {  	p0 =	por !p0, !p0;
	s2 =	simm.s32 $0x0;
	s30 =	sor.u32 $0x380, s28;
	v25 =	vadd.f32 v18, v15;
	v26 =	vmul.f32 v19, v9;
	v18 =	vld [tilespmem:s14+$0xE800];
	v17 =	vadd.f32 v17, v1  }
0x24b: {  	s16 =	sor.u32 $0x280, s3;
	s11 =	sor.u32 $0x300, s3;
	s31 =	sadd.s32 $0xFFFFFF70, s17;
	v19 =	vadd.f32 v20, v16;
	v15 =	vadd.f32 v22, v12;
	v21 =	vmul.f32 v21, v9;
	v16 =	vld [tilespmem:s20+$0xE800]  }
0x24c: {  	s3 =	simm.s32 $0x0;
	s13 =	sor.u32 $0x380, s0;
	s25 =	sor.u32 $0x380, s26;
	v12 =	vadd.s32 s31, v0;
	v22 =	vmul.f32 v24, v5;
	v20 =	vadd.f32 v26, v25;
	[tilespmem:v23+s1+$0x0] =	vst.idx.msk $0xffff, v17;
	v17 =	vld [tilespmem:s16+$0xE800]  }
.LBB2_12:
0x24d: {  	s0 =	simm.s32 $0x1  }
0x24e: {  	v23 =	vld [tilespmem:s12+$0xE800];
	v19 =	vadd.f32 v21, v19;
	v13 =	vmul.f32 v13, v5;
	s21 =	sadd.s32 $0x2, s21;
	s0 =	simm.s32 @!p0 $0x0  }
0x24f: {  	s4 =	sand.u32 $0x3, s21;
	v14 =	vmul.f32 v14, v5;
	v20 =	vadd.f32 v22, v20;
	s0 =	sshll.u32 s0, $0x6;
	v21 =	vld [tilespmem:s23+$0xE800]  }
0x250: {  	s2 =	sadd.s32 $0x200, s2;
	s3 =	sadd.s32 $0x40, s3;
	s4 =	sshll.u32 s4, $0x5;
	v18 =	vmul.f32 v18, v4;
	v13 =	vadd.f32 v13, v19;
	v22 =	vld [tilespmem:s11+$0xE800]  }
0x251: {  	s9 =	sand.u32 $0xC00, s2;
	s7 =	sadd.s32 $0x10, s3;
	s28 =	sadd.s32 $0x30, s3;
	v14 =	vadd.f32 v14, v15;
	v16 =	vmul.f32 v16, v4;
	v15 =	vld [tilespmem:s13+$0xE800]  }
0x252: {  	s22 =	sadd.s32 $0x4, s22;
	s11 =	sadd.s32 $0xE800, s9;
	s9 =	sand.u32 $0x70, s28;
	v17 =	vmul.f32 v17, v4;
	v18 =	vadd.f32 v18, v20;
	v19 =	vld [tilespmem:s30+$0xE800]  }
0x253: {  	p1 =	slt.u32 s22, $0x14;
	s12 =	sor.u32 s9, s11;
	s30 =	sadd.s32 $0x20, s3;
	v23 =	vmul.f32 v23, v3;
	v13 =	vadd.f32 v16, v13;
	v20 =	vld [tilespmem:s25+$0xE800]  }
0x254: {  	s9 =	sand.u32 $0x40, s3;
	s13 =	sand.u32 $0x50, s7;
	s14 =	sand.u32 $0x60, s30;
	v14 =	vadd.f32 v17, v14;
	v16 =	vld [tilespmem:s12+$0x0];
	v17 =	vmul.f32 v21, v3  }
0x255: {  	s8 =	sadd.s32 $0x4, s8;
	s18 =	sor.u32 s9, s11;
	s9 =	sor.u32 s13, s11;
	v18 =	vadd.f32 v23, v18;
	v21 =	vld [tilespmem:s12+$0x80];
	v22 =	vmul.f32 v22, v3  }
0x256: {  	s4 =	sadd.s32 s2, s4;
	s13 =	sand.u32 $0x7, s8;
	s17 =	sor.u32 s14, s11;
	v23 =	vld [tilespmem:s18+$0x0];
	v15 =	vmul.f32 v15, v2;
	v13 =	vadd.f32 v17, v13  }
0x257: {  	s11 =	sshll.u32 s13, $0x4;
	s13 =	sadd.s32 s0, s2;
	s14 =	sadd.s32 $0x20, s4;
	v17 =	vld [tilespmem:s12+$0x100];
	v14 =	vadd.f32 v22, v14;
	v19 =	vmul.f32 v19, v2  }
0x258: {  	s0 =	sadd.s32 s2, s11;
	s26 =	sor.u32 $0x200, s13;
	s19 =	sor.u32 $0x200, s14;
	v22 =	vld [tilespmem:s18+$0x80];
	v20 =	vmul.f32 v20, v2;
	v15 =	vadd.f32 v15, v18  }
0x259: {  	s16 =	sor.u32 $0x280, s14;
	s11 =	sadd.s32 $0x10, s0;
	s31 =	sadd.s32 $0x30, s0;
	v18 =	vld [tilespmem:s12+$0x180];
	v13 =	vadd.f32 v19, v13  }
0x25a: {  	s4 =	sor.u32 $0x200, s11;
	s0 =	sor.u32 $0x280, s11;
	s25 =	sor.u32 $0x200, s31;
	v16 =	vmul.f32 v16, v6;
	v19 =	vld [tilespmem:s9+$0x0];
	v21 =	vmul.f32 v21, v7;
	v14 =	vadd.f32 v20, v14  }
0x25b: {  	s20 =	sor.u32 $0x280, s13;
	s23 =	sor.u32 $0x300, s14;
	s12 =	sor.u32 $0x300, s11;
	v15 =	vadd.f32 v15, v1;
	v20 =	vmul.f32 v23, v6;
	v23 =	vld [tilespmem:s25+$0xE800];
	v13 =	vadd.f32 v13, v1  }
0x25c: {  	s7 =	sor.u32 s7, s2;
	s14 =	sor.u32 $0x280, s31;
	s11 =	sor.u32 $0x300, s13;
	v24 =	vld [tilespmem:s9+$0x80];
	v16 =	vadd.f32 v21, v16;
	v17 =	vmul.f32 v17, v8;
	v14 =	vadd.f32 v14, v1  }
0x25d: {  	s13 =	sor.u32 $0x380, s7;
	s7 =	sor.u32 s30, s2;
	s25 =	sor.u32 s3, s2;
	v21 =	vmul.f32 v22, v7;
	v22 =	vld [tilespmem:s14+$0xE800];
	[tilespmem:v11+s1+$0x0] =	vst.idx.msk $0xffff, v15  }
0x25e: {  	s30 =	sor.u32 $0x380, s7;
	s7 =	sor.u32 $0x300, s31;
	s25 =	sor.u32 $0x380, s25;
	v11 =	vld [tilespmem:s17+$0x0];
	v15 =	vadd.f32 v17, v16;
	v16 =	vmul.f32 v18, v9;
	[tilespmem:v10+s1+$0x0] =	vst.idx.msk $0xffff, v14  }
0x25f: {  	v14 =	vadd.f32 v21, v20;
	v10 =	vmul.f32 v19, v6;
	v17 =	vld [tilespmem:s7+$0xE800];
	s7 =	sor.u32 s28, s2;
	[tilespmem:v12+s1+$0x0] =	vst.idx.msk $0xffff, v13  }
0x260: {  	v12 =	vld [tilespmem:s17+$0x80];
	v13 =	vadd.f32 v16, v15;
	v15 =	vmul.f32 v23, v5;
	s7 =	sor.u32 $0x380, s7  }
0x261: {  	v16 =	vmul.f32 v24, v7;
	v18 =	vld [tilespmem:s7+$0xE800]  }
0x262: {  	v19 =	vld [tilespmem:s18+$0x100];
	v13 =	vadd.f32 v15, v13;
	v15 =	vmul.f32 v22, v4  }
0x263: {  	v16 =	vadd.f32 v16, v10;
	v20 =	vld [tilespmem:s9+$0x100];
	v10 =	vmul.f32 v11, v6  }
0x264: {  	v21 =	vld [tilespmem:s17+$0x100];
	v11 =	vadd.f32 v15, v13;
	v13 =	vmul.f32 v17, v3  }
0x265: {  	v15 =	vld [tilespmem:s18+$0x180];
	v12 =	vmul.f32 v12, v7  }
0x266: {  	s10 =	sadd.s32 $0x240, s10;
	v17 =	vld [tilespmem:s9+$0x180];
	v11 =	vadd.f32 v13, v11;
	v13 =	vmul.f32 v18, v2  }
0x267: {  	s14 =	sadd.s32 $0xFFFFFF70, s10;
	v23 =	vadd.s32 s10, v0;
	s7 =	sadd.s32 $0xFFFFFE50, s10;
	s9 =	sadd.s32 $0xFFFFFEE0, s10;
	v18 =	vmul.f32 v19, v8;
	v12 =	vadd.f32 v12, v10;
	v22 =	vld [tilespmem:s17+$0x180]  }
0x268: {  	v10 =	vadd.s32 s7, v0;
	v19 =	vmul.f32 v20, v8;
	v24 =	vld [tilespmem:s4+$0xE800];
	v20 =	vadd.f32 v13, v11  }
.Ltmp5:
0x269: {  	v11 =	vadd.s32 s9, v0;
	v25 =	vadd.f32 v18, v14;
	v21 =	vmul.f32 v21, v8;
	v13 =	vld [tilespmem:s19+$0xE800];
	(pc) =	sbr.rel @p1 .LBB2_12-.Ltmp5, $4  }
0x26a: {  	v15 =	vmul.f32 v15, v9;
	v14 =	vld [tilespmem:s26+$0xE800];
	v26 =	vadd.f32 v19, v16;
	v20 =	vadd.f32 v20, v1  }
0x26b: {  	v27 =	vmul.f32 v17, v9;
	v18 =	vld [tilespmem:s0+$0xE800];
	v19 =	vadd.f32 v21, v12;
	v12 =	vadd.s32 s14, v0  }
0x26c: {  	v15 =	vadd.f32 v15, v25;
	v21 =	vmul.f32 v22, v9;
	v16 =	vld [tilespmem:s16+$0xE800];
	[tilespmem:v23+s1+$0x0] =	vst.idx.msk $0xffff, v20  }
0x26d: {  	p0 =	por !p0, !p0;
	v17 =	vld [tilespmem:s20+$0xE800];
	v20 =	vadd.f32 v27, v26;
	v22 =	vmul.f32 v24, v5  }
0x26e: {  	v6 =	vld [tilespmem:s12+$0xE800]  }
0x26f: {  	v7 =	vld [tilespmem:s23+$0xE800]  }
0x270: {  	v8 =	vadd.f32 v21, v19;
	v9 =	vmul.f32 v13, v5;
	v13 =	vld [tilespmem:s11+$0xE800]  }
0x271: {  	v5 =	vmul.f32 v14, v5;
	v14 =	vld [tilespmem:s13+$0xE800]  }
0x272: {  	v19 =	vadd.f32 v22, v20;
	v18 =	vmul.f32 v18, v4;
	v8 =	vadd.f32 v9, v8;
	v9 =	vld [tilespmem:s25+$0xE800]  }
0x273: {  	v5 =	vadd.f32 v5, v15;
	v15 =	vmul.f32 v16, v4;
	v16 =	vld [tilespmem:s30+$0xE800];
	v4 =	vmul.f32 v17, v4  }
0x274: {  	v17 =	vadd.f32 v18, v19;
	v6 =	vmul.f32 v6, v3  }
0x275: {  	v8 =	vadd.f32 v15, v8;
	v4 =	vadd.f32 v4, v5;
	v5 =	vmul.f32 v13, v3  }
0x276: {  	v3 =	vmul.f32 v7, v3;
	v7 =	vmul.f32 v14, v2;
	v6 =	vadd.f32 v6, v17  }
0x277: {  	v4 =	vadd.f32 v5, v4;
	v5 =	vmul.f32 v9, v2  }
0x278: {  	v3 =	vadd.f32 v3, v8;
	v2 =	vmul.f32 v16, v2;
	v6 =	vadd.f32 v7, v6  }
0x279: {  	v4 =	vadd.f32 v5, v4  }
0x27a: {  	v2 =	vadd.f32 v2, v3;
	v3 =	vadd.f32 v6, v1  }
0x27b: {  	v4 =	vadd.f32 v4, v1  }
0x27c: {  	v1 =	vadd.f32 v2, v1;
	[tilespmem:v11+s1+$0x0] =	vst.idx.msk $0xffff, v3  }
0x27d: {  	[tilespmem:v10+s1+$0x0] =	vst.idx.msk $0xffff, v4  }
0x27e: {  	[tilespmem:v12+s1+$0x0] =	vst.idx.msk $0xffff, v1  }
0x27f: {  	v6 =	vld [tilespmem:$0x1CC00]  }
0x280: {  	v7 =	vld [tilespmem:$0x1CC80]  }
0x281: {  	v8 =	vld [tilespmem:$0x1CD00]  }
0x282: {  	v9 =	vld [tilespmem:$0x1CD80]  }
0x283: {  	s21 =	simm.s32 $0x0;
	v5 =	vld [tilespmem:$0x1CE00]  }
0x284: {  	s3 =	simm.s32 $0x30;
	s0 =	sand.u32 $0xC00, s21;
	v4 =	vld [tilespmem:$0x1CE80]  }
0x285: {  	s19 =	sand.u32 $0x70, s3;
	s4 =	sadd.s32 $0xE800, s0;
	v3 =	vld [tilespmem:$0x1CF00]  }
0x286: {  	s2 =	sor.u32 s19, s4;
	v2 =	vld [tilespmem:$0x1CF80]  }
0x287: {  	s20 =	sand.u32 $0x40, s21;
	v10 =	vld [tilespmem:s2+$0x0]  }
0x288: {  	s7 =	sor.u32 s20, s4;
	v11 =	vld [tilespmem:s2+$0x80]  }
0x289: {  	s8 =	sand.u32 $0x7, s21;
	v12 =	vld [tilespmem:s7+$0x0]  }
0x28a: {  	s0 =	simm.s32 $0x10;
	s8 =	sshll.u32 s8, $0x4;
	v13 =	vld [tilespmem:s2+$0x100]  }
0x28b: {  	s9 =	sand.u32 $0x50, s0;
	s8 =	sadd.s32 $0x0, s8;
	v14 =	vld [tilespmem:s7+$0x80]  }
0x28c: {  	s9 =	sor.u32 s9, s4;
	s10 =	sadd.s32 $0x30, s8;
	v15 =	vld [tilespmem:s2+$0x180]  }
0x28d: {  	s22 =	sor.u32 $0x200, s10;
	v16 =	vld [tilespmem:s9+$0x0]  }
0x28e: {  	v17 =	vld [tilespmem:s22+$0xE800];
	v10 =	vmul.f32 v10, v6;
	v11 =	vmul.f32 v11, v7  }
0x28f: {  	s2 =	simm.s32 $0x20;
	v18 =	vld [tilespmem:s9+$0x80]  }
0x290: {  	s25 =	sor.u32 $0x280, s10;
	v21 =	vld [tilespmem:s7+$0x100];
	s23 =	sand.u32 $0x60, s2;
	v10 =	vadd.f32 v11, v10;
	v11 =	vmul.f32 v13, v8  }
0x291: {  	s4 =	sor.u32 s23, s4;
	v13 =	vld [tilespmem:s25+$0xE800]  }
0x292: {  	v19 =	vld [tilespmem:s4+$0x0];
	v10 =	vadd.f32 v11, v10;
	v11 =	vmul.f32 v15, v9  }
0x293: {  	s10 =	sor.u32 $0x300, s10;
	v20 =	vld [tilespmem:s4+$0x80]  }
0x294: {  	s3 =	sor.u32 s3, s21;
	v15 =	vld [tilespmem:s10+$0xE800];
	v10 =	vadd.f32 v11, v10;
	v11 =	vmul.f32 v17, v5  }
0x295: {  	s3 =	sor.u32 $0x380, s3;
	v22 =	vld [tilespmem:s4+$0x100];
	v12 =	vmul.f32 v12, v6;
	v14 =	vmul.f32 v14, v7  }
0x296: {  	p0 =	por $0x0, $0x0;
	s8 =	sadd.s32 $0x10, s8;
	v17 =	vld [tilespmem:s3+$0xE800];
	v10 =	vadd.f32 v11, v10;
	v11 =	vmul.f32 v13, v4  }
0x297: {  	s26 =	sand.u32 $0x3, s21;
	s0 =	sor.u32 s0, s21;
	s18 =	sor.u32 $0x200, s8;
	v16 =	vmul.f32 v16, v6;
	v18 =	vmul.f32 v18, v7;
	v12 =	vadd.f32 v14, v12;
	v14 =	vld [tilespmem:s7+$0x180]  }
0x298: {  	s14 =	sor.u32 $0x280, s8;
	s12 =	sor.u32 $0x300, s8;
	s3 =	simm.s32 $0x1;
	v13 =	vld [tilespmem:s9+$0x100];
	v10 =	vadd.f32 v11, v10  }
0x299: {  	s8 =	simm.s32 $0x0;
	v1 =	vld [tilespmem:$0x1DB00];
	s22 =	simm.s32 $0x0;
	s3 =	simm.s32 @!p0 $0x0;
	v11 =	vmul.f32 v15, v3;
	v15 =	vadd.f32 v18, v16;
	v16 =	vmul.f32 v19, v6  }
0x29a: {  	s17 =	rddreg [dreg:$0x15];
	s10 =	sshll.u32 s26, $0x5;
	s3 =	sshll.u32 s3, $0x6;
	v18 =	vmul.f32 v20, v7;
	v19 =	vld [tilespmem:s9+$0x180];
	v20 =	vmul.f32 v21, v8  }
0x29b: {  	s19 =	sadd.s32 $0xFFFFFE50, s17;
	v23 =	vadd.s32 s17, v0;
	s10 =	sadd.s32 $0x0, s10;
	s3 =	sadd.s32 $0x0, s3;
	v21 =	vld [tilespmem:s4+$0x180];
	v17 =	vmul.f32 v17, v2;
	v11 =	vadd.f32 v11, v10  }
0x29c: {  	v24 =	vld [tilespmem:s18+$0xE800];
	s25 =	sadd.s32 $0xFFFFFEE0, s17;
	s28 =	sadd.s32 $0x20, s10;
	s31 =	sor.u32 $0x200, s3;
	v16 =	vadd.f32 v18, v16;
	v12 =	vadd.f32 v20, v12;
	v20 =	vmul.f32 v22, v8  }
0x29d: {  	s26 =	sor.u32 s21, s21;
	s10 =	smov.u32 s17;
	s13 =	sor.u32 $0x200, s28;
	v22 =	vmul.f32 v14, v9;
	v14 =	vld [tilespmem:s31+$0xE800];
	v18 =	vmul.f32 v13, v8;
	v17 =	vadd.f32 v17, v11  }
0x29e: {  	s20 =	sor.u32 $0x280, s28;
	s23 =	sor.u32 $0x300, s28;
	s28 =	sor.u32 s2, s21;
	v10 =	vadd.s32 s19, v0;
	v13 =	vld [tilespmem:s13+$0xE800];
	v11 =	vadd.s32 s25, v0  }
0x29f: {  	p0 =	por !p0, !p0;
	s2 =	simm.s32 $0x0;
	s30 =	sor.u32 $0x380, s28;
	v25 =	vadd.f32 v18, v15;
	v26 =	vmul.f32 v19, v9;
	v18 =	vld [tilespmem:s14+$0xE800];
	v17 =	vadd.f32 v17, v1  }
0x2a0: {  	s16 =	sor.u32 $0x280, s3;
	s11 =	sor.u32 $0x300, s3;
	s31 =	sadd.s32 $0xFFFFFF70, s17;
	v19 =	vadd.f32 v20, v16;
	v15 =	vadd.f32 v22, v12;
	v21 =	vmul.f32 v21, v9;
	v16 =	vld [tilespmem:s20+$0xE800]  }
0x2a1: {  	s3 =	simm.s32 $0x0;
	s13 =	sor.u32 $0x380, s0;
	s25 =	sor.u32 $0x380, s26;
	v12 =	vadd.s32 s31, v0;
	v22 =	vmul.f32 v24, v5;
	v20 =	vadd.f32 v26, v25;
	[tilespmem:v23+s1+$0x0] =	vst.idx.msk $0xffff, v17;
	v17 =	vld [tilespmem:s16+$0xE800]  }
.LBB2_14:
0x2a2: {  	s0 =	simm.s32 $0x1  }
0x2a3: {  	v23 =	vld [tilespmem:s12+$0xE800];
	v19 =	vadd.f32 v21, v19;
	v13 =	vmul.f32 v13, v5;
	s21 =	sadd.s32 $0x2, s21;
	s0 =	simm.s32 @!p0 $0x0  }
0x2a4: {  	s4 =	sand.u32 $0x3, s21;
	v14 =	vmul.f32 v14, v5;
	v20 =	vadd.f32 v22, v20;
	s0 =	sshll.u32 s0, $0x6;
	v21 =	vld [tilespmem:s23+$0xE800]  }
0x2a5: {  	s2 =	sadd.s32 $0x200, s2;
	s3 =	sadd.s32 $0x40, s3;
	s4 =	sshll.u32 s4, $0x5;
	v18 =	vmul.f32 v18, v4;
	v13 =	vadd.f32 v13, v19;
	v22 =	vld [tilespmem:s11+$0xE800]  }
0x2a6: {  	s9 =	sand.u32 $0xC00, s2;
	s7 =	sadd.s32 $0x10, s3;
	s28 =	sadd.s32 $0x30, s3;
	v14 =	vadd.f32 v14, v15;
	v16 =	vmul.f32 v16, v4;
	v15 =	vld [tilespmem:s13+$0xE800]  }
0x2a7: {  	s22 =	sadd.s32 $0x4, s22;
	s11 =	sadd.s32 $0xE800, s9;
	s9 =	sand.u32 $0x70, s28;
	v17 =	vmul.f32 v17, v4;
	v18 =	vadd.f32 v18, v20;
	v19 =	vld [tilespmem:s30+$0xE800]  }
0x2a8: {  	p1 =	slt.u32 s22, $0x14;
	s12 =	sor.u32 s9, s11;
	s30 =	sadd.s32 $0x20, s3;
	v23 =	vmul.f32 v23, v3;
	v13 =	vadd.f32 v16, v13;
	v20 =	vld [tilespmem:s25+$0xE800]  }
0x2a9: {  	s9 =	sand.u32 $0x40, s3;
	s13 =	sand.u32 $0x50, s7;
	s14 =	sand.u32 $0x60, s30;
	v14 =	vadd.f32 v17, v14;
	v16 =	vld [tilespmem:s12+$0x0];
	v17 =	vmul.f32 v21, v3  }
0x2aa: {  	s8 =	sadd.s32 $0x4, s8;
	s18 =	sor.u32 s9, s11;
	s9 =	sor.u32 s13, s11;
	v18 =	vadd.f32 v23, v18;
	v21 =	vld [tilespmem:s12+$0x80];
	v22 =	vmul.f32 v22, v3  }
0x2ab: {  	s4 =	sadd.s32 s2, s4;
	s13 =	sand.u32 $0x7, s8;
	s17 =	sor.u32 s14, s11;
	v23 =	vld [tilespmem:s18+$0x0];
	v15 =	vmul.f32 v15, v2;
	v13 =	vadd.f32 v17, v13  }
0x2ac: {  	s11 =	sshll.u32 s13, $0x4;
	s13 =	sadd.s32 s0, s2;
	s14 =	sadd.s32 $0x20, s4;
	v17 =	vld [tilespmem:s12+$0x100];
	v14 =	vadd.f32 v22, v14;
	v19 =	vmul.f32 v19, v2  }
0x2ad: {  	s0 =	sadd.s32 s2, s11;
	s26 =	sor.u32 $0x200, s13;
	s19 =	sor.u32 $0x200, s14;
	v22 =	vld [tilespmem:s18+$0x80];
	v20 =	vmul.f32 v20, v2;
	v15 =	vadd.f32 v15, v18  }
0x2ae: {  	s16 =	sor.u32 $0x280, s14;
	s11 =	sadd.s32 $0x10, s0;
	s31 =	sadd.s32 $0x30, s0;
	v18 =	vld [tilespmem:s12+$0x180];
	v13 =	vadd.f32 v19, v13  }
0x2af: {  	s4 =	sor.u32 $0x200, s11;
	s0 =	sor.u32 $0x280, s11;
	s25 =	sor.u32 $0x200, s31;
	v16 =	vmul.f32 v16, v6;
	v19 =	vld [tilespmem:s9+$0x0];
	v21 =	vmul.f32 v21, v7;
	v14 =	vadd.f32 v20, v14  }
0x2b0: {  	s20 =	sor.u32 $0x280, s13;
	s23 =	sor.u32 $0x300, s14;
	s12 =	sor.u32 $0x300, s11;
	v15 =	vadd.f32 v15, v1;
	v20 =	vmul.f32 v23, v6;
	v23 =	vld [tilespmem:s25+$0xE800];
	v13 =	vadd.f32 v13, v1  }
0x2b1: {  	s7 =	sor.u32 s7, s2;
	s14 =	sor.u32 $0x280, s31;
	s11 =	sor.u32 $0x300, s13;
	v24 =	vld [tilespmem:s9+$0x80];
	v16 =	vadd.f32 v21, v16;
	v17 =	vmul.f32 v17, v8;
	v14 =	vadd.f32 v14, v1  }
0x2b2: {  	s13 =	sor.u32 $0x380, s7;
	s7 =	sor.u32 s30, s2;
	s25 =	sor.u32 s3, s2;
	v21 =	vmul.f32 v22, v7;
	v22 =	vld [tilespmem:s14+$0xE800];
	[tilespmem:v11+s1+$0x0] =	vst.idx.msk $0xffff, v15  }
0x2b3: {  	s30 =	sor.u32 $0x380, s7;
	s7 =	sor.u32 $0x300, s31;
	s25 =	sor.u32 $0x380, s25;
	v11 =	vld [tilespmem:s17+$0x0];
	v15 =	vadd.f32 v17, v16;
	v16 =	vmul.f32 v18, v9;
	[tilespmem:v10+s1+$0x0] =	vst.idx.msk $0xffff, v14  }
0x2b4: {  	v14 =	vadd.f32 v21, v20;
	v10 =	vmul.f32 v19, v6;
	v17 =	vld [tilespmem:s7+$0xE800];
	s7 =	sor.u32 s28, s2;
	[tilespmem:v12+s1+$0x0] =	vst.idx.msk $0xffff, v13  }
0x2b5: {  	v12 =	vld [tilespmem:s17+$0x80];
	v13 =	vadd.f32 v16, v15;
	v15 =	vmul.f32 v23, v5;
	s7 =	sor.u32 $0x380, s7  }
0x2b6: {  	v16 =	vmul.f32 v24, v7;
	v18 =	vld [tilespmem:s7+$0xE800]  }
0x2b7: {  	v19 =	vld [tilespmem:s18+$0x100];
	v13 =	vadd.f32 v15, v13;
	v15 =	vmul.f32 v22, v4  }
0x2b8: {  	v16 =	vadd.f32 v16, v10;
	v20 =	vld [tilespmem:s9+$0x100];
	v10 =	vmul.f32 v11, v6  }
0x2b9: {  	v21 =	vld [tilespmem:s17+$0x100];
	v11 =	vadd.f32 v15, v13;
	v13 =	vmul.f32 v17, v3  }
0x2ba: {  	v15 =	vld [tilespmem:s18+$0x180];
	v12 =	vmul.f32 v12, v7  }
0x2bb: {  	s10 =	sadd.s32 $0x240, s10;
	v17 =	vld [tilespmem:s9+$0x180];
	v11 =	vadd.f32 v13, v11;
	v13 =	vmul.f32 v18, v2  }
0x2bc: {  	s14 =	sadd.s32 $0xFFFFFF70, s10;
	v23 =	vadd.s32 s10, v0;
	s7 =	sadd.s32 $0xFFFFFE50, s10;
	s9 =	sadd.s32 $0xFFFFFEE0, s10;
	v18 =	vmul.f32 v19, v8;
	v12 =	vadd.f32 v12, v10;
	v22 =	vld [tilespmem:s17+$0x180]  }
0x2bd: {  	v10 =	vadd.s32 s7, v0;
	v19 =	vmul.f32 v20, v8;
	v24 =	vld [tilespmem:s4+$0xE800];
	v20 =	vadd.f32 v13, v11  }
.Ltmp6:
0x2be: {  	v11 =	vadd.s32 s9, v0;
	v25 =	vadd.f32 v18, v14;
	v21 =	vmul.f32 v21, v8;
	v13 =	vld [tilespmem:s19+$0xE800];
	(pc) =	sbr.rel @p1 .LBB2_14-.Ltmp6, $4  }
0x2bf: {  	v15 =	vmul.f32 v15, v9;
	v14 =	vld [tilespmem:s26+$0xE800];
	v26 =	vadd.f32 v19, v16;
	v20 =	vadd.f32 v20, v1  }
0x2c0: {  	v27 =	vmul.f32 v17, v9;
	v18 =	vld [tilespmem:s0+$0xE800];
	v19 =	vadd.f32 v21, v12;
	v12 =	vadd.s32 s14, v0  }
0x2c1: {  	v15 =	vadd.f32 v15, v25;
	v21 =	vmul.f32 v22, v9;
	v16 =	vld [tilespmem:s16+$0xE800];
	[tilespmem:v23+s1+$0x0] =	vst.idx.msk $0xffff, v20  }
0x2c2: {  	p0 =	por !p0, !p0;
	v17 =	vld [tilespmem:s20+$0xE800];
	v20 =	vadd.f32 v27, v26;
	v22 =	vmul.f32 v24, v5  }
0x2c3: {  	v6 =	vld [tilespmem:s12+$0xE800]  }
0x2c4: {  	v7 =	vld [tilespmem:s23+$0xE800]  }
0x2c5: {  	v8 =	vadd.f32 v21, v19;
	v9 =	vmul.f32 v13, v5;
	v13 =	vld [tilespmem:s11+$0xE800]  }
0x2c6: {  	v5 =	vmul.f32 v14, v5;
	v14 =	vld [tilespmem:s13+$0xE800]  }
0x2c7: {  	v19 =	vadd.f32 v22, v20;
	v18 =	vmul.f32 v18, v4;
	v8 =	vadd.f32 v9, v8;
	v9 =	vld [tilespmem:s25+$0xE800]  }
0x2c8: {  	v5 =	vadd.f32 v5, v15;
	v15 =	vmul.f32 v16, v4;
	v16 =	vld [tilespmem:s30+$0xE800];
	v4 =	vmul.f32 v17, v4  }
0x2c9: {  	v17 =	vadd.f32 v18, v19;
	v6 =	vmul.f32 v6, v3  }
0x2ca: {  	v8 =	vadd.f32 v15, v8;
	v4 =	vadd.f32 v4, v5;
	v5 =	vmul.f32 v13, v3  }
0x2cb: {  	v3 =	vmul.f32 v7, v3;
	v7 =	vmul.f32 v14, v2;
	v6 =	vadd.f32 v6, v17  }
0x2cc: {  	v4 =	vadd.f32 v5, v4;
	v5 =	vmul.f32 v9, v2  }
0x2cd: {  	v3 =	vadd.f32 v3, v8;
	v2 =	vmul.f32 v16, v2;
	v6 =	vadd.f32 v7, v6  }
0x2ce: {  	v4 =	vadd.f32 v5, v4  }
0x2cf: {  	v2 =	vadd.f32 v2, v3;
	v3 =	vadd.f32 v6, v1  }
0x2d0: {  	v4 =	vadd.f32 v4, v1  }
0x2d1: {  	v1 =	vadd.f32 v2, v1;
	[tilespmem:v11+s1+$0x0] =	vst.idx.msk $0xffff, v3  }
0x2d2: {  	[tilespmem:v10+s1+$0x0] =	vst.idx.msk $0xffff, v4  }
0x2d3: {  	[tilespmem:v12+s1+$0x0] =	vst.idx.msk $0xffff, v1  }
0x2d4: {  	v6 =	vld [tilespmem:$0x1D000]  }
0x2d5: {  	v7 =	vld [tilespmem:$0x1D080]  }
0x2d6: {  	v8 =	vld [tilespmem:$0x1D100]  }
0x2d7: {  	v9 =	vld [tilespmem:$0x1D180]  }
0x2d8: {  	s21 =	simm.s32 $0x0;
	v5 =	vld [tilespmem:$0x1D200]  }
0x2d9: {  	s3 =	simm.s32 $0x30;
	s0 =	sand.u32 $0xC00, s21;
	v4 =	vld [tilespmem:$0x1D280]  }
0x2da: {  	s19 =	sand.u32 $0x70, s3;
	s4 =	sadd.s32 $0xE800, s0;
	v3 =	vld [tilespmem:$0x1D300]  }
0x2db: {  	s2 =	sor.u32 s19, s4;
	v2 =	vld [tilespmem:$0x1D380]  }
0x2dc: {  	s20 =	sand.u32 $0x40, s21;
	v10 =	vld [tilespmem:s2+$0x0]  }
0x2dd: {  	s7 =	sor.u32 s20, s4;
	v11 =	vld [tilespmem:s2+$0x80]  }
0x2de: {  	s8 =	sand.u32 $0x7, s21;
	v12 =	vld [tilespmem:s7+$0x0]  }
0x2df: {  	s0 =	simm.s32 $0x10;
	s8 =	sshll.u32 s8, $0x4;
	v13 =	vld [tilespmem:s2+$0x100]  }
0x2e0: {  	s9 =	sand.u32 $0x50, s0;
	s8 =	sadd.s32 $0x0, s8;
	v14 =	vld [tilespmem:s7+$0x80]  }
0x2e1: {  	s9 =	sor.u32 s9, s4;
	s10 =	sadd.s32 $0x30, s8;
	v15 =	vld [tilespmem:s2+$0x180]  }
0x2e2: {  	s22 =	sor.u32 $0x200, s10;
	v16 =	vld [tilespmem:s9+$0x0]  }
0x2e3: {  	v17 =	vld [tilespmem:s22+$0xE800];
	v10 =	vmul.f32 v10, v6;
	v11 =	vmul.f32 v11, v7  }
0x2e4: {  	s2 =	simm.s32 $0x20;
	v18 =	vld [tilespmem:s9+$0x80]  }
0x2e5: {  	s25 =	sor.u32 $0x280, s10;
	v21 =	vld [tilespmem:s7+$0x100];
	s23 =	sand.u32 $0x60, s2;
	v10 =	vadd.f32 v11, v10;
	v11 =	vmul.f32 v13, v8  }
0x2e6: {  	s4 =	sor.u32 s23, s4;
	v13 =	vld [tilespmem:s25+$0xE800]  }
0x2e7: {  	v19 =	vld [tilespmem:s4+$0x0];
	v10 =	vadd.f32 v11, v10;
	v11 =	vmul.f32 v15, v9  }
0x2e8: {  	s10 =	sor.u32 $0x300, s10;
	v20 =	vld [tilespmem:s4+$0x80]  }
0x2e9: {  	s3 =	sor.u32 s3, s21;
	v15 =	vld [tilespmem:s10+$0xE800];
	v10 =	vadd.f32 v11, v10;
	v11 =	vmul.f32 v17, v5  }
0x2ea: {  	s3 =	sor.u32 $0x380, s3;
	v22 =	vld [tilespmem:s4+$0x100];
	v12 =	vmul.f32 v12, v6;
	v14 =	vmul.f32 v14, v7  }
0x2eb: {  	p0 =	por $0x0, $0x0;
	s8 =	sadd.s32 $0x10, s8;
	v17 =	vld [tilespmem:s3+$0xE800];
	v10 =	vadd.f32 v11, v10;
	v11 =	vmul.f32 v13, v4  }
0x2ec: {  	s26 =	sand.u32 $0x3, s21;
	s0 =	sor.u32 s0, s21;
	s18 =	sor.u32 $0x200, s8;
	v16 =	vmul.f32 v16, v6;
	v18 =	vmul.f32 v18, v7;
	v12 =	vadd.f32 v14, v12;
	v14 =	vld [tilespmem:s7+$0x180]  }
0x2ed: {  	s14 =	sor.u32 $0x280, s8;
	s12 =	sor.u32 $0x300, s8;
	s3 =	simm.s32 $0x1;
	v13 =	vld [tilespmem:s9+$0x100];
	v10 =	vadd.f32 v11, v10  }
0x2ee: {  	s8 =	simm.s32 $0x0;
	v1 =	vld [tilespmem:$0x1DB80];
	s22 =	simm.s32 $0x0;
	s3 =	simm.s32 @!p0 $0x0;
	v11 =	vmul.f32 v15, v3;
	v15 =	vadd.f32 v18, v16;
	v16 =	vmul.f32 v19, v6  }
0x2ef: {  	s17 =	rddreg [dreg:$0x16];
	s10 =	sshll.u32 s26, $0x5;
	s3 =	sshll.u32 s3, $0x6;
	v18 =	vmul.f32 v20, v7;
	v19 =	vld [tilespmem:s9+$0x180];
	v20 =	vmul.f32 v21, v8  }
0x2f0: {  	s19 =	sadd.s32 $0xFFFFFE50, s17;
	v23 =	vadd.s32 s17, v0;
	s10 =	sadd.s32 $0x0, s10;
	s3 =	sadd.s32 $0x0, s3;
	v21 =	vld [tilespmem:s4+$0x180];
	v17 =	vmul.f32 v17, v2;
	v11 =	vadd.f32 v11, v10  }
0x2f1: {  	v24 =	vld [tilespmem:s18+$0xE800];
	s25 =	sadd.s32 $0xFFFFFEE0, s17;
	s28 =	sadd.s32 $0x20, s10;
	s31 =	sor.u32 $0x200, s3;
	v16 =	vadd.f32 v18, v16;
	v12 =	vadd.f32 v20, v12;
	v20 =	vmul.f32 v22, v8  }
0x2f2: {  	s26 =	sor.u32 s21, s21;
	s10 =	smov.u32 s17;
	s13 =	sor.u32 $0x200, s28;
	v22 =	vmul.f32 v14, v9;
	v14 =	vld [tilespmem:s31+$0xE800];
	v18 =	vmul.f32 v13, v8;
	v17 =	vadd.f32 v17, v11  }
0x2f3: {  	s20 =	sor.u32 $0x280, s28;
	s23 =	sor.u32 $0x300, s28;
	s28 =	sor.u32 s2, s21;
	v10 =	vadd.s32 s19, v0;
	v13 =	vld [tilespmem:s13+$0xE800];
	v11 =	vadd.s32 s25, v0  }
0x2f4: {  	p0 =	por !p0, !p0;
	s2 =	simm.s32 $0x0;
	s30 =	sor.u32 $0x380, s28;
	v25 =	vadd.f32 v18, v15;
	v26 =	vmul.f32 v19, v9;
	v18 =	vld [tilespmem:s14+$0xE800];
	v17 =	vadd.f32 v17, v1  }
0x2f5: {  	s16 =	sor.u32 $0x280, s3;
	s11 =	sor.u32 $0x300, s3;
	s31 =	sadd.s32 $0xFFFFFF70, s17;
	v19 =	vadd.f32 v20, v16;
	v15 =	vadd.f32 v22, v12;
	v21 =	vmul.f32 v21, v9;
	v16 =	vld [tilespmem:s20+$0xE800]  }
0x2f6: {  	s3 =	simm.s32 $0x0;
	s13 =	sor.u32 $0x380, s0;
	s25 =	sor.u32 $0x380, s26;
	v12 =	vadd.s32 s31, v0;
	v22 =	vmul.f32 v24, v5;
	v20 =	vadd.f32 v26, v25;
	[tilespmem:v23+s1+$0x0] =	vst.idx.msk $0xffff, v17;
	v17 =	vld [tilespmem:s16+$0xE800]  }
.LBB2_16:
0x2f7: {  	s0 =	simm.s32 $0x1  }
0x2f8: {  	v23 =	vld [tilespmem:s12+$0xE800];
	v19 =	vadd.f32 v21, v19;
	v13 =	vmul.f32 v13, v5;
	s21 =	sadd.s32 $0x2, s21;
	s0 =	simm.s32 @!p0 $0x0  }
0x2f9: {  	s4 =	sand.u32 $0x3, s21;
	v14 =	vmul.f32 v14, v5;
	v20 =	vadd.f32 v22, v20;
	s0 =	sshll.u32 s0, $0x6;
	v21 =	vld [tilespmem:s23+$0xE800]  }
0x2fa: {  	s2 =	sadd.s32 $0x200, s2;
	s3 =	sadd.s32 $0x40, s3;
	s4 =	sshll.u32 s4, $0x5;
	v18 =	vmul.f32 v18, v4;
	v13 =	vadd.f32 v13, v19;
	v22 =	vld [tilespmem:s11+$0xE800]  }
0x2fb: {  	s9 =	sand.u32 $0xC00, s2;
	s7 =	sadd.s32 $0x10, s3;
	s28 =	sadd.s32 $0x30, s3;
	v14 =	vadd.f32 v14, v15;
	v16 =	vmul.f32 v16, v4;
	v15 =	vld [tilespmem:s13+$0xE800]  }
0x2fc: {  	s22 =	sadd.s32 $0x4, s22;
	s11 =	sadd.s32 $0xE800, s9;
	s9 =	sand.u32 $0x70, s28;
	v17 =	vmul.f32 v17, v4;
	v18 =	vadd.f32 v18, v20;
	v19 =	vld [tilespmem:s30+$0xE800]  }
0x2fd: {  	p1 =	slt.u32 s22, $0x14;
	s12 =	sor.u32 s9, s11;
	s30 =	sadd.s32 $0x20, s3;
	v23 =	vmul.f32 v23, v3;
	v13 =	vadd.f32 v16, v13;
	v20 =	vld [tilespmem:s25+$0xE800]  }
0x2fe: {  	s9 =	sand.u32 $0x40, s3;
	s13 =	sand.u32 $0x50, s7;
	s14 =	sand.u32 $0x60, s30;
	v14 =	vadd.f32 v17, v14;
	v16 =	vld [tilespmem:s12+$0x0];
	v17 =	vmul.f32 v21, v3  }
0x2ff: {  	s8 =	sadd.s32 $0x4, s8;
	s18 =	sor.u32 s9, s11;
	s9 =	sor.u32 s13, s11;
	v18 =	vadd.f32 v23, v18;
	v21 =	vld [tilespmem:s12+$0x80];
	v22 =	vmul.f32 v22, v3  }
0x300: {  	s4 =	sadd.s32 s2, s4;
	s13 =	sand.u32 $0x7, s8;
	s17 =	sor.u32 s14, s11;
	v23 =	vld [tilespmem:s18+$0x0];
	v15 =	vmul.f32 v15, v2;
	v13 =	vadd.f32 v17, v13  }
0x301: {  	s11 =	sshll.u32 s13, $0x4;
	s13 =	sadd.s32 s0, s2;
	s14 =	sadd.s32 $0x20, s4;
	v17 =	vld [tilespmem:s12+$0x100];
	v14 =	vadd.f32 v22, v14;
	v19 =	vmul.f32 v19, v2  }
0x302: {  	s0 =	sadd.s32 s2, s11;
	s26 =	sor.u32 $0x200, s13;
	s19 =	sor.u32 $0x200, s14;
	v22 =	vld [tilespmem:s18+$0x80];
	v20 =	vmul.f32 v20, v2;
	v15 =	vadd.f32 v15, v18  }
0x303: {  	s16 =	sor.u32 $0x280, s14;
	s11 =	sadd.s32 $0x10, s0;
	s31 =	sadd.s32 $0x30, s0;
	v18 =	vld [tilespmem:s12+$0x180];
	v13 =	vadd.f32 v19, v13  }
0x304: {  	s4 =	sor.u32 $0x200, s11;
	s0 =	sor.u32 $0x280, s11;
	s25 =	sor.u32 $0x200, s31;
	v16 =	vmul.f32 v16, v6;
	v19 =	vld [tilespmem:s9+$0x0];
	v21 =	vmul.f32 v21, v7;
	v14 =	vadd.f32 v20, v14  }
0x305: {  	s20 =	sor.u32 $0x280, s13;
	s23 =	sor.u32 $0x300, s14;
	s12 =	sor.u32 $0x300, s11;
	v15 =	vadd.f32 v15, v1;
	v20 =	vmul.f32 v23, v6;
	v23 =	vld [tilespmem:s25+$0xE800];
	v13 =	vadd.f32 v13, v1  }
0x306: {  	s7 =	sor.u32 s7, s2;
	s14 =	sor.u32 $0x280, s31;
	s11 =	sor.u32 $0x300, s13;
	v24 =	vld [tilespmem:s9+$0x80];
	v16 =	vadd.f32 v21, v16;
	v17 =	vmul.f32 v17, v8;
	v14 =	vadd.f32 v14, v1  }
0x307: {  	s13 =	sor.u32 $0x380, s7;
	s7 =	sor.u32 s30, s2;
	s25 =	sor.u32 s3, s2;
	v21 =	vmul.f32 v22, v7;
	v22 =	vld [tilespmem:s14+$0xE800];
	[tilespmem:v11+s1+$0x0] =	vst.idx.msk $0xffff, v15  }
0x308: {  	s30 =	sor.u32 $0x380, s7;
	s7 =	sor.u32 $0x300, s31;
	s25 =	sor.u32 $0x380, s25;
	v11 =	vld [tilespmem:s17+$0x0];
	v15 =	vadd.f32 v17, v16;
	v16 =	vmul.f32 v18, v9;
	[tilespmem:v10+s1+$0x0] =	vst.idx.msk $0xffff, v14  }
0x309: {  	v14 =	vadd.f32 v21, v20;
	v10 =	vmul.f32 v19, v6;
	v17 =	vld [tilespmem:s7+$0xE800];
	s7 =	sor.u32 s28, s2;
	[tilespmem:v12+s1+$0x0] =	vst.idx.msk $0xffff, v13  }
0x30a: {  	v12 =	vld [tilespmem:s17+$0x80];
	v13 =	vadd.f32 v16, v15;
	v15 =	vmul.f32 v23, v5;
	s7 =	sor.u32 $0x380, s7  }
0x30b: {  	v16 =	vmul.f32 v24, v7;
	v18 =	vld [tilespmem:s7+$0xE800]  }
0x30c: {  	v19 =	vld [tilespmem:s18+$0x100];
	v13 =	vadd.f32 v15, v13;
	v15 =	vmul.f32 v22, v4  }
0x30d: {  	v16 =	vadd.f32 v16, v10;
	v20 =	vld [tilespmem:s9+$0x100];
	v10 =	vmul.f32 v11, v6  }
0x30e: {  	v21 =	vld [tilespmem:s17+$0x100];
	v11 =	vadd.f32 v15, v13;
	v13 =	vmul.f32 v17, v3  }
0x30f: {  	v15 =	vld [tilespmem:s18+$0x180];
	v12 =	vmul.f32 v12, v7  }
0x310: {  	s10 =	sadd.s32 $0x240, s10;
	v17 =	vld [tilespmem:s9+$0x180];
	v11 =	vadd.f32 v13, v11;
	v13 =	vmul.f32 v18, v2  }
0x311: {  	s14 =	sadd.s32 $0xFFFFFF70, s10;
	v23 =	vadd.s32 s10, v0;
	s7 =	sadd.s32 $0xFFFFFE50, s10;
	s9 =	sadd.s32 $0xFFFFFEE0, s10;
	v18 =	vmul.f32 v19, v8;
	v12 =	vadd.f32 v12, v10;
	v22 =	vld [tilespmem:s17+$0x180]  }
0x312: {  	v10 =	vadd.s32 s7, v0;
	v19 =	vmul.f32 v20, v8;
	v24 =	vld [tilespmem:s4+$0xE800];
	v20 =	vadd.f32 v13, v11  }
.Ltmp7:
0x313: {  	v11 =	vadd.s32 s9, v0;
	v25 =	vadd.f32 v18, v14;
	v21 =	vmul.f32 v21, v8;
	v13 =	vld [tilespmem:s19+$0xE800];
	(pc) =	sbr.rel @p1 .LBB2_16-.Ltmp7, $4  }
0x314: {  	v15 =	vmul.f32 v15, v9;
	v14 =	vld [tilespmem:s26+$0xE800];
	v26 =	vadd.f32 v19, v16;
	v20 =	vadd.f32 v20, v1  }
0x315: {  	v27 =	vmul.f32 v17, v9;
	v18 =	vld [tilespmem:s0+$0xE800];
	v19 =	vadd.f32 v21, v12;
	v12 =	vadd.s32 s14, v0  }
0x316: {  	v15 =	vadd.f32 v15, v25;
	v21 =	vmul.f32 v22, v9;
	v16 =	vld [tilespmem:s16+$0xE800];
	[tilespmem:v23+s1+$0x0] =	vst.idx.msk $0xffff, v20  }
0x317: {  	p0 =	por !p0, !p0;
	v17 =	vld [tilespmem:s20+$0xE800];
	v20 =	vadd.f32 v27, v26;
	v22 =	vmul.f32 v24, v5  }
0x318: {  	v6 =	vld [tilespmem:s12+$0xE800]  }
0x319: {  	v7 =	vld [tilespmem:s23+$0xE800]  }
0x31a: {  	v8 =	vadd.f32 v21, v19;
	v9 =	vmul.f32 v13, v5;
	v13 =	vld [tilespmem:s11+$0xE800]  }
0x31b: {  	v5 =	vmul.f32 v14, v5;
	v14 =	vld [tilespmem:s13+$0xE800]  }
0x31c: {  	v19 =	vadd.f32 v22, v20;
	v18 =	vmul.f32 v18, v4;
	v8 =	vadd.f32 v9, v8;
	v9 =	vld [tilespmem:s25+$0xE800]  }
0x31d: {  	v5 =	vadd.f32 v5, v15;
	v15 =	vmul.f32 v16, v4;
	v16 =	vld [tilespmem:s30+$0xE800];
	v4 =	vmul.f32 v17, v4  }
0x31e: {  	v17 =	vadd.f32 v18, v19;
	v6 =	vmul.f32 v6, v3  }
0x31f: {  	v8 =	vadd.f32 v15, v8;
	v4 =	vadd.f32 v4, v5;
	v5 =	vmul.f32 v13, v3  }
0x320: {  	v3 =	vmul.f32 v7, v3;
	v7 =	vmul.f32 v14, v2;
	v6 =	vadd.f32 v6, v17  }
0x321: {  	v4 =	vadd.f32 v5, v4;
	v5 =	vmul.f32 v9, v2  }
0x322: {  	v3 =	vadd.f32 v3, v8;
	v2 =	vmul.f32 v16, v2;
	v6 =	vadd.f32 v7, v6  }
0x323: {  	v4 =	vadd.f32 v5, v4  }
0x324: {  	v2 =	vadd.f32 v2, v3;
	v3 =	vadd.f32 v6, v1  }
0x325: {  	v4 =	vadd.f32 v4, v1  }
0x326: {  	v1 =	vadd.f32 v2, v1;
	[tilespmem:v11+s1+$0x0] =	vst.idx.msk $0xffff, v3  }
0x327: {  	[tilespmem:v10+s1+$0x0] =	vst.idx.msk $0xffff, v4  }
0x328: {  	[tilespmem:v12+s1+$0x0] =	vst.idx.msk $0xffff, v1  }
0x329: {  	v6 =	vld [tilespmem:$0x1D400]  }
0x32a: {  	v7 =	vld [tilespmem:$0x1D480]  }
0x32b: {  	v8 =	vld [tilespmem:$0x1D500]  }
0x32c: {  	v9 =	vld [tilespmem:$0x1D580]  }
0x32d: {  	s21 =	simm.s32 $0x0;
	v5 =	vld [tilespmem:$0x1D600]  }
0x32e: {  	s3 =	simm.s32 $0x30;
	s0 =	sand.u32 $0xC00, s21;
	v4 =	vld [tilespmem:$0x1D680]  }
0x32f: {  	s19 =	sand.u32 $0x70, s3;
	s4 =	sadd.s32 $0xE800, s0;
	v3 =	vld [tilespmem:$0x1D700]  }
0x330: {  	s2 =	sor.u32 s19, s4;
	v2 =	vld [tilespmem:$0x1D780]  }
0x331: {  	s20 =	sand.u32 $0x40, s21;
	v10 =	vld [tilespmem:s2+$0x0]  }
0x332: {  	s7 =	sor.u32 s20, s4;
	v11 =	vld [tilespmem:s2+$0x80]  }
0x333: {  	s8 =	sand.u32 $0x7, s21;
	v12 =	vld [tilespmem:s7+$0x0]  }
0x334: {  	s0 =	simm.s32 $0x10;
	s8 =	sshll.u32 s8, $0x4;
	v13 =	vld [tilespmem:s2+$0x100]  }
0x335: {  	s9 =	sand.u32 $0x50, s0;
	s8 =	sadd.s32 $0x0, s8;
	v14 =	vld [tilespmem:s7+$0x80]  }
0x336: {  	s9 =	sor.u32 s9, s4;
	s10 =	sadd.s32 $0x30, s8;
	v15 =	vld [tilespmem:s2+$0x180]  }
0x337: {  	s22 =	sor.u32 $0x200, s10;
	v16 =	vld [tilespmem:s9+$0x0]  }
0x338: {  	v17 =	vld [tilespmem:s22+$0xE800];
	v10 =	vmul.f32 v10, v6;
	v11 =	vmul.f32 v11, v7  }
0x339: {  	s2 =	simm.s32 $0x20;
	v18 =	vld [tilespmem:s9+$0x80]  }
0x33a: {  	s25 =	sor.u32 $0x280, s10;
	v21 =	vld [tilespmem:s7+$0x100];
	s23 =	sand.u32 $0x60, s2;
	v10 =	vadd.f32 v11, v10;
	v11 =	vmul.f32 v13, v8  }
0x33b: {  	s4 =	sor.u32 s23, s4;
	v13 =	vld [tilespmem:s25+$0xE800]  }
0x33c: {  	v19 =	vld [tilespmem:s4+$0x0];
	v10 =	vadd.f32 v11, v10;
	v11 =	vmul.f32 v15, v9  }
0x33d: {  	s10 =	sor.u32 $0x300, s10;
	v20 =	vld [tilespmem:s4+$0x80]  }
0x33e: {  	s3 =	sor.u32 s3, s21;
	v15 =	vld [tilespmem:s10+$0xE800];
	v10 =	vadd.f32 v11, v10;
	v11 =	vmul.f32 v17, v5  }
0x33f: {  	s3 =	sor.u32 $0x380, s3;
	v22 =	vld [tilespmem:s4+$0x100];
	v12 =	vmul.f32 v12, v6;
	v14 =	vmul.f32 v14, v7  }
0x340: {  	p0 =	por $0x0, $0x0;
	s8 =	sadd.s32 $0x10, s8;
	v17 =	vld [tilespmem:s3+$0xE800];
	v10 =	vadd.f32 v11, v10;
	v11 =	vmul.f32 v13, v4  }
0x341: {  	s26 =	sand.u32 $0x3, s21;
	s0 =	sor.u32 s0, s21;
	s18 =	sor.u32 $0x200, s8;
	v16 =	vmul.f32 v16, v6;
	v18 =	vmul.f32 v18, v7;
	v12 =	vadd.f32 v14, v12;
	v14 =	vld [tilespmem:s7+$0x180]  }
0x342: {  	s14 =	sor.u32 $0x280, s8;
	s12 =	sor.u32 $0x300, s8;
	s3 =	simm.s32 $0x1;
	v13 =	vld [tilespmem:s9+$0x100];
	v10 =	vadd.f32 v11, v10  }
0x343: {  	s8 =	simm.s32 $0x0;
	v1 =	vld [tilespmem:$0x1DC00];
	s22 =	simm.s32 $0x0;
	s3 =	simm.s32 @!p0 $0x0;
	v11 =	vmul.f32 v15, v3;
	v15 =	vadd.f32 v18, v16;
	v16 =	vmul.f32 v19, v6  }
0x344: {  	s17 =	rddreg [dreg:$0x17];
	s10 =	sshll.u32 s26, $0x5;
	s3 =	sshll.u32 s3, $0x6;
	v18 =	vmul.f32 v20, v7;
	v19 =	vld [tilespmem:s9+$0x180];
	v20 =	vmul.f32 v21, v8  }
0x345: {  	s19 =	sadd.s32 $0xFFFFFE50, s17;
	v23 =	vadd.s32 s17, v0;
	s10 =	sadd.s32 $0x0, s10;
	s3 =	sadd.s32 $0x0, s3;
	v21 =	vld [tilespmem:s4+$0x180];
	v17 =	vmul.f32 v17, v2;
	v11 =	vadd.f32 v11, v10  }
0x346: {  	v24 =	vld [tilespmem:s18+$0xE800];
	s25 =	sadd.s32 $0xFFFFFEE0, s17;
	s28 =	sadd.s32 $0x20, s10;
	s31 =	sor.u32 $0x200, s3;
	v16 =	vadd.f32 v18, v16;
	v12 =	vadd.f32 v20, v12;
	v20 =	vmul.f32 v22, v8  }
0x347: {  	s26 =	sor.u32 s21, s21;
	s10 =	smov.u32 s17;
	s13 =	sor.u32 $0x200, s28;
	v22 =	vmul.f32 v14, v9;
	v14 =	vld [tilespmem:s31+$0xE800];
	v18 =	vmul.f32 v13, v8;
	v17 =	vadd.f32 v17, v11  }
0x348: {  	s20 =	sor.u32 $0x280, s28;
	s23 =	sor.u32 $0x300, s28;
	s28 =	sor.u32 s2, s21;
	v10 =	vadd.s32 s19, v0;
	v13 =	vld [tilespmem:s13+$0xE800];
	v11 =	vadd.s32 s25, v0  }
0x349: {  	p0 =	por !p0, !p0;
	s2 =	simm.s32 $0x0;
	s30 =	sor.u32 $0x380, s28;
	v25 =	vadd.f32 v18, v15;
	v26 =	vmul.f32 v19, v9;
	v18 =	vld [tilespmem:s14+$0xE800];
	v17 =	vadd.f32 v17, v1  }
0x34a: {  	s16 =	sor.u32 $0x280, s3;
	s11 =	sor.u32 $0x300, s3;
	s31 =	sadd.s32 $0xFFFFFF70, s17;
	v19 =	vadd.f32 v20, v16;
	v15 =	vadd.f32 v22, v12;
	v21 =	vmul.f32 v21, v9;
	v16 =	vld [tilespmem:s20+$0xE800]  }
0x34b: {  	s3 =	simm.s32 $0x0;
	s13 =	sor.u32 $0x380, s0;
	s25 =	sor.u32 $0x380, s26;
	v12 =	vadd.s32 s31, v0;
	v22 =	vmul.f32 v24, v5;
	v20 =	vadd.f32 v26, v25;
	[tilespmem:v23+s1+$0x0] =	vst.idx.msk $0xffff, v17;
	v17 =	vld [tilespmem:s16+$0xE800]  }
.LBB2_18:
0x34c: {  	s0 =	simm.s32 $0x1  }
0x34d: {  	v23 =	vld [tilespmem:s12+$0xE800];
	v19 =	vadd.f32 v21, v19;
	v13 =	vmul.f32 v13, v5;
	s21 =	sadd.s32 $0x2, s21;
	s0 =	simm.s32 @!p0 $0x0  }
0x34e: {  	s4 =	sand.u32 $0x3, s21;
	v14 =	vmul.f32 v14, v5;
	v20 =	vadd.f32 v22, v20;
	s0 =	sshll.u32 s0, $0x6;
	v21 =	vld [tilespmem:s23+$0xE800]  }
0x34f: {  	s2 =	sadd.s32 $0x200, s2;
	s3 =	sadd.s32 $0x40, s3;
	s4 =	sshll.u32 s4, $0x5;
	v18 =	vmul.f32 v18, v4;
	v13 =	vadd.f32 v13, v19;
	v22 =	vld [tilespmem:s11+$0xE800]  }
0x350: {  	s9 =	sand.u32 $0xC00, s2;
	s7 =	sadd.s32 $0x10, s3;
	s28 =	sadd.s32 $0x30, s3;
	v14 =	vadd.f32 v14, v15;
	v16 =	vmul.f32 v16, v4;
	v15 =	vld [tilespmem:s13+$0xE800]  }
0x351: {  	s22 =	sadd.s32 $0x4, s22;
	s11 =	sadd.s32 $0xE800, s9;
	s9 =	sand.u32 $0x70, s28;
	v17 =	vmul.f32 v17, v4;
	v18 =	vadd.f32 v18, v20;
	v19 =	vld [tilespmem:s30+$0xE800]  }
0x352: {  	p1 =	slt.u32 s22, $0x14;
	s12 =	sor.u32 s9, s11;
	s30 =	sadd.s32 $0x20, s3;
	v23 =	vmul.f32 v23, v3;
	v13 =	vadd.f32 v16, v13;
	v20 =	vld [tilespmem:s25+$0xE800]  }
0x353: {  	s9 =	sand.u32 $0x40, s3;
	s13 =	sand.u32 $0x50, s7;
	s14 =	sand.u32 $0x60, s30;
	v14 =	vadd.f32 v17, v14;
	v16 =	vld [tilespmem:s12+$0x0];
	v17 =	vmul.f32 v21, v3  }
0x354: {  	s8 =	sadd.s32 $0x4, s8;
	s18 =	sor.u32 s9, s11;
	s9 =	sor.u32 s13, s11;
	v18 =	vadd.f32 v23, v18;
	v21 =	vld [tilespmem:s12+$0x80];
	v22 =	vmul.f32 v22, v3  }
0x355: {  	s4 =	sadd.s32 s2, s4;
	s13 =	sand.u32 $0x7, s8;
	s17 =	sor.u32 s14, s11;
	v23 =	vld [tilespmem:s18+$0x0];
	v15 =	vmul.f32 v15, v2;
	v13 =	vadd.f32 v17, v13  }
0x356: {  	s11 =	sshll.u32 s13, $0x4;
	s13 =	sadd.s32 s0, s2;
	s14 =	sadd.s32 $0x20, s4;
	v17 =	vld [tilespmem:s12+$0x100];
	v14 =	vadd.f32 v22, v14;
	v19 =	vmul.f32 v19, v2  }
0x357: {  	s0 =	sadd.s32 s2, s11;
	s26 =	sor.u32 $0x200, s13;
	s19 =	sor.u32 $0x200, s14;
	v22 =	vld [tilespmem:s18+$0x80];
	v20 =	vmul.f32 v20, v2;
	v15 =	vadd.f32 v15, v18  }
0x358: {  	s16 =	sor.u32 $0x280, s14;
	s11 =	sadd.s32 $0x10, s0;
	s31 =	sadd.s32 $0x30, s0;
	v18 =	vld [tilespmem:s12+$0x180];
	v13 =	vadd.f32 v19, v13  }
0x359: {  	s4 =	sor.u32 $0x200, s11;
	s0 =	sor.u32 $0x280, s11;
	s25 =	sor.u32 $0x200, s31;
	v16 =	vmul.f32 v16, v6;
	v19 =	vld [tilespmem:s9+$0x0];
	v21 =	vmul.f32 v21, v7;
	v14 =	vadd.f32 v20, v14  }
0x35a: {  	s20 =	sor.u32 $0x280, s13;
	s23 =	sor.u32 $0x300, s14;
	s12 =	sor.u32 $0x300, s11;
	v15 =	vadd.f32 v15, v1;
	v20 =	vmul.f32 v23, v6;
	v23 =	vld [tilespmem:s25+$0xE800];
	v13 =	vadd.f32 v13, v1  }
0x35b: {  	s7 =	sor.u32 s7, s2;
	s14 =	sor.u32 $0x280, s31;
	s11 =	sor.u32 $0x300, s13;
	v24 =	vld [tilespmem:s9+$0x80];
	v16 =	vadd.f32 v21, v16;
	v17 =	vmul.f32 v17, v8;
	v14 =	vadd.f32 v14, v1  }
0x35c: {  	s13 =	sor.u32 $0x380, s7;
	s7 =	sor.u32 s30, s2;
	s25 =	sor.u32 s3, s2;
	v21 =	vmul.f32 v22, v7;
	v22 =	vld [tilespmem:s14+$0xE800];
	[tilespmem:v11+s1+$0x0] =	vst.idx.msk $0xffff, v15  }
0x35d: {  	s30 =	sor.u32 $0x380, s7;
	s7 =	sor.u32 $0x300, s31;
	s25 =	sor.u32 $0x380, s25;
	v11 =	vld [tilespmem:s17+$0x0];
	v15 =	vadd.f32 v17, v16;
	v16 =	vmul.f32 v18, v9;
	[tilespmem:v10+s1+$0x0] =	vst.idx.msk $0xffff, v14  }
0x35e: {  	v14 =	vadd.f32 v21, v20;
	v10 =	vmul.f32 v19, v6;
	v17 =	vld [tilespmem:s7+$0xE800];
	s7 =	sor.u32 s28, s2;
	[tilespmem:v12+s1+$0x0] =	vst.idx.msk $0xffff, v13  }
0x35f: {  	v12 =	vld [tilespmem:s17+$0x80];
	v13 =	vadd.f32 v16, v15;
	v15 =	vmul.f32 v23, v5;
	s7 =	sor.u32 $0x380, s7  }
0x360: {  	v16 =	vmul.f32 v24, v7;
	v18 =	vld [tilespmem:s7+$0xE800]  }
0x361: {  	v19 =	vld [tilespmem:s18+$0x100];
	v13 =	vadd.f32 v15, v13;
	v15 =	vmul.f32 v22, v4  }
0x362: {  	v16 =	vadd.f32 v16, v10;
	v20 =	vld [tilespmem:s9+$0x100];
	v10 =	vmul.f32 v11, v6  }
0x363: {  	v21 =	vld [tilespmem:s17+$0x100];
	v11 =	vadd.f32 v15, v13;
	v13 =	vmul.f32 v17, v3  }
0x364: {  	v15 =	vld [tilespmem:s18+$0x180];
	v12 =	vmul.f32 v12, v7  }
0x365: {  	s10 =	sadd.s32 $0x240, s10;
	v17 =	vld [tilespmem:s9+$0x180];
	v11 =	vadd.f32 v13, v11;
	v13 =	vmul.f32 v18, v2  }
0x366: {  	s14 =	sadd.s32 $0xFFFFFF70, s10;
	v23 =	vadd.s32 s10, v0;
	s7 =	sadd.s32 $0xFFFFFE50, s10;
	s9 =	sadd.s32 $0xFFFFFEE0, s10;
	v18 =	vmul.f32 v19, v8;
	v12 =	vadd.f32 v12, v10;
	v22 =	vld [tilespmem:s17+$0x180]  }
0x367: {  	v10 =	vadd.s32 s7, v0;
	v19 =	vmul.f32 v20, v8;
	v24 =	vld [tilespmem:s4+$0xE800];
	v20 =	vadd.f32 v13, v11  }
.Ltmp8:
0x368: {  	v11 =	vadd.s32 s9, v0;
	v25 =	vadd.f32 v18, v14;
	v21 =	vmul.f32 v21, v8;
	v13 =	vld [tilespmem:s19+$0xE800];
	(pc) =	sbr.rel @p1 .LBB2_18-.Ltmp8, $4  }
0x369: {  	v15 =	vmul.f32 v15, v9;
	v14 =	vld [tilespmem:s26+$0xE800];
	v26 =	vadd.f32 v19, v16;
	v20 =	vadd.f32 v20, v1  }
0x36a: {  	v27 =	vmul.f32 v17, v9;
	v18 =	vld [tilespmem:s0+$0xE800];
	v19 =	vadd.f32 v21, v12;
	v12 =	vadd.s32 s14, v0  }
0x36b: {  	v15 =	vadd.f32 v15, v25;
	v21 =	vmul.f32 v22, v9;
	v16 =	vld [tilespmem:s16+$0xE800];
	[tilespmem:v23+s1+$0x0] =	vst.idx.msk $0xffff, v20  }
0x36c: {  	p0 =	por !p0, !p0;
	v17 =	vld [tilespmem:s20+$0xE800];
	v20 =	vadd.f32 v27, v26;
	v22 =	vmul.f32 v24, v5  }
0x36d: {  	v6 =	vld [tilespmem:s12+$0xE800]  }
0x36e: {  	v7 =	vld [tilespmem:s23+$0xE800]  }
0x36f: {  	v8 =	vadd.f32 v21, v19;
	v9 =	vmul.f32 v13, v5;
	v52 =	vld [tilespmem:s11+$0xE800]  }
0x370: {  	v54 =	vld [tilespmem:s13+$0xE800];
	v53 =	vmul.f32 v14, v5  }
0x371: {  	v56 =	vld [tilespmem:s25+$0xE800];
	v55 =	vadd.f32 v22, v20;
	v18 =	vmul.f32 v18, v4;
	v8 =	vadd.f32 v9, v8  }
0x372: {  	v59 =	vld [tilespmem:s30+$0xE800];
	v5 =	vadd.f32 v53, v15;
	v57 =	vmul.f32 v16, v4;
	v58 =	vmul.f32 v17, v4  }
0x373: {  	v60 =	vadd.f32 v18, v55;
	v6 =	vmul.f32 v6, v3  }
0x374: {  	v8 =	vadd.f32 v57, v8;
	v61 =	vmul.f32 v52, v3;
	v4 =	vadd.f32 v58, v5  }
0x375: {  	v3 =	vmul.f32 v7, v3;
	v62 =	vmul.f32 v54, v2;
	v6 =	vadd.f32 v6, v60  }
0x376: {  	v63 =	vmul.f32 v56, v2;
	v4 =	vadd.f32 v61, v4  }
0x377: {  	v2 =	vmul.f32 v59, v2;
	v3 =	vadd.f32 v3, v8;
	v6 =	vadd.f32 v62, v6  }
0x378: {  	v4 =	vadd.f32 v63, v4  }
0x379: {  	v2 =	vadd.f32 v2, v3;
	v3 =	vadd.f32 v6, v1  }
0x37a: {  	v4 =	vadd.f32 v4, v1  }
0x37b: {  	v1 =	vadd.f32 v2, v1;
	[tilespmem:v11+s1+$0x0] =	vst.idx.msk $0xffff, v3  }
0x37c: {  	[tilespmem:v10+s1+$0x0] =	vst.idx.msk $0xffff, v4  }
0x37d: {  	[tilespmem:v12+s1+$0x0] =	vst.idx.msk $0xffff, v1  }
0x37e: {  	s0 =	rddreg [dreg:$0xb]  }
0x37f: {  	s16 =	simm.s32 $0x7;
	s2 =	rddreg [dreg:$0xc]  }
0x380: {  	[spmem:s0] =	stream.linear.scatter [tilespmem:s2], [sflag:$0x7], $0xD80, $0x38;
	[tilespmem:$0x1F180] =	vst v63  }
0x381: {  	_ =	swait.ge [sflag:s16], $0xD80  }
0x382: {  	[sflag:s16] =	ssyncset.done $0x0  }
0x383: {  	[sflag:s16] =	ssyncadd.s32 $0xFFFFF280  }
0x384: {  	[bflag:$0x0] =	sbarrier.arrive $0xFFFF  }
0x385: {  	s30 =	rddreg [dreg:$0x4]  }
0x386: {  	[tilespmem:s1], [sflag:$0x7] =	stream.linear.gather [spmem:s30], $0xD800, $0x38;
	[tilespmem:$0x1F180] =	vst v63  }
0x387: {  	_ =	swait.ge [sflag:s16], $0xD800  }
0x388: {  	s21 =	simm.s32 $0x0;
	[sflag:s16] =	ssyncset.done $0x0;
	s13 =	rddreg [dreg:$0x6]  }
0x389: {  	s17 =	simm.s32 $0x1;
	s14 =	rddreg [dreg:$0xd];
	[sflag:s16] =	ssyncadd.s32 $0xFFFF2800  }
0x38a: {  	s18 =	simm.s32 $0xF400;
	s19 =	simm.s32 $0x13400;
	s9 =	rddreg [dreg:$0x0]  }
0x38b: {  	s20 =	simm.s32 $0x13800;
	s26 =	simm.s32 $0x13C00;
	s11 =	rddreg [dreg:$0x2]  }
0x38c: {  	s28 =	simm.s32 $0x14000;
	s31 =	simm.s32 $0x14400;
	s12 =	rddreg [dreg:$0x3]  }
.LBB2_20:
0x38d: {  	p0 =	seq.s32 s21, $0x0  }
0x38e: {  	s0 =	simm.s32 @!p0 $0x3  }
0x38f: {  	_ =	swait.ge @!p0 [sflag:s0], $0x2000  }
0x390: {  	[sflag:s0] =	ssyncset.done @!p0 $0x0  }
0x391: {  	[sflag:s0] =	ssyncadd.s32 @!p0 $0xFFFFE000;
	s0 =	simm.s32 @!p0 $0x5  }
0x392: {  	_ =	swait.ge @!p0 [sflag:s0], $0x2800  }
0x393: {  	[sflag:s0] =	ssyncset.done @!p0 $0x0  }
0x394: {  	[sflag:s0] =	ssyncadd.s32 @!p0 $0xFFFFD800  }
0x395: {  	s30 =	sshll.u32 s21, $0x1;
	s23 =	simm.s32 $0xFFFFFFF8;
	_ =	swait.ge [sflag:s17], $0x800  }
0x396: {  	s3 =	simm.s32 $0x40;
	s2 =	simm.s32 $0x13540;
	[sflag:s17] =	ssyncset.done $0x0  }
0x397: {  	s8 =	simm.s32 $0xF500;
	s22 =	sadd.s32 s13, s30;
	[sflag:s17] =	ssyncadd.s32 $0xFFFFF800  }
.LBB2_21:
0x398: {  	v1 =	vld [tilespmem:s3+$0xFFFFFFC0]  }
0x399: {  	v6 =	vld [tilespmem:s3+$0xFFFFFFD0];
	_ =	sdelay $0x3  }
0x39a: {  	v1 =	vmul.u32 $0x9, v1  }
0x39b: {  	v6 =	vmul.u32 $0x9, v6  }
0x39c: {  	v15 =	vld [tilespmem:s3+$0xFFFFFFE0]  }
0x39d: {  	v30 =	vld [tilespmem:s3+$0xFFFFFFF0];
	v2 =	vadd.s32 $0x1, v1  }
0x39e: {  	v45 =	vld [tilespmem:s3+$0x0];
	v3 =	vadd.s32 $0x2, v1  }
0x39f: {  	v59 =	vld [tilespmem:s3+$0x10];
	v4 =	vadd.s32 $0x3, v1  }
0x3a0: {  	v5 =	vadd.s32 $0x4, v1;
	v7 =	vld.idx.msk [tilespmem:v1+s1+$0x0], $0xffff  }
0x3a1: {  	v8 =	vadd.s32 $0x5, v1;
	v16 =	vld.idx.msk [tilespmem:v6+s1+$0x0], $0xffff  }
0x3a2: {  	v9 =	vadd.s32 $0x6, v1;
	v2 =	vld.idx.msk [tilespmem:v2+s1+$0x0], $0xffff  }
0x3a3: {  	v10 =	vadd.s32 $0x7, v1;
	v3 =	vld.idx.msk [tilespmem:v3+s1+$0x0], $0xffff  }
0x3a4: {  	v11 =	vadd.s32 $0x1, v6;
	v4 =	vld.idx.msk [tilespmem:v4+s1+$0x0], $0xffff  }
0x3a5: {  	v12 =	vadd.s32 $0x2, v6;
	v5 =	vld.idx.msk [tilespmem:v5+s1+$0x0], $0xffff  }
0x3a6: {  	v13 =	vadd.s32 $0x3, v6;
	v8 =	vld.idx.msk [tilespmem:v8+s1+$0x0], $0xffff  }
0x3a7: {  	v14 =	vadd.s32 $0x4, v6;
	v9 =	vld.idx.msk [tilespmem:v9+s1+$0x0], $0xffff  }
0x3a8: {  	v1 =	vadd.s32 $0x8, v1;
	v10 =	vld.idx.msk [tilespmem:v10+s1+$0x0], $0xffff  }
0x3a9: {  	v17 =	vadd.s32 $0x5, v6;
	v11 =	vld.idx.msk [tilespmem:v11+s1+$0x0], $0xffff  }
0x3aa: {  	v18 =	vadd.s32 $0x6, v6;
	v19 =	vadd.s32 $0x7, v6;
	v6 =	vadd.s32 $0x8, v6;
	v12 =	vld.idx.msk [tilespmem:v12+s1+$0x0], $0xffff  }
0x3ab: {  	v13 =	vld.idx.msk [tilespmem:v13+s1+$0x0], $0xffff  }
0x3ac: {  	v15 =	vmul.u32 $0x9, v15;
	v14 =	vld.idx.msk [tilespmem:v14+s1+$0x0], $0xffff  }
0x3ad: {  	v1 =	vld.idx.msk [tilespmem:v1+s1+$0x0], $0xffff;
	[tilespmem:s8+$0xFFFFFF00] =	vst v7  }
0x3ae: {  	v25 =	vadd.s32 $0x1, v15;
	v24 =	vld.idx.msk [tilespmem:v17+s1+$0x0], $0xffff;
	[tilespmem:s8+$0xFFFFFF80] =	vst v2  }
0x3af: {  	v26 =	vadd.s32 $0x2, v15;
	v27 =	vld.idx.msk [tilespmem:v6+s1+$0x0], $0xffff;
	[tilespmem:s8+$0x0] =	vst v3  }
0x3b0: {  	v20 =	vadd.s32 $0x5, v15;
	v2 =	vld.idx.msk [tilespmem:v18+s1+$0x0], $0xffff;
	[tilespmem:s8+$0x80] =	vst v4  }
0x3b1: {  	v37 =	vmul.u32 $0x9, v30;
	v33 =	vadd.s32 $0x6, v15;
	v3 =	vld.idx.msk [tilespmem:v19+s1+$0x0], $0xffff;
	[tilespmem:s8+$0xFFFFFF10] =	vst v16  }
0x3b2: {  	v35 =	vadd.s32 $0x7, v15;
	v31 =	vld.idx.msk [tilespmem:v15+s1+$0x0], $0xffff;
	[tilespmem:s8+$0xFFFFFF90] =	vst v11  }
0x3b3: {  	v42 =	vadd.s32 $0x2, v37;
	v32 =	vld.idx.msk [tilespmem:v25+s1+$0x0], $0xffff;
	[tilespmem:s8+$0x10] =	vst v12  }
0x3b4: {  	v43 =	vadd.s32 $0x3, v37;
	v34 =	vld.idx.msk [tilespmem:v26+s1+$0x0], $0xffff;
	[tilespmem:s8+$0x90] =	vst v13  }
0x3b5: {  	v48 =	vadd.s32 $0x7, v37;
	v38 =	vld.idx.msk [tilespmem:v20+s1+$0x0], $0xffff;
	[tilespmem:s2+$0xFFFFFEC0] =	vst v5  }
0x3b6: {  	v36 =	vadd.s32 $0x8, v15;
	v39 =	vld.idx.msk [tilespmem:v33+s1+$0x0], $0xffff;
	[tilespmem:s2+$0xFFFFFF40] =	vst v8  }
0x3b7: {  	v29 =	vadd.s32 $0x4, v15;
	v41 =	vld.idx.msk [tilespmem:v35+s1+$0x0], $0xffff;
	[tilespmem:s2+$0xFFFFFFC0] =	vst v9  }
0x3b8: {  	v28 =	vadd.s32 $0x3, v15;
	v47 =	vld.idx.msk [tilespmem:v42+s1+$0x0], $0xffff;
	[tilespmem:s2+$0x40] =	vst v10  }
0x3b9: {  	v50 =	vadd.s32 $0x8, v37;
	v49 =	vld.idx.msk [tilespmem:v43+s1+$0x0], $0xffff;
	[tilespmem:s2+$0xFFFFFED0] =	vst v14  }
0x3ba: {  	v44 =	vadd.s32 $0x4, v37;
	v54 =	vld.idx.msk [tilespmem:v48+s1+$0x0], $0xffff;
	[tilespmem:s2+$0xFFFFFF50] =	vst v24  }
0x3bb: {  	v6 =	vld.idx.msk [tilespmem:v36+s1+$0x0], $0xffff;
	[tilespmem:s2+$0xC0] =	vst v1  }
0x3bc: {  	v40 =	vadd.s32 $0x1, v37;
	v5 =	vld.idx.msk [tilespmem:v29+s1+$0x0], $0xffff;
	[tilespmem:s2+$0xD0] =	vst v27  }
0x3bd: {  	v19 =	vadd.s32 $0x5, v37;
	v1 =	vld.idx.msk [tilespmem:v28+s1+$0x0], $0xffff;
	[tilespmem:s8+$0xFFFFFF20] =	vst v31  }
0x3be: {  	v46 =	vadd.s32 $0x6, v37;
	v56 =	vld.idx.msk [tilespmem:v50+s1+$0x0], $0xffff;
	[tilespmem:s8+$0xFFFFFFA0] =	vst v32  }
0x3bf: {  	v7 =	vld.idx.msk [tilespmem:v44+s1+$0x0], $0xffff;
	[tilespmem:s8+$0x20] =	vst v34  }
0x3c0: {  	[tilespmem:s2+$0xFFFFFFD0] =	vst v2;
	v2 =	vld.idx.msk [tilespmem:v37+s1+$0x0], $0xffff  }
0x3c1: {  	v51 =	vmul.u32 $0x9, v45;
	[tilespmem:s2+$0x50] =	vst v3;
	v3 =	vld.idx.msk [tilespmem:v40+s1+$0x0], $0xffff  }
0x3c2: {  	v21 =	vmul.u32 $0x9, v59;
	v52 =	vld.idx.msk [tilespmem:v19+s1+$0x0], $0xffff;
	[tilespmem:s8+$0xA0] =	vst v1  }
0x3c3: {  	v1 =	vld.idx.msk [tilespmem:v46+s1+$0x0], $0xffff;
	[tilespmem:s8+$0x30] =	vst v47  }
0x3c4: {  	v53 =	vadd.s32 $0x1, v51;
	[tilespmem:s8+$0xB0] =	vst v49  }
0x3c5: {  	v58 =	vadd.s32 $0x4, v51;
	[tilespmem:s2+$0xFFFFFEE0] =	vst v5  }
0x3c6: {  	v62 =	vadd.s32 $0x6, v51;
	[tilespmem:s2+$0xFFFFFF60] =	vst v38  }
0x3c7: {  	v63 =	vadd.s32 $0x7, v51;
	v60 =	vld.idx.msk [tilespmem:v51+s1+$0x0], $0xffff;
	[tilespmem:s2+$0xFFFFFFE0] =	vst v39  }
0x3c8: {  	v30 =	vld.idx.msk [tilespmem:v21+s1+$0x0], $0xffff;
	[tilespmem:s2+$0x60] =	vst v41  }
0x3c9: {  	v55 =	vadd.s32 $0x2, v51;
	v61 =	vld.idx.msk [tilespmem:v53+s1+$0x0], $0xffff;
	[tilespmem:s2+$0xE0] =	vst v6  }
0x3ca: {  	v57 =	vadd.s32 $0x3, v51;
	v20 =	vld.idx.msk [tilespmem:v58+s1+$0x0], $0xffff;
	[tilespmem:s8+$0xFFFFFF30] =	vst v2  }
0x3cb: {  	v23 =	vld.idx.msk [tilespmem:v62+s1+$0x0], $0xffff;
	v18 =	vadd.s32 $0x5, v51;
	[tilespmem:s8+$0xFFFFFFB0] =	vst v3  }
0x3cc: {  	v25 =	vld.idx.msk [tilespmem:v63+s1+$0x0], $0xffff;
	v9 =	vadd.s32 $0x8, v51;
	[tilespmem:s2+$0xFFFFFEF0] =	vst v7  }
0x3cd: {  	v29 =	vld [tilespmem:s3+$0x20];
	[tilespmem:s2+$0xFFFFFF70] =	vst v52  }
0x3ce: {  	v26 =	vadd.s32 $0x2, v21;
	v2 =	vld.idx.msk [tilespmem:v55+s1+$0x0], $0xffff;
	[tilespmem:s2+$0x70] =	vst v54  }
0x3cf: {  	v17 =	vadd.s32 $0x5, v21;
	v3 =	vld.idx.msk [tilespmem:v57+s1+$0x0], $0xffff;
	[tilespmem:s2+$0xF0] =	vst v56  }
0x3d0: {  	v24 =	vadd.s32 $0x1, v21;
	v22 =	vld.idx.msk [tilespmem:v18+s1+$0x0], $0xffff;
	[tilespmem:s2+$0xFFFFFFF0] =	vst v1  }
0x3d1: {  	v34 =	vadd.s32 $0x7, v21;
	v1 =	vld.idx.msk [tilespmem:v9+s1+$0x0], $0xffff;
	[tilespmem:s8+$0xFFFFFF40] =	vst v60  }
0x3d2: {  	v43 =	vld [tilespmem:s3+$0x30];
	v32 =	vadd.s32 $0x6, v21;
	[tilespmem:s8+$0xFFFFFFC0] =	vst v61  }
0x3d3: {  	v33 =	vld.idx.msk [tilespmem:v26+s1+$0x0], $0xffff;
	v27 =	vadd.s32 $0x3, v21;
	[tilespmem:s8+$0x40] =	vst v2  }
0x3d4: {  	v28 =	vadd.s32 $0x4, v21;
	v37 =	vld.idx.msk [tilespmem:v17+s1+$0x0], $0xffff;
	[tilespmem:s8+$0xC0] =	vst v3  }
0x3d5: {  	v35 =	vadd.s32 $0x8, v21;
	v31 =	vld.idx.msk [tilespmem:v24+s1+$0x0], $0xffff;
	v36 =	vmul.u32 $0x9, v29;
	[tilespmem:s2+$0xFFFFFF00] =	vst v20  }
0x3d6: {  	v40 =	vld.idx.msk [tilespmem:v34+s1+$0x0], $0xffff;
	[tilespmem:s2+$0xFFFFFF80] =	vst v22  }
0x3d7: {  	v16 =	vadd.s32 $0x5, v36;
	v38 =	vld.idx.msk [tilespmem:v32+s1+$0x0], $0xffff;
	[tilespmem:s2+$0x0] =	vst v23  }
0x3d8: {  	v48 =	vadd.s32 $0x7, v36;
	v2 =	vld.idx.msk [tilespmem:v27+s1+$0x0], $0xffff;
	[tilespmem:s2+$0x80] =	vst v25  }
0x3d9: {  	v46 =	vadd.s32 $0x6, v36;
	v3 =	vld.idx.msk [tilespmem:v28+s1+$0x0], $0xffff;
	[tilespmem:s2+$0x100] =	vst v1  }
0x3da: {  	v39 =	vadd.s32 $0x1, v36;
	v1 =	vld.idx.msk [tilespmem:v35+s1+$0x0], $0xffff;
	[tilespmem:s8+$0xFFFFFF50] =	vst v30  }
0x3db: {  	v41 =	vadd.s32 $0x2, v36;
	v45 =	vld.idx.msk [tilespmem:v36+s1+$0x0], $0xffff;
	[tilespmem:s8+$0xFFFFFFD0] =	vst v31  }
0x3dc: {  	v42 =	vadd.s32 $0x3, v36;
	v50 =	vld.idx.msk [tilespmem:v16+s1+$0x0], $0xffff;
	[tilespmem:s8+$0x50] =	vst v33  }
0x3dd: {  	v44 =	vadd.s32 $0x4, v36;
	v54 =	vld.idx.msk [tilespmem:v48+s1+$0x0], $0xffff;
	[tilespmem:s8+$0xD0] =	vst v2  }
0x3de: {  	v49 =	vmul.u32 $0x9, v43;
	v9 =	vadd.s32 $0x8, v36;
	v52 =	vld.idx.msk [tilespmem:v46+s1+$0x0], $0xffff;
	[tilespmem:s2+$0xFFFFFF10] =	vst v3  }
0x3df: {  	v12 =	vld.idx.msk [tilespmem:v39+s1+$0x0], $0xffff;
	[tilespmem:s2+$0xFFFFFF90] =	vst v37  }
0x3e0: {  	v51 =	vadd.s32 $0x1, v49;
	v47 =	vld.idx.msk [tilespmem:v41+s1+$0x0], $0xffff;
	[tilespmem:s2+$0x10] =	vst v38  }
0x3e1: {  	v53 =	vadd.s32 $0x2, v49;
	v2 =	vld.idx.msk [tilespmem:v42+s1+$0x0], $0xffff;
	[tilespmem:s2+$0x90] =	vst v40  }
0x3e2: {  	v15 =	vadd.s32 $0x5, v49;
	v3 =	vld.idx.msk [tilespmem:v44+s1+$0x0], $0xffff;
	[tilespmem:s2+$0x110] =	vst v1  }
0x3e3: {  	v58 =	vadd.s32 $0x6, v49;
	v1 =	vld.idx.msk [tilespmem:v9+s1+$0x0], $0xffff;
	[tilespmem:s8+$0xFFFFFF60] =	vst v45  }
0x3e4: {  	v60 =	vadd.s32 $0x7, v49;
	v57 =	vld.idx.msk [tilespmem:v49+s1+$0x0], $0xffff;
	[tilespmem:s8+$0xFFFFFFE0] =	vst v12  }
0x3e5: {  	v55 =	vadd.s32 $0x3, v49;
	v5 =	vld.idx.msk [tilespmem:v51+s1+$0x0], $0xffff;
	[tilespmem:s8+$0x60] =	vst v47  }
0x3e6: {  	v56 =	vadd.s32 $0x4, v49;
	v59 =	vld.idx.msk [tilespmem:v53+s1+$0x0], $0xffff;
	[tilespmem:s8+$0xE0] =	vst v2  }
0x3e7: {  	v10 =	vadd.s32 $0x8, v49;
	v61 =	vld.idx.msk [tilespmem:v15+s1+$0x0], $0xffff;
	[tilespmem:s2+$0xFFFFFF20] =	vst v3  }
0x3e8: {  	v62 =	vld.idx.msk [tilespmem:v58+s1+$0x0], $0xffff;
	[tilespmem:s2+$0xFFFFFFA0] =	vst v50  }
0x3e9: {  	v63 =	vld.idx.msk [tilespmem:v60+s1+$0x0], $0xffff;
	[tilespmem:s2+$0x20] =	vst v52  }
0x3ea: {  	v2 =	vld.idx.msk [tilespmem:v55+s1+$0x0], $0xffff;
	[tilespmem:s2+$0xA0] =	vst v54  }
0x3eb: {  	v3 =	vld.idx.msk [tilespmem:v56+s1+$0x0], $0xffff;
	[tilespmem:s2+$0x120] =	vst v1  }
0x3ec: {  	v1 =	vld.idx.msk [tilespmem:v10+s1+$0x0], $0xffff;
	[tilespmem:s8+$0xFFFFFF70] =	vst v57  }
0x3ed: {  	[tilespmem:s8+$0xFFFFFFF0] =	vst v5  }
0x3ee: {  	s23 =	sadd.s32 $0x8, s23;
	[tilespmem:s8+$0x70] =	vst v59  }
0x3ef: {  	p0 =	slt.u32 s23, $0x78;
	[tilespmem:s8+$0xF0] =	vst v2  }
.Ltmp9:
0x3f0: {  	[tilespmem:s2+$0xFFFFFF30] =	vst v3;
	(pc) =	sbr.rel @p0 .LBB2_21-.Ltmp9, $4  }
0x3f1: {  	[tilespmem:s2+$0xFFFFFFB0] =	vst v61  }
0x3f2: {  	[tilespmem:s2+$0x30] =	vst v62  }
0x3f3: {  	[tilespmem:s2+$0xB0] =	vst v63  }
0x3f4: {  	s3 =	sadd.s32 $0x100, s3;
	s8 =	sadd.s32 $0x200, s8;
	[tilespmem:s2+$0x130] =	vst v1;
	s2 =	sadd.s32 $0x400, s2  }
0x3f5: {  	s0 =	sadd.s32 $0x2, s22  }
0x3f6: {  	p0 =	sge.u32 s0, s15  }
0x3f7: {  	s2 =	sshll.u32 @!p0 s0, $0xB;
	s3 =	sshll.u32 @!p0 s0, $0xE  }
0x3f8: {  	s0 =	sshll.u32 @!p0 s0, $0x4;
	s2 =	sand.u32 @!p0 $0x7FFE0000, s2;
	s3 =	sand.u32 @!p0 $0x18000, s3  }
0x3f9: {  	s0 =	sand.u32 @!p0 $0x380, s0;
	s2 =	sor.u32 @!p0 s3, s2  }
0x3fa: {  	s0 =	sor.u32 @!p0 s0, s2  }
0x3fb: {  	s0 =	sshrl.u32 @!p0 s0, $0x3  }
0x3fc: {  	s2 =	simm.s32 @!p0 $0x0;
	s0 =	sadd.s32 @!p0 s9, s0  }
0x3fd: {  	[tilespmem:s2], [sflag:$0x1] =	stream.linear.gather @!p0 [hbm4b:s0+s2], $0x80, $0x38;
	[tilespmem:$0x1F180] =	vst v63  }
0x3fe: {  	s4 =	simm.s32 @!p0 $0x100;
	s3 =	sadd.s32 @!p0 $0x80, s0  }
0x3ff: {  	[tilespmem:s4], [sflag:$0x1] =	stream.linear.gather @!p0 [hbm4b:s3+s2], $0x80, $0x38;
	[tilespmem:$0x1F180] =	vst v63  }
0x400: {  	s3 =	sadd.s32 @!p0 $0x100, s0;
	s4 =	simm.s32 @!p0 $0x200  }
0x401: {  	[tilespmem:s4], [sflag:$0x1] =	stream.linear.gather @!p0 [hbm4b:s3+s2], $0x80, $0x38;
	[tilespmem:$0x1F180] =	vst v63  }
0x402: {  	s3 =	sadd.s32 @!p0 $0x180, s0;
	s4 =	simm.s32 @!p0 $0x300  }
0x403: {  	[tilespmem:s4], [sflag:$0x1] =	stream.linear.gather @!p0 [hbm4b:s3+s2], $0x80, $0x38;
	[tilespmem:$0x1F180] =	vst v63  }
0x404: {  	s3 =	sadd.s32 @!p0 $0x200, s0;
	s4 =	simm.s32 @!p0 $0x400  }
0x405: {  	[tilespmem:s4], [sflag:$0x1] =	stream.linear.gather @!p0 [hbm4b:s3+s2], $0x80, $0x38;
	[tilespmem:$0x1F180] =	vst v63  }
0x406: {  	s3 =	sadd.s32 @!p0 $0x280, s0;
	s4 =	simm.s32 @!p0 $0x500  }
0x407: {  	[tilespmem:s4], [sflag:$0x1] =	stream.linear.gather @!p0 [hbm4b:s3+s2], $0x80, $0x38;
	[tilespmem:$0x1F180] =	vst v63  }
0x408: {  	s3 =	sadd.s32 @!p0 $0x300, s0;
	s4 =	simm.s32 @!p0 $0x600  }
0x409: {  	[tilespmem:s4], [sflag:$0x1] =	stream.linear.gather @!p0 [hbm4b:s3+s2], $0x80, $0x38;
	[tilespmem:$0x1F180] =	vst v63  }
0x40a: {  	s3 =	sadd.s32 @!p0 $0x380, s0;
	s4 =	simm.s32 @!p0 $0x700  }
0x40b: {  	[tilespmem:s4], [sflag:$0x1] =	stream.linear.gather @!p0 [hbm4b:s3+s2], $0x80, $0x38;
	[tilespmem:$0x1F180] =	vst v63  }
0x40c: {  	s3 =	sadd.s32 @!p0 $0x400, s0;
	s4 =	simm.s32 @!p0 $0x800  }
0x40d: {  	[tilespmem:s4], [sflag:$0x1] =	stream.linear.gather @!p0 [hbm4b:s3+s2], $0x80, $0x38;
	[tilespmem:$0x1F180] =	vst v63  }
0x40e: {  	s3 =	sadd.s32 @!p0 $0x480, s0;
	s4 =	simm.s32 @!p0 $0x900  }
0x40f: {  	[tilespmem:s4], [sflag:$0x1] =	stream.linear.gather @!p0 [hbm4b:s3+s2], $0x80, $0x38;
	[tilespmem:$0x1F180] =	vst v63  }
0x410: {  	s3 =	sadd.s32 @!p0 $0x500, s0;
	s4 =	simm.s32 @!p0 $0xA00  }
0x411: {  	[tilespmem:s4], [sflag:$0x1] =	stream.linear.gather @!p0 [hbm4b:s3+s2], $0x80, $0x38;
	[tilespmem:$0x1F180] =	vst v63  }
0x412: {  	s3 =	sadd.s32 @!p0 $0x580, s0;
	s4 =	simm.s32 @!p0 $0xB00  }
0x413: {  	[tilespmem:s4], [sflag:$0x1] =	stream.linear.gather @!p0 [hbm4b:s3+s2], $0x80, $0x38;
	[tilespmem:$0x1F180] =	vst v63  }
0x414: {  	s3 =	sadd.s32 @!p0 $0x600, s0;
	s4 =	simm.s32 @!p0 $0xC00  }
0x415: {  	[tilespmem:s4], [sflag:$0x1] =	stream.linear.gather @!p0 [hbm4b:s3+s2], $0x80, $0x38;
	[tilespmem:$0x1F180] =	vst v63  }
0x416: {  	s25 =	sshrl.u32 s22, $0x3;
	s3 =	sadd.s32 @!p0 $0x680, s0;
	s4 =	simm.s32 @!p0 $0xD00  }
0x417: {  	[tilespmem:s4], [sflag:$0x1] =	stream.linear.gather @!p0 [hbm4b:s3+s2], $0x80, $0x38;
	[tilespmem:$0x1F180] =	vst v63  }
0x418: {  	s7 =	sshll.u32 s22, $0xB;
	s3 =	sadd.s32 @!p0 $0x700, s0;
	s4 =	simm.s32 @!p0 $0xE00  }
0x419: {  	[tilespmem:s4], [sflag:$0x1] =	stream.linear.gather @!p0 [hbm4b:s3+s2], $0x80, $0x38;
	[tilespmem:$0x1F180] =	vst v63  }
0x41a: {  	s8 =	sshll.u32 s25, $0xD;
	s0 =	sadd.s32 @!p0 $0x780, s0;
	s4 =	simm.s32 @!p0 $0xF00  }
0x41b: {  	[tilespmem:s4], [sflag:$0x1] =	stream.linear.gather @!p0 [hbm4b:s0+s2], $0x80, $0x38;
	[tilespmem:$0x1F180] =	vst v63  }
0x41c: {  	s10 =	sshll.u32 s22, $0x8;
	s0 =	sand.u32 $0x3000, s7;
	s2 =	sand.u32 $0x1FFFE000, s8  }
0x41d: {  	s25 =	sshll.u32 s22, $0x1;
	s7 =	sshrl.u32 s0, $0x1;
	s23 =	sadd.s32 s11, s2  }
0x41e: {  	s8 =	sand.u32 $0xFFFC000, s10;
	s10 =	sand.u32 $0x70, s25;
	s25 =	sadd.s32 s7, s23  }
0x41f: {  	[hbm4b:s25+s6] =	stream.linear.scatter [tilespmem:s18], [sflag:$0x3], $0x2000, $0x38;
	[tilespmem:$0x1F180] =	vst v63  }
0x420: {  	s0 =	sadd.s32 s12, s0;
	s25 =	sor.u32 s10, s8  }
0x421: {  	s0 =	sadd.s32 s25, s0  }
0x422: {  	[hbm4b:s0+s29] =	stream.strided.scatter [tilespmem:s19], [sflag:$0x5], $0x280, s5, s29, $0x38;
	[tilespmem:$0x1F180] =	vst v63  }
0x423: {  	s7 =	sadd.s32 $0x80, s0  }
0x424: {  	[hbm4b:s7+s29] =	stream.strided.scatter [tilespmem:s20], [sflag:$0x5], $0x280, s5, s29, $0x38;
	[tilespmem:$0x1F180] =	vst v63  }
0x425: {  	s8 =	sadd.s32 $0x100, s0  }
0x426: {  	[hbm4b:s8+s29] =	stream.strided.scatter [tilespmem:s26], [sflag:$0x5], $0x280, s5, s29, $0x38;
	[tilespmem:$0x1F180] =	vst v63  }
0x427: {  	s10 =	sadd.s32 $0x180, s0  }
0x428: {  	[hbm4b:s10+s29] =	stream.strided.scatter [tilespmem:s28], [sflag:$0x5], $0x280, s5, s29, $0x38;
	[tilespmem:$0x1F180] =	vst v63  }
0x429: {  	s3 =	sadd.s32 $0x200, s0  }
0x42a: {  	[hbm4b:s3+s29] =	stream.strided.scatter [tilespmem:s31], [sflag:$0x5], $0x280, s5, s29, $0x38;
	[tilespmem:$0x1F180] =	vst v63  }
0x42b: {  	s4 =	sadd.s32 $0x280, s0;
	s7 =	simm.s32 $0x14800  }
0x42c: {  	[hbm4b:s4+s29] =	stream.strided.scatter [tilespmem:s7], [sflag:$0x5], $0x280, s5, s29, $0x38;
	[tilespmem:$0x1F180] =	vst v63  }
0x42d: {  	s8 =	sadd.s32 $0x300, s0;
	s10 =	simm.s32 $0x14C00  }
0x42e: {  	[hbm4b:s8+s29] =	stream.strided.scatter [tilespmem:s10], [sflag:$0x5], $0x280, s5, s29, $0x38;
	[tilespmem:$0x1F180] =	vst v63  }
0x42f: {  	s4 =	sadd.s32 $0x380, s0;
	s7 =	simm.s32 $0x15000  }
0x430: {  	[hbm4b:s4+s29] =	stream.strided.scatter [tilespmem:s7], [sflag:$0x5], $0x280, s5, s29, $0x38;
	[tilespmem:$0x1F180] =	vst v63  }
0x431: {  	s8 =	sadd.s32 $0x400, s0;
	s10 =	simm.s32 $0x15400  }
0x432: {  	[hbm4b:s8+s29] =	stream.strided.scatter [tilespmem:s10], [sflag:$0x5], $0x280, s5, s29, $0x38;
	[tilespmem:$0x1F180] =	vst v63  }
0x433: {  	s4 =	sadd.s32 $0x480, s0;
	s7 =	simm.s32 $0x15800  }
0x434: {  	[hbm4b:s4+s29] =	stream.strided.scatter [tilespmem:s7], [sflag:$0x5], $0x280, s5, s29, $0x38;
	[tilespmem:$0x1F180] =	vst v63  }
0x435: {  	s8 =	sadd.s32 $0x500, s0;
	s10 =	simm.s32 $0x15C00  }
0x436: {  	[hbm4b:s8+s29] =	stream.strided.scatter [tilespmem:s10], [sflag:$0x5], $0x280, s5, s29, $0x38;
	[tilespmem:$0x1F180] =	vst v63  }
0x437: {  	s4 =	sadd.s32 $0x580, s0;
	s7 =	simm.s32 $0x16000  }
0x438: {  	[hbm4b:s4+s29] =	stream.strided.scatter [tilespmem:s7], [sflag:$0x5], $0x280, s5, s29, $0x38;
	[tilespmem:$0x1F180] =	vst v63  }
0x439: {  	s8 =	sadd.s32 $0x600, s0;
	s10 =	simm.s32 $0x16400  }
0x43a: {  	[hbm4b:s8+s29] =	stream.strided.scatter [tilespmem:s10], [sflag:$0x5], $0x280, s5, s29, $0x38;
	[tilespmem:$0x1F180] =	vst v63  }
0x43b: {  	s3 =	sadd.s32 $0x680, s0;
	s4 =	simm.s32 $0x16800  }
0x43c: {  	[hbm4b:s3+s29] =	stream.strided.scatter [tilespmem:s4], [sflag:$0x5], $0x280, s5, s29, $0x38;
	[tilespmem:$0x1F180] =	vst v63  }
0x43d: {  	s30 =	sor.u32 $0x1, s22;
	s7 =	sadd.s32 $0x700, s0;
	s8 =	simm.s32 $0x16C00  }
0x43e: {  	[hbm4b:s7+s29] =	stream.strided.scatter [tilespmem:s8], [sflag:$0x5], $0x280, s5, s29, $0x38;
	[tilespmem:$0x1F180] =	vst v63  }
0x43f: {  	p0 =	slt.u32 s30, s14;
	s0 =	sadd.s32 $0x780, s0;
	s10 =	simm.s32 $0x17000  }
0x440: {  	[hbm4b:s0+s29] =	stream.strided.scatter [tilespmem:s10], [sflag:$0x5], $0x280, s5, s29, $0x38;
	[tilespmem:$0x1F180] =	vst v63  }
0x441: {  	s0 =	simm.s32 @!p0 $0x4  }
0x442: {  	_ =	swait.ge @!p0 [sflag:s0], $0x2000  }
0x443: {  	[sflag:s0] =	ssyncset.done @!p0 $0x0  }
0x444: {  	[sflag:s0] =	ssyncadd.s32 @!p0 $0xFFFFE000;
	s0 =	simm.s32 @!p0 $0x6  }
0x445: {  	_ =	swait.ge @!p0 [sflag:s0], $0x2800  }
0x446: {  	[sflag:s0] =	ssyncset.done @!p0 $0x0  }
0x447: {  	[sflag:s0] =	ssyncadd.s32 @!p0 $0xFFFFD800  }
0x448: {  	_ =	swait.ge [sflag:s24], $0x800  }
0x449: {  	s2 =	simm.s32 $0xF0;
	s3 =	simm.s32 $0xFFFFFFF8;
	[sflag:s24] =	ssyncset.done $0x0  }
0x44a: {  	s8 =	simm.s32 $0x17670;
	s10 =	simm.s32 $0x115F0;
	[sflag:s24] =	ssyncadd.s32 $0xFFFFF800  }
.LBB2_23:
0x44b: {  	v1 =	vld [tilespmem:s2+$0xFFFFFF90]  }
0x44c: {  	v6 =	vld [tilespmem:s2+$0xFFFFFFA0];
	_ =	sdelay $0x3  }
0x44d: {  	v1 =	vmul.u32 $0x9, v1  }
0x44e: {  	v6 =	vmul.u32 $0x9, v6  }
0x44f: {  	v15 =	vld [tilespmem:s2+$0xFFFFFFB0]  }
0x450: {  	v30 =	vld [tilespmem:s2+$0xFFFFFFC0];
	v2 =	vadd.s32 $0x1, v1  }
0x451: {  	v45 =	vld [tilespmem:s2+$0xFFFFFFD0];
	v3 =	vadd.s32 $0x2, v1  }
0x452: {  	v59 =	vld [tilespmem:s2+$0xFFFFFFE0];
	v4 =	vadd.s32 $0x3, v1  }
0x453: {  	v5 =	vadd.s32 $0x4, v1;
	v7 =	vld.idx.msk [tilespmem:v1+s1+$0x0], $0xffff  }
0x454: {  	v8 =	vadd.s32 $0x5, v1;
	v16 =	vld.idx.msk [tilespmem:v6+s1+$0x0], $0xffff  }
0x455: {  	v9 =	vadd.s32 $0x6, v1;
	v2 =	vld.idx.msk [tilespmem:v2+s1+$0x0], $0xffff  }
0x456: {  	v10 =	vadd.s32 $0x7, v1;
	v3 =	vld.idx.msk [tilespmem:v3+s1+$0x0], $0xffff  }
0x457: {  	v11 =	vadd.s32 $0x1, v6;
	v4 =	vld.idx.msk [tilespmem:v4+s1+$0x0], $0xffff  }
0x458: {  	v12 =	vadd.s32 $0x2, v6;
	v5 =	vld.idx.msk [tilespmem:v5+s1+$0x0], $0xffff  }
0x459: {  	v13 =	vadd.s32 $0x3, v6;
	v8 =	vld.idx.msk [tilespmem:v8+s1+$0x0], $0xffff  }
0x45a: {  	v14 =	vadd.s32 $0x4, v6;
	v9 =	vld.idx.msk [tilespmem:v9+s1+$0x0], $0xffff  }
0x45b: {  	v1 =	vadd.s32 $0x8, v1;
	v10 =	vld.idx.msk [tilespmem:v10+s1+$0x0], $0xffff  }
0x45c: {  	v17 =	vadd.s32 $0x5, v6;
	v11 =	vld.idx.msk [tilespmem:v11+s1+$0x0], $0xffff  }
0x45d: {  	v18 =	vadd.s32 $0x6, v6;
	v19 =	vadd.s32 $0x7, v6;
	v6 =	vadd.s32 $0x8, v6;
	v12 =	vld.idx.msk [tilespmem:v12+s1+$0x0], $0xffff  }
0x45e: {  	v13 =	vld.idx.msk [tilespmem:v13+s1+$0x0], $0xffff  }
0x45f: {  	v15 =	vmul.u32 $0x9, v15;
	v14 =	vld.idx.msk [tilespmem:v14+s1+$0x0], $0xffff  }
0x460: {  	v1 =	vld.idx.msk [tilespmem:v1+s1+$0x0], $0xffff;
	[tilespmem:s10+$0xFFFFFE10] =	vst v7  }
0x461: {  	v25 =	vadd.s32 $0x1, v15;
	v24 =	vld.idx.msk [tilespmem:v17+s1+$0x0], $0xffff;
	[tilespmem:s10+$0xFFFFFE90] =	vst v2  }
0x462: {  	v26 =	vadd.s32 $0x2, v15;
	v27 =	vld.idx.msk [tilespmem:v6+s1+$0x0], $0xffff;
	[tilespmem:s10+$0xFFFFFF10] =	vst v3  }
0x463: {  	v20 =	vadd.s32 $0x5, v15;
	v2 =	vld.idx.msk [tilespmem:v18+s1+$0x0], $0xffff;
	[tilespmem:s10+$0xFFFFFF90] =	vst v4  }
0x464: {  	v37 =	vmul.u32 $0x9, v30;
	v33 =	vadd.s32 $0x6, v15;
	v3 =	vld.idx.msk [tilespmem:v19+s1+$0x0], $0xffff;
	[tilespmem:s10+$0xFFFFFE20] =	vst v16  }
0x465: {  	v35 =	vadd.s32 $0x7, v15;
	v31 =	vld.idx.msk [tilespmem:v15+s1+$0x0], $0xffff;
	[tilespmem:s10+$0xFFFFFEA0] =	vst v11  }
0x466: {  	v42 =	vadd.s32 $0x2, v37;
	v32 =	vld.idx.msk [tilespmem:v25+s1+$0x0], $0xffff;
	[tilespmem:s10+$0xFFFFFF20] =	vst v12  }
0x467: {  	v43 =	vadd.s32 $0x3, v37;
	v34 =	vld.idx.msk [tilespmem:v26+s1+$0x0], $0xffff;
	[tilespmem:s10+$0xFFFFFFA0] =	vst v13  }
0x468: {  	v48 =	vadd.s32 $0x7, v37;
	v38 =	vld.idx.msk [tilespmem:v20+s1+$0x0], $0xffff;
	[tilespmem:s8+$0xFFFFFD90] =	vst v5  }
0x469: {  	v36 =	vadd.s32 $0x8, v15;
	v39 =	vld.idx.msk [tilespmem:v33+s1+$0x0], $0xffff;
	[tilespmem:s8+$0xFFFFFE10] =	vst v8  }
0x46a: {  	v29 =	vadd.s32 $0x4, v15;
	v41 =	vld.idx.msk [tilespmem:v35+s1+$0x0], $0xffff;
	[tilespmem:s8+$0xFFFFFE90] =	vst v9  }
0x46b: {  	v28 =	vadd.s32 $0x3, v15;
	v47 =	vld.idx.msk [tilespmem:v42+s1+$0x0], $0xffff;
	[tilespmem:s8+$0xFFFFFF10] =	vst v10  }
0x46c: {  	v50 =	vadd.s32 $0x8, v37;
	v49 =	vld.idx.msk [tilespmem:v43+s1+$0x0], $0xffff;
	[tilespmem:s8+$0xFFFFFDA0] =	vst v14  }
0x46d: {  	v44 =	vadd.s32 $0x4, v37;
	v54 =	vld.idx.msk [tilespmem:v48+s1+$0x0], $0xffff;
	[tilespmem:s8+$0xFFFFFE20] =	vst v24  }
0x46e: {  	v6 =	vld.idx.msk [tilespmem:v36+s1+$0x0], $0xffff;
	[tilespmem:s8+$0xFFFFFF90] =	vst v1  }
0x46f: {  	v40 =	vadd.s32 $0x1, v37;
	v5 =	vld.idx.msk [tilespmem:v29+s1+$0x0], $0xffff;
	[tilespmem:s8+$0xFFFFFFA0] =	vst v27  }
0x470: {  	v19 =	vadd.s32 $0x5, v37;
	v1 =	vld.idx.msk [tilespmem:v28+s1+$0x0], $0xffff;
	[tilespmem:s10+$0xFFFFFE30] =	vst v31  }
0x471: {  	v46 =	vadd.s32 $0x6, v37;
	v56 =	vld.idx.msk [tilespmem:v50+s1+$0x0], $0xffff;
	[tilespmem:s10+$0xFFFFFEB0] =	vst v32  }
0x472: {  	v7 =	vld.idx.msk [tilespmem:v44+s1+$0x0], $0xffff;
	[tilespmem:s10+$0xFFFFFF30] =	vst v34  }
0x473: {  	[tilespmem:s8+$0xFFFFFEA0] =	vst v2;
	v2 =	vld.idx.msk [tilespmem:v37+s1+$0x0], $0xffff  }
0x474: {  	v51 =	vmul.u32 $0x9, v45;
	[tilespmem:s8+$0xFFFFFF20] =	vst v3;
	v3 =	vld.idx.msk [tilespmem:v40+s1+$0x0], $0xffff  }
0x475: {  	v21 =	vmul.u32 $0x9, v59;
	v52 =	vld.idx.msk [tilespmem:v19+s1+$0x0], $0xffff;
	[tilespmem:s10+$0xFFFFFFB0] =	vst v1  }
0x476: {  	v1 =	vld.idx.msk [tilespmem:v46+s1+$0x0], $0xffff;
	[tilespmem:s10+$0xFFFFFF40] =	vst v47  }
0x477: {  	v53 =	vadd.s32 $0x1, v51;
	[tilespmem:s10+$0xFFFFFFC0] =	vst v49  }
0x478: {  	v58 =	vadd.s32 $0x4, v51;
	[tilespmem:s8+$0xFFFFFDB0] =	vst v5  }
0x479: {  	v62 =	vadd.s32 $0x6, v51;
	[tilespmem:s8+$0xFFFFFE30] =	vst v38  }
0x47a: {  	v63 =	vadd.s32 $0x7, v51;
	v60 =	vld.idx.msk [tilespmem:v51+s1+$0x0], $0xffff;
	[tilespmem:s8+$0xFFFFFEB0] =	vst v39  }
0x47b: {  	v30 =	vld.idx.msk [tilespmem:v21+s1+$0x0], $0xffff;
	[tilespmem:s8+$0xFFFFFF30] =	vst v41  }
0x47c: {  	v55 =	vadd.s32 $0x2, v51;
	v61 =	vld.idx.msk [tilespmem:v53+s1+$0x0], $0xffff;
	[tilespmem:s8+$0xFFFFFFB0] =	vst v6  }
0x47d: {  	v57 =	vadd.s32 $0x3, v51;
	v20 =	vld.idx.msk [tilespmem:v58+s1+$0x0], $0xffff;
	[tilespmem:s10+$0xFFFFFE40] =	vst v2  }
0x47e: {  	v23 =	vld.idx.msk [tilespmem:v62+s1+$0x0], $0xffff;
	v18 =	vadd.s32 $0x5, v51;
	[tilespmem:s10+$0xFFFFFEC0] =	vst v3  }
0x47f: {  	v25 =	vld.idx.msk [tilespmem:v63+s1+$0x0], $0xffff;
	v9 =	vadd.s32 $0x8, v51;
	[tilespmem:s8+$0xFFFFFDC0] =	vst v7  }
0x480: {  	v29 =	vld [tilespmem:s2+$0xFFFFFFF0];
	[tilespmem:s8+$0xFFFFFE40] =	vst v52  }
0x481: {  	v26 =	vadd.s32 $0x2, v21;
	v2 =	vld.idx.msk [tilespmem:v55+s1+$0x0], $0xffff;
	[tilespmem:s8+$0xFFFFFF40] =	vst v54  }
0x482: {  	v17 =	vadd.s32 $0x5, v21;
	v3 =	vld.idx.msk [tilespmem:v57+s1+$0x0], $0xffff;
	[tilespmem:s8+$0xFFFFFFC0] =	vst v56  }
0x483: {  	v24 =	vadd.s32 $0x1, v21;
	v22 =	vld.idx.msk [tilespmem:v18+s1+$0x0], $0xffff;
	[tilespmem:s8+$0xFFFFFEC0] =	vst v1  }
0x484: {  	v34 =	vadd.s32 $0x7, v21;
	v1 =	vld.idx.msk [tilespmem:v9+s1+$0x0], $0xffff;
	[tilespmem:s10+$0xFFFFFE50] =	vst v60  }
0x485: {  	v43 =	vld [tilespmem:s2+$0x0];
	v32 =	vadd.s32 $0x6, v21;
	[tilespmem:s10+$0xFFFFFED0] =	vst v61  }
0x486: {  	v33 =	vld.idx.msk [tilespmem:v26+s1+$0x0], $0xffff;
	v27 =	vadd.s32 $0x3, v21;
	[tilespmem:s10+$0xFFFFFF50] =	vst v2  }
0x487: {  	v28 =	vadd.s32 $0x4, v21;
	v37 =	vld.idx.msk [tilespmem:v17+s1+$0x0], $0xffff;
	[tilespmem:s10+$0xFFFFFFD0] =	vst v3  }
0x488: {  	v35 =	vadd.s32 $0x8, v21;
	v31 =	vld.idx.msk [tilespmem:v24+s1+$0x0], $0xffff;
	v36 =	vmul.u32 $0x9, v29;
	[tilespmem:s8+$0xFFFFFDD0] =	vst v20  }
0x489: {  	v40 =	vld.idx.msk [tilespmem:v34+s1+$0x0], $0xffff;
	[tilespmem:s8+$0xFFFFFE50] =	vst v22  }
0x48a: {  	v16 =	vadd.s32 $0x5, v36;
	v38 =	vld.idx.msk [tilespmem:v32+s1+$0x0], $0xffff;
	[tilespmem:s8+$0xFFFFFED0] =	vst v23  }
0x48b: {  	v48 =	vadd.s32 $0x7, v36;
	v2 =	vld.idx.msk [tilespmem:v27+s1+$0x0], $0xffff;
	[tilespmem:s8+$0xFFFFFF50] =	vst v25  }
0x48c: {  	v46 =	vadd.s32 $0x6, v36;
	v3 =	vld.idx.msk [tilespmem:v28+s1+$0x0], $0xffff;
	[tilespmem:s8+$0xFFFFFFD0] =	vst v1  }
0x48d: {  	v39 =	vadd.s32 $0x1, v36;
	v1 =	vld.idx.msk [tilespmem:v35+s1+$0x0], $0xffff;
	[tilespmem:s10+$0xFFFFFE60] =	vst v30  }
0x48e: {  	v41 =	vadd.s32 $0x2, v36;
	v45 =	vld.idx.msk [tilespmem:v36+s1+$0x0], $0xffff;
	[tilespmem:s10+$0xFFFFFEE0] =	vst v31  }
0x48f: {  	v42 =	vadd.s32 $0x3, v36;
	v50 =	vld.idx.msk [tilespmem:v16+s1+$0x0], $0xffff;
	[tilespmem:s10+$0xFFFFFF60] =	vst v33  }
0x490: {  	v44 =	vadd.s32 $0x4, v36;
	v54 =	vld.idx.msk [tilespmem:v48+s1+$0x0], $0xffff;
	[tilespmem:s10+$0xFFFFFFE0] =	vst v2  }
0x491: {  	v49 =	vmul.u32 $0x9, v43;
	v9 =	vadd.s32 $0x8, v36;
	v52 =	vld.idx.msk [tilespmem:v46+s1+$0x0], $0xffff;
	[tilespmem:s8+$0xFFFFFDE0] =	vst v3  }
0x492: {  	v12 =	vld.idx.msk [tilespmem:v39+s1+$0x0], $0xffff;
	[tilespmem:s8+$0xFFFFFE60] =	vst v37  }
0x493: {  	v51 =	vadd.s32 $0x1, v49;
	v47 =	vld.idx.msk [tilespmem:v41+s1+$0x0], $0xffff;
	[tilespmem:s8+$0xFFFFFEE0] =	vst v38  }
0x494: {  	v53 =	vadd.s32 $0x2, v49;
	v2 =	vld.idx.msk [tilespmem:v42+s1+$0x0], $0xffff;
	[tilespmem:s8+$0xFFFFFF60] =	vst v40  }
0x495: {  	v15 =	vadd.s32 $0x5, v49;
	v3 =	vld.idx.msk [tilespmem:v44+s1+$0x0], $0xffff;
	[tilespmem:s8+$0xFFFFFFE0] =	vst v1  }
0x496: {  	v58 =	vadd.s32 $0x6, v49;
	v1 =	vld.idx.msk [tilespmem:v9+s1+$0x0], $0xffff;
	[tilespmem:s10+$0xFFFFFE70] =	vst v45  }
0x497: {  	v60 =	vadd.s32 $0x7, v49;
	v57 =	vld.idx.msk [tilespmem:v49+s1+$0x0], $0xffff;
	[tilespmem:s10+$0xFFFFFEF0] =	vst v12  }
0x498: {  	v55 =	vadd.s32 $0x3, v49;
	v5 =	vld.idx.msk [tilespmem:v51+s1+$0x0], $0xffff;
	[tilespmem:s10+$0xFFFFFF70] =	vst v47  }
0x499: {  	v56 =	vadd.s32 $0x4, v49;
	v59 =	vld.idx.msk [tilespmem:v53+s1+$0x0], $0xffff;
	[tilespmem:s10+$0xFFFFFFF0] =	vst v2  }
0x49a: {  	v10 =	vadd.s32 $0x8, v49;
	v61 =	vld.idx.msk [tilespmem:v15+s1+$0x0], $0xffff;
	[tilespmem:s8+$0xFFFFFDF0] =	vst v3  }
0x49b: {  	v62 =	vld.idx.msk [tilespmem:v58+s1+$0x0], $0xffff;
	[tilespmem:s8+$0xFFFFFE70] =	vst v50  }
0x49c: {  	v63 =	vld.idx.msk [tilespmem:v60+s1+$0x0], $0xffff;
	[tilespmem:s8+$0xFFFFFEF0] =	vst v52  }
0x49d: {  	v2 =	vld.idx.msk [tilespmem:v55+s1+$0x0], $0xffff;
	[tilespmem:s8+$0xFFFFFF70] =	vst v54  }
0x49e: {  	v3 =	vld.idx.msk [tilespmem:v56+s1+$0x0], $0xffff;
	[tilespmem:s8+$0xFFFFFFF0] =	vst v1  }
0x49f: {  	v1 =	vld.idx.msk [tilespmem:v10+s1+$0x0], $0xffff;
	[tilespmem:s10+$0xFFFFFE80] =	vst v57  }
0x4a0: {  	[tilespmem:s10+$0xFFFFFF00] =	vst v5  }
0x4a1: {  	s3 =	sadd.s32 $0x8, s3;
	[tilespmem:s10+$0xFFFFFF80] =	vst v59  }
0x4a2: {  	p0 =	slt.u32 s3, $0x78;
	[tilespmem:s10+$0x0] =	vst v2  }
.Ltmp10:
0x4a3: {  	[tilespmem:s8+$0xFFFFFE00] =	vst v3;
	(pc) =	sbr.rel @p0 .LBB2_23-.Ltmp10, $4  }
0x4a4: {  	[tilespmem:s8+$0xFFFFFE80] =	vst v61  }
0x4a5: {  	[tilespmem:s8+$0xFFFFFF00] =	vst v62  }
0x4a6: {  	[tilespmem:s8+$0xFFFFFF80] =	vst v63  }
0x4a7: {  	s2 =	sadd.s32 $0x100, s2;
	s10 =	sadd.s32 $0x200, s10;
	[tilespmem:s8+$0x0] =	vst v1;
	s8 =	sadd.s32 $0x400, s8  }
0x4a8: {  	s0 =	sadd.s32 $0x3, s22  }
0x4a9: {  	p0 =	sge.u32 s0, s15  }
0x4aa: {  	s2 =	sshll.u32 @!p0 s0, $0xB;
	s3 =	sshll.u32 @!p0 s0, $0xE  }
0x4ab: {  	s0 =	sshll.u32 @!p0 s0, $0x4;
	s2 =	sand.u32 @!p0 $0x7FFE0000, s2;
	s3 =	sand.u32 @!p0 $0x1C000, s3  }
0x4ac: {  	s0 =	sand.u32 @!p0 $0x380, s0;
	s2 =	sor.u32 @!p0 s3, s2  }
0x4ad: {  	s0 =	sor.u32 @!p0 s0, s2  }
0x4ae: {  	s0 =	sshrl.u32 @!p0 s0, $0x3  }
0x4af: {  	s3 =	simm.s32 @!p0 $0x80;
	s2 =	simm.s32 @!p0 $0x0;
	s0 =	sadd.s32 @!p0 s9, s0  }
0x4b0: {  	[tilespmem:s3], [sflag:$0x2] =	stream.linear.gather @!p0 [hbm4b:s0+s2], $0x80, $0x38;
	[tilespmem:$0x1F180] =	vst v63  }
0x4b1: {  	s4 =	simm.s32 @!p0 $0x180;
	s3 =	sadd.s32 @!p0 $0x80, s0  }
0x4b2: {  	[tilespmem:s4], [sflag:$0x2] =	stream.linear.gather @!p0 [hbm4b:s3+s2], $0x80, $0x38;
	[tilespmem:$0x1F180] =	vst v63  }
0x4b3: {  	s3 =	sadd.s32 @!p0 $0x100, s0;
	s4 =	simm.s32 @!p0 $0x280  }
0x4b4: {  	[tilespmem:s4], [sflag:$0x2] =	stream.linear.gather @!p0 [hbm4b:s3+s2], $0x80, $0x38;
	[tilespmem:$0x1F180] =	vst v63  }
0x4b5: {  	s3 =	sadd.s32 @!p0 $0x180, s0;
	s4 =	simm.s32 @!p0 $0x380  }
0x4b6: {  	[tilespmem:s4], [sflag:$0x2] =	stream.linear.gather @!p0 [hbm4b:s3+s2], $0x80, $0x38;
	[tilespmem:$0x1F180] =	vst v63  }
0x4b7: {  	s3 =	sadd.s32 @!p0 $0x200, s0;
	s4 =	simm.s32 @!p0 $0x480  }
0x4b8: {  	[tilespmem:s4], [sflag:$0x2] =	stream.linear.gather @!p0 [hbm4b:s3+s2], $0x80, $0x38;
	[tilespmem:$0x1F180] =	vst v63  }
0x4b9: {  	s3 =	sadd.s32 @!p0 $0x280, s0;
	s4 =	simm.s32 @!p0 $0x580  }
0x4ba: {  	[tilespmem:s4], [sflag:$0x2] =	stream.linear.gather @!p0 [hbm4b:s3+s2], $0x80, $0x38;
	[tilespmem:$0x1F180] =	vst v63  }
0x4bb: {  	s3 =	sadd.s32 @!p0 $0x300, s0;
	s4 =	simm.s32 @!p0 $0x680  }
0x4bc: {  	[tilespmem:s4], [sflag:$0x2] =	stream.linear.gather @!p0 [hbm4b:s3+s2], $0x80, $0x38;
	[tilespmem:$0x1F180] =	vst v63  }
0x4bd: {  	s3 =	sadd.s32 @!p0 $0x380, s0;
	s4 =	simm.s32 @!p0 $0x780  }
0x4be: {  	[tilespmem:s4], [sflag:$0x2] =	stream.linear.gather @!p0 [hbm4b:s3+s2], $0x80, $0x38;
	[tilespmem:$0x1F180] =	vst v63  }
0x4bf: {  	s3 =	sadd.s32 @!p0 $0x400, s0;
	s4 =	simm.s32 @!p0 $0x880  }
0x4c0: {  	[tilespmem:s4], [sflag:$0x2] =	stream.linear.gather @!p0 [hbm4b:s3+s2], $0x80, $0x38;
	[tilespmem:$0x1F180] =	vst v63  }
0x4c1: {  	s3 =	sadd.s32 @!p0 $0x480, s0;
	s4 =	simm.s32 @!p0 $0x980  }
0x4c2: {  	[tilespmem:s4], [sflag:$0x2] =	stream.linear.gather @!p0 [hbm4b:s3+s2], $0x80, $0x38;
	[tilespmem:$0x1F180] =	vst v63  }
0x4c3: {  	s3 =	sadd.s32 @!p0 $0x500, s0;
	s4 =	simm.s32 @!p0 $0xA80  }
0x4c4: {  	[tilespmem:s4], [sflag:$0x2] =	stream.linear.gather @!p0 [hbm4b:s3+s2], $0x80, $0x38;
	[tilespmem:$0x1F180] =	vst v63  }
0x4c5: {  	s3 =	sadd.s32 @!p0 $0x580, s0;
	s4 =	simm.s32 @!p0 $0xB80  }
0x4c6: {  	[tilespmem:s4], [sflag:$0x2] =	stream.linear.gather @!p0 [hbm4b:s3+s2], $0x80, $0x38;
	[tilespmem:$0x1F180] =	vst v63  }
0x4c7: {  	s3 =	sadd.s32 @!p0 $0x600, s0;
	s4 =	simm.s32 @!p0 $0xC80  }
0x4c8: {  	[tilespmem:s4], [sflag:$0x2] =	stream.linear.gather @!p0 [hbm4b:s3+s2], $0x80, $0x38;
	[tilespmem:$0x1F180] =	vst v63  }
0x4c9: {  	s3 =	sadd.s32 @!p0 $0x680, s0;
	s4 =	simm.s32 @!p0 $0xD80  }
0x4ca: {  	[tilespmem:s4], [sflag:$0x2] =	stream.linear.gather @!p0 [hbm4b:s3+s2], $0x80, $0x38;
	[tilespmem:$0x1F180] =	vst v63  }
0x4cb: {  	s3 =	sadd.s32 @!p0 $0x700, s0;
	s4 =	simm.s32 @!p0 $0xE80  }
0x4cc: {  	[tilespmem:s4], [sflag:$0x2] =	stream.linear.gather @!p0 [hbm4b:s3+s2], $0x80, $0x38;
	[tilespmem:$0x1F180] =	vst v63  }
0x4cd: {  	s0 =	sadd.s32 @!p0 $0x780, s0;
	s3 =	simm.s32 @!p0 $0xF80;
	s4 =	sshll.u32 s30, $0xB  }
0x4ce: {  	[tilespmem:s3], [sflag:$0x2] =	stream.linear.gather @!p0 [hbm4b:s0+s2], $0x80, $0x38;
	[tilespmem:$0x1F180] =	vst v63  }
0x4cf: {  	s0 =	sand.u32 $0x3800, s4  }
0x4d0: {  	s7 =	sshrl.u32 s0, $0x1  }
0x4d1: {  	s8 =	simm.s32 $0x11400;
	s0 =	sadd.s32 s12, s0;
	s2 =	sadd.s32 s7, s23  }
0x4d2: {  	[hbm4b:s2+s6] =	stream.linear.scatter [tilespmem:s8], [sflag:$0x4], $0x2000, $0x38;
	[tilespmem:$0x1F180] =	vst v63  }
0x4d3: {  	s10 =	simm.s32 $0x17400;
	s0 =	sadd.s32 s25, s0  }
0x4d4: {  	[hbm4b:s0+s29] =	stream.strided.scatter [tilespmem:s10], [sflag:$0x6], $0x280, s5, s29, $0x38;
	[tilespmem:$0x1F180] =	vst v63  }
0x4d5: {  	s23 =	simm.s32 $0x17800;
	s22 =	sadd.s32 $0x80, s0  }
0x4d6: {  	[hbm4b:s22+s29] =	stream.strided.scatter [tilespmem:s23], [sflag:$0x6], $0x280, s5, s29, $0x38;
	[tilespmem:$0x1F180] =	vst v63  }
0x4d7: {  	s30 =	simm.s32 $0x17C00;
	s25 =	sadd.s32 $0x100, s0  }
0x4d8: {  	[hbm4b:s25+s29] =	stream.strided.scatter [tilespmem:s30], [sflag:$0x6], $0x280, s5, s29, $0x38;
	[tilespmem:$0x1F180] =	vst v63  }
0x4d9: {  	s7 =	simm.s32 $0x18000;
	s4 =	sadd.s32 $0x180, s0  }
0x4da: {  	[hbm4b:s4+s29] =	stream.strided.scatter [tilespmem:s7], [sflag:$0x6], $0x280, s5, s29, $0x38;
	[tilespmem:$0x1F180] =	vst v63  }
0x4db: {  	s8 =	sadd.s32 $0x200, s0;
	s10 =	simm.s32 $0x18400  }
0x4dc: {  	[hbm4b:s8+s29] =	stream.strided.scatter [tilespmem:s10], [sflag:$0x6], $0x280, s5, s29, $0x38;
	[tilespmem:$0x1F180] =	vst v63  }
0x4dd: {  	s22 =	sadd.s32 $0x280, s0;
	s23 =	simm.s32 $0x18800  }
0x4de: {  	[hbm4b:s22+s29] =	stream.strided.scatter [tilespmem:s23], [sflag:$0x6], $0x280, s5, s29, $0x38;
	[tilespmem:$0x1F180] =	vst v63  }
0x4df: {  	s25 =	sadd.s32 $0x300, s0;
	s30 =	simm.s32 $0x18C00  }
0x4e0: {  	[hbm4b:s25+s29] =	stream.strided.scatter [tilespmem:s30], [sflag:$0x6], $0x280, s5, s29, $0x38;
	[tilespmem:$0x1F180] =	vst v63  }
0x4e1: {  	s4 =	sadd.s32 $0x380, s0;
	s7 =	simm.s32 $0x19000  }
0x4e2: {  	[hbm4b:s4+s29] =	stream.strided.scatter [tilespmem:s7], [sflag:$0x6], $0x280, s5, s29, $0x38;
	[tilespmem:$0x1F180] =	vst v63  }
0x4e3: {  	s8 =	sadd.s32 $0x400, s0;
	s10 =	simm.s32 $0x19400  }
0x4e4: {  	[hbm4b:s8+s29] =	stream.strided.scatter [tilespmem:s10], [sflag:$0x6], $0x280, s5, s29, $0x38;
	[tilespmem:$0x1F180] =	vst v63  }
0x4e5: {  	s22 =	sadd.s32 $0x480, s0;
	s23 =	simm.s32 $0x19800  }
0x4e6: {  	[hbm4b:s22+s29] =	stream.strided.scatter [tilespmem:s23], [sflag:$0x6], $0x280, s5, s29, $0x38;
	[tilespmem:$0x1F180] =	vst v63  }
0x4e7: {  	s25 =	sadd.s32 $0x500, s0;
	s30 =	simm.s32 $0x19C00  }
0x4e8: {  	[hbm4b:s25+s29] =	stream.strided.scatter [tilespmem:s30], [sflag:$0x6], $0x280, s5, s29, $0x38;
	[tilespmem:$0x1F180] =	vst v63  }
0x4e9: {  	s3 =	sadd.s32 $0x580, s0;
	s4 =	simm.s32 $0x1A000  }
0x4ea: {  	[hbm4b:s3+s29] =	stream.strided.scatter [tilespmem:s4], [sflag:$0x6], $0x280, s5, s29, $0x38;
	[tilespmem:$0x1F180] =	vst v63  }
0x4eb: {  	s21 =	sadd.s32 $0x1, s21;
	s7 =	sadd.s32 $0x600, s0;
	s8 =	simm.s32 $0x1A400  }
0x4ec: {  	[hbm4b:s7+s29] =	stream.strided.scatter [tilespmem:s8], [sflag:$0x6], $0x280, s5, s29, $0x38;
	[tilespmem:$0x1F180] =	vst v63  }
0x4ed: {  	p0 =	sne.s32 s21, $0x19;
	s10 =	sadd.s32 $0x680, s0;
	s22 =	simm.s32 $0x1A800  }
0x4ee: {  	[hbm4b:s10+s29] =	stream.strided.scatter [tilespmem:s22], [sflag:$0x6], $0x280, s5, s29, $0x38;
	[tilespmem:$0x1F180] =	vst v63  }
.Ltmp11:
0x4ef: {  	_ = 	snop;
	(pc) =	sbr.rel @p0 .LBB2_20-.Ltmp11, $4  }
0x4f0: {  	s23 =	sadd.s32 $0x700, s0;
	s25 =	simm.s32 $0x1AC00  }
0x4f1: {  	[hbm4b:s23+s29] =	stream.strided.scatter [tilespmem:s25], [sflag:$0x6], $0x280, s5, s29, $0x38;
	[tilespmem:$0x1F180] =	vst v63  }
0x4f2: {  	s0 =	sadd.s32 $0x780, s0;
	s30 =	simm.s32 $0x1B000  }
0x4f3: {  	[hbm4b:s0+s29] =	stream.strided.scatter [tilespmem:s30], [sflag:$0x6], $0x280, s5, s29, $0x38;
	[tilespmem:$0x1F180] =	vst v63  }
0x4f4: {  	s0 =	simm.s32 $0x3  }
0x4f5: {  	_ =	swait.ge [sflag:s0], $0x2000  }
0x4f6: {  	[sflag:s0] =	ssyncset.done $0x0  }
0x4f7: {  	s28 =	simm.s32 $0x5;
	[sflag:s0] =	ssyncadd.s32 $0xFFFFE000  }
0x4f8: {  	_ =	swait.ge [sflag:s28], $0x2800  }
0x4f9: {  	[sflag:s28] =	ssyncset.done $0x0  }
0x4fa: {  	s30 =	simm.s32 $0x4;
	[sflag:s28] =	ssyncadd.s32 $0xFFFFD800  }
0x4fb: {  	_ =	swait.ge [sflag:s30], $0x2000  }
0x4fc: {  	[sflag:s30] =	ssyncset.done $0x0  }
0x4fd: {  	s2 =	simm.s32 $0x6;
	[sflag:s30] =	ssyncadd.s32 $0xFFFFE000  }
0x4fe: {  	_ =	swait.ge [sflag:s2], $0x2800  }
0x4ff: {  	s3 =	sld [smem:$0x7E7];
	_ =	sdelay $0x2  }
0x500: {  	s31 =	rddreg [dreg:$0xe];
	s3 =	sadd.s32 $0x1, s3  }
0x501: {  	p0 =	sne.s32 s3, s31  }
.Ltmp12:
0x502: {  	_ = 	snop;
	(pc) =	sbr.rel @p0 .LBB2_1-.Ltmp12, $3  }
0x503: {  	_ =	sdelay $0x1  }
0x504: {  	[sflag:s2] =	ssyncset.done $0x0  }
0x505: {  	[sflag:s2] =	ssyncadd.s32 $0xFFFFD800  }
0x506: {  	_ =	sfence.sel $0x180000  }
0x507: {  	[bflag:$0x0] =	sbarrier.arrive $0xFFFF  }
0x508: {  	_ =	strace $0x90000047  }
0x509: {  	s0 =	stileid.u32;
	[bflag:$0x2] =	sbarrier.arrive $0xFFFF  }
0x50a: {  	p0 =	sne.s32 s0, $0x0;
	s0 =	rddreg [dreg:$0x5]  }
0x50b: {  	s0 =	sadd.s32 @!p0 $0x100000, s0  }
0x50c: {  	[sflag:s0] =	ssyncadd.tile.s32 @!p0 $0x1;
	_ =	shalt  }
.Lfunc_end2:
_tile_overlayer_lowered:
.L_overlay_start_2:
0x50d: {  	(tag) =	ssettag $0x2  }
0x50e: {  	s0 =	rddreg [dreg:$0x0];
	s2 =	stileid.u32  }
0x50f: {  	s1 =	rddreg [dreg:$0x1];
	p0 =	sne.s32 s2, $0x0  }
0x510: {  	s3 =	rddreg [dreg:$0x2];
	[bflag:$0x3] =	sbarrier.arrive $0xFFFF;
	s2 =	simm.s32 @!p0 $0x1C07  }
0x511: {  	[timem:s3], [sflag:s2] =	dma.local @!p0 [hbm:s0], s1  }
0x512: {  	s0 =	simm.s32 @!p0 $0x7  }
0x513: {  	_ =	swait.ge @!p0 [sflag:s0], s1  }
0x514: {  	s1 =	ssub.s32 @!p0 $0x0, s1;
	[sflag:s0] =	ssyncset.done @!p0 $0x0  }
0x515: {  	[sflag:s0] =	ssyncadd.s32 @!p0 s1  }
0x516: {  	[bflag:$0x3] =	sbarrier.arrive $0xFFFF  }
0x517: {  	_ =	shalt  }

</sc_bundles>
